<compile_context>
chip_gen: v7x
topology: tpu7x:2x2x1
jax: 0.10.2.dev20260603
libtpu: 0.0.44.dev20260713+nightly
codegen_flags: <defaults>
</compile_context>

<pallas_src>
import functools

import jax
import jax.numpy as jnp
from jax import lax
from jax.experimental import pallas as pl
from jax.experimental.pallas import tpu as pltpu
from jax.experimental.pallas import tpu_sc as plsc

NC = 2
NS = 16
NW = NC * NS
L = 16


@jax.jit
def _unique_counts_neg(neighbors):
    n = neighbors.shape[0]
    rows_per_w = n // NW
    blk = 8
    nblk = rows_per_w // blk
    chunks = n // L

    mesh = plsc.VectorSubcoreMesh(core_axis_name="c", subcore_axis_name="s")

    @functools.partial(
        pl.kernel,
        out_type=jax.ShapeDtypeStruct((n,), jnp.float32),
        mesh=mesh,
        compiler_params=pltpu.CompilerParams(needs_layout_passes=False),
        scratch_types=[
            pltpu.VMEM((blk, n), jnp.int32),
            pltpu.VMEM((blk, n), jnp.int32),
            pltpu.VMEM((n,), jnp.int32),
            pltpu.VMEM((n,), jnp.int32),
            pltpu.VMEM((rows_per_w,), jnp.float32),
            pltpu.SemaphoreType.DMA,
            pltpu.SemaphoreType.DMA,
            pltpu.SemaphoreType.DMA,
            pltpu.SemaphoreType.DMA,
        ],
    )
    def body(
        nb_hbm, out_hbm, buf0, buf1, mark_a, mark_b, res,
        sem00, sem01, sem10, sem11,
    ):
        cid = lax.axis_index("c")
        sid = lax.axis_index("s")
        wid = sid * NC + cid
        base_row = wid * rows_per_w
        bufs = (buf0, buf1)
        sems = ((sem00, sem01), (sem10, sem11))
        blk2 = blk // 2

        lanes = lax.iota(jnp.int32, L)
        mask0 = lanes == 0
        neg1 = jnp.full((L,), -1, jnp.int32)

        def start_half(b, par, h):
            src = nb_hbm.at[pl.ds(base_row + b * blk + h * blk2, blk2)]
            dst = bufs[par].at[pl.ds(h * blk2, blk2)]
            pltpu.make_async_copy(src, dst, sems[par][h]).start()

        def wait_half(par, h):
            src = nb_hbm.at[pl.ds(0, blk2)]
            dst = bufs[par].at[pl.ds(h * blk2, blk2)]
            pltpu.make_async_copy(src, dst, sems[par][h]).wait()

        def emit(k, total):
            val = jnp.full((L,), 0.0, jnp.float32) - total.astype(jnp.float32)
            plsc.store_scatter(
                res, [jnp.full((L,), k, jnp.int32)], val, mask=mask0
            )

        def scatter_only(rowbuf, r, k, arr):
            kvec = jnp.full((L,), k, jnp.int32)

            @plsc.parallel_loop(0, chunks, unroll=8)
            def _(j):
                idx = rowbuf[r, pl.ds(j * L, L)]
                plsc.store_scatter(arr, [idx], kvec)

        def scan_only(k, arr):
            kvec = jnp.full((L,), k, jnp.int32)

            @plsc.parallel_loop(
                0, chunks, unroll=8, carry=jnp.zeros((L,), jnp.int32)
            )
            def acc(j, a):
                m = arr[pl.ds(j * L, L)]
                return a + (m == kvec).astype(jnp.int32)

            return jnp.sum(acc)

        def fused(rowbuf, r, k, arr_new, arr_old):
            kvec = jnp.full((L,), k, jnp.int32)
            pvec = kvec - 1

            @plsc.parallel_loop(
                0, chunks, unroll=8, carry=jnp.zeros((L,), jnp.int32)
            )
            def acc(j, a):
                idx = rowbuf[r, pl.ds(j * L, L)]
                plsc.store_scatter(arr_new, [idx], kvec)
                m = arr_old[pl.ds(j * L, L)]
                return a + (m == pvec).astype(jnp.int32)

            return jnp.sum(acc)

        @plsc.parallel_loop(0, chunks, unroll=8)
        def _(i):
            mark_a[pl.ds(i * L, L)] = neg1
            mark_b[pl.ds(i * L, L)] = neg1

        for p in range(2):
            start_half(p, p, 0)
            start_half(p, p, 1)

        def do_rows(rowbuf, b, first, r_lo, r_hi):
            for r in range(r_lo, r_hi):
                arr_new = mark_a if r % 2 == 0 else mark_b
                arr_old = mark_b if r % 2 == 0 else mark_a
                k = b * blk + r
                if first and r == 0:
                    scatter_only(rowbuf, 0, k, arr_new)
                else:
                    emit(k - 1, fused(rowbuf, r, k, arr_new, arr_old))

        def do_block(par, b, first, prefetch):
            wait_half(par, 0)
            do_rows(bufs[par], b, first, 0, blk2)
            if prefetch:
                start_half(b + 2, par, 0)
            wait_half(par, 1)
            do_rows(bufs[par], b, first, blk2, blk)
            if prefetch:
                start_half(b + 2, par, 1)

        for par in range(2):
            do_block(par, par, par == 0, True)

        def pair_body(bp, carry):
            for par in range(2):
                b = 2 * bp + par
                wait_half(par, 0)
                do_rows(bufs[par], b, False, 0, blk2)

                @pl.when(b + 2 < nblk)
                def _():
                    start_half(b + 2, par, 0)

                wait_half(par, 1)
                do_rows(bufs[par], b, False, blk2, blk)

                @pl.when(b + 2 < nblk)
                def _():
                    start_half(b + 2, par, 1)
            return carry

        lax.fori_loop(1, nblk // 2, pair_body, 0)

        emit(rows_per_w - 1, scan_only(rows_per_w - 1, mark_b))
        pltpu.sync_copy(res, out_hbm.at[pl.ds(base_row, rows_per_w)])

    return body(neighbors)


def kernel(vision_features, neighbors, gt, num_views):
    return _unique_counts_neg(neighbors)

# --- scband reference (transcript-rebuilt; emitter-appended) ---
"""Pipeline reference for scband-neighbor-variation-84645215469647 (READ-ONLY COPY).

The authoritative reference and input builder live on the scoring server;
editing this copy changes nothing except your own understanding.
"""

import jax, jax.numpy as jnp
import numpy as np


def setup_inputs(seed: int = 0) -> dict:
    key = jax.random.key(seed)
    k1, k2, k3 = jax.random.split(key, 3)
    total_bs = 4096
    num_views = 4
    actual_bs = total_bs // num_views
    d = 512
    vision_features = jax.random.normal(k1, (total_bs, d), dtype=jnp.float32)
    # neighbors[i] is a ranked list of neighbor sample indices of length total_bs
    neighbors = jax.random.randint(k2, (total_bs, total_bs), 0, total_bs, dtype=jnp.int32)
    gt = jax.random.randint(k3, (actual_bs,), 0, 1000, dtype=jnp.int32)
    return {
        "vision_features": vision_features,
        "neighbors": neighbors,
        "gt": gt,
        "num_views": num_views,
    }


def reference(vision_features, neighbors, gt, num_views):
    # Faithful translation of NeighborVariation.forward. The torch module calls
    # model(images) -> (vision_features, neighbors); here those are provided
    # directly as inputs. The print side effects are omitted, but the
    # nn_from_same_image mask is still computed as in the original loop.
    total_bs = neighbors.shape[0]
    actual_bs = total_bs // num_views
    row_mod = jnp.arange(total_bs, dtype=neighbors.dtype) % actual_bs
    # vectorized form of: nn_from_same_image[i] = neighbors[i, :] % actual_bs == i % actual_bs
    nn_from_same_image = (neighbors % actual_bs) == row_mod[:, None]
    _ = nn_from_same_image  # only used for logging in the original module
    # x[i] = len(neighbors[i].unique()) -> sort each row, count distinct runs
    s = jnp.sort(neighbors, axis=1)
    uniq_counts = 1 + jnp.sum(s[:, 1:] != s[:, :-1], axis=1)
    x = uniq_counts.astype(jnp.float32)
    return -1.0 * x

if __name__ == "__main__":
    import jax
    _d = setup_inputs()
    print(jax.jit(kernel)(*tuple(_d.values())))

</pallas_src>

<mosaic_0001>
#map = affine_map<(d0, d1) -> (0, 0)>
#map1 = affine_map<(d0, d1) -> (0)>
module attributes {stable_mosaic.version = 14 : i64} {
  func.func @body(%arg0: i32, %arg1: i32, %arg2: memref<4096x4096xi32, #tpu.memory_space<hbm>>, %arg3: memref<4096xf32, #tpu.memory_space<hbm>>, %arg4: memref<8x4096xi32, #tpu.memory_space<vmem>>, %arg5: memref<8x4096xi32, #tpu.memory_space<vmem>>, %arg6: memref<4096xi32, #tpu.memory_space<vmem>>, %arg7: memref<4096xi32, #tpu.memory_space<vmem>>, %arg8: memref<128xf32, #tpu.memory_space<vmem>>, %arg9: memref<!tpu.dma_semaphore, #tpu.memory_space<semaphore_mem>>, %arg10: memref<!tpu.dma_semaphore, #tpu.memory_space<semaphore_mem>>, %arg11: memref<!tpu.dma_semaphore, #tpu.memory_space<semaphore_mem>>, %arg12: memref<!tpu.dma_semaphore, #tpu.memory_space<semaphore_mem>>) attributes {dimension_semantics = [#tpu.dimension_semantics<core_parallel>, #tpu.dimension_semantics<subcore_parallel>], iteration_bounds = array<i64: 2, 16>, scalar_prefetch = 0 : i64, scratch_operands = 9 : i64, tpu.core_type = #tpu.core_type<sc_vector_subcore>, window_params = [{transform_indices = #map}, {transform_indices = #map1}]} {
    %mul3A = arith.constant 2 : i32
    %mul3A_0 = arith.muli %arg1, %mul3A : i32
    %add3A = arith.addi %mul3A_0, %arg0 : i32
    %mul3A_1 = arith.constant 128 : i32
    %mul3A_2 = arith.muli %add3A, %mul3A_1 : i32
    %iota3A = tpu.iota {dimensions = array<i32: 0>} : vector<16xi32>
    %eq3A = arith.constant 0 : i32
    %eq3A_3 = vector.broadcast %eq3A : i32 to vector<16xi32>
    %eq3A_4 = arith.cmpi eq, %iota3A, %eq3A_3 : vector<16xi32>
    %broadcast_in_dim3A = arith.constant -1 : i32
    %broadcast_in_dim3A_5 = vector.broadcast %broadcast_in_dim3A : i32 to vector<16xi32>
    %parallel_loop3A = arith.constant 0 : i32
    %parallel_loop3A_6 = arith.constant 256 : i32
    %parallel_loop3A_7 = arith.constant 1 : i32
    scf.for %parallel_loop3A_522 = %parallel_loop3A to %parallel_loop3A_6 step %parallel_loop3A_7  : i32 {
      %parallel_loop3A_523 = arith.constant 16 : i32
      %parallel_loop3A_524 = arith.muli %parallel_loop3A_522, %parallel_loop3A_523 : i32
      %parallel_loop3A_525 = arith.index_cast %parallel_loop3A_524 : i32 to index
      %parallel_loop3A_526 = tpu.vector_load %arg6[%parallel_loop3A_525] {strides = array<i32>} : memref<4096xi32, #tpu.memory_space<vmem>>, vector<16xi32>,
      tpu.vector_store %arg6[%parallel_loop3A_525], %broadcast_in_dim3A_5 {strides = array<i32>} : memref<4096xi32, #tpu.memory_space<vmem>>, vector<16xi32>,
      %parallel_loop3A_527 = arith.constant 16 : i32
      %parallel_loop3A_528 = arith.muli %parallel_loop3A_522, %parallel_loop3A_527 : i32
      %parallel_loop3A_529 = arith.index_cast %parallel_loop3A_528 : i32 to index
      %parallel_loop3A_530 = tpu.vector_load %arg7[%parallel_loop3A_529] {strides = array<i32>} : memref<4096xi32, #tpu.memory_space<vmem>>, vector<16xi32>,
      tpu.vector_store %arg7[%parallel_loop3A_529], %broadcast_in_dim3A_5 {strides = array<i32>} : memref<4096xi32, #tpu.memory_space<vmem>>, vector<16xi32>,
    } {sc.loop_unroll_factor = 8 : i64, sc.parallel_access}
    %add3A_8 = arith.constant 0 : i32
    %add3A_9 = arith.addi %mul3A_2, %add3A_8 : i32
    %add3A_10 = arith.constant 0 : i32
    %add3A_11 = arith.addi %add3A_9, %add3A_10 : i32
    %dma_start3A = arith.constant 0 : i32
    %dma_start3A_12 = arith.constant 0 : i32
    %dma_start3A_13 = tpu.memref_slice %arg4[%dma_start3A, %dma_start3A_12] : memref<8x4096xi32, #tpu.memory_space<vmem>> -> memref<4x4096xi32, #tpu.memory_space<vmem>>
    %dma_start3A_14 = arith.constant 0 : i32
    %dma_start3A_15 = tpu.memref_slice %arg2[%add3A_11, %dma_start3A_14] : memref<4096x4096xi32, #tpu.memory_space<hbm>> -> memref<4x4096xi32, #tpu.memory_space<hbm>>
    %dma_start3A_16 = arith.constant 0 : i32
    %dma_start3A_17 = arith.constant 0 : i32
    %dma_start3A_18 = tpu.memref_slice %arg4[%dma_start3A_16, %dma_start3A_17] : memref<8x4096xi32, #tpu.memory_space<vmem>> -> memref<4x4096xi32, #tpu.memory_space<vmem>>
    %dma_start3A_19 = arith.constant 0 : i32
    %dma_start3A_20 = tpu.memref_slice %arg2[%add3A_11, %dma_start3A_19] : memref<4096x4096xi32, #tpu.memory_space<hbm>> -> memref<4x4096xi32, #tpu.memory_space<hbm>>
    tpu.enqueue_dma source(%dma_start3A_20 : memref<4x4096xi32, #tpu.memory_space<hbm>>) target(%dma_start3A_18 : memref<4x4096xi32, #tpu.memory_space<vmem>>) target_semaphore(%arg9 : memref<!tpu.dma_semaphore, #tpu.memory_space<semaphore_mem>>)
    %add3A_21 = arith.constant 0 : i32
    %add3A_22 = arith.addi %mul3A_2, %add3A_21 : i32
    %add3A_23 = arith.constant 4 : i32
    %add3A_24 = arith.addi %add3A_22, %add3A_23 : i32
    %dma_start3A_25 = arith.constant 4 : i32
    %dma_start3A_26 = arith.constant 0 : i32
    %dma_start3A_27 = tpu.memref_slice %arg4[%dma_start3A_25, %dma_start3A_26] : memref<8x4096xi32, #tpu.memory_space<vmem>> -> memref<4x4096xi32, #tpu.memory_space<vmem>>
    %dma_start3A_28 = arith.constant 0 : i32
    %dma_start3A_29 = tpu.memref_slice %arg2[%add3A_24, %dma_start3A_28] : memref<4096x4096xi32, #tpu.memory_space<hbm>> -> memref<4x4096xi32, #tpu.memory_space<hbm>>
    %dma_start3A_30 = arith.constant 4 : i32
    %dma_start3A_31 = arith.constant 0 : i32
    %dma_start3A_32 = tpu.memref_slice %arg4[%dma_start3A_30, %dma_start3A_31] : memref<8x4096xi32, #tpu.memory_space<vmem>> -> memref<4x4096xi32, #tpu.memory_space<vmem>>
    %dma_start3A_33 = arith.constant 0 : i32
    %dma_start3A_34 = tpu.memref_slice %arg2[%add3A_24, %dma_start3A_33] : memref<4096x4096xi32, #tpu.memory_space<hbm>> -> memref<4x4096xi32, #tpu.memory_space<hbm>>
    tpu.enqueue_dma source(%dma_start3A_34 : memref<4x4096xi32, #tpu.memory_space<hbm>>) target(%dma_start3A_32 : memref<4x4096xi32, #tpu.memory_space<vmem>>) target_semaphore(%arg10 : memref<!tpu.dma_semaphore, #tpu.memory_space<semaphore_mem>>)
    %add3A_35 = arith.constant 8 : i32
    %add3A_36 = arith.addi %mul3A_2, %add3A_35 : i32
    %add3A_37 = arith.constant 0 : i32
    %add3A_38 = arith.addi %add3A_36, %add3A_37 : i32
    %dma_start3A_39 = arith.constant 0 : i32
    %dma_start3A_40 = arith.constant 0 : i32
    %dma_start3A_41 = tpu.memref_slice %arg5[%dma_start3A_39, %dma_start3A_40] : memref<8x4096xi32, #tpu.memory_space<vmem>> -> memref<4x4096xi32, #tpu.memory_space<vmem>>
    %dma_start3A_42 = arith.constant 0 : i32
    %dma_start3A_43 = tpu.memref_slice %arg2[%add3A_38, %dma_start3A_42] : memref<4096x4096xi32, #tpu.memory_space<hbm>> -> memref<4x4096xi32, #tpu.memory_space<hbm>>
    %dma_start3A_44 = arith.constant 0 : i32
    %dma_start3A_45 = arith.constant 0 : i32
    %dma_start3A_46 = tpu.memref_slice %arg5[%dma_start3A_44, %dma_start3A_45] : memref<8x4096xi32, #tpu.memory_space<vmem>> -> memref<4x4096xi32, #tpu.memory_space<vmem>>
    %dma_start3A_47 = arith.constant 0 : i32
    %dma_start3A_48 = tpu.memref_slice %arg2[%add3A_38, %dma_start3A_47] : memref<4096x4096xi32, #tpu.memory_space<hbm>> -> memref<4x4096xi32, #tpu.memory_space<hbm>>
    tpu.enqueue_dma source(%dma_start3A_48 : memref<4x4096xi32, #tpu.memory_space<hbm>>) target(%dma_start3A_46 : memref<4x4096xi32, #tpu.memory_space<vmem>>) target_semaphore(%arg11 : memref<!tpu.dma_semaphore, #tpu.memory_space<semaphore_mem>>)
    %add3A_49 = arith.constant 8 : i32
    %add3A_50 = arith.addi %mul3A_2, %add3A_49 : i32
    %add3A_51 = arith.constant 4 : i32
    %add3A_52 = arith.addi %add3A_50, %add3A_51 : i32
    %dma_start3A_53 = arith.constant 4 : i32
    %dma_start3A_54 = arith.constant 0 : i32
    %dma_start3A_55 = tpu.memref_slice %arg5[%dma_start3A_53, %dma_start3A_54] : memref<8x4096xi32, #tpu.memory_space<vmem>> -> memref<4x4096xi32, #tpu.memory_space<vmem>>
    %dma_start3A_56 = arith.constant 0 : i32
    %dma_start3A_57 = tpu.memref_slice %arg2[%add3A_52, %dma_start3A_56] : memref<4096x4096xi32, #tpu.memory_space<hbm>> -> memref<4x4096xi32, #tpu.memory_space<hbm>>
    %dma_start3A_58 = arith.constant 4 : i32
    %dma_start3A_59 = arith.constant 0 : i32
    %dma_start3A_60 = tpu.memref_slice %arg5[%dma_start3A_58, %dma_start3A_59] : memref<8x4096xi32, #tpu.memory_space<vmem>> -> memref<4x4096xi32, #tpu.memory_space<vmem>>
    %dma_start3A_61 = arith.constant 0 : i32
    %dma_start3A_62 = tpu.memref_slice %arg2[%add3A_52, %dma_start3A_61] : memref<4096x4096xi32, #tpu.memory_space<hbm>> -> memref<4x4096xi32, #tpu.memory_space<hbm>>
    tpu.enqueue_dma source(%dma_start3A_62 : memref<4x4096xi32, #tpu.memory_space<hbm>>) target(%dma_start3A_60 : memref<4x4096xi32, #tpu.memory_space<vmem>>) target_semaphore(%arg12 : memref<!tpu.dma_semaphore, #tpu.memory_space<semaphore_mem>>)
    %dma_wait3A = arith.constant 0 : i32
    %dma_wait3A_63 = arith.constant 0 : i32
    %dma_wait3A_64 = tpu.memref_slice %arg4[%dma_wait3A, %dma_wait3A_63] : memref<8x4096xi32, #tpu.memory_space<vmem>> -> memref<4x4096xi32, #tpu.memory_space<vmem>>
    %dma_wait3A_65 = arith.constant 0 : i32
    %dma_wait3A_66 = arith.constant 0 : i32
    %dma_wait3A_67 = tpu.memref_slice %arg2[%dma_wait3A_65, %dma_wait3A_66] : memref<4096x4096xi32, #tpu.memory_space<hbm>> -> memref<4x4096xi32, #tpu.memory_space<hbm>>
    %dma_wait3A_68 = arith.constant 0 : i32
    %dma_wait3A_69 = arith.constant 0 : i32
    %dma_wait3A_70 = tpu.memref_slice %arg4[%dma_wait3A_68, %dma_wait3A_69] : memref<8x4096xi32, #tpu.memory_space<vmem>> -> memref<4x4096xi32, #tpu.memory_space<vmem>>
    %dma_wait3A_71 = arith.constant 0 : i32
    %dma_wait3A_72 = arith.constant 0 : i32
    %dma_wait3A_73 = tpu.memref_slice %arg2[%dma_wait3A_71, %dma_wait3A_72] : memref<4096x4096xi32, #tpu.memory_space<hbm>> -> memref<4x4096xi32, #tpu.memory_space<hbm>>
    tpu.wait_dma2 semaphore(%arg9 : memref<!tpu.dma_semaphore, #tpu.memory_space<semaphore_mem>>) src(%dma_wait3A_73 : memref<4x4096xi32, #tpu.memory_space<hbm>>) dst(%dma_wait3A_70 : memref<4x4096xi32, #tpu.memory_space<vmem>>)
    %broadcast_in_dim3A_74 = arith.constant 0 : i32
    %broadcast_in_dim3A_75 = vector.broadcast %broadcast_in_dim3A_74 : i32 to vector<16xi32>
    %parallel_loop3A_76 = arith.constant 0 : i32
    %parallel_loop3A_77 = arith.constant 256 : i32
    %parallel_loop3A_78 = arith.constant 1 : i32
    scf.for %parallel_loop3A_522 = %parallel_loop3A_76 to %parallel_loop3A_77 step %parallel_loop3A_78  : i32 {
      %parallel_loop3A_523 = arith.constant 16 : i32
      %parallel_loop3A_524 = arith.muli %parallel_loop3A_522, %parallel_loop3A_523 : i32
      %parallel_loop3A_525 = arith.constant 0 : i32
      %parallel_loop3A_526 = arith.index_cast %parallel_loop3A_525 : i32 to index
      %parallel_loop3A_527 = arith.index_cast %parallel_loop3A_524 : i32 to index
      %parallel_loop3A_528 = tpu.vector_load %arg4[%parallel_loop3A_526, %parallel_loop3A_527] {strides = array<i32>} : memref<8x4096xi32, #tpu.memory_space<vmem>>, vector<16xi32>,
      tpu.vector_store_idx %arg6[%parallel_loop3A_528], %broadcast_in_dim3A_75 : memref<4096xi32, #tpu.memory_space<vmem>>[vector<16xi32>], vector<16xi32>,
    } {sc.loop_unroll_factor = 8 : i64, sc.parallel_access}
    %broadcast_in_dim3A_79 = arith.constant 1 : i32
    %broadcast_in_dim3A_80 = vector.broadcast %broadcast_in_dim3A_79 : i32 to vector<16xi32>
    %sub3A = arith.constant 1 : i32
    %sub3A_81 = vector.broadcast %sub3A : i32 to vector<16xi32>
    %sub3A_82 = arith.subi %broadcast_in_dim3A_80, %sub3A_81 : vector<16xi32>
    %broadcast_in_dim3A_83 = arith.constant 0 : i32
    %broadcast_in_dim3A_84 = vector.broadcast %broadcast_in_dim3A_83 : i32 to vector<16xi32>
    %parallel_loop3A_85 = arith.constant 0 : i32
    %parallel_loop3A_86 = arith.constant 256 : i32
    %parallel_loop3A_87 = arith.constant 1 : i32
    %parallel_loop3A_88 = scf.for %parallel_loop3A_522 = %parallel_loop3A_85 to %parallel_loop3A_86 step %parallel_loop3A_87 iter_args(%parallel_loop3A_523 = %broadcast_in_dim3A_84) -> (vector<16xi32>)  : i32 {
      %parallel_loop3A_524 = arith.constant 16 : i32
      %parallel_loop3A_525 = arith.muli %parallel_loop3A_522, %parallel_loop3A_524 : i32
      %parallel_loop3A_526 = arith.constant 1 : i32
      %parallel_loop3A_527 = arith.index_cast %parallel_loop3A_526 : i32 to index
      %parallel_loop3A_528 = arith.index_cast %parallel_loop3A_525 : i32 to index
      %parallel_loop3A_529 = tpu.vector_load %arg4[%parallel_loop3A_527, %parallel_loop3A_528] {strides = array<i32>} : memref<8x4096xi32, #tpu.memory_space<vmem>>, vector<16xi32>,
      tpu.vector_store_idx %arg7[%parallel_loop3A_529], %broadcast_in_dim3A_80 : memref<4096xi32, #tpu.memory_space<vmem>>[vector<16xi32>], vector<16xi32>,
      %parallel_loop3A_530 = arith.constant 16 : i32
      %parallel_loop3A_531 = arith.muli %parallel_loop3A_522, %parallel_loop3A_530 : i32
      %parallel_loop3A_532 = arith.index_cast %parallel_loop3A_531 : i32 to index
      %parallel_loop3A_533 = tpu.vector_load %arg6[%parallel_loop3A_532] {strides = array<i32>} : memref<4096xi32, #tpu.memory_space<vmem>>, vector<16xi32>,
      %parallel_loop3A_534 = arith.cmpi eq, %parallel_loop3A_533, %sub3A_82 : vector<16xi32>
      %parallel_loop3A_535 = arith.extui %parallel_loop3A_534 : vector<16xi1> to vector<16xi32>
      %parallel_loop3A_536 = arith.addi %parallel_loop3A_523, %parallel_loop3A_535 : vector<16xi32>
      scf.yield %parallel_loop3A_536 : vector<16xi32>
    } {sc.loop_unroll_factor = 8 : i64, sc.parallel_access}
    %reduce_sum3A = arith.constant true
    %reduce_sum3A_89 = vector.broadcast %reduce_sum3A : i1 to vector<16xi1>
    %reduce_sum3A_90 = tpu.scan <sum>, %parallel_loop3A_88 masked %reduce_sum3A_89 : vector<16xi32>, vector<16xi1> -> vector<16xi32>
    %reduce_sum3A_91 = vector.extract %reduce_sum3A_90[15] : i32 from vector<16xi32>
    %broadcast_in_dim3A_92 = arith.constant 0.000000e+00 : f32
    %broadcast_in_dim3A_93 = vector.broadcast %broadcast_in_dim3A_92 : f32 to vector<16xf32>
    %convert_element_type3A = arith.sitofp %reduce_sum3A_91 : i32 to f32
    %sub3A_94 = vector.broadcast %convert_element_type3A : f32 to vector<16xf32>
    %sub3A_95 = arith.subf %broadcast_in_dim3A_93, %sub3A_94 : vector<16xf32>
    %broadcast_in_dim3A_96 = arith.constant 0 : i32
    %broadcast_in_dim3A_97 = vector.broadcast %broadcast_in_dim3A_96 : i32 to vector<16xi32>
    tpu.vector_store_idx %arg8[%broadcast_in_dim3A_97], %sub3A_95 masked %eq3A_4 : memref<128xf32, #tpu.memory_space<vmem>>[vector<16xi32>], vector<16xf32>, vector<16xi1>
    %broadcast_in_dim3A_98 = arith.constant 2 : i32
    %broadcast_in_dim3A_99 = vector.broadcast %broadcast_in_dim3A_98 : i32 to vector<16xi32>
    %sub3A_100 = arith.constant 1 : i32
    %sub3A_101 = vector.broadcast %sub3A_100 : i32 to vector<16xi32>
    %sub3A_102 = arith.subi %broadcast_in_dim3A_99, %sub3A_101 : vector<16xi32>
    %broadcast_in_dim3A_103 = arith.constant 0 : i32
    %broadcast_in_dim3A_104 = vector.broadcast %broadcast_in_dim3A_103 : i32 to vector<16xi32>
    %parallel_loop3A_105 = arith.constant 0 : i32
    %parallel_loop3A_106 = arith.constant 256 : i32
    %parallel_loop3A_107 = arith.constant 1 : i32
    %parallel_loop3A_108 = scf.for %parallel_loop3A_522 = %parallel_loop3A_105 to %parallel_loop3A_106 step %parallel_loop3A_107 iter_args(%parallel_loop3A_523 = %broadcast_in_dim3A_104) -> (vector<16xi32>)  : i32 {
      %parallel_loop3A_524 = arith.constant 16 : i32
      %parallel_loop3A_525 = arith.muli %parallel_loop3A_522, %parallel_loop3A_524 : i32
      %parallel_loop3A_526 = arith.constant 2 : i32
      %parallel_loop3A_527 = arith.index_cast %parallel_loop3A_526 : i32 to index
      %parallel_loop3A_528 = arith.index_cast %parallel_loop3A_525 : i32 to index
      %parallel_loop3A_529 = tpu.vector_load %arg4[%parallel_loop3A_527, %parallel_loop3A_528] {strides = array<i32>} : memref<8x4096xi32, #tpu.memory_space<vmem>>, vector<16xi32>,
      tpu.vector_store_idx %arg6[%parallel_loop3A_529], %broadcast_in_dim3A_99 : memref<4096xi32, #tpu.memory_space<vmem>>[vector<16xi32>], vector<16xi32>,
      %parallel_loop3A_530 = arith.constant 16 : i32
      %parallel_loop3A_531 = arith.muli %parallel_loop3A_522, %parallel_loop3A_530 : i32
      %parallel_loop3A_532 = arith.index_cast %parallel_loop3A_531 : i32 to index
      %parallel_loop3A_533 = tpu.vector_load %arg7[%parallel_loop3A_532] {strides = array<i32>} : memref<4096xi32, #tpu.memory_space<vmem>>, vector<16xi32>,
      %parallel_loop3A_534 = arith.cmpi eq, %parallel_loop3A_533, %sub3A_102 : vector<16xi32>
      %parallel_loop3A_535 = arith.extui %parallel_loop3A_534 : vector<16xi1> to vector<16xi32>
      %parallel_loop3A_536 = arith.addi %parallel_loop3A_523, %parallel_loop3A_535 : vector<16xi32>
      scf.yield %parallel_loop3A_536 : vector<16xi32>
    } {sc.loop_unroll_factor = 8 : i64, sc.parallel_access}
    %reduce_sum3A_109 = arith.constant true
    %reduce_sum3A_110 = vector.broadcast %reduce_sum3A_109 : i1 to vector<16xi1>
    %reduce_sum3A_111 = tpu.scan <sum>, %parallel_loop3A_108 masked %reduce_sum3A_110 : vector<16xi32>, vector<16xi1> -> vector<16xi32>
    %reduce_sum3A_112 = vector.extract %reduce_sum3A_111[15] : i32 from vector<16xi32>
    %broadcast_in_dim3A_113 = arith.constant 0.000000e+00 : f32
    %broadcast_in_dim3A_114 = vector.broadcast %broadcast_in_dim3A_113 : f32 to vector<16xf32>
    %convert_element_type3A_115 = arith.sitofp %reduce_sum3A_112 : i32 to f32
    %sub3A_116 = vector.broadcast %convert_element_type3A_115 : f32 to vector<16xf32>
    %sub3A_117 = arith.subf %broadcast_in_dim3A_114, %sub3A_116 : vector<16xf32>
    %broadcast_in_dim3A_118 = arith.constant 1 : i32
    %broadcast_in_dim3A_119 = vector.broadcast %broadcast_in_dim3A_118 : i32 to vector<16xi32>
    tpu.vector_store_idx %arg8[%broadcast_in_dim3A_119], %sub3A_117 masked %eq3A_4 : memref<128xf32, #tpu.memory_space<vmem>>[vector<16xi32>], vector<16xf32>, vector<16xi1>
    %broadcast_in_dim3A_120 = arith.constant 3 : i32
    %broadcast_in_dim3A_121 = vector.broadcast %broadcast_in_dim3A_120 : i32 to vector<16xi32>
    %sub3A_122 = arith.constant 1 : i32
    %sub3A_123 = vector.broadcast %sub3A_122 : i32 to vector<16xi32>
    %sub3A_124 = arith.subi %broadcast_in_dim3A_121, %sub3A_123 : vector<16xi32>
    %broadcast_in_dim3A_125 = arith.constant 0 : i32
    %broadcast_in_dim3A_126 = vector.broadcast %broadcast_in_dim3A_125 : i32 to vector<16xi32>
    %parallel_loop3A_127 = arith.constant 0 : i32
    %parallel_loop3A_128 = arith.constant 256 : i32
    %parallel_loop3A_129 = arith.constant 1 : i32
    %parallel_loop3A_130 = scf.for %parallel_loop3A_522 = %parallel_loop3A_127 to %parallel_loop3A_128 step %parallel_loop3A_129 iter_args(%parallel_loop3A_523 = %broadcast_in_dim3A_126) -> (vector<16xi32>)  : i32 {
      %parallel_loop3A_524 = arith.constant 16 : i32
      %parallel_loop3A_525 = arith.muli %parallel_loop3A_522, %parallel_loop3A_524 : i32
      %parallel_loop3A_526 = arith.constant 3 : i32
      %parallel_loop3A_527 = arith.index_cast %parallel_loop3A_526 : i32 to index
      %parallel_loop3A_528 = arith.index_cast %parallel_loop3A_525 : i32 to index
      %parallel_loop3A_529 = tpu.vector_load %arg4[%parallel_loop3A_527, %parallel_loop3A_528] {strides = array<i32>} : memref<8x4096xi32, #tpu.memory_space<vmem>>, vector<16xi32>,
      tpu.vector_store_idx %arg7[%parallel_loop3A_529], %broadcast_in_dim3A_121 : memref<4096xi32, #tpu.memory_space<vmem>>[vector<16xi32>], vector<16xi32>,
      %parallel_loop3A_530 = arith.constant 16 : i32
      %parallel_loop3A_531 = arith.muli %parallel_loop3A_522, %parallel_loop3A_530 : i32
      %parallel_loop3A_532 = arith.index_cast %parallel_loop3A_531 : i32 to index
      %parallel_loop3A_533 = tpu.vector_load %arg6[%parallel_loop3A_532] {strides = array<i32>} : memref<4096xi32, #tpu.memory_space<vmem>>, vector<16xi32>,
      %parallel_loop3A_534 = arith.cmpi eq, %parallel_loop3A_533, %sub3A_124 : vector<16xi32>
      %parallel_loop3A_535 = arith.extui %parallel_loop3A_534 : vector<16xi1> to vector<16xi32>
      %parallel_loop3A_536 = arith.addi %parallel_loop3A_523, %parallel_loop3A_535 : vector<16xi32>
      scf.yield %parallel_loop3A_536 : vector<16xi32>
    } {sc.loop_unroll_factor = 8 : i64, sc.parallel_access}
    %reduce_sum3A_131 = arith.constant true
    %reduce_sum3A_132 = vector.broadcast %reduce_sum3A_131 : i1 to vector<16xi1>
    %reduce_sum3A_133 = tpu.scan <sum>, %parallel_loop3A_130 masked %reduce_sum3A_132 : vector<16xi32>, vector<16xi1> -> vector<16xi32>
    %reduce_sum3A_134 = vector.extract %reduce_sum3A_133[15] : i32 from vector<16xi32>
    %broadcast_in_dim3A_135 = arith.constant 0.000000e+00 : f32
    %broadcast_in_dim3A_136 = vector.broadcast %broadcast_in_dim3A_135 : f32 to vector<16xf32>
    %convert_element_type3A_137 = arith.sitofp %reduce_sum3A_134 : i32 to f32
    %sub3A_138 = vector.broadcast %convert_element_type3A_137 : f32 to vector<16xf32>
    %sub3A_139 = arith.subf %broadcast_in_dim3A_136, %sub3A_138 : vector<16xf32>
    %broadcast_in_dim3A_140 = arith.constant 2 : i32
    %broadcast_in_dim3A_141 = vector.broadcast %broadcast_in_dim3A_140 : i32 to vector<16xi32>
    tpu.vector_store_idx %arg8[%broadcast_in_dim3A_141], %sub3A_139 masked %eq3A_4 : memref<128xf32, #tpu.memory_space<vmem>>[vector<16xi32>], vector<16xf32>, vector<16xi1>
    %add3A_142 = arith.constant 16 : i32
    %add3A_143 = arith.addi %mul3A_2, %add3A_142 : i32
    %add3A_144 = arith.constant 0 : i32
    %add3A_145 = arith.addi %add3A_143, %add3A_144 : i32
    %dma_start3A_146 = arith.constant 0 : i32
    %dma_start3A_147 = arith.constant 0 : i32
    %dma_start3A_148 = tpu.memref_slice %arg4[%dma_start3A_146, %dma_start3A_147] : memref<8x4096xi32, #tpu.memory_space<vmem>> -> memref<4x4096xi32, #tpu.memory_space<vmem>>
    %dma_start3A_149 = arith.constant 0 : i32
    %dma_start3A_150 = tpu.memref_slice %arg2[%add3A_145, %dma_start3A_149] : memref<4096x4096xi32, #tpu.memory_space<hbm>> -> memref<4x4096xi32, #tpu.memory_space<hbm>>
    %dma_start3A_151 = arith.constant 0 : i32
    %dma_start3A_152 = arith.constant 0 : i32
    %dma_start3A_153 = tpu.memref_slice %arg4[%dma_start3A_151, %dma_start3A_152] : memref<8x4096xi32, #tpu.memory_space<vmem>> -> memref<4x4096xi32, #tpu.memory_space<vmem>>
    %dma_start3A_154 = arith.constant 0 : i32
    %dma_start3A_155 = tpu.memref_slice %arg2[%add3A_145, %dma_start3A_154] : memref<4096x4096xi32, #tpu.memory_space<hbm>> -> memref<4x4096xi32, #tpu.memory_space<hbm>>
    tpu.enqueue_dma source(%dma_start3A_155 : memref<4x4096xi32, #tpu.memory_space<hbm>>) target(%dma_start3A_153 : memref<4x4096xi32, #tpu.memory_space<vmem>>) target_semaphore(%arg9 : memref<!tpu.dma_semaphore, #tpu.memory_space<semaphore_mem>>)
    %dma_wait3A_156 = arith.constant 4 : i32
    %dma_wait3A_157 = arith.constant 0 : i32
    %dma_wait3A_158 = tpu.memref_slice %arg4[%dma_wait3A_156, %dma_wait3A_157] : memref<8x4096xi32, #tpu.memory_space<vmem>> -> memref<4x4096xi32, #tpu.memory_space<vmem>>
    %dma_wait3A_159 = arith.constant 0 : i32
    %dma_wait3A_160 = arith.constant 0 : i32
    %dma_wait3A_161 = tpu.memref_slice %arg2[%dma_wait3A_159, %dma_wait3A_160] : memref<4096x4096xi32, #tpu.memory_space<hbm>> -> memref<4x4096xi32, #tpu.memory_space<hbm>>
    %dma_wait3A_162 = arith.constant 4 : i32
    %dma_wait3A_163 = arith.constant 0 : i32
    %dma_wait3A_164 = tpu.memref_slice %arg4[%dma_wait3A_162, %dma_wait3A_163] : memref<8x4096xi32, #tpu.memory_space<vmem>> -> memref<4x4096xi32, #tpu.memory_space<vmem>>
    %dma_wait3A_165 = arith.constant 0 : i32
    %dma_wait3A_166 = arith.constant 0 : i32
    %dma_wait3A_167 = tpu.memref_slice %arg2[%dma_wait3A_165, %dma_wait3A_166] : memref<4096x4096xi32, #tpu.memory_space<hbm>> -> memref<4x4096xi32, #tpu.memory_space<hbm>>
    tpu.wait_dma2 semaphore(%arg10 : memref<!tpu.dma_semaphore, #tpu.memory_space<semaphore_mem>>) src(%dma_wait3A_167 : memref<4x4096xi32, #tpu.memory_space<hbm>>) dst(%dma_wait3A_164 : memref<4x4096xi32, #tpu.memory_space<vmem>>)
    %broadcast_in_dim3A_168 = arith.constant 4 : i32
    %broadcast_in_dim3A_169 = vector.broadcast %broadcast_in_dim3A_168 : i32 to vector<16xi32>
    %sub3A_170 = arith.constant 1 : i32
    %sub3A_171 = vector.broadcast %sub3A_170 : i32 to vector<16xi32>
    %sub3A_172 = arith.subi %broadcast_in_dim3A_169, %sub3A_171 : vector<16xi32>
    %broadcast_in_dim3A_173 = arith.constant 0 : i32
    %broadcast_in_dim3A_174 = vector.broadcast %broadcast_in_dim3A_173 : i32 to vector<16xi32>
    %parallel_loop3A_175 = arith.constant 0 : i32
    %parallel_loop3A_176 = arith.constant 256 : i32
    %parallel_loop3A_177 = arith.constant 1 : i32
    %parallel_loop3A_178 = scf.for %parallel_loop3A_522 = %parallel_loop3A_175 to %parallel_loop3A_176 step %parallel_loop3A_177 iter_args(%parallel_loop3A_523 = %broadcast_in_dim3A_174) -> (vector<16xi32>)  : i32 {
      %parallel_loop3A_524 = arith.constant 16 : i32
      %parallel_loop3A_525 = arith.muli %parallel_loop3A_522, %parallel_loop3A_524 : i32
      %parallel_loop3A_526 = arith.constant 4 : i32
      %parallel_loop3A_527 = arith.index_cast %parallel_loop3A_526 : i32 to index
      %parallel_loop3A_528 = arith.index_cast %parallel_loop3A_525 : i32 to index
      %parallel_loop3A_529 = tpu.vector_load %arg4[%parallel_loop3A_527, %parallel_loop3A_528] {strides = array<i32>} : memref<8x4096xi32, #tpu.memory_space<vmem>>, vector<16xi32>,
      tpu.vector_store_idx %arg6[%parallel_loop3A_529], %broadcast_in_dim3A_169 : memref<4096xi32, #tpu.memory_space<vmem>>[vector<16xi32>], vector<16xi32>,
      %parallel_loop3A_530 = arith.constant 16 : i32
      %parallel_loop3A_531 = arith.muli %parallel_loop3A_522, %parallel_loop3A_530 : i32
      %parallel_loop3A_532 = arith.index_cast %parallel_loop3A_531 : i32 to index
      %parallel_loop3A_533 = tpu.vector_load %arg7[%parallel_loop3A_532] {strides = array<i32>} : memref<4096xi32, #tpu.memory_space<vmem>>, vector<16xi32>,
      %parallel_loop3A_534 = arith.cmpi eq, %parallel_loop3A_533, %sub3A_172 : vector<16xi32>
      %parallel_loop3A_535 = arith.extui %parallel_loop3A_534 : vector<16xi1> to vector<16xi32>
      %parallel_loop3A_536 = arith.addi %parallel_loop3A_523, %parallel_loop3A_535 : vector<16xi32>
      scf.yield %parallel_loop3A_536 : vector<16xi32>
    } {sc.loop_unroll_factor = 8 : i64, sc.parallel_access}
    %reduce_sum3A_179 = arith.constant true
    %reduce_sum3A_180 = vector.broadcast %reduce_sum3A_179 : i1 to vector<16xi1>
    %reduce_sum3A_181 = tpu.scan <sum>, %parallel_loop3A_178 masked %reduce_sum3A_180 : vector<16xi32>, vector<16xi1> -> vector<16xi32>
    %reduce_sum3A_182 = vector.extract %reduce_sum3A_181[15] : i32 from vector<16xi32>
    %broadcast_in_dim3A_183 = arith.constant 0.000000e+00 : f32
    %broadcast_in_dim3A_184 = vector.broadcast %broadcast_in_dim3A_183 : f32 to vector<16xf32>
    %convert_element_type3A_185 = arith.sitofp %reduce_sum3A_182 : i32 to f32
    %sub3A_186 = vector.broadcast %convert_element_type3A_185 : f32 to vector<16xf32>
    %sub3A_187 = arith.subf %broadcast_in_dim3A_184, %sub3A_186 : vector<16xf32>
    %broadcast_in_dim3A_188 = arith.constant 3 : i32
    %broadcast_in_dim3A_189 = vector.broadcast %broadcast_in_dim3A_188 : i32 to vector<16xi32>
    tpu.vector_store_idx %arg8[%broadcast_in_dim3A_189], %sub3A_187 masked %eq3A_4 : memref<128xf32, #tpu.memory_space<vmem>>[vector<16xi32>], vector<16xf32>, vector<16xi1>
    %broadcast_in_dim3A_190 = arith.constant 5 : i32
    %broadcast_in_dim3A_191 = vector.broadcast %broadcast_in_dim3A_190 : i32 to vector<16xi32>
    %sub3A_192 = arith.constant 1 : i32
    %sub3A_193 = vector.broadcast %sub3A_192 : i32 to vector<16xi32>
    %sub3A_194 = arith.subi %broadcast_in_dim3A_191, %sub3A_193 : vector<16xi32>
    %broadcast_in_dim3A_195 = arith.constant 0 : i32
    %broadcast_in_dim3A_196 = vector.broadcast %broadcast_in_dim3A_195 : i32 to vector<16xi32>
    %parallel_loop3A_197 = arith.constant 0 : i32
    %parallel_loop3A_198 = arith.constant 256 : i32
    %parallel_loop3A_199 = arith.constant 1 : i32
    %parallel_loop3A_200 = scf.for %parallel_loop3A_522 = %parallel_loop3A_197 to %parallel_loop3A_198 step %parallel_loop3A_199 iter_args(%parallel_loop3A_523 = %broadcast_in_dim3A_196) -> (vector<16xi32>)  : i32 {
      %parallel_loop3A_524 = arith.constant 16 : i32
      %parallel_loop3A_525 = arith.muli %parallel_loop3A_522, %parallel_loop3A_524 : i32
      %parallel_loop3A_526 = arith.constant 5 : i32
      %parallel_loop3A_527 = arith.index_cast %parallel_loop3A_526 : i32 to index
      %parallel_loop3A_528 = arith.index_cast %parallel_loop3A_525 : i32 to index
      %parallel_loop3A_529 = tpu.vector_load %arg4[%parallel_loop3A_527, %parallel_loop3A_528] {strides = array<i32>} : memref<8x4096xi32, #tpu.memory_space<vmem>>, vector<16xi32>,
      tpu.vector_store_idx %arg7[%parallel_loop3A_529], %broadcast_in_dim3A_191 : memref<4096xi32, #tpu.memory_space<vmem>>[vector<16xi32>], vector<16xi32>,
      %parallel_loop3A_530 = arith.constant 16 : i32
      %parallel_loop3A_531 = arith.muli %parallel_loop3A_522, %parallel_loop3A_530 : i32
      %parallel_loop3A_532 = arith.index_cast %parallel_loop3A_531 : i32 to index
      %parallel_loop3A_533 = tpu.vector_load %arg6[%parallel_loop3A_532] {strides = array<i32>} : memref<4096xi32, #tpu.memory_space<vmem>>, vector<16xi32>,
      %parallel_loop3A_534 = arith.cmpi eq, %parallel_loop3A_533, %sub3A_194 : vector<16xi32>
      %parallel_loop3A_535 = arith.extui %parallel_loop3A_534 : vector<16xi1> to vector<16xi32>
      %parallel_loop3A_536 = arith.addi %parallel_loop3A_523, %parallel_loop3A_535 : vector<16xi32>
      scf.yield %parallel_loop3A_536 : vector<16xi32>
    } {sc.loop_unroll_factor = 8 : i64, sc.parallel_access}
    %reduce_sum3A_201 = arith.constant true
    %reduce_sum3A_202 = vector.broadcast %reduce_sum3A_201 : i1 to vector<16xi1>
    %reduce_sum3A_203 = tpu.scan <sum>, %parallel_loop3A_200 masked %reduce_sum3A_202 : vector<16xi32>, vector<16xi1> -> vector<16xi32>
    %reduce_sum3A_204 = vector.extract %reduce_sum3A_203[15] : i32 from vector<16xi32>
    %broadcast_in_dim3A_205 = arith.constant 0.000000e+00 : f32
    %broadcast_in_dim3A_206 = vector.broadcast %broadcast_in_dim3A_205 : f32 to vector<16xf32>
    %convert_element_type3A_207 = arith.sitofp %reduce_sum3A_204 : i32 to f32
    %sub3A_208 = vector.broadcast %convert_element_type3A_207 : f32 to vector<16xf32>
    %sub3A_209 = arith.subf %broadcast_in_dim3A_206, %sub3A_208 : vector<16xf32>
    %broadcast_in_dim3A_210 = arith.constant 4 : i32
    %broadcast_in_dim3A_211 = vector.broadcast %broadcast_in_dim3A_210 : i32 to vector<16xi32>
    tpu.vector_store_idx %arg8[%broadcast_in_dim3A_211], %sub3A_209 masked %eq3A_4 : memref<128xf32, #tpu.memory_space<vmem>>[vector<16xi32>], vector<16xf32>, vector<16xi1>
    %broadcast_in_dim3A_212 = arith.constant 6 : i32
    %broadcast_in_dim3A_213 = vector.broadcast %broadcast_in_dim3A_212 : i32 to vector<16xi32>
    %sub3A_214 = arith.constant 1 : i32
    %sub3A_215 = vector.broadcast %sub3A_214 : i32 to vector<16xi32>
    %sub3A_216 = arith.subi %broadcast_in_dim3A_213, %sub3A_215 : vector<16xi32>
    %broadcast_in_dim3A_217 = arith.constant 0 : i32
    %broadcast_in_dim3A_218 = vector.broadcast %broadcast_in_dim3A_217 : i32 to vector<16xi32>
    %parallel_loop3A_219 = arith.constant 0 : i32
    %parallel_loop3A_220 = arith.constant 256 : i32
    %parallel_loop3A_221 = arith.constant 1 : i32
    %parallel_loop3A_222 = scf.for %parallel_loop3A_522 = %parallel_loop3A_219 to %parallel_loop3A_220 step %parallel_loop3A_221 iter_args(%parallel_loop3A_523 = %broadcast_in_dim3A_218) -> (vector<16xi32>)  : i32 {
      %parallel_loop3A_524 = arith.constant 16 : i32
      %parallel_loop3A_525 = arith.muli %parallel_loop3A_522, %parallel_loop3A_524 : i32
      %parallel_loop3A_526 = arith.constant 6 : i32
      %parallel_loop3A_527 = arith.index_cast %parallel_loop3A_526 : i32 to index
      %parallel_loop3A_528 = arith.index_cast %parallel_loop3A_525 : i32 to index
      %parallel_loop3A_529 = tpu.vector_load %arg4[%parallel_loop3A_527, %parallel_loop3A_528] {strides = array<i32>} : memref<8x4096xi32, #tpu.memory_space<vmem>>, vector<16xi32>,
      tpu.vector_store_idx %arg6[%parallel_loop3A_529], %broadcast_in_dim3A_213 : memref<4096xi32, #tpu.memory_space<vmem>>[vector<16xi32>], vector<16xi32>,
      %parallel_loop3A_530 = arith.constant 16 : i32
      %parallel_loop3A_531 = arith.muli %parallel_loop3A_522, %parallel_loop3A_530 : i32
      %parallel_loop3A_532 = arith.index_cast %parallel_loop3A_531 : i32 to index
      %parallel_loop3A_533 = tpu.vector_load %arg7[%parallel_loop3A_532] {strides = array<i32>} : memref<4096xi32, #tpu.memory_space<vmem>>, vector<16xi32>,
      %parallel_loop3A_534 = arith.cmpi eq, %parallel_loop3A_533, %sub3A_216 : vector<16xi32>
      %parallel_loop3A_535 = arith.extui %parallel_loop3A_534 : vector<16xi1> to vector<16xi32>
      %parallel_loop3A_536 = arith.addi %parallel_loop3A_523, %parallel_loop3A_535 : vector<16xi32>
      scf.yield %parallel_loop3A_536 : vector<16xi32>
    } {sc.loop_unroll_factor = 8 : i64, sc.parallel_access}
    %reduce_sum3A_223 = arith.constant true
    %reduce_sum3A_224 = vector.broadcast %reduce_sum3A_223 : i1 to vector<16xi1>
    %reduce_sum3A_225 = tpu.scan <sum>, %parallel_loop3A_222 masked %reduce_sum3A_224 : vector<16xi32>, vector<16xi1> -> vector<16xi32>
    %reduce_sum3A_226 = vector.extract %reduce_sum3A_225[15] : i32 from vector<16xi32>
    %broadcast_in_dim3A_227 = arith.constant 0.000000e+00 : f32
    %broadcast_in_dim3A_228 = vector.broadcast %broadcast_in_dim3A_227 : f32 to vector<16xf32>
    %convert_element_type3A_229 = arith.sitofp %reduce_sum3A_226 : i32 to f32
    %sub3A_230 = vector.broadcast %convert_element_type3A_229 : f32 to vector<16xf32>
    %sub3A_231 = arith.subf %broadcast_in_dim3A_228, %sub3A_230 : vector<16xf32>
    %broadcast_in_dim3A_232 = arith.constant 5 : i32
    %broadcast_in_dim3A_233 = vector.broadcast %broadcast_in_dim3A_232 : i32 to vector<16xi32>
    tpu.vector_store_idx %arg8[%broadcast_in_dim3A_233], %sub3A_231 masked %eq3A_4 : memref<128xf32, #tpu.memory_space<vmem>>[vector<16xi32>], vector<16xf32>, vector<16xi1>
    %broadcast_in_dim3A_234 = arith.constant 7 : i32
    %broadcast_in_dim3A_235 = vector.broadcast %broadcast_in_dim3A_234 : i32 to vector<16xi32>
    %sub3A_236 = arith.constant 1 : i32
    %sub3A_237 = vector.broadcast %sub3A_236 : i32 to vector<16xi32>
    %sub3A_238 = arith.subi %broadcast_in_dim3A_235, %sub3A_237 : vector<16xi32>
    %broadcast_in_dim3A_239 = arith.constant 0 : i32
    %broadcast_in_dim3A_240 = vector.broadcast %broadcast_in_dim3A_239 : i32 to vector<16xi32>
    %parallel_loop3A_241 = arith.constant 0 : i32
    %parallel_loop3A_242 = arith.constant 256 : i32
    %parallel_loop3A_243 = arith.constant 1 : i32
    %parallel_loop3A_244 = scf.for %parallel_loop3A_522 = %parallel_loop3A_241 to %parallel_loop3A_242 step %parallel_loop3A_243 iter_args(%parallel_loop3A_523 = %broadcast_in_dim3A_240) -> (vector<16xi32>)  : i32 {
      %parallel_loop3A_524 = arith.constant 16 : i32
      %parallel_loop3A_525 = arith.muli %parallel_loop3A_522, %parallel_loop3A_524 : i32
      %parallel_loop3A_526 = arith.constant 7 : i32
      %parallel_loop3A_527 = arith.index_cast %parallel_loop3A_526 : i32 to index
      %parallel_loop3A_528 = arith.index_cast %parallel_loop3A_525 : i32 to index
      %parallel_loop3A_529 = tpu.vector_load %arg4[%parallel_loop3A_527, %parallel_loop3A_528] {strides = array<i32>} : memref<8x4096xi32, #tpu.memory_space<vmem>>, vector<16xi32>,
      tpu.vector_store_idx %arg7[%parallel_loop3A_529], %broadcast_in_dim3A_235 : memref<4096xi32, #tpu.memory_space<vmem>>[vector<16xi32>], vector<16xi32>,
      %parallel_loop3A_530 = arith.constant 16 : i32
      %parallel_loop3A_531 = arith.muli %parallel_loop3A_522, %parallel_loop3A_530 : i32
      %parallel_loop3A_532 = arith.index_cast %parallel_loop3A_531 : i32 to index
      %parallel_loop3A_533 = tpu.vector_load %arg6[%parallel_loop3A_532] {strides = array<i32>} : memref<4096xi32, #tpu.memory_space<vmem>>, vector<16xi32>,
      %parallel_loop3A_534 = arith.cmpi eq, %parallel_loop3A_533, %sub3A_238 : vector<16xi32>
      %parallel_loop3A_535 = arith.extui %parallel_loop3A_534 : vector<16xi1> to vector<16xi32>
      %parallel_loop3A_536 = arith.addi %parallel_loop3A_523, %parallel_loop3A_535 : vector<16xi32>
      scf.yield %parallel_loop3A_536 : vector<16xi32>
    } {sc.loop_unroll_factor = 8 : i64, sc.parallel_access}
    %reduce_sum3A_245 = arith.constant true
    %reduce_sum3A_246 = vector.broadcast %reduce_sum3A_245 : i1 to vector<16xi1>
    %reduce_sum3A_247 = tpu.scan <sum>, %parallel_loop3A_244 masked %reduce_sum3A_246 : vector<16xi32>, vector<16xi1> -> vector<16xi32>
    %reduce_sum3A_248 = vector.extract %reduce_sum3A_247[15] : i32 from vector<16xi32>
    %broadcast_in_dim3A_249 = arith.constant 0.000000e+00 : f32
    %broadcast_in_dim3A_250 = vector.broadcast %broadcast_in_dim3A_249 : f32 to vector<16xf32>
    %convert_element_type3A_251 = arith.sitofp %reduce_sum3A_248 : i32 to f32
    %sub3A_252 = vector.broadcast %convert_element_type3A_251 : f32 to vector<16xf32>
    %sub3A_253 = arith.subf %broadcast_in_dim3A_250, %sub3A_252 : vector<16xf32>
    %broadcast_in_dim3A_254 = arith.constant 6 : i32
    %broadcast_in_dim3A_255 = vector.broadcast %broadcast_in_dim3A_254 : i32 to vector<16xi32>
    tpu.vector_store_idx %arg8[%broadcast_in_dim3A_255], %sub3A_253 masked %eq3A_4 : memref<128xf32, #tpu.memory_space<vmem>>[vector<16xi32>], vector<16xf32>, vector<16xi1>
    %add3A_256 = arith.constant 16 : i32
    %add3A_257 = arith.addi %mul3A_2, %add3A_256 : i32
    %add3A_258 = arith.constant 4 : i32
    %add3A_259 = arith.addi %add3A_257, %add3A_258 : i32
    %dma_start3A_260 = arith.constant 4 : i32
    %dma_start3A_261 = arith.constant 0 : i32
    %dma_start3A_262 = tpu.memref_slice %arg4[%dma_start3A_260, %dma_start3A_261] : memref<8x4096xi32, #tpu.memory_space<vmem>> -> memref<4x4096xi32, #tpu.memory_space<vmem>>
    %dma_start3A_263 = arith.constant 0 : i32
    %dma_start3A_264 = tpu.memref_slice %arg2[%add3A_259, %dma_start3A_263] : memref<4096x4096xi32, #tpu.memory_space<hbm>> -> memref<4x4096xi32, #tpu.memory_space<hbm>>
    %dma_start3A_265 = arith.constant 4 : i32
    %dma_start3A_266 = arith.constant 0 : i32
    %dma_start3A_267 = tpu.memref_slice %arg4[%dma_start3A_265, %dma_start3A_266] : memref<8x4096xi32, #tpu.memory_space<vmem>> -> memref<4x4096xi32, #tpu.memory_space<vmem>>
    %dma_start3A_268 = arith.constant 0 : i32
    %dma_start3A_269 = tpu.memref_slice %arg2[%add3A_259, %dma_start3A_268] : memref<4096x4096xi32, #tpu.memory_space<hbm>> -> memref<4x4096xi32, #tpu.memory_space<hbm>>
    tpu.enqueue_dma source(%dma_start3A_269 : memref<4x4096xi32, #tpu.memory_space<hbm>>) target(%dma_start3A_267 : memref<4x4096xi32, #tpu.memory_space<vmem>>) target_semaphore(%arg10 : memref<!tpu.dma_semaphore, #tpu.memory_space<semaphore_mem>>)
    %dma_wait3A_270 = arith.constant 0 : i32
    %dma_wait3A_271 = arith.constant 0 : i32
    %dma_wait3A_272 = tpu.memref_slice %arg5[%dma_wait3A_270, %dma_wait3A_271] : memref<8x4096xi32, #tpu.memory_space<vmem>> -> memref<4x4096xi32, #tpu.memory_space<vmem>>
    %dma_wait3A_273 = arith.constant 0 : i32
    %dma_wait3A_274 = arith.constant 0 : i32
    %dma_wait3A_275 = tpu.memref_slice %arg2[%dma_wait3A_273, %dma_wait3A_274] : memref<4096x4096xi32, #tpu.memory_space<hbm>> -> memref<4x4096xi32, #tpu.memory_space<hbm>>
    %dma_wait3A_276 = arith.constant 0 : i32
    %dma_wait3A_277 = arith.constant 0 : i32
    %dma_wait3A_278 = tpu.memref_slice %arg5[%dma_wait3A_276, %dma_wait3A_277] : memref<8x4096xi32, #tpu.memory_space<vmem>> -> memref<4x4096xi32, #tpu.memory_space<vmem>>
    %dma_wait3A_279 = arith.constant 0 : i32
    %dma_wait3A_280 = arith.constant 0 : i32
    %dma_wait3A_281 = tpu.memref_slice %arg2[%dma_wait3A_279, %dma_wait3A_280] : memref<4096x4096xi32, #tpu.memory_space<hbm>> -> memref<4x4096xi32, #tpu.memory_space<hbm>>
    tpu.wait_dma2 semaphore(%arg11 : memref<!tpu.dma_semaphore, #tpu.memory_space<semaphore_mem>>) src(%dma_wait3A_281 : memref<4x4096xi32, #tpu.memory_space<hbm>>) dst(%dma_wait3A_278 : memref<4x4096xi32, #tpu.memory_space<vmem>>)
    %broadcast_in_dim3A_282 = arith.constant 8 : i32
    %broadcast_in_dim3A_283 = vector.broadcast %broadcast_in_dim3A_282 : i32 to vector<16xi32>
    %sub3A_284 = arith.constant 1 : i32
    %sub3A_285 = vector.broadcast %sub3A_284 : i32 to vector<16xi32>
    %sub3A_286 = arith.subi %broadcast_in_dim3A_283, %sub3A_285 : vector<16xi32>
    %broadcast_in_dim3A_287 = arith.constant 0 : i32
    %broadcast_in_dim3A_288 = vector.broadcast %broadcast_in_dim3A_287 : i32 to vector<16xi32>
    %parallel_loop3A_289 = arith.constant 0 : i32
    %parallel_loop3A_290 = arith.constant 256 : i32
    %parallel_loop3A_291 = arith.constant 1 : i32
    %parallel_loop3A_292 = scf.for %parallel_loop3A_522 = %parallel_loop3A_289 to %parallel_loop3A_290 step %parallel_loop3A_291 iter_args(%parallel_loop3A_523 = %broadcast_in_dim3A_288) -> (vector<16xi32>)  : i32 {
      %parallel_loop3A_524 = arith.constant 16 : i32
      %parallel_loop3A_525 = arith.muli %parallel_loop3A_522, %parallel_loop3A_524 : i32
      %parallel_loop3A_526 = arith.constant 0 : i32
      %parallel_loop3A_527 = arith.index_cast %parallel_loop3A_526 : i32 to index
      %parallel_loop3A_528 = arith.index_cast %parallel_loop3A_525 : i32 to index
      %parallel_loop3A_529 = tpu.vector_load %arg5[%parallel_loop3A_527, %parallel_loop3A_528] {strides = array<i32>} : memref<8x4096xi32, #tpu.memory_space<vmem>>, vector<16xi32>,
      tpu.vector_store_idx %arg6[%parallel_loop3A_529], %broadcast_in_dim3A_283 : memref<4096xi32, #tpu.memory_space<vmem>>[vector<16xi32>], vector<16xi32>,
      %parallel_loop3A_530 = arith.constant 16 : i32
      %parallel_loop3A_531 = arith.muli %parallel_loop3A_522, %parallel_loop3A_530 : i32
      %parallel_loop3A_532 = arith.index_cast %parallel_loop3A_531 : i32 to index
      %parallel_loop3A_533 = tpu.vector_load %arg7[%parallel_loop3A_532] {strides = array<i32>} : memref<4096xi32, #tpu.memory_space<vmem>>, vector<16xi32>,
      %parallel_loop3A_534 = arith.cmpi eq, %parallel_loop3A_533, %sub3A_286 : vector<16xi32>
      %parallel_loop3A_535 = arith.extui %parallel_loop3A_534 : vector<16xi1> to vector<16xi32>
      %parallel_loop3A_536 = arith.addi %parallel_loop3A_523, %parallel_loop3A_535 : vector<16xi32>
      scf.yield %parallel_loop3A_536 : vector<16xi32>
    } {sc.loop_unroll_factor = 8 : i64, sc.parallel_access}
    %reduce_sum3A_293 = arith.constant true
    %reduce_sum3A_294 = vector.broadcast %reduce_sum3A_293 : i1 to vector<16xi1>
    %reduce_sum3A_295 = tpu.scan <sum>, %parallel_loop3A_292 masked %reduce_sum3A_294 : vector<16xi32>, vector<16xi1> -> vector<16xi32>
    %reduce_sum3A_296 = vector.extract %reduce_sum3A_295[15] : i32 from vector<16xi32>
    %broadcast_in_dim3A_297 = arith.constant 0.000000e+00 : f32
    %broadcast_in_dim3A_298 = vector.broadcast %broadcast_in_dim3A_297 : f32 to vector<16xf32>
    %convert_element_type3A_299 = arith.sitofp %reduce_sum3A_296 : i32 to f32
    %sub3A_300 = vector.broadcast %convert_element_type3A_299 : f32 to vector<16xf32>
    %sub3A_301 = arith.subf %broadcast_in_dim3A_298, %sub3A_300 : vector<16xf32>
    %broadcast_in_dim3A_302 = arith.constant 7 : i32
    %broadcast_in_dim3A_303 = vector.broadcast %broadcast_in_dim3A_302 : i32 to vector<16xi32>
    tpu.vector_store_idx %arg8[%broadcast_in_dim3A_303], %sub3A_301 masked %eq3A_4 : memref<128xf32, #tpu.memory_space<vmem>>[vector<16xi32>], vector<16xf32>, vector<16xi1>
    %broadcast_in_dim3A_304 = arith.constant 9 : i32
    %broadcast_in_dim3A_305 = vector.broadcast %broadcast_in_dim3A_304 : i32 to vector<16xi32>
    %sub3A_306 = arith.constant 1 : i32
    %sub3A_307 = vector.broadcast %sub3A_306 : i32 to vector<16xi32>
    %sub3A_308 = arith.subi %broadcast_in_dim3A_305, %sub3A_307 : vector<16xi32>
    %broadcast_in_dim3A_309 = arith.constant 0 : i32
    %broadcast_in_dim3A_310 = vector.broadcast %broadcast_in_dim3A_309 : i32 to vector<16xi32>
    %parallel_loop3A_311 = arith.constant 0 : i32
    %parallel_loop3A_312 = arith.constant 256 : i32
    %parallel_loop3A_313 = arith.constant 1 : i32
    %parallel_loop3A_314 = scf.for %parallel_loop3A_522 = %parallel_loop3A_311 to %parallel_loop3A_312 step %parallel_loop3A_313 iter_args(%parallel_loop3A_523 = %broadcast_in_dim3A_310) -> (vector<16xi32>)  : i32 {
      %parallel_loop3A_524 = arith.constant 16 : i32
      %parallel_loop3A_525 = arith.muli %parallel_loop3A_522, %parallel_loop3A_524 : i32
      %parallel_loop3A_526 = arith.constant 1 : i32
      %parallel_loop3A_527 = arith.index_cast %parallel_loop3A_526 : i32 to index
      %parallel_loop3A_528 = arith.index_cast %parallel_loop3A_525 : i32 to index
      %parallel_loop3A_529 = tpu.vector_load %arg5[%parallel_loop3A_527, %parallel_loop3A_528] {strides = array<i32>} : memref<8x4096xi32, #tpu.memory_space<vmem>>, vector<16xi32>,
      tpu.vector_store_idx %arg7[%parallel_loop3A_529], %broadcast_in_dim3A_305 : memref<4096xi32, #tpu.memory_space<vmem>>[vector<16xi32>], vector<16xi32>,
      %parallel_loop3A_530 = arith.constant 16 : i32
      %parallel_loop3A_531 = arith.muli %parallel_loop3A_522, %parallel_loop3A_530 : i32
      %parallel_loop3A_532 = arith.index_cast %parallel_loop3A_531 : i32 to index
      %parallel_loop3A_533 = tpu.vector_load %arg6[%parallel_loop3A_532] {strides = array<i32>} : memref<4096xi32, #tpu.memory_space<vmem>>, vector<16xi32>,
      %parallel_loop3A_534 = arith.cmpi eq, %parallel_loop3A_533, %sub3A_308 : vector<16xi32>
      %parallel_loop3A_535 = arith.extui %parallel_loop3A_534 : vector<16xi1> to vector<16xi32>
      %parallel_loop3A_536 = arith.addi %parallel_loop3A_523, %parallel_loop3A_535 : vector<16xi32>
      scf.yield %parallel_loop3A_536 : vector<16xi32>
    } {sc.loop_unroll_factor = 8 : i64, sc.parallel_access}
    %reduce_sum3A_315 = arith.constant true
    %reduce_sum3A_316 = vector.broadcast %reduce_sum3A_315 : i1 to vector<16xi1>
    %reduce_sum3A_317 = tpu.scan <sum>, %parallel_loop3A_314 masked %reduce_sum3A_316 : vector<16xi32>, vector<16xi1> -> vector<16xi32>
    %reduce_sum3A_318 = vector.extract %reduce_sum3A_317[15] : i32 from vector<16xi32>
    %broadcast_in_dim3A_319 = arith.constant 0.000000e+00 : f32
    %broadcast_in_dim3A_320 = vector.broadcast %broadcast_in_dim3A_319 : f32 to vector<16xf32>
    %convert_element_type3A_321 = arith.sitofp %reduce_sum3A_318 : i32 to f32
    %sub3A_322 = vector.broadcast %convert_element_type3A_321 : f32 to vector<16xf32>
    %sub3A_323 = arith.subf %broadcast_in_dim3A_320, %sub3A_322 : vector<16xf32>
    %broadcast_in_dim3A_324 = arith.constant 8 : i32
    %broadcast_in_dim3A_325 = vector.broadcast %broadcast_in_dim3A_324 : i32 to vector<16xi32>
    tpu.vector_store_idx %arg8[%broadcast_in_dim3A_325], %sub3A_323 masked %eq3A_4 : memref<128xf32, #tpu.memory_space<vmem>>[vector<16xi32>], vector<16xf32>, vector<16xi1>
    %broadcast_in_dim3A_326 = arith.constant 10 : i32
    %broadcast_in_dim3A_327 = vector.broadcast %broadcast_in_dim3A_326 : i32 to vector<16xi32>
    %sub3A_328 = arith.constant 1 : i32
    %sub3A_329 = vector.broadcast %sub3A_328 : i32 to vector<16xi32>
    %sub3A_330 = arith.subi %broadcast_in_dim3A_327, %sub3A_329 : vector<16xi32>
    %broadcast_in_dim3A_331 = arith.constant 0 : i32
    %broadcast_in_dim3A_332 = vector.broadcast %broadcast_in_dim3A_331 : i32 to vector<16xi32>
    %parallel_loop3A_333 = arith.constant 0 : i32
    %parallel_loop3A_334 = arith.constant 256 : i32
    %parallel_loop3A_335 = arith.constant 1 : i32
    %parallel_loop3A_336 = scf.for %parallel_loop3A_522 = %parallel_loop3A_333 to %parallel_loop3A_334 step %parallel_loop3A_335 iter_args(%parallel_loop3A_523 = %broadcast_in_dim3A_332) -> (vector<16xi32>)  : i32 {
      %parallel_loop3A_524 = arith.constant 16 : i32
      %parallel_loop3A_525 = arith.muli %parallel_loop3A_522, %parallel_loop3A_524 : i32
      %parallel_loop3A_526 = arith.constant 2 : i32
      %parallel_loop3A_527 = arith.index_cast %parallel_loop3A_526 : i32 to index
      %parallel_loop3A_528 = arith.index_cast %parallel_loop3A_525 : i32 to index
      %parallel_loop3A_529 = tpu.vector_load %arg5[%parallel_loop3A_527, %parallel_loop3A_528] {strides = array<i32>} : memref<8x4096xi32, #tpu.memory_space<vmem>>, vector<16xi32>,
      tpu.vector_store_idx %arg6[%parallel_loop3A_529], %broadcast_in_dim3A_327 : memref<4096xi32, #tpu.memory_space<vmem>>[vector<16xi32>], vector<16xi32>,
      %parallel_loop3A_530 = arith.constant 16 : i32
      %parallel_loop3A_531 = arith.muli %parallel_loop3A_522, %parallel_loop3A_530 : i32
      %parallel_loop3A_532 = arith.index_cast %parallel_loop3A_531 : i32 to index
      %parallel_loop3A_533 = tpu.vector_load %arg7[%parallel_loop3A_532] {strides = array<i32>} : memref<4096xi32, #tpu.memory_space<vmem>>, vector<16xi32>,
      %parallel_loop3A_534 = arith.cmpi eq, %parallel_loop3A_533, %sub3A_330 : vector<16xi32>
      %parallel_loop3A_535 = arith.extui %parallel_loop3A_534 : vector<16xi1> to vector<16xi32>
      %parallel_loop3A_536 = arith.addi %parallel_loop3A_523, %parallel_loop3A_535 : vector<16xi32>
      scf.yield %parallel_loop3A_536 : vector<16xi32>
    } {sc.loop_unroll_factor = 8 : i64, sc.parallel_access}
    %reduce_sum3A_337 = arith.constant true
    %reduce_sum3A_338 = vector.broadcast %reduce_sum3A_337 : i1 to vector<16xi1>
    %reduce_sum3A_339 = tpu.scan <sum>, %parallel_loop3A_336 masked %reduce_sum3A_338 : vector<16xi32>, vector<16xi1> -> vector<16xi32>
    %reduce_sum3A_340 = vector.extract %reduce_sum3A_339[15] : i32 from vector<16xi32>
    %broadcast_in_dim3A_341 = arith.constant 0.000000e+00 : f32
    %broadcast_in_dim3A_342 = vector.broadcast %broadcast_in_dim3A_341 : f32 to vector<16xf32>
    %convert_element_type3A_343 = arith.sitofp %reduce_sum3A_340 : i32 to f32
    %sub3A_344 = vector.broadcast %convert_element_type3A_343 : f32 to vector<16xf32>
    %sub3A_345 = arith.subf %broadcast_in_dim3A_342, %sub3A_344 : vector<16xf32>
    %broadcast_in_dim3A_346 = arith.constant 9 : i32
    %broadcast_in_dim3A_347 = vector.broadcast %broadcast_in_dim3A_346 : i32 to vector<16xi32>
    tpu.vector_store_idx %arg8[%broadcast_in_dim3A_347], %sub3A_345 masked %eq3A_4 : memref<128xf32, #tpu.memory_space<vmem>>[vector<16xi32>], vector<16xf32>, vector<16xi1>
    %broadcast_in_dim3A_348 = arith.constant 11 : i32
    %broadcast_in_dim3A_349 = vector.broadcast %broadcast_in_dim3A_348 : i32 to vector<16xi32>
    %sub3A_350 = arith.constant 1 : i32
    %sub3A_351 = vector.broadcast %sub3A_350 : i32 to vector<16xi32>
    %sub3A_352 = arith.subi %broadcast_in_dim3A_349, %sub3A_351 : vector<16xi32>
    %broadcast_in_dim3A_353 = arith.constant 0 : i32
    %broadcast_in_dim3A_354 = vector.broadcast %broadcast_in_dim3A_353 : i32 to vector<16xi32>
    %parallel_loop3A_355 = arith.constant 0 : i32
    %parallel_loop3A_356 = arith.constant 256 : i32
    %parallel_loop3A_357 = arith.constant 1 : i32
    %parallel_loop3A_358 = scf.for %parallel_loop3A_522 = %parallel_loop3A_355 to %parallel_loop3A_356 step %parallel_loop3A_357 iter_args(%parallel_loop3A_523 = %broadcast_in_dim3A_354) -> (vector<16xi32>)  : i32 {
      %parallel_loop3A_524 = arith.constant 16 : i32
      %parallel_loop3A_525 = arith.muli %parallel_loop3A_522, %parallel_loop3A_524 : i32
      %parallel_loop3A_526 = arith.constant 3 : i32
      %parallel_loop3A_527 = arith.index_cast %parallel_loop3A_526 : i32 to index
      %parallel_loop3A_528 = arith.index_cast %parallel_loop3A_525 : i32 to index
      %parallel_loop3A_529 = tpu.vector_load %arg5[%parallel_loop3A_527, %parallel_loop3A_528] {strides = array<i32>} : memref<8x4096xi32, #tpu.memory_space<vmem>>, vector<16xi32>,
      tpu.vector_store_idx %arg7[%parallel_loop3A_529], %broadcast_in_dim3A_349 : memref<4096xi32, #tpu.memory_space<vmem>>[vector<16xi32>], vector<16xi32>,
      %parallel_loop3A_530 = arith.constant 16 : i32
      %parallel_loop3A_531 = arith.muli %parallel_loop3A_522, %parallel_loop3A_530 : i32
      %parallel_loop3A_532 = arith.index_cast %parallel_loop3A_531 : i32 to index
      %parallel_loop3A_533 = tpu.vector_load %arg6[%parallel_loop3A_532] {strides = array<i32>} : memref<4096xi32, #tpu.memory_space<vmem>>, vector<16xi32>,
      %parallel_loop3A_534 = arith.cmpi eq, %parallel_loop3A_533, %sub3A_352 : vector<16xi32>
      %parallel_loop3A_535 = arith.extui %parallel_loop3A_534 : vector<16xi1> to vector<16xi32>
      %parallel_loop3A_536 = arith.addi %parallel_loop3A_523, %parallel_loop3A_535 : vector<16xi32>
      scf.yield %parallel_loop3A_536 : vector<16xi32>
    } {sc.loop_unroll_factor = 8 : i64, sc.parallel_access}
    %reduce_sum3A_359 = arith.constant true
    %reduce_sum3A_360 = vector.broadcast %reduce_sum3A_359 : i1 to vector<16xi1>
    %reduce_sum3A_361 = tpu.scan <sum>, %parallel_loop3A_358 masked %reduce_sum3A_360 : vector<16xi32>, vector<16xi1> -> vector<16xi32>
    %reduce_sum3A_362 = vector.extract %reduce_sum3A_361[15] : i32 from vector<16xi32>
    %broadcast_in_dim3A_363 = arith.constant 0.000000e+00 : f32
    %broadcast_in_dim3A_364 = vector.broadcast %broadcast_in_dim3A_363 : f32 to vector<16xf32>
    %convert_element_type3A_365 = arith.sitofp %reduce_sum3A_362 : i32 to f32
    %sub3A_366 = vector.broadcast %convert_element_type3A_365 : f32 to vector<16xf32>
    %sub3A_367 = arith.subf %broadcast_in_dim3A_364, %sub3A_366 : vector<16xf32>
    %broadcast_in_dim3A_368 = arith.constant 10 : i32
    %broadcast_in_dim3A_369 = vector.broadcast %broadcast_in_dim3A_368 : i32 to vector<16xi32>
    tpu.vector_store_idx %arg8[%broadcast_in_dim3A_369], %sub3A_367 masked %eq3A_4 : memref<128xf32, #tpu.memory_space<vmem>>[vector<16xi32>], vector<16xf32>, vector<16xi1>
    %add3A_370 = arith.constant 24 : i32
    %add3A_371 = arith.addi %mul3A_2, %add3A_370 : i32
    %add3A_372 = arith.constant 0 : i32
    %add3A_373 = arith.addi %add3A_371, %add3A_372 : i32
    %dma_start3A_374 = arith.constant 0 : i32
    %dma_start3A_375 = arith.constant 0 : i32
    %dma_start3A_376 = tpu.memref_slice %arg5[%dma_start3A_374, %dma_start3A_375] : memref<8x4096xi32, #tpu.memory_space<vmem>> -> memref<4x4096xi32, #tpu.memory_space<vmem>>
    %dma_start3A_377 = arith.constant 0 : i32
    %dma_start3A_378 = tpu.memref_slice %arg2[%add3A_373, %dma_start3A_377] : memref<4096x4096xi32, #tpu.memory_space<hbm>> -> memref<4x4096xi32, #tpu.memory_space<hbm>>
    %dma_start3A_379 = arith.constant 0 : i32
    %dma_start3A_380 = arith.constant 0 : i32
    %dma_start3A_381 = tpu.memref_slice %arg5[%dma_start3A_379, %dma_start3A_380] : memref<8x4096xi32, #tpu.memory_space<vmem>> -> memref<4x4096xi32, #tpu.memory_space<vmem>>
    %dma_start3A_382 = arith.constant 0 : i32
    %dma_start3A_383 = tpu.memref_slice %arg2[%add3A_373, %dma_start3A_382] : memref<4096x4096xi32, #tpu.memory_space<hbm>> -> memref<4x4096xi32, #tpu.memory_space<hbm>>
    tpu.enqueue_dma source(%dma_start3A_383 : memref<4x4096xi32, #tpu.memory_space<hbm>>) target(%dma_start3A_381 : memref<4x4096xi32, #tpu.memory_space<vmem>>) target_semaphore(%arg11 : memref<!tpu.dma_semaphore, #tpu.memory_space<semaphore_mem>>)
    %dma_wait3A_384 = arith.constant 4 : i32
    %dma_wait3A_385 = arith.constant 0 : i32
    %dma_wait3A_386 = tpu.memref_slice %arg5[%dma_wait3A_384, %dma_wait3A_385] : memref<8x4096xi32, #tpu.memory_space<vmem>> -> memref<4x4096xi32, #tpu.memory_space<vmem>>
    %dma_wait3A_387 = arith.constant 0 : i32
    %dma_wait3A_388 = arith.constant 0 : i32
    %dma_wait3A_389 = tpu.memref_slice %arg2[%dma_wait3A_387, %dma_wait3A_388] : memref<4096x4096xi32, #tpu.memory_space<hbm>> -> memref<4x4096xi32, #tpu.memory_space<hbm>>
    %dma_wait3A_390 = arith.constant 4 : i32
    %dma_wait3A_391 = arith.constant 0 : i32
    %dma_wait3A_392 = tpu.memref_slice %arg5[%dma_wait3A_390, %dma_wait3A_391] : memref<8x4096xi32, #tpu.memory_space<vmem>> -> memref<4x4096xi32, #tpu.memory_space<vmem>>
    %dma_wait3A_393 = arith.constant 0 : i32
    %dma_wait3A_394 = arith.constant 0 : i32
    %dma_wait3A_395 = tpu.memref_slice %arg2[%dma_wait3A_393, %dma_wait3A_394] : memref<4096x4096xi32, #tpu.memory_space<hbm>> -> memref<4x4096xi32, #tpu.memory_space<hbm>>
    tpu.wait_dma2 semaphore(%arg12 : memref<!tpu.dma_semaphore, #tpu.memory_space<semaphore_mem>>) src(%dma_wait3A_395 : memref<4x4096xi32, #tpu.memory_space<hbm>>) dst(%dma_wait3A_392 : memref<4x4096xi32, #tpu.memory_space<vmem>>)
    %broadcast_in_dim3A_396 = arith.constant 12 : i32
    %broadcast_in_dim3A_397 = vector.broadcast %broadcast_in_dim3A_396 : i32 to vector<16xi32>
    %sub3A_398 = arith.constant 1 : i32
    %sub3A_399 = vector.broadcast %sub3A_398 : i32 to vector<16xi32>
    %sub3A_400 = arith.subi %broadcast_in_dim3A_397, %sub3A_399 : vector<16xi32>
    %broadcast_in_dim3A_401 = arith.constant 0 : i32
    %broadcast_in_dim3A_402 = vector.broadcast %broadcast_in_dim3A_401 : i32 to vector<16xi32>
    %parallel_loop3A_403 = arith.constant 0 : i32
    %parallel_loop3A_404 = arith.constant 256 : i32
    %parallel_loop3A_405 = arith.constant 1 : i32
    %parallel_loop3A_406 = scf.for %parallel_loop3A_522 = %parallel_loop3A_403 to %parallel_loop3A_404 step %parallel_loop3A_405 iter_args(%parallel_loop3A_523 = %broadcast_in_dim3A_402) -> (vector<16xi32>)  : i32 {
      %parallel_loop3A_524 = arith.constant 16 : i32
      %parallel_loop3A_525 = arith.muli %parallel_loop3A_522, %parallel_loop3A_524 : i32
      %parallel_loop3A_526 = arith.constant 4 : i32
      %parallel_loop3A_527 = arith.index_cast %parallel_loop3A_526 : i32 to index
      %parallel_loop3A_528 = arith.index_cast %parallel_loop3A_525 : i32 to index
      %parallel_loop3A_529 = tpu.vector_load %arg5[%parallel_loop3A_527, %parallel_loop3A_528] {strides = array<i32>} : memref<8x4096xi32, #tpu.memory_space<vmem>>, vector<16xi32>,
      tpu.vector_store_idx %arg6[%parallel_loop3A_529], %broadcast_in_dim3A_397 : memref<4096xi32, #tpu.memory_space<vmem>>[vector<16xi32>], vector<16xi32>,
      %parallel_loop3A_530 = arith.constant 16 : i32
      %parallel_loop3A_531 = arith.muli %parallel_loop3A_522, %parallel_loop3A_530 : i32
      %parallel_loop3A_532 = arith.index_cast %parallel_loop3A_531 : i32 to index
      %parallel_loop3A_533 = tpu.vector_load %arg7[%parallel_loop3A_532] {strides = array<i32>} : memref<4096xi32, #tpu.memory_space<vmem>>, vector<16xi32>,
      %parallel_loop3A_534 = arith.cmpi eq, %parallel_loop3A_533, %sub3A_400 : vector<16xi32>
      %parallel_loop3A_535 = arith.extui %parallel_loop3A_534 : vector<16xi1> to vector<16xi32>
      %parallel_loop3A_536 = arith.addi %parallel_loop3A_523, %parallel_loop3A_535 : vector<16xi32>
      scf.yield %parallel_loop3A_536 : vector<16xi32>
    } {sc.loop_unroll_factor = 8 : i64, sc.parallel_access}
    %reduce_sum3A_407 = arith.constant true
    %reduce_sum3A_408 = vector.broadcast %reduce_sum3A_407 : i1 to vector<16xi1>
    %reduce_sum3A_409 = tpu.scan <sum>, %parallel_loop3A_406 masked %reduce_sum3A_408 : vector<16xi32>, vector<16xi1> -> vector<16xi32>
    %reduce_sum3A_410 = vector.extract %reduce_sum3A_409[15] : i32 from vector<16xi32>
    %broadcast_in_dim3A_411 = arith.constant 0.000000e+00 : f32
    %broadcast_in_dim3A_412 = vector.broadcast %broadcast_in_dim3A_411 : f32 to vector<16xf32>
    %convert_element_type3A_413 = arith.sitofp %reduce_sum3A_410 : i32 to f32
    %sub3A_414 = vector.broadcast %convert_element_type3A_413 : f32 to vector<16xf32>
    %sub3A_415 = arith.subf %broadcast_in_dim3A_412, %sub3A_414 : vector<16xf32>
    %broadcast_in_dim3A_416 = arith.constant 11 : i32
    %broadcast_in_dim3A_417 = vector.broadcast %broadcast_in_dim3A_416 : i32 to vector<16xi32>
    tpu.vector_store_idx %arg8[%broadcast_in_dim3A_417], %sub3A_415 masked %eq3A_4 : memref<128xf32, #tpu.memory_space<vmem>>[vector<16xi32>], vector<16xf32>, vector<16xi1>
    %broadcast_in_dim3A_418 = arith.constant 13 : i32
    %broadcast_in_dim3A_419 = vector.broadcast %broadcast_in_dim3A_418 : i32 to vector<16xi32>
    %sub3A_420 = arith.constant 1 : i32
    %sub3A_421 = vector.broadcast %sub3A_420 : i32 to vector<16xi32>
    %sub3A_422 = arith.subi %broadcast_in_dim3A_419, %sub3A_421 : vector<16xi32>
    %broadcast_in_dim3A_423 = arith.constant 0 : i32
    %broadcast_in_dim3A_424 = vector.broadcast %broadcast_in_dim3A_423 : i32 to vector<16xi32>
    %parallel_loop3A_425 = arith.constant 0 : i32
    %parallel_loop3A_426 = arith.constant 256 : i32
    %parallel_loop3A_427 = arith.constant 1 : i32
    %parallel_loop3A_428 = scf.for %parallel_loop3A_522 = %parallel_loop3A_425 to %parallel_loop3A_426 step %parallel_loop3A_427 iter_args(%parallel_loop3A_523 = %broadcast_in_dim3A_424) -> (vector<16xi32>)  : i32 {
      %parallel_loop3A_524 = arith.constant 16 : i32
      %parallel_loop3A_525 = arith.muli %parallel_loop3A_522, %parallel_loop3A_524 : i32
      %parallel_loop3A_526 = arith.constant 5 : i32
      %parallel_loop3A_527 = arith.index_cast %parallel_loop3A_526 : i32 to index
      %parallel_loop3A_528 = arith.index_cast %parallel_loop3A_525 : i32 to index
      %parallel_loop3A_529 = tpu.vector_load %arg5[%parallel_loop3A_527, %parallel_loop3A_528] {strides = array<i32>} : memref<8x4096xi32, #tpu.memory_space<vmem>>, vector<16xi32>,
      tpu.vector_store_idx %arg7[%parallel_loop3A_529], %broadcast_in_dim3A_419 : memref<4096xi32, #tpu.memory_space<vmem>>[vector<16xi32>], vector<16xi32>,
      %parallel_loop3A_530 = arith.constant 16 : i32
      %parallel_loop3A_531 = arith.muli %parallel_loop3A_522, %parallel_loop3A_530 : i32
      %parallel_loop3A_532 = arith.index_cast %parallel_loop3A_531 : i32 to index
      %parallel_loop3A_533 = tpu.vector_load %arg6[%parallel_loop3A_532] {strides = array<i32>} : memref<4096xi32, #tpu.memory_space<vmem>>, vector<16xi32>,
      %parallel_loop3A_534 = arith.cmpi eq, %parallel_loop3A_533, %sub3A_422 : vector<16xi32>
      %parallel_loop3A_535 = arith.extui %parallel_loop3A_534 : vector<16xi1> to vector<16xi32>
      %parallel_loop3A_536 = arith.addi %parallel_loop3A_523, %parallel_loop3A_535 : vector<16xi32>
      scf.yield %parallel_loop3A_536 : vector<16xi32>
    } {sc.loop_unroll_factor = 8 : i64, sc.parallel_access}
    %reduce_sum3A_429 = arith.constant true
    %reduce_sum3A_430 = vector.broadcast %reduce_sum3A_429 : i1 to vector<16xi1>
    %reduce_sum3A_431 = tpu.scan <sum>, %parallel_loop3A_428 masked %reduce_sum3A_430 : vector<16xi32>, vector<16xi1> -> vector<16xi32>
    %reduce_sum3A_432 = vector.extract %reduce_sum3A_431[15] : i32 from vector<16xi32>
    %broadcast_in_dim3A_433 = arith.constant 0.000000e+00 : f32
    %broadcast_in_dim3A_434 = vector.broadcast %broadcast_in_dim3A_433 : f32 to vector<16xf32>
    %convert_element_type3A_435 = arith.sitofp %reduce_sum3A_432 : i32 to f32
    %sub3A_436 = vector.broadcast %convert_element_type3A_435 : f32 to vector<16xf32>
    %sub3A_437 = arith.subf %broadcast_in_dim3A_434, %sub3A_436 : vector<16xf32>
    %broadcast_in_dim3A_438 = arith.constant 12 : i32
    %broadcast_in_dim3A_439 = vector.broadcast %broadcast_in_dim3A_438 : i32 to vector<16xi32>
    tpu.vector_store_idx %arg8[%broadcast_in_dim3A_439], %sub3A_437 masked %eq3A_4 : memref<128xf32, #tpu.memory_space<vmem>>[vector<16xi32>], vector<16xf32>, vector<16xi1>
    %broadcast_in_dim3A_440 = arith.constant 14 : i32
    %broadcast_in_dim3A_441 = vector.broadcast %broadcast_in_dim3A_440 : i32 to vector<16xi32>
    %sub3A_442 = arith.constant 1 : i32
    %sub3A_443 = vector.broadcast %sub3A_442 : i32 to vector<16xi32>
    %sub3A_444 = arith.subi %broadcast_in_dim3A_441, %sub3A_443 : vector<16xi32>
    %broadcast_in_dim3A_445 = arith.constant 0 : i32
    %broadcast_in_dim3A_446 = vector.broadcast %broadcast_in_dim3A_445 : i32 to vector<16xi32>
    %parallel_loop3A_447 = arith.constant 0 : i32
    %parallel_loop3A_448 = arith.constant 256 : i32
    %parallel_loop3A_449 = arith.constant 1 : i32
    %parallel_loop3A_450 = scf.for %parallel_loop3A_522 = %parallel_loop3A_447 to %parallel_loop3A_448 step %parallel_loop3A_449 iter_args(%parallel_loop3A_523 = %broadcast_in_dim3A_446) -> (vector<16xi32>)  : i32 {
      %parallel_loop3A_524 = arith.constant 16 : i32
      %parallel_loop3A_525 = arith.muli %parallel_loop3A_522, %parallel_loop3A_524 : i32
      %parallel_loop3A_526 = arith.constant 6 : i32
      %parallel_loop3A_527 = arith.index_cast %parallel_loop3A_526 : i32 to index
      %parallel_loop3A_528 = arith.index_cast %parallel_loop3A_525 : i32 to index
      %parallel_loop3A_529 = tpu.vector_load %arg5[%parallel_loop3A_527, %parallel_loop3A_528] {strides = array<i32>} : memref<8x4096xi32, #tpu.memory_space<vmem>>, vector<16xi32>,
      tpu.vector_store_idx %arg6[%parallel_loop3A_529], %broadcast_in_dim3A_441 : memref<4096xi32, #tpu.memory_space<vmem>>[vector<16xi32>], vector<16xi32>,
      %parallel_loop3A_530 = arith.constant 16 : i32
      %parallel_loop3A_531 = arith.muli %parallel_loop3A_522, %parallel_loop3A_530 : i32
      %parallel_loop3A_532 = arith.index_cast %parallel_loop3A_531 : i32 to index
      %parallel_loop3A_533 = tpu.vector_load %arg7[%parallel_loop3A_532] {strides = array<i32>} : memref<4096xi32, #tpu.memory_space<vmem>>, vector<16xi32>,
      %parallel_loop3A_534 = arith.cmpi eq, %parallel_loop3A_533, %sub3A_444 : vector<16xi32>
      %parallel_loop3A_535 = arith.extui %parallel_loop3A_534 : vector<16xi1> to vector<16xi32>
      %parallel_loop3A_536 = arith.addi %parallel_loop3A_523, %parallel_loop3A_535 : vector<16xi32>
      scf.yield %parallel_loop3A_536 : vector<16xi32>
    } {sc.loop_unroll_factor = 8 : i64, sc.parallel_access}
    %reduce_sum3A_451 = arith.constant true
    %reduce_sum3A_452 = vector.broadcast %reduce_sum3A_451 : i1 to vector<16xi1>
    %reduce_sum3A_453 = tpu.scan <sum>, %parallel_loop3A_450 masked %reduce_sum3A_452 : vector<16xi32>, vector<16xi1> -> vector<16xi32>
    %reduce_sum3A_454 = vector.extract %reduce_sum3A_453[15] : i32 from vector<16xi32>
    %broadcast_in_dim3A_455 = arith.constant 0.000000e+00 : f32
    %broadcast_in_dim3A_456 = vector.broadcast %broadcast_in_dim3A_455 : f32 to vector<16xf32>
    %convert_element_type3A_457 = arith.sitofp %reduce_sum3A_454 : i32 to f32
    %sub3A_458 = vector.broadcast %convert_element_type3A_457 : f32 to vector<16xf32>
    %sub3A_459 = arith.subf %broadcast_in_dim3A_456, %sub3A_458 : vector<16xf32>
    %broadcast_in_dim3A_460 = arith.constant 13 : i32
    %broadcast_in_dim3A_461 = vector.broadcast %broadcast_in_dim3A_460 : i32 to vector<16xi32>
    tpu.vector_store_idx %arg8[%broadcast_in_dim3A_461], %sub3A_459 masked %eq3A_4 : memref<128xf32, #tpu.memory_space<vmem>>[vector<16xi32>], vector<16xf32>, vector<16xi1>
    %broadcast_in_dim3A_462 = arith.constant 15 : i32
    %broadcast_in_dim3A_463 = vector.broadcast %broadcast_in_dim3A_462 : i32 to vector<16xi32>
    %sub3A_464 = arith.constant 1 : i32
    %sub3A_465 = vector.broadcast %sub3A_464 : i32 to vector<16xi32>
    %sub3A_466 = arith.subi %broadcast_in_dim3A_463, %sub3A_465 : vector<16xi32>
    %broadcast_in_dim3A_467 = arith.constant 0 : i32
    %broadcast_in_dim3A_468 = vector.broadcast %broadcast_in_dim3A_467 : i32 to vector<16xi32>
    %parallel_loop3A_469 = arith.constant 0 : i32
    %parallel_loop3A_470 = arith.constant 256 : i32
    %parallel_loop3A_471 = arith.constant 1 : i32
    %parallel_loop3A_472 = scf.for %parallel_loop3A_522 = %parallel_loop3A_469 to %parallel_loop3A_470 step %parallel_loop3A_471 iter_args(%parallel_loop3A_523 = %broadcast_in_dim3A_468) -> (vector<16xi32>)  : i32 {
      %parallel_loop3A_524 = arith.constant 16 : i32
      %parallel_loop3A_525 = arith.muli %parallel_loop3A_522, %parallel_loop3A_524 : i32
      %parallel_loop3A_526 = arith.constant 7 : i32
      %parallel_loop3A_527 = arith.index_cast %parallel_loop3A_526 : i32 to index
      %parallel_loop3A_528 = arith.index_cast %parallel_loop3A_525 : i32 to index
      %parallel_loop3A_529 = tpu.vector_load %arg5[%parallel_loop3A_527, %parallel_loop3A_528] {strides = array<i32>} : memref<8x4096xi32, #tpu.memory_space<vmem>>, vector<16xi32>,
      tpu.vector_store_idx %arg7[%parallel_loop3A_529], %broadcast_in_dim3A_463 : memref<4096xi32, #tpu.memory_space<vmem>>[vector<16xi32>], vector<16xi32>,
      %parallel_loop3A_530 = arith.constant 16 : i32
      %parallel_loop3A_531 = arith.muli %parallel_loop3A_522, %parallel_loop3A_530 : i32
      %parallel_loop3A_532 = arith.index_cast %parallel_loop3A_531 : i32 to index
      %parallel_loop3A_533 = tpu.vector_load %arg6[%parallel_loop3A_532] {strides = array<i32>} : memref<4096xi32, #tpu.memory_space<vmem>>, vector<16xi32>,
      %parallel_loop3A_534 = arith.cmpi eq, %parallel_loop3A_533, %sub3A_466 : vector<16xi32>
      %parallel_loop3A_535 = arith.extui %parallel_loop3A_534 : vector<16xi1> to vector<16xi32>
      %parallel_loop3A_536 = arith.addi %parallel_loop3A_523, %parallel_loop3A_535 : vector<16xi32>
      scf.yield %parallel_loop3A_536 : vector<16xi32>
    } {sc.loop_unroll_factor = 8 : i64, sc.parallel_access}
    %reduce_sum3A_473 = arith.constant true
    %reduce_sum3A_474 = vector.broadcast %reduce_sum3A_473 : i1 to vector<16xi1>
    %reduce_sum3A_475 = tpu.scan <sum>, %parallel_loop3A_472 masked %reduce_sum3A_474 : vector<16xi32>, vector<16xi1> -> vector<16xi32>
    %reduce_sum3A_476 = vector.extract %reduce_sum3A_475[15] : i32 from vector<16xi32>
    %broadcast_in_dim3A_477 = arith.constant 0.000000e+00 : f32
    %broadcast_in_dim3A_478 = vector.broadcast %broadcast_in_dim3A_477 : f32 to vector<16xf32>
    %convert_element_type3A_479 = arith.sitofp %reduce_sum3A_476 : i32 to f32
    %sub3A_480 = vector.broadcast %convert_element_type3A_479 : f32 to vector<16xf32>
    %sub3A_481 = arith.subf %broadcast_in_dim3A_478, %sub3A_480 : vector<16xf32>
    %broadcast_in_dim3A_482 = arith.constant 14 : i32
    %broadcast_in_dim3A_483 = vector.broadcast %broadcast_in_dim3A_482 : i32 to vector<16xi32>
    tpu.vector_store_idx %arg8[%broadcast_in_dim3A_483], %sub3A_481 masked %eq3A_4 : memref<128xf32, #tpu.memory_space<vmem>>[vector<16xi32>], vector<16xf32>, vector<16xi1>
    %add3A_484 = arith.constant 24 : i32
    %add3A_485 = arith.addi %mul3A_2, %add3A_484 : i32
    %add3A_486 = arith.constant 4 : i32
    %add3A_487 = arith.addi %add3A_485, %add3A_486 : i32
    %dma_start3A_488 = arith.constant 4 : i32
    %dma_start3A_489 = arith.constant 0 : i32
    %dma_start3A_490 = tpu.memref_slice %arg5[%dma_start3A_488, %dma_start3A_489] : memref<8x4096xi32, #tpu.memory_space<vmem>> -> memref<4x4096xi32, #tpu.memory_space<vmem>>
    %dma_start3A_491 = arith.constant 0 : i32
    %dma_start3A_492 = tpu.memref_slice %arg2[%add3A_487, %dma_start3A_491] : memref<4096x4096xi32, #tpu.memory_space<hbm>> -> memref<4x4096xi32, #tpu.memory_space<hbm>>
    %dma_start3A_493 = arith.constant 4 : i32
    %dma_start3A_494 = arith.constant 0 : i32
    %dma_start3A_495 = tpu.memref_slice %arg5[%dma_start3A_493, %dma_start3A_494] : memref<8x4096xi32, #tpu.memory_space<vmem>> -> memref<4x4096xi32, #tpu.memory_space<vmem>>
    %dma_start3A_496 = arith.constant 0 : i32
    %dma_start3A_497 = tpu.memref_slice %arg2[%add3A_487, %dma_start3A_496] : memref<4096x4096xi32, #tpu.memory_space<hbm>> -> memref<4x4096xi32, #tpu.memory_space<hbm>>
    tpu.enqueue_dma source(%dma_start3A_497 : memref<4x4096xi32, #tpu.memory_space<hbm>>) target(%dma_start3A_495 : memref<4x4096xi32, #tpu.memory_space<vmem>>) target_semaphore(%arg12 : memref<!tpu.dma_semaphore, #tpu.memory_space<semaphore_mem>>)
    %scan3A = arith.constant 0 : i32
    %scan3A_498 = arith.constant 1 : i32
    %scan3A_499 = arith.constant 7 : i32
    %scan3A_500 = arith.addi %scan3A_498, %scan3A_499 : i32
    %scan3A_501 = arith.constant 1 : i32
    scf.for %scan3A_522 = %scan3A_498 to %scan3A_500 step %scan3A_501  : i32 {
      %mul3A_523 = arith.constant 2 : i32
      %mul3A_524 = arith.muli %mul3A_523, %scan3A_522 : i32
      %add3A_525 = arith.constant 0 : i32
      %add3A_526 = arith.addi %mul3A_524, %add3A_525 : i32
      %dma_wait3A_527 = arith.constant 0 : i32
      %dma_wait3A_528 = arith.constant 0 : i32
      %dma_wait3A_529 = tpu.memref_slice %arg4[%dma_wait3A_527, %dma_wait3A_528] : memref<8x4096xi32, #tpu.memory_space<vmem>> -> memref<4x4096xi32, #tpu.memory_space<vmem>>
      %dma_wait3A_530 = arith.constant 0 : i32
      %dma_wait3A_531 = arith.constant 0 : i32
      %dma_wait3A_532 = tpu.memref_slice %arg2[%dma_wait3A_530, %dma_wait3A_531] : memref<4096x4096xi32, #tpu.memory_space<hbm>> -> memref<4x4096xi32, #tpu.memory_space<hbm>>
      %dma_wait3A_533 = arith.constant 0 : i32
      %dma_wait3A_534 = arith.constant 0 : i32
      %dma_wait3A_535 = tpu.memref_slice %arg4[%dma_wait3A_533, %dma_wait3A_534] : memref<8x4096xi32, #tpu.memory_space<vmem>> -> memref<4x4096xi32, #tpu.memory_space<vmem>>
      %dma_wait3A_536 = arith.constant 0 : i32
      %dma_wait3A_537 = arith.constant 0 : i32
      %dma_wait3A_538 = tpu.memref_slice %arg2[%dma_wait3A_536, %dma_wait3A_537] : memref<4096x4096xi32, #tpu.memory_space<hbm>> -> memref<4x4096xi32, #tpu.memory_space<hbm>>
      tpu.wait_dma2 semaphore(%arg9 : memref<!tpu.dma_semaphore, #tpu.memory_space<semaphore_mem>>) src(%dma_wait3A_538 : memref<4x4096xi32, #tpu.memory_space<hbm>>) dst(%dma_wait3A_535 : memref<4x4096xi32, #tpu.memory_space<vmem>>)
      %mul3A_539 = arith.constant 8 : i32
      %mul3A_540 = arith.muli %add3A_526, %mul3A_539 : i32
      %add3A_541 = arith.constant 0 : i32
      %add3A_542 = arith.addi %mul3A_540, %add3A_541 : i32
      %sub3A_543 = arith.constant 1 : i32
      %sub3A_544 = arith.subi %add3A_542, %sub3A_543 : i32
      %broadcast_in_dim3A_545 = vector.broadcast %add3A_542 : i32 to vector<16xi32>
      %sub3A_546 = arith.constant 1 : i32
      %sub3A_547 = vector.broadcast %sub3A_546 : i32 to vector<16xi32>
      %sub3A_548 = arith.subi %broadcast_in_dim3A_545, %sub3A_547 : vector<16xi32>
      %broadcast_in_dim3A_549 = arith.constant 0 : i32
      %broadcast_in_dim3A_550 = vector.broadcast %broadcast_in_dim3A_549 : i32 to vector<16xi32>
      %parallel_loop3A_551 = arith.constant 0 : i32
      %parallel_loop3A_552 = arith.constant 256 : i32
      %parallel_loop3A_553 = arith.constant 1 : i32
      %parallel_loop3A_554 = scf.for %parallel_loop3A_1021 = %parallel_loop3A_551 to %parallel_loop3A_552 step %parallel_loop3A_553 iter_args(%parallel_loop3A_1022 = %broadcast_in_dim3A_550) -> (vector<16xi32>)  : i32 {
        %parallel_loop3A_1023 = arith.constant 16 : i32
        %parallel_loop3A_1024 = arith.muli %parallel_loop3A_1021, %parallel_loop3A_1023 : i32
        %parallel_loop3A_1025 = arith.constant 0 : i32
        %parallel_loop3A_1026 = arith.index_cast %parallel_loop3A_1025 : i32 to index
        %parallel_loop3A_1027 = arith.index_cast %parallel_loop3A_1024 : i32 to index
        %parallel_loop3A_1028 = tpu.vector_load %arg4[%parallel_loop3A_1026, %parallel_loop3A_1027] {strides = array<i32>} : memref<8x4096xi32, #tpu.memory_space<vmem>>, vector<16xi32>,
        tpu.vector_store_idx %arg6[%parallel_loop3A_1028], %broadcast_in_dim3A_545 : memref<4096xi32, #tpu.memory_space<vmem>>[vector<16xi32>], vector<16xi32>,
        %parallel_loop3A_1029 = arith.constant 16 : i32
        %parallel_loop3A_1030 = arith.muli %parallel_loop3A_1021, %parallel_loop3A_1029 : i32
        %parallel_loop3A_1031 = arith.index_cast %parallel_loop3A_1030 : i32 to index
        %parallel_loop3A_1032 = tpu.vector_load %arg7[%parallel_loop3A_1031] {strides = array<i32>} : memref<4096xi32, #tpu.memory_space<vmem>>, vector<16xi32>,
        %parallel_loop3A_1033 = arith.cmpi eq, %parallel_loop3A_1032, %sub3A_548 : vector<16xi32>
        %parallel_loop3A_1034 = arith.extui %parallel_loop3A_1033 : vector<16xi1> to vector<16xi32>
        %parallel_loop3A_1035 = arith.addi %parallel_loop3A_1022, %parallel_loop3A_1034 : vector<16xi32>
        scf.yield %parallel_loop3A_1035 : vector<16xi32>
      } {sc.loop_unroll_factor = 8 : i64, sc.parallel_access}
      %reduce_sum3A_555 = arith.constant true
      %reduce_sum3A_556 = vector.broadcast %reduce_sum3A_555 : i1 to vector<16xi1>
      %reduce_sum3A_557 = tpu.scan <sum>, %parallel_loop3A_554 masked %reduce_sum3A_556 : vector<16xi32>, vector<16xi1> -> vector<16xi32>
      %reduce_sum3A_558 = vector.extract %reduce_sum3A_557[15] : i32 from vector<16xi32>
      %broadcast_in_dim3A_559 = arith.constant 0.000000e+00 : f32
      %broadcast_in_dim3A_560 = vector.broadcast %broadcast_in_dim3A_559 : f32 to vector<16xf32>
      %convert_element_type3A_561 = arith.sitofp %reduce_sum3A_558 : i32 to f32
      %sub3A_562 = vector.broadcast %convert_element_type3A_561 : f32 to vector<16xf32>
      %sub3A_563 = arith.subf %broadcast_in_dim3A_560, %sub3A_562 : vector<16xf32>
      %broadcast_in_dim3A_564 = vector.broadcast %sub3A_544 : i32 to vector<16xi32>
      tpu.vector_store_idx %arg8[%broadcast_in_dim3A_564], %sub3A_563 masked %eq3A_4 : memref<128xf32, #tpu.memory_space<vmem>>[vector<16xi32>], vector<16xf32>, vector<16xi1>
      %mul3A_565 = arith.constant 8 : i32
      %mul3A_566 = arith.muli %add3A_526, %mul3A_565 : i32
      %add3A_567 = arith.constant 1 : i32
      %add3A_568 = arith.addi %mul3A_566, %add3A_567 : i32
      %sub3A_569 = arith.constant 1 : i32
      %sub3A_570 = arith.subi %add3A_568, %sub3A_569 : i32
      %broadcast_in_dim3A_571 = vector.broadcast %add3A_568 : i32 to vector<16xi32>
      %sub3A_572 = arith.constant 1 : i32
      %sub3A_573 = vector.broadcast %sub3A_572 : i32 to vector<16xi32>
      %sub3A_574 = arith.subi %broadcast_in_dim3A_571, %sub3A_573 : vector<16xi32>
      %broadcast_in_dim3A_575 = arith.constant 0 : i32
      %broadcast_in_dim3A_576 = vector.broadcast %broadcast_in_dim3A_575 : i32 to vector<16xi32>
      %parallel_loop3A_577 = arith.constant 0 : i32
      %parallel_loop3A_578 = arith.constant 256 : i32
      %parallel_loop3A_579 = arith.constant 1 : i32
      %parallel_loop3A_580 = scf.for %parallel_loop3A_1021 = %parallel_loop3A_577 to %parallel_loop3A_578 step %parallel_loop3A_579 iter_args(%parallel_loop3A_1022 = %broadcast_in_dim3A_576) -> (vector<16xi32>)  : i32 {
        %parallel_loop3A_1023 = arith.constant 16 : i32
        %parallel_loop3A_1024 = arith.muli %parallel_loop3A_1021, %parallel_loop3A_1023 : i32
        %parallel_loop3A_1025 = arith.constant 1 : i32
        %parallel_loop3A_1026 = arith.index_cast %parallel_loop3A_1025 : i32 to index
        %parallel_loop3A_1027 = arith.index_cast %parallel_loop3A_1024 : i32 to index
        %parallel_loop3A_1028 = tpu.vector_load %arg4[%parallel_loop3A_1026, %parallel_loop3A_1027] {strides = array<i32>} : memref<8x4096xi32, #tpu.memory_space<vmem>>, vector<16xi32>,
        tpu.vector_store_idx %arg7[%parallel_loop3A_1028], %broadcast_in_dim3A_571 : memref<4096xi32, #tpu.memory_space<vmem>>[vector<16xi32>], vector<16xi32>,
        %parallel_loop3A_1029 = arith.constant 16 : i32
        %parallel_loop3A_1030 = arith.muli %parallel_loop3A_1021, %parallel_loop3A_1029 : i32
        %parallel_loop3A_1031 = arith.index_cast %parallel_loop3A_1030 : i32 to index
        %parallel_loop3A_1032 = tpu.vector_load %arg6[%parallel_loop3A_1031] {strides = array<i32>} : memref<4096xi32, #tpu.memory_space<vmem>>, vector<16xi32>,
        %parallel_loop3A_1033 = arith.cmpi eq, %parallel_loop3A_1032, %sub3A_574 : vector<16xi32>
        %parallel_loop3A_1034 = arith.extui %parallel_loop3A_1033 : vector<16xi1> to vector<16xi32>
        %parallel_loop3A_1035 = arith.addi %parallel_loop3A_1022, %parallel_loop3A_1034 : vector<16xi32>
        scf.yield %parallel_loop3A_1035 : vector<16xi32>
      } {sc.loop_unroll_factor = 8 : i64, sc.parallel_access}
      %reduce_sum3A_581 = arith.constant true
      %reduce_sum3A_582 = vector.broadcast %reduce_sum3A_581 : i1 to vector<16xi1>
      %reduce_sum3A_583 = tpu.scan <sum>, %parallel_loop3A_580 masked %reduce_sum3A_582 : vector<16xi32>, vector<16xi1> -> vector<16xi32>
      %reduce_sum3A_584 = vector.extract %reduce_sum3A_583[15] : i32 from vector<16xi32>
      %broadcast_in_dim3A_585 = arith.constant 0.000000e+00 : f32
      %broadcast_in_dim3A_586 = vector.broadcast %broadcast_in_dim3A_585 : f32 to vector<16xf32>
      %convert_element_type3A_587 = arith.sitofp %reduce_sum3A_584 : i32 to f32
      %sub3A_588 = vector.broadcast %convert_element_type3A_587 : f32 to vector<16xf32>
      %sub3A_589 = arith.subf %broadcast_in_dim3A_586, %sub3A_588 : vector<16xf32>
      %broadcast_in_dim3A_590 = vector.broadcast %sub3A_570 : i32 to vector<16xi32>
      tpu.vector_store_idx %arg8[%broadcast_in_dim3A_590], %sub3A_589 masked %eq3A_4 : memref<128xf32, #tpu.memory_space<vmem>>[vector<16xi32>], vector<16xf32>, vector<16xi1>
      %mul3A_591 = arith.constant 8 : i32
      %mul3A_592 = arith.muli %add3A_526, %mul3A_591 : i32
      %add3A_593 = arith.constant 2 : i32
      %add3A_594 = arith.addi %mul3A_592, %add3A_593 : i32
      %sub3A_595 = arith.constant 1 : i32
      %sub3A_596 = arith.subi %add3A_594, %sub3A_595 : i32
      %broadcast_in_dim3A_597 = vector.broadcast %add3A_594 : i32 to vector<16xi32>
      %sub3A_598 = arith.constant 1 : i32
      %sub3A_599 = vector.broadcast %sub3A_598 : i32 to vector<16xi32>
      %sub3A_600 = arith.subi %broadcast_in_dim3A_597, %sub3A_599 : vector<16xi32>
      %broadcast_in_dim3A_601 = arith.constant 0 : i32
      %broadcast_in_dim3A_602 = vector.broadcast %broadcast_in_dim3A_601 : i32 to vector<16xi32>
      %parallel_loop3A_603 = arith.constant 0 : i32
      %parallel_loop3A_604 = arith.constant 256 : i32
      %parallel_loop3A_605 = arith.constant 1 : i32
      %parallel_loop3A_606 = scf.for %parallel_loop3A_1021 = %parallel_loop3A_603 to %parallel_loop3A_604 step %parallel_loop3A_605 iter_args(%parallel_loop3A_1022 = %broadcast_in_dim3A_602) -> (vector<16xi32>)  : i32 {
        %parallel_loop3A_1023 = arith.constant 16 : i32
        %parallel_loop3A_1024 = arith.muli %parallel_loop3A_1021, %parallel_loop3A_1023 : i32
        %parallel_loop3A_1025 = arith.constant 2 : i32
        %parallel_loop3A_1026 = arith.index_cast %parallel_loop3A_1025 : i32 to index
        %parallel_loop3A_1027 = arith.index_cast %parallel_loop3A_1024 : i32 to index
        %parallel_loop3A_1028 = tpu.vector_load %arg4[%parallel_loop3A_1026, %parallel_loop3A_1027] {strides = array<i32>} : memref<8x4096xi32, #tpu.memory_space<vmem>>, vector<16xi32>,
        tpu.vector_store_idx %arg6[%parallel_loop3A_1028], %broadcast_in_dim3A_597 : memref<4096xi32, #tpu.memory_space<vmem>>[vector<16xi32>], vector<16xi32>,
        %parallel_loop3A_1029 = arith.constant 16 : i32
        %parallel_loop3A_1030 = arith.muli %parallel_loop3A_1021, %parallel_loop3A_1029 : i32
        %parallel_loop3A_1031 = arith.index_cast %parallel_loop3A_1030 : i32 to index
        %parallel_loop3A_1032 = tpu.vector_load %arg7[%parallel_loop3A_1031] {strides = array<i32>} : memref<4096xi32, #tpu.memory_space<vmem>>, vector<16xi32>,
        %parallel_loop3A_1033 = arith.cmpi eq, %parallel_loop3A_1032, %sub3A_600 : vector<16xi32>
        %parallel_loop3A_1034 = arith.extui %parallel_loop3A_1033 : vector<16xi1> to vector<16xi32>
        %parallel_loop3A_1035 = arith.addi %parallel_loop3A_1022, %parallel_loop3A_1034 : vector<16xi32>
        scf.yield %parallel_loop3A_1035 : vector<16xi32>
      } {sc.loop_unroll_factor = 8 : i64, sc.parallel_access}
      %reduce_sum3A_607 = arith.constant true
      %reduce_sum3A_608 = vector.broadcast %reduce_sum3A_607 : i1 to vector<16xi1>
      %reduce_sum3A_609 = tpu.scan <sum>, %parallel_loop3A_606 masked %reduce_sum3A_608 : vector<16xi32>, vector<16xi1> -> vector<16xi32>
      %reduce_sum3A_610 = vector.extract %reduce_sum3A_609[15] : i32 from vector<16xi32>
      %broadcast_in_dim3A_611 = arith.constant 0.000000e+00 : f32
      %broadcast_in_dim3A_612 = vector.broadcast %broadcast_in_dim3A_611 : f32 to vector<16xf32>
      %convert_element_type3A_613 = arith.sitofp %reduce_sum3A_610 : i32 to f32
      %sub3A_614 = vector.broadcast %convert_element_type3A_613 : f32 to vector<16xf32>
      %sub3A_615 = arith.subf %broadcast_in_dim3A_612, %sub3A_614 : vector<16xf32>
      %broadcast_in_dim3A_616 = vector.broadcast %sub3A_596 : i32 to vector<16xi32>
      tpu.vector_store_idx %arg8[%broadcast_in_dim3A_616], %sub3A_615 masked %eq3A_4 : memref<128xf32, #tpu.memory_space<vmem>>[vector<16xi32>], vector<16xf32>, vector<16xi1>
      %mul3A_617 = arith.constant 8 : i32
      %mul3A_618 = arith.muli %add3A_526, %mul3A_617 : i32
      %add3A_619 = arith.constant 3 : i32
      %add3A_620 = arith.addi %mul3A_618, %add3A_619 : i32
      %sub3A_621 = arith.constant 1 : i32
      %sub3A_622 = arith.subi %add3A_620, %sub3A_621 : i32
      %broadcast_in_dim3A_623 = vector.broadcast %add3A_620 : i32 to vector<16xi32>
      %sub3A_624 = arith.constant 1 : i32
      %sub3A_625 = vector.broadcast %sub3A_624 : i32 to vector<16xi32>
      %sub3A_626 = arith.subi %broadcast_in_dim3A_623, %sub3A_625 : vector<16xi32>
      %broadcast_in_dim3A_627 = arith.constant 0 : i32
      %broadcast_in_dim3A_628 = vector.broadcast %broadcast_in_dim3A_627 : i32 to vector<16xi32>
      %parallel_loop3A_629 = arith.constant 0 : i32
      %parallel_loop3A_630 = arith.constant 256 : i32
      %parallel_loop3A_631 = arith.constant 1 : i32
      %parallel_loop3A_632 = scf.for %parallel_loop3A_1021 = %parallel_loop3A_629 to %parallel_loop3A_630 step %parallel_loop3A_631 iter_args(%parallel_loop3A_1022 = %broadcast_in_dim3A_628) -> (vector<16xi32>)  : i32 {
        %parallel_loop3A_1023 = arith.constant 16 : i32
        %parallel_loop3A_1024 = arith.muli %parallel_loop3A_1021, %parallel_loop3A_1023 : i32
        %parallel_loop3A_1025 = arith.constant 3 : i32
        %parallel_loop3A_1026 = arith.index_cast %parallel_loop3A_1025 : i32 to index
        %parallel_loop3A_1027 = arith.index_cast %parallel_loop3A_1024 : i32 to index
        %parallel_loop3A_1028 = tpu.vector_load %arg4[%parallel_loop3A_1026, %parallel_loop3A_1027] {strides = array<i32>} : memref<8x4096xi32, #tpu.memory_space<vmem>>, vector<16xi32>,
        tpu.vector_store_idx %arg7[%parallel_loop3A_1028], %broadcast_in_dim3A_623 : memref<4096xi32, #tpu.memory_space<vmem>>[vector<16xi32>], vector<16xi32>,
        %parallel_loop3A_1029 = arith.constant 16 : i32
        %parallel_loop3A_1030 = arith.muli %parallel_loop3A_1021, %parallel_loop3A_1029 : i32
        %parallel_loop3A_1031 = arith.index_cast %parallel_loop3A_1030 : i32 to index
        %parallel_loop3A_1032 = tpu.vector_load %arg6[%parallel_loop3A_1031] {strides = array<i32>} : memref<4096xi32, #tpu.memory_space<vmem>>, vector<16xi32>,
        %parallel_loop3A_1033 = arith.cmpi eq, %parallel_loop3A_1032, %sub3A_626 : vector<16xi32>
        %parallel_loop3A_1034 = arith.extui %parallel_loop3A_1033 : vector<16xi1> to vector<16xi32>
        %parallel_loop3A_1035 = arith.addi %parallel_loop3A_1022, %parallel_loop3A_1034 : vector<16xi32>
        scf.yield %parallel_loop3A_1035 : vector<16xi32>
      } {sc.loop_unroll_factor = 8 : i64, sc.parallel_access}
      %reduce_sum3A_633 = arith.constant true
      %reduce_sum3A_634 = vector.broadcast %reduce_sum3A_633 : i1 to vector<16xi1>
      %reduce_sum3A_635 = tpu.scan <sum>, %parallel_loop3A_632 masked %reduce_sum3A_634 : vector<16xi32>, vector<16xi1> -> vector<16xi32>
      %reduce_sum3A_636 = vector.extract %reduce_sum3A_635[15] : i32 from vector<16xi32>
      %broadcast_in_dim3A_637 = arith.constant 0.000000e+00 : f32
      %broadcast_in_dim3A_638 = vector.broadcast %broadcast_in_dim3A_637 : f32 to vector<16xf32>
      %convert_element_type3A_639 = arith.sitofp %reduce_sum3A_636 : i32 to f32
      %sub3A_640 = vector.broadcast %convert_element_type3A_639 : f32 to vector<16xf32>
      %sub3A_641 = arith.subf %broadcast_in_dim3A_638, %sub3A_640 : vector<16xf32>
      %broadcast_in_dim3A_642 = vector.broadcast %sub3A_622 : i32 to vector<16xi32>
      tpu.vector_store_idx %arg8[%broadcast_in_dim3A_642], %sub3A_641 masked %eq3A_4 : memref<128xf32, #tpu.memory_space<vmem>>[vector<16xi32>], vector<16xf32>, vector<16xi1>
      %add3A_643 = arith.constant 2 : i32
      %add3A_644 = arith.addi %add3A_526, %add3A_643 : i32
      %lt3A = arith.constant 16 : i32
      %lt3A_645 = arith.cmpi slt, %add3A_644, %lt3A : i32
      %convert_element_type3A_646 = arith.extui %lt3A_645 : i1 to i32
      %cond3A = arith.constant 0 : i32
      %cond3A_647 = arith.cmpi ne, %convert_element_type3A_646, %cond3A : i32
      scf.if %cond3A_647 {
        %add3A_1021 = arith.constant 2 : i32
        %add3A_1022 = arith.addi %add3A_526, %add3A_1021 : i32
        %mul3A_1023 = arith.constant 8 : i32
        %mul3A_1024 = arith.muli %add3A_1022, %mul3A_1023 : i32
        %add3A_1025 = arith.addi %mul3A_2, %mul3A_1024 : i32
        %add3A_1026 = arith.constant 0 : i32
        %add3A_1027 = arith.addi %add3A_1025, %add3A_1026 : i32
        %dma_start3A_1028 = arith.constant 0 : i32
        %dma_start3A_1029 = arith.constant 0 : i32
        %dma_start3A_1030 = tpu.memref_slice %arg4[%dma_start3A_1028, %dma_start3A_1029] : memref<8x4096xi32, #tpu.memory_space<vmem>> -> memref<4x4096xi32, #tpu.memory_space<vmem>>
        %dma_start3A_1031 = arith.constant 0 : i32
        %dma_start3A_1032 = tpu.memref_slice %arg2[%add3A_1027, %dma_start3A_1031] : memref<4096x4096xi32, #tpu.memory_space<hbm>> -> memref<4x4096xi32, #tpu.memory_space<hbm>>
        %dma_start3A_1033 = arith.constant 0 : i32
        %dma_start3A_1034 = arith.constant 0 : i32
        %dma_start3A_1035 = tpu.memref_slice %arg4[%dma_start3A_1033, %dma_start3A_1034] : memref<8x4096xi32, #tpu.memory_space<vmem>> -> memref<4x4096xi32, #tpu.memory_space<vmem>>
        %dma_start3A_1036 = arith.constant 0 : i32
        %dma_start3A_1037 = tpu.memref_slice %arg2[%add3A_1027, %dma_start3A_1036] : memref<4096x4096xi32, #tpu.memory_space<hbm>> -> memref<4x4096xi32, #tpu.memory_space<hbm>>
        tpu.enqueue_dma source(%dma_start3A_1037 : memref<4x4096xi32, #tpu.memory_space<hbm>>) target(%dma_start3A_1035 : memref<4x4096xi32, #tpu.memory_space<vmem>>) target_semaphore(%arg9 : memref<!tpu.dma_semaphore, #tpu.memory_space<semaphore_mem>>)
      } else {
      }
      %dma_wait3A_648 = arith.constant 4 : i32
      %dma_wait3A_649 = arith.constant 0 : i32
      %dma_wait3A_650 = tpu.memref_slice %arg4[%dma_wait3A_648, %dma_wait3A_649] : memref<8x4096xi32, #tpu.memory_space<vmem>> -> memref<4x4096xi32, #tpu.memory_space<vmem>>
      %dma_wait3A_651 = arith.constant 0 : i32
      %dma_wait3A_652 = arith.constant 0 : i32
      %dma_wait3A_653 = tpu.memref_slice %arg2[%dma_wait3A_651, %dma_wait3A_652] : memref<4096x4096xi32, #tpu.memory_space<hbm>> -> memref<4x4096xi32, #tpu.memory_space<hbm>>
      %dma_wait3A_654 = arith.constant 4 : i32
      %dma_wait3A_655 = arith.constant 0 : i32
      %dma_wait3A_656 = tpu.memref_slice %arg4[%dma_wait3A_654, %dma_wait3A_655] : memref<8x4096xi32, #tpu.memory_space<vmem>> -> memref<4x4096xi32, #tpu.memory_space<vmem>>
      %dma_wait3A_657 = arith.constant 0 : i32
      %dma_wait3A_658 = arith.constant 0 : i32
      %dma_wait3A_659 = tpu.memref_slice %arg2[%dma_wait3A_657, %dma_wait3A_658] : memref<4096x4096xi32, #tpu.memory_space<hbm>> -> memref<4x4096xi32, #tpu.memory_space<hbm>>
      tpu.wait_dma2 semaphore(%arg10 : memref<!tpu.dma_semaphore, #tpu.memory_space<semaphore_mem>>) src(%dma_wait3A_659 : memref<4x4096xi32, #tpu.memory_space<hbm>>) dst(%dma_wait3A_656 : memref<4x4096xi32, #tpu.memory_space<vmem>>)
      %mul3A_660 = arith.constant 8 : i32
      %mul3A_661 = arith.muli %add3A_526, %mul3A_660 : i32
      %add3A_662 = arith.constant 4 : i32
      %add3A_663 = arith.addi %mul3A_661, %add3A_662 : i32
      %sub3A_664 = arith.constant 1 : i32
      %sub3A_665 = arith.subi %add3A_663, %sub3A_664 : i32
      %broadcast_in_dim3A_666 = vector.broadcast %add3A_663 : i32 to vector<16xi32>
      %sub3A_667 = arith.constant 1 : i32
      %sub3A_668 = vector.broadcast %sub3A_667 : i32 to vector<16xi32>
      %sub3A_669 = arith.subi %broadcast_in_dim3A_666, %sub3A_668 : vector<16xi32>
      %broadcast_in_dim3A_670 = arith.constant 0 : i32
      %broadcast_in_dim3A_671 = vector.broadcast %broadcast_in_dim3A_670 : i32 to vector<16xi32>
      %parallel_loop3A_672 = arith.constant 0 : i32
      %parallel_loop3A_673 = arith.constant 256 : i32
      %parallel_loop3A_674 = arith.constant 1 : i32
      %parallel_loop3A_675 = scf.for %parallel_loop3A_1021 = %parallel_loop3A_672 to %parallel_loop3A_673 step %parallel_loop3A_674 iter_args(%parallel_loop3A_1022 = %broadcast_in_dim3A_671) -> (vector<16xi32>)  : i32 {
        %parallel_loop3A_1023 = arith.constant 16 : i32
        %parallel_loop3A_1024 = arith.muli %parallel_loop3A_1021, %parallel_loop3A_1023 : i32
        %parallel_loop3A_1025 = arith.constant 4 : i32
        %parallel_loop3A_1026 = arith.index_cast %parallel_loop3A_1025 : i32 to index
        %parallel_loop3A_1027 = arith.index_cast %parallel_loop3A_1024 : i32 to index
        %parallel_loop3A_1028 = tpu.vector_load %arg4[%parallel_loop3A_1026, %parallel_loop3A_1027] {strides = array<i32>} : memref<8x4096xi32, #tpu.memory_space<vmem>>, vector<16xi32>,
        tpu.vector_store_idx %arg6[%parallel_loop3A_1028], %broadcast_in_dim3A_666 : memref<4096xi32, #tpu.memory_space<vmem>>[vector<16xi32>], vector<16xi32>,
        %parallel_loop3A_1029 = arith.constant 16 : i32
        %parallel_loop3A_1030 = arith.muli %parallel_loop3A_1021, %parallel_loop3A_1029 : i32
        %parallel_loop3A_1031 = arith.index_cast %parallel_loop3A_1030 : i32 to index
        %parallel_loop3A_1032 = tpu.vector_load %arg7[%parallel_loop3A_1031] {strides = array<i32>} : memref<4096xi32, #tpu.memory_space<vmem>>, vector<16xi32>,
        %parallel_loop3A_1033 = arith.cmpi eq, %parallel_loop3A_1032, %sub3A_669 : vector<16xi32>
        %parallel_loop3A_1034 = arith.extui %parallel_loop3A_1033 : vector<16xi1> to vector<16xi32>
        %parallel_loop3A_1035 = arith.addi %parallel_loop3A_1022, %parallel_loop3A_1034 : vector<16xi32>
        scf.yield %parallel_loop3A_1035 : vector<16xi32>
      } {sc.loop_unroll_factor = 8 : i64, sc.parallel_access}
      %reduce_sum3A_676 = arith.constant true
      %reduce_sum3A_677 = vector.broadcast %reduce_sum3A_676 : i1 to vector<16xi1>
      %reduce_sum3A_678 = tpu.scan <sum>, %parallel_loop3A_675 masked %reduce_sum3A_677 : vector<16xi32>, vector<16xi1> -> vector<16xi32>
      %reduce_sum3A_679 = vector.extract %reduce_sum3A_678[15] : i32 from vector<16xi32>
      %broadcast_in_dim3A_680 = arith.constant 0.000000e+00 : f32
      %broadcast_in_dim3A_681 = vector.broadcast %broadcast_in_dim3A_680 : f32 to vector<16xf32>
      %convert_element_type3A_682 = arith.sitofp %reduce_sum3A_679 : i32 to f32
      %sub3A_683 = vector.broadcast %convert_element_type3A_682 : f32 to vector<16xf32>
      %sub3A_684 = arith.subf %broadcast_in_dim3A_681, %sub3A_683 : vector<16xf32>
      %broadcast_in_dim3A_685 = vector.broadcast %sub3A_665 : i32 to vector<16xi32>
      tpu.vector_store_idx %arg8[%broadcast_in_dim3A_685], %sub3A_684 masked %eq3A_4 : memref<128xf32, #tpu.memory_space<vmem>>[vector<16xi32>], vector<16xf32>, vector<16xi1>
      %mul3A_686 = arith.constant 8 : i32
      %mul3A_687 = arith.muli %add3A_526, %mul3A_686 : i32
      %add3A_688 = arith.constant 5 : i32
      %add3A_689 = arith.addi %mul3A_687, %add3A_688 : i32
      %sub3A_690 = arith.constant 1 : i32
      %sub3A_691 = arith.subi %add3A_689, %sub3A_690 : i32
      %broadcast_in_dim3A_692 = vector.broadcast %add3A_689 : i32 to vector<16xi32>
      %sub3A_693 = arith.constant 1 : i32
      %sub3A_694 = vector.broadcast %sub3A_693 : i32 to vector<16xi32>
      %sub3A_695 = arith.subi %broadcast_in_dim3A_692, %sub3A_694 : vector<16xi32>
      %broadcast_in_dim3A_696 = arith.constant 0 : i32
      %broadcast_in_dim3A_697 = vector.broadcast %broadcast_in_dim3A_696 : i32 to vector<16xi32>
      %parallel_loop3A_698 = arith.constant 0 : i32
      %parallel_loop3A_699 = arith.constant 256 : i32
      %parallel_loop3A_700 = arith.constant 1 : i32
      %parallel_loop3A_701 = scf.for %parallel_loop3A_1021 = %parallel_loop3A_698 to %parallel_loop3A_699 step %parallel_loop3A_700 iter_args(%parallel_loop3A_1022 = %broadcast_in_dim3A_697) -> (vector<16xi32>)  : i32 {
        %parallel_loop3A_1023 = arith.constant 16 : i32
        %parallel_loop3A_1024 = arith.muli %parallel_loop3A_1021, %parallel_loop3A_1023 : i32
        %parallel_loop3A_1025 = arith.constant 5 : i32
        %parallel_loop3A_1026 = arith.index_cast %parallel_loop3A_1025 : i32 to index
        %parallel_loop3A_1027 = arith.index_cast %parallel_loop3A_1024 : i32 to index
        %parallel_loop3A_1028 = tpu.vector_load %arg4[%parallel_loop3A_1026, %parallel_loop3A_1027] {strides = array<i32>} : memref<8x4096xi32, #tpu.memory_space<vmem>>, vector<16xi32>,
        tpu.vector_store_idx %arg7[%parallel_loop3A_1028], %broadcast_in_dim3A_692 : memref<4096xi32, #tpu.memory_space<vmem>>[vector<16xi32>], vector<16xi32>,
        %parallel_loop3A_1029 = arith.constant 16 : i32
        %parallel_loop3A_1030 = arith.muli %parallel_loop3A_1021, %parallel_loop3A_1029 : i32
        %parallel_loop3A_1031 = arith.index_cast %parallel_loop3A_1030 : i32 to index
        %parallel_loop3A_1032 = tpu.vector_load %arg6[%parallel_loop3A_1031] {strides = array<i32>} : memref<4096xi32, #tpu.memory_space<vmem>>, vector<16xi32>,
        %parallel_loop3A_1033 = arith.cmpi eq, %parallel_loop3A_1032, %sub3A_695 : vector<16xi32>
        %parallel_loop3A_1034 = arith.extui %parallel_loop3A_1033 : vector<16xi1> to vector<16xi32>
        %parallel_loop3A_1035 = arith.addi %parallel_loop3A_1022, %parallel_loop3A_1034 : vector<16xi32>
        scf.yield %parallel_loop3A_1035 : vector<16xi32>
      } {sc.loop_unroll_factor = 8 : i64, sc.parallel_access}
      %reduce_sum3A_702 = arith.constant true
      %reduce_sum3A_703 = vector.broadcast %reduce_sum3A_702 : i1 to vector<16xi1>
      %reduce_sum3A_704 = tpu.scan <sum>, %parallel_loop3A_701 masked %reduce_sum3A_703 : vector<16xi32>, vector<16xi1> -> vector<16xi32>
      %reduce_sum3A_705 = vector.extract %reduce_sum3A_704[15] : i32 from vector<16xi32>
      %broadcast_in_dim3A_706 = arith.constant 0.000000e+00 : f32
      %broadcast_in_dim3A_707 = vector.broadcast %broadcast_in_dim3A_706 : f32 to vector<16xf32>
      %convert_element_type3A_708 = arith.sitofp %reduce_sum3A_705 : i32 to f32
      %sub3A_709 = vector.broadcast %convert_element_type3A_708 : f32 to vector<16xf32>
      %sub3A_710 = arith.subf %broadcast_in_dim3A_707, %sub3A_709 : vector<16xf32>
      %broadcast_in_dim3A_711 = vector.broadcast %sub3A_691 : i32 to vector<16xi32>
      tpu.vector_store_idx %arg8[%broadcast_in_dim3A_711], %sub3A_710 masked %eq3A_4 : memref<128xf32, #tpu.memory_space<vmem>>[vector<16xi32>], vector<16xf32>, vector<16xi1>
      %mul3A_712 = arith.constant 8 : i32
      %mul3A_713 = arith.muli %add3A_526, %mul3A_712 : i32
      %add3A_714 = arith.constant 6 : i32
      %add3A_715 = arith.addi %mul3A_713, %add3A_714 : i32
      %sub3A_716 = arith.constant 1 : i32
      %sub3A_717 = arith.subi %add3A_715, %sub3A_716 : i32
      %broadcast_in_dim3A_718 = vector.broadcast %add3A_715 : i32 to vector<16xi32>
      %sub3A_719 = arith.constant 1 : i32
      %sub3A_720 = vector.broadcast %sub3A_719 : i32 to vector<16xi32>
      %sub3A_721 = arith.subi %broadcast_in_dim3A_718, %sub3A_720 : vector<16xi32>
      %broadcast_in_dim3A_722 = arith.constant 0 : i32
      %broadcast_in_dim3A_723 = vector.broadcast %broadcast_in_dim3A_722 : i32 to vector<16xi32>
      %parallel_loop3A_724 = arith.constant 0 : i32
      %parallel_loop3A_725 = arith.constant 256 : i32
      %parallel_loop3A_726 = arith.constant 1 : i32
      %parallel_loop3A_727 = scf.for %parallel_loop3A_1021 = %parallel_loop3A_724 to %parallel_loop3A_725 step %parallel_loop3A_726 iter_args(%parallel_loop3A_1022 = %broadcast_in_dim3A_723) -> (vector<16xi32>)  : i32 {
        %parallel_loop3A_1023 = arith.constant 16 : i32
        %parallel_loop3A_1024 = arith.muli %parallel_loop3A_1021, %parallel_loop3A_1023 : i32
        %parallel_loop3A_1025 = arith.constant 6 : i32
        %parallel_loop3A_1026 = arith.index_cast %parallel_loop3A_1025 : i32 to index
        %parallel_loop3A_1027 = arith.index_cast %parallel_loop3A_1024 : i32 to index
        %parallel_loop3A_1028 = tpu.vector_load %arg4[%parallel_loop3A_1026, %parallel_loop3A_1027] {strides = array<i32>} : memref<8x4096xi32, #tpu.memory_space<vmem>>, vector<16xi32>,
        tpu.vector_store_idx %arg6[%parallel_loop3A_1028], %broadcast_in_dim3A_718 : memref<4096xi32, #tpu.memory_space<vmem>>[vector<16xi32>], vector<16xi32>,
        %parallel_loop3A_1029 = arith.constant 16 : i32
        %parallel_loop3A_1030 = arith.muli %parallel_loop3A_1021, %parallel_loop3A_1029 : i32
        %parallel_loop3A_1031 = arith.index_cast %parallel_loop3A_1030 : i32 to index
        %parallel_loop3A_1032 = tpu.vector_load %arg7[%parallel_loop3A_1031] {strides = array<i32>} : memref<4096xi32, #tpu.memory_space<vmem>>, vector<16xi32>,
        %parallel_loop3A_1033 = arith.cmpi eq, %parallel_loop3A_1032, %sub3A_721 : vector<16xi32>
        %parallel_loop3A_1034 = arith.extui %parallel_loop3A_1033 : vector<16xi1> to vector<16xi32>
        %parallel_loop3A_1035 = arith.addi %parallel_loop3A_1022, %parallel_loop3A_1034 : vector<16xi32>
        scf.yield %parallel_loop3A_1035 : vector<16xi32>
      } {sc.loop_unroll_factor = 8 : i64, sc.parallel_access}
      %reduce_sum3A_728 = arith.constant true
      %reduce_sum3A_729 = vector.broadcast %reduce_sum3A_728 : i1 to vector<16xi1>
      %reduce_sum3A_730 = tpu.scan <sum>, %parallel_loop3A_727 masked %reduce_sum3A_729 : vector<16xi32>, vector<16xi1> -> vector<16xi32>
      %reduce_sum3A_731 = vector.extract %reduce_sum3A_730[15] : i32 from vector<16xi32>
      %broadcast_in_dim3A_732 = arith.constant 0.000000e+00 : f32
      %broadcast_in_dim3A_733 = vector.broadcast %broadcast_in_dim3A_732 : f32 to vector<16xf32>
      %convert_element_type3A_734 = arith.sitofp %reduce_sum3A_731 : i32 to f32
      %sub3A_735 = vector.broadcast %convert_element_type3A_734 : f32 to vector<16xf32>
      %sub3A_736 = arith.subf %broadcast_in_dim3A_733, %sub3A_735 : vector<16xf32>
      %broadcast_in_dim3A_737 = vector.broadcast %sub3A_717 : i32 to vector<16xi32>
      tpu.vector_store_idx %arg8[%broadcast_in_dim3A_737], %sub3A_736 masked %eq3A_4 : memref<128xf32, #tpu.memory_space<vmem>>[vector<16xi32>], vector<16xf32>, vector<16xi1>
      %mul3A_738 = arith.constant 8 : i32
      %mul3A_739 = arith.muli %add3A_526, %mul3A_738 : i32
      %add3A_740 = arith.constant 7 : i32
      %add3A_741 = arith.addi %mul3A_739, %add3A_740 : i32
      %sub3A_742 = arith.constant 1 : i32
      %sub3A_743 = arith.subi %add3A_741, %sub3A_742 : i32
      %broadcast_in_dim3A_744 = vector.broadcast %add3A_741 : i32 to vector<16xi32>
      %sub3A_745 = arith.constant 1 : i32
      %sub3A_746 = vector.broadcast %sub3A_745 : i32 to vector<16xi32>
      %sub3A_747 = arith.subi %broadcast_in_dim3A_744, %sub3A_746 : vector<16xi32>
      %broadcast_in_dim3A_748 = arith.constant 0 : i32
      %broadcast_in_dim3A_749 = vector.broadcast %broadcast_in_dim3A_748 : i32 to vector<16xi32>
      %parallel_loop3A_750 = arith.constant 0 : i32
      %parallel_loop3A_751 = arith.constant 256 : i32
      %parallel_loop3A_752 = arith.constant 1 : i32
      %parallel_loop3A_753 = scf.for %parallel_loop3A_1021 = %parallel_loop3A_750 to %parallel_loop3A_751 step %parallel_loop3A_752 iter_args(%parallel_loop3A_1022 = %broadcast_in_dim3A_749) -> (vector<16xi32>)  : i32 {
        %parallel_loop3A_1023 = arith.constant 16 : i32
        %parallel_loop3A_1024 = arith.muli %parallel_loop3A_1021, %parallel_loop3A_1023 : i32
        %parallel_loop3A_1025 = arith.constant 7 : i32
        %parallel_loop3A_1026 = arith.index_cast %parallel_loop3A_1025 : i32 to index
        %parallel_loop3A_1027 = arith.index_cast %parallel_loop3A_1024 : i32 to index
        %parallel_loop3A_1028 = tpu.vector_load %arg4[%parallel_loop3A_1026, %parallel_loop3A_1027] {strides = array<i32>} : memref<8x4096xi32, #tpu.memory_space<vmem>>, vector<16xi32>,
        tpu.vector_store_idx %arg7[%parallel_loop3A_1028], %broadcast_in_dim3A_744 : memref<4096xi32, #tpu.memory_space<vmem>>[vector<16xi32>], vector<16xi32>,
        %parallel_loop3A_1029 = arith.constant 16 : i32
        %parallel_loop3A_1030 = arith.muli %parallel_loop3A_1021, %parallel_loop3A_1029 : i32
        %parallel_loop3A_1031 = arith.index_cast %parallel_loop3A_1030 : i32 to index
        %parallel_loop3A_1032 = tpu.vector_load %arg6[%parallel_loop3A_1031] {strides = array<i32>} : memref<4096xi32, #tpu.memory_space<vmem>>, vector<16xi32>,
        %parallel_loop3A_1033 = arith.cmpi eq, %parallel_loop3A_1032, %sub3A_747 : vector<16xi32>
        %parallel_loop3A_1034 = arith.extui %parallel_loop3A_1033 : vector<16xi1> to vector<16xi32>
        %parallel_loop3A_1035 = arith.addi %parallel_loop3A_1022, %parallel_loop3A_1034 : vector<16xi32>
        scf.yield %parallel_loop3A_1035 : vector<16xi32>
      } {sc.loop_unroll_factor = 8 : i64, sc.parallel_access}
      %reduce_sum3A_754 = arith.constant true
      %reduce_sum3A_755 = vector.broadcast %reduce_sum3A_754 : i1 to vector<16xi1>
      %reduce_sum3A_756 = tpu.scan <sum>, %parallel_loop3A_753 masked %reduce_sum3A_755 : vector<16xi32>, vector<16xi1> -> vector<16xi32>
      %reduce_sum3A_757 = vector.extract %reduce_sum3A_756[15] : i32 from vector<16xi32>
      %broadcast_in_dim3A_758 = arith.constant 0.000000e+00 : f32
      %broadcast_in_dim3A_759 = vector.broadcast %broadcast_in_dim3A_758 : f32 to vector<16xf32>
      %convert_element_type3A_760 = arith.sitofp %reduce_sum3A_757 : i32 to f32
      %sub3A_761 = vector.broadcast %convert_element_type3A_760 : f32 to vector<16xf32>
      %sub3A_762 = arith.subf %broadcast_in_dim3A_759, %sub3A_761 : vector<16xf32>
      %broadcast_in_dim3A_763 = vector.broadcast %sub3A_743 : i32 to vector<16xi32>
      tpu.vector_store_idx %arg8[%broadcast_in_dim3A_763], %sub3A_762 masked %eq3A_4 : memref<128xf32, #tpu.memory_space<vmem>>[vector<16xi32>], vector<16xf32>, vector<16xi1>
      %add3A_764 = arith.constant 2 : i32
      %add3A_765 = arith.addi %add3A_526, %add3A_764 : i32
      %lt3A_766 = arith.constant 16 : i32
      %lt3A_767 = arith.cmpi slt, %add3A_765, %lt3A_766 : i32
      %convert_element_type3A_768 = arith.extui %lt3A_767 : i1 to i32
      %cond3A_769 = arith.constant 0 : i32
      %cond3A_770 = arith.cmpi ne, %convert_element_type3A_768, %cond3A_769 : i32
      scf.if %cond3A_770 {
        %add3A_1021 = arith.constant 2 : i32
        %add3A_1022 = arith.addi %add3A_526, %add3A_1021 : i32
        %mul3A_1023 = arith.constant 8 : i32
        %mul3A_1024 = arith.muli %add3A_1022, %mul3A_1023 : i32
        %add3A_1025 = arith.addi %mul3A_2, %mul3A_1024 : i32
        %add3A_1026 = arith.constant 4 : i32
        %add3A_1027 = arith.addi %add3A_1025, %add3A_1026 : i32
        %dma_start3A_1028 = arith.constant 4 : i32
        %dma_start3A_1029 = arith.constant 0 : i32
        %dma_start3A_1030 = tpu.memref_slice %arg4[%dma_start3A_1028, %dma_start3A_1029] : memref<8x4096xi32, #tpu.memory_space<vmem>> -> memref<4x4096xi32, #tpu.memory_space<vmem>>
        %dma_start3A_1031 = arith.constant 0 : i32
        %dma_start3A_1032 = tpu.memref_slice %arg2[%add3A_1027, %dma_start3A_1031] : memref<4096x4096xi32, #tpu.memory_space<hbm>> -> memref<4x4096xi32, #tpu.memory_space<hbm>>
        %dma_start3A_1033 = arith.constant 4 : i32
        %dma_start3A_1034 = arith.constant 0 : i32
        %dma_start3A_1035 = tpu.memref_slice %arg4[%dma_start3A_1033, %dma_start3A_1034] : memref<8x4096xi32, #tpu.memory_space<vmem>> -> memref<4x4096xi32, #tpu.memory_space<vmem>>
        %dma_start3A_1036 = arith.constant 0 : i32
        %dma_start3A_1037 = tpu.memref_slice %arg2[%add3A_1027, %dma_start3A_1036] : memref<4096x4096xi32, #tpu.memory_space<hbm>> -> memref<4x4096xi32, #tpu.memory_space<hbm>>
        tpu.enqueue_dma source(%dma_start3A_1037 : memref<4x4096xi32, #tpu.memory_space<hbm>>) target(%dma_start3A_1035 : memref<4x4096xi32, #tpu.memory_space<vmem>>) target_semaphore(%arg10 : memref<!tpu.dma_semaphore, #tpu.memory_space<semaphore_mem>>)
      } else {
      }
      %mul3A_771 = arith.constant 2 : i32
      %mul3A_772 = arith.muli %mul3A_771, %scan3A_522 : i32
      %add3A_773 = arith.constant 1 : i32
      %add3A_774 = arith.addi %mul3A_772, %add3A_773 : i32
      %dma_wait3A_775 = arith.constant 0 : i32
      %dma_wait3A_776 = arith.constant 0 : i32
      %dma_wait3A_777 = tpu.memref_slice %arg5[%dma_wait3A_775, %dma_wait3A_776] : memref<8x4096xi32, #tpu.memory_space<vmem>> -> memref<4x4096xi32, #tpu.memory_space<vmem>>
      %dma_wait3A_778 = arith.constant 0 : i32
      %dma_wait3A_779 = arith.constant 0 : i32
      %dma_wait3A_780 = tpu.memref_slice %arg2[%dma_wait3A_778, %dma_wait3A_779] : memref<4096x4096xi32, #tpu.memory_space<hbm>> -> memref<4x4096xi32, #tpu.memory_space<hbm>>
      %dma_wait3A_781 = arith.constant 0 : i32
      %dma_wait3A_782 = arith.constant 0 : i32
      %dma_wait3A_783 = tpu.memref_slice %arg5[%dma_wait3A_781, %dma_wait3A_782] : memref<8x4096xi32, #tpu.memory_space<vmem>> -> memref<4x4096xi32, #tpu.memory_space<vmem>>
      %dma_wait3A_784 = arith.constant 0 : i32
      %dma_wait3A_785 = arith.constant 0 : i32
      %dma_wait3A_786 = tpu.memref_slice %arg2[%dma_wait3A_784, %dma_wait3A_785] : memref<4096x4096xi32, #tpu.memory_space<hbm>> -> memref<4x4096xi32, #tpu.memory_space<hbm>>
      tpu.wait_dma2 semaphore(%arg11 : memref<!tpu.dma_semaphore, #tpu.memory_space<semaphore_mem>>) src(%dma_wait3A_786 : memref<4x4096xi32, #tpu.memory_space<hbm>>) dst(%dma_wait3A_783 : memref<4x4096xi32, #tpu.memory_space<vmem>>)
      %mul3A_787 = arith.constant 8 : i32
      %mul3A_788 = arith.muli %add3A_774, %mul3A_787 : i32
      %add3A_789 = arith.constant 0 : i32
      %add3A_790 = arith.addi %mul3A_788, %add3A_789 : i32
      %sub3A_791 = arith.constant 1 : i32
      %sub3A_792 = arith.subi %add3A_790, %sub3A_791 : i32
      %broadcast_in_dim3A_793 = vector.broadcast %add3A_790 : i32 to vector<16xi32>
      %sub3A_794 = arith.constant 1 : i32
      %sub3A_795 = vector.broadcast %sub3A_794 : i32 to vector<16xi32>
      %sub3A_796 = arith.subi %broadcast_in_dim3A_793, %sub3A_795 : vector<16xi32>
      %broadcast_in_dim3A_797 = arith.constant 0 : i32
      %broadcast_in_dim3A_798 = vector.broadcast %broadcast_in_dim3A_797 : i32 to vector<16xi32>
      %parallel_loop3A_799 = arith.constant 0 : i32
      %parallel_loop3A_800 = arith.constant 256 : i32
      %parallel_loop3A_801 = arith.constant 1 : i32
      %parallel_loop3A_802 = scf.for %parallel_loop3A_1021 = %parallel_loop3A_799 to %parallel_loop3A_800 step %parallel_loop3A_801 iter_args(%parallel_loop3A_1022 = %broadcast_in_dim3A_798) -> (vector<16xi32>)  : i32 {
        %parallel_loop3A_1023 = arith.constant 16 : i32
        %parallel_loop3A_1024 = arith.muli %parallel_loop3A_1021, %parallel_loop3A_1023 : i32
        %parallel_loop3A_1025 = arith.constant 0 : i32
        %parallel_loop3A_1026 = arith.index_cast %parallel_loop3A_1025 : i32 to index
        %parallel_loop3A_1027 = arith.index_cast %parallel_loop3A_1024 : i32 to index
        %parallel_loop3A_1028 = tpu.vector_load %arg5[%parallel_loop3A_1026, %parallel_loop3A_1027] {strides = array<i32>} : memref<8x4096xi32, #tpu.memory_space<vmem>>, vector<16xi32>,
        tpu.vector_store_idx %arg6[%parallel_loop3A_1028], %broadcast_in_dim3A_793 : memref<4096xi32, #tpu.memory_space<vmem>>[vector<16xi32>], vector<16xi32>,
        %parallel_loop3A_1029 = arith.constant 16 : i32
        %parallel_loop3A_1030 = arith.muli %parallel_loop3A_1021, %parallel_loop3A_1029 : i32
        %parallel_loop3A_1031 = arith.index_cast %parallel_loop3A_1030 : i32 to index
        %parallel_loop3A_1032 = tpu.vector_load %arg7[%parallel_loop3A_1031] {strides = array<i32>} : memref<4096xi32, #tpu.memory_space<vmem>>, vector<16xi32>,
        %parallel_loop3A_1033 = arith.cmpi eq, %parallel_loop3A_1032, %sub3A_796 : vector<16xi32>
        %parallel_loop3A_1034 = arith.extui %parallel_loop3A_1033 : vector<16xi1> to vector<16xi32>
        %parallel_loop3A_1035 = arith.addi %parallel_loop3A_1022, %parallel_loop3A_1034 : vector<16xi32>
        scf.yield %parallel_loop3A_1035 : vector<16xi32>
      } {sc.loop_unroll_factor = 8 : i64, sc.parallel_access}
      %reduce_sum3A_803 = arith.constant true
      %reduce_sum3A_804 = vector.broadcast %reduce_sum3A_803 : i1 to vector<16xi1>
      %reduce_sum3A_805 = tpu.scan <sum>, %parallel_loop3A_802 masked %reduce_sum3A_804 : vector<16xi32>, vector<16xi1> -> vector<16xi32>
      %reduce_sum3A_806 = vector.extract %reduce_sum3A_805[15] : i32 from vector<16xi32>
      %broadcast_in_dim3A_807 = arith.constant 0.000000e+00 : f32
      %broadcast_in_dim3A_808 = vector.broadcast %broadcast_in_dim3A_807 : f32 to vector<16xf32>
      %convert_element_type3A_809 = arith.sitofp %reduce_sum3A_806 : i32 to f32
      %sub3A_810 = vector.broadcast %convert_element_type3A_809 : f32 to vector<16xf32>
      %sub3A_811 = arith.subf %broadcast_in_dim3A_808, %sub3A_810 : vector<16xf32>
      %broadcast_in_dim3A_812 = vector.broadcast %sub3A_792 : i32 to vector<16xi32>
      tpu.vector_store_idx %arg8[%broadcast_in_dim3A_812], %sub3A_811 masked %eq3A_4 : memref<128xf32, #tpu.memory_space<vmem>>[vector<16xi32>], vector<16xf32>, vector<16xi1>
      %mul3A_813 = arith.constant 8 : i32
      %mul3A_814 = arith.muli %add3A_774, %mul3A_813 : i32
      %add3A_815 = arith.constant 1 : i32
      %add3A_816 = arith.addi %mul3A_814, %add3A_815 : i32
      %sub3A_817 = arith.constant 1 : i32
      %sub3A_818 = arith.subi %add3A_816, %sub3A_817 : i32
      %broadcast_in_dim3A_819 = vector.broadcast %add3A_816 : i32 to vector<16xi32>
      %sub3A_820 = arith.constant 1 : i32
      %sub3A_821 = vector.broadcast %sub3A_820 : i32 to vector<16xi32>
      %sub3A_822 = arith.subi %broadcast_in_dim3A_819, %sub3A_821 : vector<16xi32>
      %broadcast_in_dim3A_823 = arith.constant 0 : i32
      %broadcast_in_dim3A_824 = vector.broadcast %broadcast_in_dim3A_823 : i32 to vector<16xi32>
      %parallel_loop3A_825 = arith.constant 0 : i32
      %parallel_loop3A_826 = arith.constant 256 : i32
      %parallel_loop3A_827 = arith.constant 1 : i32
      %parallel_loop3A_828 = scf.for %parallel_loop3A_1021 = %parallel_loop3A_825 to %parallel_loop3A_826 step %parallel_loop3A_827 iter_args(%parallel_loop3A_1022 = %broadcast_in_dim3A_824) -> (vector<16xi32>)  : i32 {
        %parallel_loop3A_1023 = arith.constant 16 : i32
        %parallel_loop3A_1024 = arith.muli %parallel_loop3A_1021, %parallel_loop3A_1023 : i32
        %parallel_loop3A_1025 = arith.constant 1 : i32
        %parallel_loop3A_1026 = arith.index_cast %parallel_loop3A_1025 : i32 to index
        %parallel_loop3A_1027 = arith.index_cast %parallel_loop3A_1024 : i32 to index
        %parallel_loop3A_1028 = tpu.vector_load %arg5[%parallel_loop3A_1026, %parallel_loop3A_1027] {strides = array<i32>} : memref<8x4096xi32, #tpu.memory_space<vmem>>, vector<16xi32>,
        tpu.vector_store_idx %arg7[%parallel_loop3A_1028], %broadcast_in_dim3A_819 : memref<4096xi32, #tpu.memory_space<vmem>>[vector<16xi32>], vector<16xi32>,
        %parallel_loop3A_1029 = arith.constant 16 : i32
        %parallel_loop3A_1030 = arith.muli %parallel_loop3A_1021, %parallel_loop3A_1029 : i32
        %parallel_loop3A_1031 = arith.index_cast %parallel_loop3A_1030 : i32 to index
        %parallel_loop3A_1032 = tpu.vector_load %arg6[%parallel_loop3A_1031] {strides = array<i32>} : memref<4096xi32, #tpu.memory_space<vmem>>, vector<16xi32>,
        %parallel_loop3A_1033 = arith.cmpi eq, %parallel_loop3A_1032, %sub3A_822 : vector<16xi32>
        %parallel_loop3A_1034 = arith.extui %parallel_loop3A_1033 : vector<16xi1> to vector<16xi32>
        %parallel_loop3A_1035 = arith.addi %parallel_loop3A_1022, %parallel_loop3A_1034 : vector<16xi32>
        scf.yield %parallel_loop3A_1035 : vector<16xi32>
      } {sc.loop_unroll_factor = 8 : i64, sc.parallel_access}
      %reduce_sum3A_829 = arith.constant true
      %reduce_sum3A_830 = vector.broadcast %reduce_sum3A_829 : i1 to vector<16xi1>
      %reduce_sum3A_831 = tpu.scan <sum>, %parallel_loop3A_828 masked %reduce_sum3A_830 : vector<16xi32>, vector<16xi1> -> vector<16xi32>
      %reduce_sum3A_832 = vector.extract %reduce_sum3A_831[15] : i32 from vector<16xi32>
      %broadcast_in_dim3A_833 = arith.constant 0.000000e+00 : f32
      %broadcast_in_dim3A_834 = vector.broadcast %broadcast_in_dim3A_833 : f32 to vector<16xf32>
      %convert_element_type3A_835 = arith.sitofp %reduce_sum3A_832 : i32 to f32
      %sub3A_836 = vector.broadcast %convert_element_type3A_835 : f32 to vector<16xf32>
      %sub3A_837 = arith.subf %broadcast_in_dim3A_834, %sub3A_836 : vector<16xf32>
      %broadcast_in_dim3A_838 = vector.broadcast %sub3A_818 : i32 to vector<16xi32>
      tpu.vector_store_idx %arg8[%broadcast_in_dim3A_838], %sub3A_837 masked %eq3A_4 : memref<128xf32, #tpu.memory_space<vmem>>[vector<16xi32>], vector<16xf32>, vector<16xi1>
      %mul3A_839 = arith.constant 8 : i32
      %mul3A_840 = arith.muli %add3A_774, %mul3A_839 : i32
      %add3A_841 = arith.constant 2 : i32
      %add3A_842 = arith.addi %mul3A_840, %add3A_841 : i32
      %sub3A_843 = arith.constant 1 : i32
      %sub3A_844 = arith.subi %add3A_842, %sub3A_843 : i32
      %broadcast_in_dim3A_845 = vector.broadcast %add3A_842 : i32 to vector<16xi32>
      %sub3A_846 = arith.constant 1 : i32
      %sub3A_847 = vector.broadcast %sub3A_846 : i32 to vector<16xi32>
      %sub3A_848 = arith.subi %broadcast_in_dim3A_845, %sub3A_847 : vector<16xi32>
      %broadcast_in_dim3A_849 = arith.constant 0 : i32
      %broadcast_in_dim3A_850 = vector.broadcast %broadcast_in_dim3A_849 : i32 to vector<16xi32>
      %parallel_loop3A_851 = arith.constant 0 : i32
      %parallel_loop3A_852 = arith.constant 256 : i32
      %parallel_loop3A_853 = arith.constant 1 : i32
      %parallel_loop3A_854 = scf.for %parallel_loop3A_1021 = %parallel_loop3A_851 to %parallel_loop3A_852 step %parallel_loop3A_853 iter_args(%parallel_loop3A_1022 = %broadcast_in_dim3A_850) -> (vector<16xi32>)  : i32 {
        %parallel_loop3A_1023 = arith.constant 16 : i32
        %parallel_loop3A_1024 = arith.muli %parallel_loop3A_1021, %parallel_loop3A_1023 : i32
        %parallel_loop3A_1025 = arith.constant 2 : i32
        %parallel_loop3A_1026 = arith.index_cast %parallel_loop3A_1025 : i32 to index
        %parallel_loop3A_1027 = arith.index_cast %parallel_loop3A_1024 : i32 to index
        %parallel_loop3A_1028 = tpu.vector_load %arg5[%parallel_loop3A_1026, %parallel_loop3A_1027] {strides = array<i32>} : memref<8x4096xi32, #tpu.memory_space<vmem>>, vector<16xi32>,
        tpu.vector_store_idx %arg6[%parallel_loop3A_1028], %broadcast_in_dim3A_845 : memref<4096xi32, #tpu.memory_space<vmem>>[vector<16xi32>], vector<16xi32>,
        %parallel_loop3A_1029 = arith.constant 16 : i32
        %parallel_loop3A_1030 = arith.muli %parallel_loop3A_1021, %parallel_loop3A_1029 : i32
        %parallel_loop3A_1031 = arith.index_cast %parallel_loop3A_1030 : i32 to index
        %parallel_loop3A_1032 = tpu.vector_load %arg7[%parallel_loop3A_1031] {strides = array<i32>} : memref<4096xi32, #tpu.memory_space<vmem>>, vector<16xi32>,
        %parallel_loop3A_1033 = arith.cmpi eq, %parallel_loop3A_1032, %sub3A_848 : vector<16xi32>
        %parallel_loop3A_1034 = arith.extui %parallel_loop3A_1033 : vector<16xi1> to vector<16xi32>
        %parallel_loop3A_1035 = arith.addi %parallel_loop3A_1022, %parallel_loop3A_1034 : vector<16xi32>
        scf.yield %parallel_loop3A_1035 : vector<16xi32>
      } {sc.loop_unroll_factor = 8 : i64, sc.parallel_access}
      %reduce_sum3A_855 = arith.constant true
      %reduce_sum3A_856 = vector.broadcast %reduce_sum3A_855 : i1 to vector<16xi1>
      %reduce_sum3A_857 = tpu.scan <sum>, %parallel_loop3A_854 masked %reduce_sum3A_856 : vector<16xi32>, vector<16xi1> -> vector<16xi32>
      %reduce_sum3A_858 = vector.extract %reduce_sum3A_857[15] : i32 from vector<16xi32>
      %broadcast_in_dim3A_859 = arith.constant 0.000000e+00 : f32
      %broadcast_in_dim3A_860 = vector.broadcast %broadcast_in_dim3A_859 : f32 to vector<16xf32>
      %convert_element_type3A_861 = arith.sitofp %reduce_sum3A_858 : i32 to f32
      %sub3A_862 = vector.broadcast %convert_element_type3A_861 : f32 to vector<16xf32>
      %sub3A_863 = arith.subf %broadcast_in_dim3A_860, %sub3A_862 : vector<16xf32>
      %broadcast_in_dim3A_864 = vector.broadcast %sub3A_844 : i32 to vector<16xi32>
      tpu.vector_store_idx %arg8[%broadcast_in_dim3A_864], %sub3A_863 masked %eq3A_4 : memref<128xf32, #tpu.memory_space<vmem>>[vector<16xi32>], vector<16xf32>, vector<16xi1>
      %mul3A_865 = arith.constant 8 : i32
      %mul3A_866 = arith.muli %add3A_774, %mul3A_865 : i32
      %add3A_867 = arith.constant 3 : i32
      %add3A_868 = arith.addi %mul3A_866, %add3A_867 : i32
      %sub3A_869 = arith.constant 1 : i32
      %sub3A_870 = arith.subi %add3A_868, %sub3A_869 : i32
      %broadcast_in_dim3A_871 = vector.broadcast %add3A_868 : i32 to vector<16xi32>
      %sub3A_872 = arith.constant 1 : i32
      %sub3A_873 = vector.broadcast %sub3A_872 : i32 to vector<16xi32>
      %sub3A_874 = arith.subi %broadcast_in_dim3A_871, %sub3A_873 : vector<16xi32>
      %broadcast_in_dim3A_875 = arith.constant 0 : i32
      %broadcast_in_dim3A_876 = vector.broadcast %broadcast_in_dim3A_875 : i32 to vector<16xi32>
      %parallel_loop3A_877 = arith.constant 0 : i32
      %parallel_loop3A_878 = arith.constant 256 : i32
      %parallel_loop3A_879 = arith.constant 1 : i32
      %parallel_loop3A_880 = scf.for %parallel_loop3A_1021 = %parallel_loop3A_877 to %parallel_loop3A_878 step %parallel_loop3A_879 iter_args(%parallel_loop3A_1022 = %broadcast_in_dim3A_876) -> (vector<16xi32>)  : i32 {
        %parallel_loop3A_1023 = arith.constant 16 : i32
        %parallel_loop3A_1024 = arith.muli %parallel_loop3A_1021, %parallel_loop3A_1023 : i32
        %parallel_loop3A_1025 = arith.constant 3 : i32
        %parallel_loop3A_1026 = arith.index_cast %parallel_loop3A_1025 : i32 to index
        %parallel_loop3A_1027 = arith.index_cast %parallel_loop3A_1024 : i32 to index
        %parallel_loop3A_1028 = tpu.vector_load %arg5[%parallel_loop3A_1026, %parallel_loop3A_1027] {strides = array<i32>} : memref<8x4096xi32, #tpu.memory_space<vmem>>, vector<16xi32>,
        tpu.vector_store_idx %arg7[%parallel_loop3A_1028], %broadcast_in_dim3A_871 : memref<4096xi32, #tpu.memory_space<vmem>>[vector<16xi32>], vector<16xi32>,
        %parallel_loop3A_1029 = arith.constant 16 : i32
        %parallel_loop3A_1030 = arith.muli %parallel_loop3A_1021, %parallel_loop3A_1029 : i32
        %parallel_loop3A_1031 = arith.index_cast %parallel_loop3A_1030 : i32 to index
        %parallel_loop3A_1032 = tpu.vector_load %arg6[%parallel_loop3A_1031] {strides = array<i32>} : memref<4096xi32, #tpu.memory_space<vmem>>, vector<16xi32>,
        %parallel_loop3A_1033 = arith.cmpi eq, %parallel_loop3A_1032, %sub3A_874 : vector<16xi32>
        %parallel_loop3A_1034 = arith.extui %parallel_loop3A_1033 : vector<16xi1> to vector<16xi32>
        %parallel_loop3A_1035 = arith.addi %parallel_loop3A_1022, %parallel_loop3A_1034 : vector<16xi32>
        scf.yield %parallel_loop3A_1035 : vector<16xi32>
      } {sc.loop_unroll_factor = 8 : i64, sc.parallel_access}
      %reduce_sum3A_881 = arith.constant true
      %reduce_sum3A_882 = vector.broadcast %reduce_sum3A_881 : i1 to vector<16xi1>
      %reduce_sum3A_883 = tpu.scan <sum>, %parallel_loop3A_880 masked %reduce_sum3A_882 : vector<16xi32>, vector<16xi1> -> vector<16xi32>
      %reduce_sum3A_884 = vector.extract %reduce_sum3A_883[15] : i32 from vector<16xi32>
      %broadcast_in_dim3A_885 = arith.constant 0.000000e+00 : f32
      %broadcast_in_dim3A_886 = vector.broadcast %broadcast_in_dim3A_885 : f32 to vector<16xf32>
      %convert_element_type3A_887 = arith.sitofp %reduce_sum3A_884 : i32 to f32
      %sub3A_888 = vector.broadcast %convert_element_type3A_887 : f32 to vector<16xf32>
      %sub3A_889 = arith.subf %broadcast_in_dim3A_886, %sub3A_888 : vector<16xf32>
      %broadcast_in_dim3A_890 = vector.broadcast %sub3A_870 : i32 to vector<16xi32>
      tpu.vector_store_idx %arg8[%broadcast_in_dim3A_890], %sub3A_889 masked %eq3A_4 : memref<128xf32, #tpu.memory_space<vmem>>[vector<16xi32>], vector<16xf32>, vector<16xi1>
      %add3A_891 = arith.constant 2 : i32
      %add3A_892 = arith.addi %add3A_774, %add3A_891 : i32
      %lt3A_893 = arith.constant 16 : i32
      %lt3A_894 = arith.cmpi slt, %add3A_892, %lt3A_893 : i32
      %convert_element_type3A_895 = arith.extui %lt3A_894 : i1 to i32
      %cond3A_896 = arith.constant 0 : i32
      %cond3A_897 = arith.cmpi ne, %convert_element_type3A_895, %cond3A_896 : i32
      scf.if %cond3A_897 {
        %add3A_1021 = arith.constant 2 : i32
        %add3A_1022 = arith.addi %add3A_774, %add3A_1021 : i32
        %mul3A_1023 = arith.constant 8 : i32
        %mul3A_1024 = arith.muli %add3A_1022, %mul3A_1023 : i32
        %add3A_1025 = arith.addi %mul3A_2, %mul3A_1024 : i32
        %add3A_1026 = arith.constant 0 : i32
        %add3A_1027 = arith.addi %add3A_1025, %add3A_1026 : i32
        %dma_start3A_1028 = arith.constant 0 : i32
        %dma_start3A_1029 = arith.constant 0 : i32
        %dma_start3A_1030 = tpu.memref_slice %arg5[%dma_start3A_1028, %dma_start3A_1029] : memref<8x4096xi32, #tpu.memory_space<vmem>> -> memref<4x4096xi32, #tpu.memory_space<vmem>>
        %dma_start3A_1031 = arith.constant 0 : i32
        %dma_start3A_1032 = tpu.memref_slice %arg2[%add3A_1027, %dma_start3A_1031] : memref<4096x4096xi32, #tpu.memory_space<hbm>> -> memref<4x4096xi32, #tpu.memory_space<hbm>>
        %dma_start3A_1033 = arith.constant 0 : i32
        %dma_start3A_1034 = arith.constant 0 : i32
        %dma_start3A_1035 = tpu.memref_slice %arg5[%dma_start3A_1033, %dma_start3A_1034] : memref<8x4096xi32, #tpu.memory_space<vmem>> -> memref<4x4096xi32, #tpu.memory_space<vmem>>
        %dma_start3A_1036 = arith.constant 0 : i32
        %dma_start3A_1037 = tpu.memref_slice %arg2[%add3A_1027, %dma_start3A_1036] : memref<4096x4096xi32, #tpu.memory_space<hbm>> -> memref<4x4096xi32, #tpu.memory_space<hbm>>
        tpu.enqueue_dma source(%dma_start3A_1037 : memref<4x4096xi32, #tpu.memory_space<hbm>>) target(%dma_start3A_1035 : memref<4x4096xi32, #tpu.memory_space<vmem>>) target_semaphore(%arg11 : memref<!tpu.dma_semaphore, #tpu.memory_space<semaphore_mem>>)
      } else {
      }
      %dma_wait3A_898 = arith.constant 4 : i32
      %dma_wait3A_899 = arith.constant 0 : i32
      %dma_wait3A_900 = tpu.memref_slice %arg5[%dma_wait3A_898, %dma_wait3A_899] : memref<8x4096xi32, #tpu.memory_space<vmem>> -> memref<4x4096xi32, #tpu.memory_space<vmem>>
      %dma_wait3A_901 = arith.constant 0 : i32
      %dma_wait3A_902 = arith.constant 0 : i32
      %dma_wait3A_903 = tpu.memref_slice %arg2[%dma_wait3A_901, %dma_wait3A_902] : memref<4096x4096xi32, #tpu.memory_space<hbm>> -> memref<4x4096xi32, #tpu.memory_space<hbm>>
      %dma_wait3A_904 = arith.constant 4 : i32
      %dma_wait3A_905 = arith.constant 0 : i32
      %dma_wait3A_906 = tpu.memref_slice %arg5[%dma_wait3A_904, %dma_wait3A_905] : memref<8x4096xi32, #tpu.memory_space<vmem>> -> memref<4x4096xi32, #tpu.memory_space<vmem>>
      %dma_wait3A_907 = arith.constant 0 : i32
      %dma_wait3A_908 = arith.constant 0 : i32
      %dma_wait3A_909 = tpu.memref_slice %arg2[%dma_wait3A_907, %dma_wait3A_908] : memref<4096x4096xi32, #tpu.memory_space<hbm>> -> memref<4x4096xi32, #tpu.memory_space<hbm>>
      tpu.wait_dma2 semaphore(%arg12 : memref<!tpu.dma_semaphore, #tpu.memory_space<semaphore_mem>>) src(%dma_wait3A_909 : memref<4x4096xi32, #tpu.memory_space<hbm>>) dst(%dma_wait3A_906 : memref<4x4096xi32, #tpu.memory_space<vmem>>)
      %mul3A_910 = arith.constant 8 : i32
      %mul3A_911 = arith.muli %add3A_774, %mul3A_910 : i32
      %add3A_912 = arith.constant 4 : i32
      %add3A_913 = arith.addi %mul3A_911, %add3A_912 : i32
      %sub3A_914 = arith.constant 1 : i32
      %sub3A_915 = arith.subi %add3A_913, %sub3A_914 : i32
      %broadcast_in_dim3A_916 = vector.broadcast %add3A_913 : i32 to vector<16xi32>
      %sub3A_917 = arith.constant 1 : i32
      %sub3A_918 = vector.broadcast %sub3A_917 : i32 to vector<16xi32>
      %sub3A_919 = arith.subi %broadcast_in_dim3A_916, %sub3A_918 : vector<16xi32>
      %broadcast_in_dim3A_920 = arith.constant 0 : i32
      %broadcast_in_dim3A_921 = vector.broadcast %broadcast_in_dim3A_920 : i32 to vector<16xi32>
      %parallel_loop3A_922 = arith.constant 0 : i32
      %parallel_loop3A_923 = arith.constant 256 : i32
      %parallel_loop3A_924 = arith.constant 1 : i32
      %parallel_loop3A_925 = scf.for %parallel_loop3A_1021 = %parallel_loop3A_922 to %parallel_loop3A_923 step %parallel_loop3A_924 iter_args(%parallel_loop3A_1022 = %broadcast_in_dim3A_921) -> (vector<16xi32>)  : i32 {
        %parallel_loop3A_1023 = arith.constant 16 : i32
        %parallel_loop3A_1024 = arith.muli %parallel_loop3A_1021, %parallel_loop3A_1023 : i32
        %parallel_loop3A_1025 = arith.constant 4 : i32
        %parallel_loop3A_1026 = arith.index_cast %parallel_loop3A_1025 : i32 to index
        %parallel_loop3A_1027 = arith.index_cast %parallel_loop3A_1024 : i32 to index
        %parallel_loop3A_1028 = tpu.vector_load %arg5[%parallel_loop3A_1026, %parallel_loop3A_1027] {strides = array<i32>} : memref<8x4096xi32, #tpu.memory_space<vmem>>, vector<16xi32>,
        tpu.vector_store_idx %arg6[%parallel_loop3A_1028], %broadcast_in_dim3A_916 : memref<4096xi32, #tpu.memory_space<vmem>>[vector<16xi32>], vector<16xi32>,
        %parallel_loop3A_1029 = arith.constant 16 : i32
        %parallel_loop3A_1030 = arith.muli %parallel_loop3A_1021, %parallel_loop3A_1029 : i32
        %parallel_loop3A_1031 = arith.index_cast %parallel_loop3A_1030 : i32 to index
        %parallel_loop3A_1032 = tpu.vector_load %arg7[%parallel_loop3A_1031] {strides = array<i32>} : memref<4096xi32, #tpu.memory_space<vmem>>, vector<16xi32>,
        %parallel_loop3A_1033 = arith.cmpi eq, %parallel_loop3A_1032, %sub3A_919 : vector<16xi32>
        %parallel_loop3A_1034 = arith.extui %parallel_loop3A_1033 : vector<16xi1> to vector<16xi32>
        %parallel_loop3A_1035 = arith.addi %parallel_loop3A_1022, %parallel_loop3A_1034 : vector<16xi32>
        scf.yield %parallel_loop3A_1035 : vector<16xi32>
      } {sc.loop_unroll_factor = 8 : i64, sc.parallel_access}
      %reduce_sum3A_926 = arith.constant true
      %reduce_sum3A_927 = vector.broadcast %reduce_sum3A_926 : i1 to vector<16xi1>
      %reduce_sum3A_928 = tpu.scan <sum>, %parallel_loop3A_925 masked %reduce_sum3A_927 : vector<16xi32>, vector<16xi1> -> vector<16xi32>
      %reduce_sum3A_929 = vector.extract %reduce_sum3A_928[15] : i32 from vector<16xi32>
      %broadcast_in_dim3A_930 = arith.constant 0.000000e+00 : f32
      %broadcast_in_dim3A_931 = vector.broadcast %broadcast_in_dim3A_930 : f32 to vector<16xf32>
      %convert_element_type3A_932 = arith.sitofp %reduce_sum3A_929 : i32 to f32
      %sub3A_933 = vector.broadcast %convert_element_type3A_932 : f32 to vector<16xf32>
      %sub3A_934 = arith.subf %broadcast_in_dim3A_931, %sub3A_933 : vector<16xf32>
      %broadcast_in_dim3A_935 = vector.broadcast %sub3A_915 : i32 to vector<16xi32>
      tpu.vector_store_idx %arg8[%broadcast_in_dim3A_935], %sub3A_934 masked %eq3A_4 : memref<128xf32, #tpu.memory_space<vmem>>[vector<16xi32>], vector<16xf32>, vector<16xi1>
      %mul3A_936 = arith.constant 8 : i32
      %mul3A_937 = arith.muli %add3A_774, %mul3A_936 : i32
      %add3A_938 = arith.constant 5 : i32
      %add3A_939 = arith.addi %mul3A_937, %add3A_938 : i32
      %sub3A_940 = arith.constant 1 : i32
      %sub3A_941 = arith.subi %add3A_939, %sub3A_940 : i32
      %broadcast_in_dim3A_942 = vector.broadcast %add3A_939 : i32 to vector<16xi32>
      %sub3A_943 = arith.constant 1 : i32
      %sub3A_944 = vector.broadcast %sub3A_943 : i32 to vector<16xi32>
      %sub3A_945 = arith.subi %broadcast_in_dim3A_942, %sub3A_944 : vector<16xi32>
      %broadcast_in_dim3A_946 = arith.constant 0 : i32
      %broadcast_in_dim3A_947 = vector.broadcast %broadcast_in_dim3A_946 : i32 to vector<16xi32>
      %parallel_loop3A_948 = arith.constant 0 : i32
      %parallel_loop3A_949 = arith.constant 256 : i32
      %parallel_loop3A_950 = arith.constant 1 : i32
      %parallel_loop3A_951 = scf.for %parallel_loop3A_1021 = %parallel_loop3A_948 to %parallel_loop3A_949 step %parallel_loop3A_950 iter_args(%parallel_loop3A_1022 = %broadcast_in_dim3A_947) -> (vector<16xi32>)  : i32 {
        %parallel_loop3A_1023 = arith.constant 16 : i32
        %parallel_loop3A_1024 = arith.muli %parallel_loop3A_1021, %parallel_loop3A_1023 : i32
        %parallel_loop3A_1025 = arith.constant 5 : i32
        %parallel_loop3A_1026 = arith.index_cast %parallel_loop3A_1025 : i32 to index
        %parallel_loop3A_1027 = arith.index_cast %parallel_loop3A_1024 : i32 to index
        %parallel_loop3A_1028 = tpu.vector_load %arg5[%parallel_loop3A_1026, %parallel_loop3A_1027] {strides = array<i32>} : memref<8x4096xi32, #tpu.memory_space<vmem>>, vector<16xi32>,
        tpu.vector_store_idx %arg7[%parallel_loop3A_1028], %broadcast_in_dim3A_942 : memref<4096xi32, #tpu.memory_space<vmem>>[vector<16xi32>], vector<16xi32>,
        %parallel_loop3A_1029 = arith.constant 16 : i32
        %parallel_loop3A_1030 = arith.muli %parallel_loop3A_1021, %parallel_loop3A_1029 : i32
        %parallel_loop3A_1031 = arith.index_cast %parallel_loop3A_1030 : i32 to index
        %parallel_loop3A_1032 = tpu.vector_load %arg6[%parallel_loop3A_1031] {strides = array<i32>} : memref<4096xi32, #tpu.memory_space<vmem>>, vector<16xi32>,
        %parallel_loop3A_1033 = arith.cmpi eq, %parallel_loop3A_1032, %sub3A_945 : vector<16xi32>
        %parallel_loop3A_1034 = arith.extui %parallel_loop3A_1033 : vector<16xi1> to vector<16xi32>
        %parallel_loop3A_1035 = arith.addi %parallel_loop3A_1022, %parallel_loop3A_1034 : vector<16xi32>
        scf.yield %parallel_loop3A_1035 : vector<16xi32>
      } {sc.loop_unroll_factor = 8 : i64, sc.parallel_access}
      %reduce_sum3A_952 = arith.constant true
      %reduce_sum3A_953 = vector.broadcast %reduce_sum3A_952 : i1 to vector<16xi1>
      %reduce_sum3A_954 = tpu.scan <sum>, %parallel_loop3A_951 masked %reduce_sum3A_953 : vector<16xi32>, vector<16xi1> -> vector<16xi32>
      %reduce_sum3A_955 = vector.extract %reduce_sum3A_954[15] : i32 from vector<16xi32>
      %broadcast_in_dim3A_956 = arith.constant 0.000000e+00 : f32
      %broadcast_in_dim3A_957 = vector.broadcast %broadcast_in_dim3A_956 : f32 to vector<16xf32>
      %convert_element_type3A_958 = arith.sitofp %reduce_sum3A_955 : i32 to f32
      %sub3A_959 = vector.broadcast %convert_element_type3A_958 : f32 to vector<16xf32>
      %sub3A_960 = arith.subf %broadcast_in_dim3A_957, %sub3A_959 : vector<16xf32>
      %broadcast_in_dim3A_961 = vector.broadcast %sub3A_941 : i32 to vector<16xi32>
      tpu.vector_store_idx %arg8[%broadcast_in_dim3A_961], %sub3A_960 masked %eq3A_4 : memref<128xf32, #tpu.memory_space<vmem>>[vector<16xi32>], vector<16xf32>, vector<16xi1>
      %mul3A_962 = arith.constant 8 : i32
      %mul3A_963 = arith.muli %add3A_774, %mul3A_962 : i32
      %add3A_964 = arith.constant 6 : i32
      %add3A_965 = arith.addi %mul3A_963, %add3A_964 : i32
      %sub3A_966 = arith.constant 1 : i32
      %sub3A_967 = arith.subi %add3A_965, %sub3A_966 : i32
      %broadcast_in_dim3A_968 = vector.broadcast %add3A_965 : i32 to vector<16xi32>
      %sub3A_969 = arith.constant 1 : i32
      %sub3A_970 = vector.broadcast %sub3A_969 : i32 to vector<16xi32>
      %sub3A_971 = arith.subi %broadcast_in_dim3A_968, %sub3A_970 : vector<16xi32>
      %broadcast_in_dim3A_972 = arith.constant 0 : i32
      %broadcast_in_dim3A_973 = vector.broadcast %broadcast_in_dim3A_972 : i32 to vector<16xi32>
      %parallel_loop3A_974 = arith.constant 0 : i32
      %parallel_loop3A_975 = arith.constant 256 : i32
      %parallel_loop3A_976 = arith.constant 1 : i32
      %parallel_loop3A_977 = scf.for %parallel_loop3A_1021 = %parallel_loop3A_974 to %parallel_loop3A_975 step %parallel_loop3A_976 iter_args(%parallel_loop3A_1022 = %broadcast_in_dim3A_973) -> (vector<16xi32>)  : i32 {
        %parallel_loop3A_1023 = arith.constant 16 : i32
        %parallel_loop3A_1024 = arith.muli %parallel_loop3A_1021, %parallel_loop3A_1023 : i32
        %parallel_loop3A_1025 = arith.constant 6 : i32
        %parallel_loop3A_1026 = arith.index_cast %parallel_loop3A_1025 : i32 to index
        %parallel_loop3A_1027 = arith.index_cast %parallel_loop3A_1024 : i32 to index
        %parallel_loop3A_1028 = tpu.vector_load %arg5[%parallel_loop3A_1026, %parallel_loop3A_1027] {strides = array<i32>} : memref<8x4096xi32, #tpu.memory_space<vmem>>, vector<16xi32>,
        tpu.vector_store_idx %arg6[%parallel_loop3A_1028], %broadcast_in_dim3A_968 : memref<4096xi32, #tpu.memory_space<vmem>>[vector<16xi32>], vector<16xi32>,
        %parallel_loop3A_1029 = arith.constant 16 : i32
        %parallel_loop3A_1030 = arith.muli %parallel_loop3A_1021, %parallel_loop3A_1029 : i32
        %parallel_loop3A_1031 = arith.index_cast %parallel_loop3A_1030 : i32 to index
        %parallel_loop3A_1032 = tpu.vector_load %arg7[%parallel_loop3A_1031] {strides = array<i32>} : memref<4096xi32, #tpu.memory_space<vmem>>, vector<16xi32>,
        %parallel_loop3A_1033 = arith.cmpi eq, %parallel_loop3A_1032, %sub3A_971 : vector<16xi32>
        %parallel_loop3A_1034 = arith.extui %parallel_loop3A_1033 : vector<16xi1> to vector<16xi32>
        %parallel_loop3A_1035 = arith.addi %parallel_loop3A_1022, %parallel_loop3A_1034 : vector<16xi32>
        scf.yield %parallel_loop3A_1035 : vector<16xi32>
      } {sc.loop_unroll_factor = 8 : i64, sc.parallel_access}
      %reduce_sum3A_978 = arith.constant true
      %reduce_sum3A_979 = vector.broadcast %reduce_sum3A_978 : i1 to vector<16xi1>
      %reduce_sum3A_980 = tpu.scan <sum>, %parallel_loop3A_977 masked %reduce_sum3A_979 : vector<16xi32>, vector<16xi1> -> vector<16xi32>
      %reduce_sum3A_981 = vector.extract %reduce_sum3A_980[15] : i32 from vector<16xi32>
      %broadcast_in_dim3A_982 = arith.constant 0.000000e+00 : f32
      %broadcast_in_dim3A_983 = vector.broadcast %broadcast_in_dim3A_982 : f32 to vector<16xf32>
      %convert_element_type3A_984 = arith.sitofp %reduce_sum3A_981 : i32 to f32
      %sub3A_985 = vector.broadcast %convert_element_type3A_984 : f32 to vector<16xf32>
      %sub3A_986 = arith.subf %broadcast_in_dim3A_983, %sub3A_985 : vector<16xf32>
      %broadcast_in_dim3A_987 = vector.broadcast %sub3A_967 : i32 to vector<16xi32>
      tpu.vector_store_idx %arg8[%broadcast_in_dim3A_987], %sub3A_986 masked %eq3A_4 : memref<128xf32, #tpu.memory_space<vmem>>[vector<16xi32>], vector<16xf32>, vector<16xi1>
      %mul3A_988 = arith.constant 8 : i32
      %mul3A_989 = arith.muli %add3A_774, %mul3A_988 : i32
      %add3A_990 = arith.constant 7 : i32
      %add3A_991 = arith.addi %mul3A_989, %add3A_990 : i32
      %sub3A_992 = arith.constant 1 : i32
      %sub3A_993 = arith.subi %add3A_991, %sub3A_992 : i32
      %broadcast_in_dim3A_994 = vector.broadcast %add3A_991 : i32 to vector<16xi32>
      %sub3A_995 = arith.constant 1 : i32
      %sub3A_996 = vector.broadcast %sub3A_995 : i32 to vector<16xi32>
      %sub3A_997 = arith.subi %broadcast_in_dim3A_994, %sub3A_996 : vector<16xi32>
      %broadcast_in_dim3A_998 = arith.constant 0 : i32
      %broadcast_in_dim3A_999 = vector.broadcast %broadcast_in_dim3A_998 : i32 to vector<16xi32>
      %parallel_loop3A_1000 = arith.constant 0 : i32
      %parallel_loop3A_1001 = arith.constant 256 : i32
      %parallel_loop3A_1002 = arith.constant 1 : i32
      %parallel_loop3A_1003 = scf.for %parallel_loop3A_1021 = %parallel_loop3A_1000 to %parallel_loop3A_1001 step %parallel_loop3A_1002 iter_args(%parallel_loop3A_1022 = %broadcast_in_dim3A_999) -> (vector<16xi32>)  : i32 {
        %parallel_loop3A_1023 = arith.constant 16 : i32
        %parallel_loop3A_1024 = arith.muli %parallel_loop3A_1021, %parallel_loop3A_1023 : i32
        %parallel_loop3A_1025 = arith.constant 7 : i32
        %parallel_loop3A_1026 = arith.index_cast %parallel_loop3A_1025 : i32 to index
        %parallel_loop3A_1027 = arith.index_cast %parallel_loop3A_1024 : i32 to index
        %parallel_loop3A_1028 = tpu.vector_load %arg5[%parallel_loop3A_1026, %parallel_loop3A_1027] {strides = array<i32>} : memref<8x4096xi32, #tpu.memory_space<vmem>>, vector<16xi32>,
        tpu.vector_store_idx %arg7[%parallel_loop3A_1028], %broadcast_in_dim3A_994 : memref<4096xi32, #tpu.memory_space<vmem>>[vector<16xi32>], vector<16xi32>,
        %parallel_loop3A_1029 = arith.constant 16 : i32
        %parallel_loop3A_1030 = arith.muli %parallel_loop3A_1021, %parallel_loop3A_1029 : i32
        %parallel_loop3A_1031 = arith.index_cast %parallel_loop3A_1030 : i32 to index
        %parallel_loop3A_1032 = tpu.vector_load %arg6[%parallel_loop3A_1031] {strides = array<i32>} : memref<4096xi32, #tpu.memory_space<vmem>>, vector<16xi32>,
        %parallel_loop3A_1033 = arith.cmpi eq, %parallel_loop3A_1032, %sub3A_997 : vector<16xi32>
        %parallel_loop3A_1034 = arith.extui %parallel_loop3A_1033 : vector<16xi1> to vector<16xi32>
        %parallel_loop3A_1035 = arith.addi %parallel_loop3A_1022, %parallel_loop3A_1034 : vector<16xi32>
        scf.yield %parallel_loop3A_1035 : vector<16xi32>
      } {sc.loop_unroll_factor = 8 : i64, sc.parallel_access}
      %reduce_sum3A_1004 = arith.constant true
      %reduce_sum3A_1005 = vector.broadcast %reduce_sum3A_1004 : i1 to vector<16xi1>
      %reduce_sum3A_1006 = tpu.scan <sum>, %parallel_loop3A_1003 masked %reduce_sum3A_1005 : vector<16xi32>, vector<16xi1> -> vector<16xi32>
      %reduce_sum3A_1007 = vector.extract %reduce_sum3A_1006[15] : i32 from vector<16xi32>
      %broadcast_in_dim3A_1008 = arith.constant 0.000000e+00 : f32
      %broadcast_in_dim3A_1009 = vector.broadcast %broadcast_in_dim3A_1008 : f32 to vector<16xf32>
      %convert_element_type3A_1010 = arith.sitofp %reduce_sum3A_1007 : i32 to f32
      %sub3A_1011 = vector.broadcast %convert_element_type3A_1010 : f32 to vector<16xf32>
      %sub3A_1012 = arith.subf %broadcast_in_dim3A_1009, %sub3A_1011 : vector<16xf32>
      %broadcast_in_dim3A_1013 = vector.broadcast %sub3A_993 : i32 to vector<16xi32>
      tpu.vector_store_idx %arg8[%broadcast_in_dim3A_1013], %sub3A_1012 masked %eq3A_4 : memref<128xf32, #tpu.memory_space<vmem>>[vector<16xi32>], vector<16xf32>, vector<16xi1>
      %add3A_1014 = arith.constant 2 : i32
      %add3A_1015 = arith.addi %add3A_774, %add3A_1014 : i32
      %lt3A_1016 = arith.constant 16 : i32
      %lt3A_1017 = arith.cmpi slt, %add3A_1015, %lt3A_1016 : i32
      %convert_element_type3A_1018 = arith.extui %lt3A_1017 : i1 to i32
      %cond3A_1019 = arith.constant 0 : i32
      %cond3A_1020 = arith.cmpi ne, %convert_element_type3A_1018, %cond3A_1019 : i32
      scf.if %cond3A_1020 {
        %add3A_1021 = arith.constant 2 : i32
        %add3A_1022 = arith.addi %add3A_774, %add3A_1021 : i32
        %mul3A_1023 = arith.constant 8 : i32
        %mul3A_1024 = arith.muli %add3A_1022, %mul3A_1023 : i32
        %add3A_1025 = arith.addi %mul3A_2, %mul3A_1024 : i32
        %add3A_1026 = arith.constant 4 : i32
        %add3A_1027 = arith.addi %add3A_1025, %add3A_1026 : i32
        %dma_start3A_1028 = arith.constant 4 : i32
        %dma_start3A_1029 = arith.constant 0 : i32
        %dma_start3A_1030 = tpu.memref_slice %arg5[%dma_start3A_1028, %dma_start3A_1029] : memref<8x4096xi32, #tpu.memory_space<vmem>> -> memref<4x4096xi32, #tpu.memory_space<vmem>>
        %dma_start3A_1031 = arith.constant 0 : i32
        %dma_start3A_1032 = tpu.memref_slice %arg2[%add3A_1027, %dma_start3A_1031] : memref<4096x4096xi32, #tpu.memory_space<hbm>> -> memref<4x4096xi32, #tpu.memory_space<hbm>>
        %dma_start3A_1033 = arith.constant 4 : i32
        %dma_start3A_1034 = arith.constant 0 : i32
        %dma_start3A_1035 = tpu.memref_slice %arg5[%dma_start3A_1033, %dma_start3A_1034] : memref<8x4096xi32, #tpu.memory_space<vmem>> -> memref<4x4096xi32, #tpu.memory_space<vmem>>
        %dma_start3A_1036 = arith.constant 0 : i32
        %dma_start3A_1037 = tpu.memref_slice %arg2[%add3A_1027, %dma_start3A_1036] : memref<4096x4096xi32, #tpu.memory_space<hbm>> -> memref<4x4096xi32, #tpu.memory_space<hbm>>
        tpu.enqueue_dma source(%dma_start3A_1037 : memref<4x4096xi32, #tpu.memory_space<hbm>>) target(%dma_start3A_1035 : memref<4x4096xi32, #tpu.memory_space<vmem>>) target_semaphore(%arg12 : memref<!tpu.dma_semaphore, #tpu.memory_space<semaphore_mem>>)
      } else {
      }
    }
    %scan3A_502 = arith.constant 7 : i32
    %broadcast_in_dim3A_503 = arith.constant 127 : i32
    %broadcast_in_dim3A_504 = vector.broadcast %broadcast_in_dim3A_503 : i32 to vector<16xi32>
    %broadcast_in_dim3A_505 = arith.constant 0 : i32
    %broadcast_in_dim3A_506 = vector.broadcast %broadcast_in_dim3A_505 : i32 to vector<16xi32>
    %parallel_loop3A_507 = arith.constant 0 : i32
    %parallel_loop3A_508 = arith.constant 256 : i32
    %parallel_loop3A_509 = arith.constant 1 : i32
    %parallel_loop3A_510 = scf.for %parallel_loop3A_522 = %parallel_loop3A_507 to %parallel_loop3A_508 step %parallel_loop3A_509 iter_args(%parallel_loop3A_523 = %broadcast_in_dim3A_506) -> (vector<16xi32>)  : i32 {
      %parallel_loop3A_524 = arith.constant 16 : i32
      %parallel_loop3A_525 = arith.muli %parallel_loop3A_522, %parallel_loop3A_524 : i32
      %parallel_loop3A_526 = arith.index_cast %parallel_loop3A_525 : i32 to index
      %parallel_loop3A_527 = tpu.vector_load %arg7[%parallel_loop3A_526] {strides = array<i32>} : memref<4096xi32, #tpu.memory_space<vmem>>, vector<16xi32>,
      %parallel_loop3A_528 = arith.cmpi eq, %parallel_loop3A_527, %broadcast_in_dim3A_504 : vector<16xi32>
      %parallel_loop3A_529 = arith.extui %parallel_loop3A_528 : vector<16xi1> to vector<16xi32>
      %parallel_loop3A_530 = arith.addi %parallel_loop3A_523, %parallel_loop3A_529 : vector<16xi32>
      scf.yield %parallel_loop3A_530 : vector<16xi32>
    } {sc.loop_unroll_factor = 8 : i64, sc.parallel_access}
    %reduce_sum3A_511 = arith.constant true
    %reduce_sum3A_512 = vector.broadcast %reduce_sum3A_511 : i1 to vector<16xi1>
    %reduce_sum3A_513 = tpu.scan <sum>, %parallel_loop3A_510 masked %reduce_sum3A_512 : vector<16xi32>, vector<16xi1> -> vector<16xi32>
    %reduce_sum3A_514 = vector.extract %reduce_sum3A_513[15] : i32 from vector<16xi32>
    %broadcast_in_dim3A_515 = arith.constant 0.000000e+00 : f32
    %broadcast_in_dim3A_516 = vector.broadcast %broadcast_in_dim3A_515 : f32 to vector<16xf32>
    %convert_element_type3A_517 = arith.sitofp %reduce_sum3A_514 : i32 to f32
    %sub3A_518 = vector.broadcast %convert_element_type3A_517 : f32 to vector<16xf32>
    %sub3A_519 = arith.subf %broadcast_in_dim3A_516, %sub3A_518 : vector<16xf32>
    %broadcast_in_dim3A_520 = arith.constant 127 : i32
    %broadcast_in_dim3A_521 = vector.broadcast %broadcast_in_dim3A_520 : i32 to vector<16xi32>
    tpu.vector_store_idx %arg8[%broadcast_in_dim3A_521], %sub3A_519 masked %eq3A_4 : memref<128xf32, #tpu.memory_space<vmem>>[vector<16xi32>], vector<16xf32>, vector<16xi1>
    "tpu.region"() ({
      %run_scoped3A = tpu.sem_alloc : memref<!tpu.dma_semaphore, #tpu.memory_space<semaphore_mem>>
      %dma_start3A_522 = tpu.memref_slice %arg3[%mul3A_2] : memref<4096xf32, #tpu.memory_space<hbm>> -> memref<128xf32, #tpu.memory_space<hbm>>
      %dma_start3A_523 = tpu.memref_slice %arg3[%mul3A_2] : memref<4096xf32, #tpu.memory_space<hbm>> -> memref<128xf32, #tpu.memory_space<hbm>>
      tpu.enqueue_dma source(%arg8 : memref<128xf32, #tpu.memory_space<vmem>>) target(%dma_start3A_523 : memref<128xf32, #tpu.memory_space<hbm>>) target_semaphore(%run_scoped3A : memref<!tpu.dma_semaphore, #tpu.memory_space<semaphore_mem>>)
      %dma_wait3A_524 = tpu.memref_slice %arg3[%mul3A_2] : memref<4096xf32, #tpu.memory_space<hbm>> -> memref<128xf32, #tpu.memory_space<hbm>>
      %dma_wait3A_525 = tpu.memref_slice %arg3[%mul3A_2] : memref<4096xf32, #tpu.memory_space<hbm>> -> memref<128xf32, #tpu.memory_space<hbm>>
      tpu.wait_dma2 semaphore(%run_scoped3A : memref<!tpu.dma_semaphore, #tpu.memory_space<semaphore_mem>>) src(%arg8 : memref<128xf32, #tpu.memory_space<vmem>>) dst(%dma_wait3A_525 : memref<128xf32, #tpu.memory_space<hbm>>)
      tpu.yield
    }) : () -> ()
    return
  }
}

</mosaic_0001>

<sc_bundles>
// kernel: _unique_counts_neg.3.cloned.1.call-start
scs
__scs_entry_jumppad:
0x0: {  	(pc) =	sbr.rel $0x88, $3  }
0x1: {  	(tag) =	ssettag $0x0;
	lr =	simm.s32 $0x1  }
0x2: {  	[smem:$0x3FA0] =	sst lr;
	_ =	strace $0xD0000000  }
0x3: {  	_ = 	snop  }
0x4: {  	_ = 	snop  }
0x5: {  	_ = 	snop  }
0x6: {  	_ = 	snop  }
0x7: {  	_ = 	snop  }
__scs_overlays_trampoline_lowered:
0x8: {  	[smem:$0x3FAF] =	sst s0  }
0x9: {  	[smem:$0x3FB0] =	sst s1  }
0xa: {  	[smem:$0x3FB1] =	sst s2  }
0xb: {  	[smem:$0x3FB2] =	sst s3  }
0xc: {  	[smem:$0x3FB3] =	sst s4  }
0xd: {  	[smem:$0x3FB4] =	sst s5  }
0xe: {  	[smem:$0x3FB5] =	sst s6  }
0xf: {  	[smem:$0x3FB6] =	sst s7  }
0x10: {  	[smem:$0x3FB7] =	sst s8  }
0x11: {  	[smem:$0x3FB8] =	sst s9;
	s0 =	simm.s32 @!p0 $0x0  }
0x12: {  	s1 =	sld [smem:$0x3F9E];
	s0 =	simm.s32 @p0 $0x1  }
0x13: {  	[smem:$0x3FB9] =	sst s0;
	s0 =	simm.s32 @!p1 $0x0  }
0x14: {  	s2 =	sld [smem:$0x3F9D];
	s0 =	simm.s32 @p1 $0x1  }
0x15: {  	[smem:$0x3FBA] =	sst s0;
	s0 =	simm.s32 @!p2 $0x0  }
0x16: {  	s3 =	sld [smem:$0x3FDB];
	s0 =	simm.s32 @p2 $0x1  }
0x17: {  	s4 =	simm.s32 $0x1BF5;
	[smem:$0x3FBC] =	sst s0  }
0x18: {  	s0 =	sld [smem:$0x3F9F];
	_ =	swait.ge [sflag:s4], $0x0  }
0x19: {  	s7 =	sld [smem:$0x3FA0]  }
0x1a: {  	s8 =	sadd.s32 $0xFFFFE003, lr  }
0x1b: {  	s9 =	sadd.s32 $0xFFFFFEF7, lr;
	s5 =	simm.s32 $0xFFFFFFFF;
	p2 =	slt.u32 s8, $0xFFFFF086  }
0x1c: {  	p1 =	slt.u32 s9, $0xF7A;
	s5 =	simm.s32 @!p2 $0x0  }
0x1d: {  	s5 =	simm.s32 @p1 $0x1;
	p0 =	seq.s32 s7, s2  }
0x1e: {  	s7 =	smul.u32 @!p0 $0xF7A, s2;
	p2 =	seq.s32 @!p0 s5, $0x0  }
0x1f: {  	s9 =	smul.u32 $0xF7A, s1;
	s8 =	simm.s32 @!p0 $0x1BF5;
	p2 =	por !p2, p0  }
0x20: {  	[sflag:s8] =	ssyncset.s32 @!p0 $0xFFFFF086;
	s6 =	sadd.s32 @!p0 s3, s7;
	s7 =	simm.s32 @!p0 $0x108  }
0x21: {  	s3 =	sadd.s32 s3, s9;
	s6 =	sadd.s32 @!p0 $0x88, s6;
	s7 =	simm.s32 @p2 $0x1082  }
0x22: {  	[simem:s7], [sflag:s8] =	dma.local @!p0 [hbm:s6], $0xF7A  }
0x23: {  	s9 =	sor.u32 $0xD0000000, s2;
	s6 =	simm.s32 $0x108;
	_ =	swait.ge @!p0 [sflag:s8], $0x0  }
0x24: {  	s3 =	sadd.s32 $0x88, s3;
	s6 =	simm.s32 @!p1 $0x1082;
	[sflag:s4] =	ssyncset.s32 $0xFFFFF086  }
0x25: {  	[simem:s6], [sflag:s4] =	dma.local [hbm:s3], $0xF7A  }
0x26: {  	[smem:$0x3FA0] =	sst s1;
	(tag) =	ssettag s2;
	_ =	strace s9  }
0x27: {  	s1 =	sld [smem:$0x3FB0]  }
0x28: {  	s2 =	sld [smem:$0x3FB1]  }
0x29: {  	s4 =	sld [smem:$0x3FB3]  }
0x2a: {  	p0 =	seq.s32 s5, $0x0;
	s5 =	sld [smem:$0x3FB4]  }
0x2b: {  	s6 =	sld [smem:$0x3FB5]  }
0x2c: {  	s7 =	sld [smem:$0x3FB6]  }
0x2d: {  	s3 =	simm.s32 $0x108;
	s8 =	sld [smem:$0x3FB7]  }
0x2e: {  	s3 =	simm.s32 @!p0 $0x1082;
	s9 =	sld [smem:$0x3FB8]  }
0x2f: {  	lr =	sadd.s32 s0, s3;
	s0 =	sld [smem:$0x3FAF]  }
0x30: {  	s3 =	sld [smem:$0x3FB2]  }
0x31: {  	[smem:$0x3FBB] =	sst s10  }
0x32: {  	s10 =	sld [smem:$0x3FB9];
	_ =	sdelay $0x3  }
0x33: {  	p0 =	seq.s32 s10, $0x1;
	s10 =	sld [smem:$0x3FBB];
	_ =	sdelay $0x3  }
0x34: {  	[smem:$0x3FBB] =	sst s10  }
0x35: {  	s10 =	sld [smem:$0x3FBA];
	_ =	sdelay $0x3  }
0x36: {  	p1 =	seq.s32 s10, $0x1;
	s10 =	sld [smem:$0x3FBB];
	_ =	sdelay $0x3  }
0x37: {  	[smem:$0x3FBB] =	sst s10  }
0x38: {  	s10 =	sld [smem:$0x3FBC]  }
0x39: {  	_ = 	snop;
	(pc) =	sbr.ind lr, $3  }
0x3a: {  	_ = 	snop  }
0x3b: {  	_ = 	snop  }
0x3c: {  	p2 =	seq.s32 s10, $0x1;
	s10 =	sld [smem:$0x3FBB]  }
0x3d: {  	_ =	shalt  }
0x3e: {  	_ =	shalt  }
0x3f: {  	_ =	shalt  }
0x40: {  	_ =	shalt  }
0x41: {  	_ =	shalt  }
0x42: {  	_ =	shalt  }
0x43: {  	_ =	shalt  }
0x44: {  	_ =	shalt  }
0x45: {  	_ =	shalt  }
0x46: {  	_ =	shalt  }
0x47: {  	_ =	shalt  }
0x48: {  	_ =	shalt  }
0x49: {  	_ =	shalt  }
0x4a: {  	_ =	shalt  }
0x4b: {  	_ =	shalt  }
0x4c: {  	_ =	shalt  }
0x4d: {  	_ =	shalt  }
0x4e: {  	_ =	shalt  }
0x4f: {  	_ =	shalt  }
0x50: {  	_ =	shalt  }
0x51: {  	_ =	shalt  }
0x52: {  	_ =	shalt  }
0x53: {  	_ =	shalt  }
0x54: {  	_ =	shalt  }
0x55: {  	_ =	shalt  }
0x56: {  	_ =	shalt  }
0x57: {  	_ =	shalt  }
0x58: {  	_ =	shalt  }
0x59: {  	_ =	shalt  }
0x5a: {  	_ =	shalt  }
0x5b: {  	_ =	shalt  }
0x5c: {  	_ =	shalt  }
0x5d: {  	_ =	shalt  }
0x5e: {  	_ =	shalt  }
0x5f: {  	_ =	shalt  }
0x60: {  	_ =	shalt  }
0x61: {  	_ =	shalt  }
0x62: {  	_ =	shalt  }
0x63: {  	_ =	shalt  }
0x64: {  	_ =	shalt  }
0x65: {  	_ =	shalt  }
0x66: {  	_ =	shalt  }
0x67: {  	_ =	shalt  }
0x68: {  	_ =	shalt  }
0x69: {  	_ =	shalt  }
0x6a: {  	_ =	shalt  }
0x6b: {  	_ =	shalt  }
0x6c: {  	_ =	shalt  }
0x6d: {  	_ =	shalt  }
0x6e: {  	_ =	shalt  }
0x6f: {  	_ =	shalt  }
0x70: {  	_ =	shalt  }
0x71: {  	_ =	shalt  }
0x72: {  	_ =	shalt  }
0x73: {  	_ =	shalt  }
0x74: {  	_ =	shalt  }
0x75: {  	_ =	shalt  }
0x76: {  	_ =	shalt  }
0x77: {  	_ =	shalt  }
0x78: {  	_ =	shalt  }
0x79: {  	_ =	shalt  }
0x7a: {  	_ =	shalt  }
0x7b: {  	_ =	shalt  }
0x7c: {  	_ =	shalt  }
0x7d: {  	_ =	shalt  }
0x7e: {  	_ =	shalt  }
0x7f: {  	_ =	shalt  }
0x80: {  	_ =	shalt  }
0x81: {  	_ =	shalt  }
0x82: {  	_ =	shalt  }
0x83: {  	_ =	shalt  }
0x84: {  	_ =	shalt  }
0x85: {  	_ =	shalt  }
0x86: {  	_ =	shalt  }
0x87: {  	_ =	shalt  }
.Lfunc_end0:
.L_simem_size_0:
called_computation_lowered:
.L_overlay_start_0:
0x88: {  	s2 =	sld [smem:$0x3FD9]  }
0x89: {  	s3 =	sld [smem:$0x3FFE];
	_ =	sdelay $0x1  }
0x8a: {  	s1 =	srdreg.scid  }
0x8b: {  	s0 =	sand.u32 $0x1, s1  }
0x8c: {  	s18 =	sshll.u32 s0, $0xA;
	s2 =	sadd.s32 s3, s2  }
0x8d: {  	s2 =	sadd.s32 s2, s18  }
0x8e: {  	[smem:$0x3FC7] =	sst s2  }
0x8f: {  	_ = 	snop  }
0x90: {  	s2 =	sld [smem:$0x3FC9]  }
0x91: {  	s19 =	sld [smem:$0x3FD0];
	(tm) =	ssettm $0x1  }
0x92: {  	s4 =	sld [smem:$0x3FFB];
	_ =	sdelay $0x3  }
0x93: {  	_ =	strace s4  }
0x94: {  	s4 =	sld [smem:$0x3FFC];
	_ =	sdelay $0x3  }
0x95: {  	_ =	strace s4  }
0x96: {  	s4 =	sld [smem:$0x3FFD];
	_ =	sdelay $0x3  }
0x97: {  	_ =	strace s4  }
0x98: {  	_ =	strace $0x8FFFFFFF  }
0x99: {  	s20 =	sld [smem:$0x3FDB];
	_ =	sdelay $0x1  }
0x9a: {  	s5 =	simm.s32 $_scs_section_size  }
0x9b: {  	s6 =	simm.s32 $_size__tile_overlayer_lowered;
	s7 =	simm.s32 $_tile_overlayer_lowered  }
0x9c: {  	s23 =	simm.s32 $0x1BFF;
	s22 =	sshll.u32 s7, $0x1;
	s4 =	sadd.s32 s5, s20  }
0x9d: {  	s8 =	simm.s32 $0x0;
	s21 =	sshll.u32 s6, $0x1;
	s6 =	sadd.s32 s22, s4  }
0x9e: {  	[timem:s8], [sflag:s23] =	dma.local [hbm:s6], s21  }
0x9f: {  	_ =	swait.ge [sflag:s23], s21  }
0xa0: {  	s5 =	ssub.s32 $0x0, s21;
	[sflag:s23] =	ssyncset.done $0x0  }
0xa1: {  	[sflag:s23] =	ssyncadd.s32 s5;
	_ =	sdelay $0x1  }
0xa2: {  	s24 =	simm.s32 $0x1B8B  }
0xa3: {  	_ =	swait.ge [sflag:s24], $0x1  }
0xa4: {  	[sflag:s24] =	ssyncset.done $0x0  }
0xa5: {  	s25 =	simm.s32 $0x1B8E;
	[sflag:s24] =	ssyncadd.s32 $0xFFFFFFFF  }
0xa6: {  	s26 =	simm.s32 $execute0_lowered;
	[smem:$0x3FD2] =	sst s25  }
0xa7: {  	s5 =	sshll.u32 s26, $0x1;
	_ =	strace $0x80000046;
	[dreg:$0x1] =	wrdreg $0xFFFFFFFF  }
0xa8: {  	s28 =	simm.s32 $_size_execute0_lowered;
	s4 =	sadd.s32 s4, s5;
	[dreg:$0x0] =	wrdreg $0x0  }
0xa9: {  	s5 =	sshll.u32 s28, $0x1;
	[dreg:$0x2] =	wrdreg s4  }
0xaa: {  	[dreg:$0x3] =	wrdreg s5  }
0xab: {  	[dreg:$0x4] =	wrdreg $0xC0  }
0xac: {  	_ =	task [dreg:s8], $0x5FFFF  }
0xad: {  	[dreg:$0x1] =	wrdreg $0xFFFFFFFF  }
0xae: {  	[dreg:$0x0] =	wrdreg $0x60  }
0xaf: {  	[dreg:$0x2] =	wrdreg s2  }
0xb0: {  	[dreg:$0x3] =	wrdreg s19  }
0xb1: {  	[dreg:$0x4] =	wrdreg $0x9  }
0xb2: {  	_ =	task.clear_ibuf [dreg:s8], $0x5FFFF;
	_ =	strace $0x90000046  }
0xb3: {  	s29 =	simm.s32 $0x9;
	_ =	strace $0x80000048  }
0xb4: {  	_ =	swait.ge [sflag:s29], $0x1  }
0xb5: {  	[sflag:s29] =	ssyncadd.s32 $0xFFFFFFFF  }
0xb6: {  	_ =	strace $0x90000048  }
0xb7: {  	_ =	sfence  }
0xb8: {  	s30 =	sld [smem:$0x0];
	_ =	sdelay $0x2  }
0xb9: {  	s31 =	sshll.u32 s1, $0xD;
	s1 =	sshrl.u32 s1, $0x2  }
0xba: {  	s3 =	sand.u32 $0x4000, s31;
	s1 =	sadd.s32 s1, s30  }
0xbb: {  	s0 =	sor.u32 s3, s0;
	s1 =	sshll.u32 s1, $0x11  }
0xbc: {  	s0 =	sor.u32 s1, s0  }
0xbd: {  	s0 =	sadd.s32 $0x8F2B, s0  }
0xbe: {  	[sflag:s0] =	ssyncadd.remote.s32 $0x1  }
0xbf: {  	_ =	sfence.sel $0xFFFF  }
0xc0: {  	[dreg:$0x0] =	wrdreg $0xFFFFFFFF;
	(pc) =	sbr.abs _section_cstart, $3  }
0xc1: {  	[dreg:$0x1] =	wrdreg $0xFFFFFFFF  }
0xc2: {  	_ =	task.clear_ibuf [dreg:s8], $0x2FFFF;
	_ =	strace $0x9FFFFFFF  }
0xc3: {  	(tm) =	ssettm $0x7FFFFFFF  }
tec
execute0_lowered:
.L_overlay_start_1:
0x0: {  	(tag) =	ssettag $0x1  }
0x1: {  	s1 =	rddreg [dreg:$0x0]  }
0x2: {  	s0 =	rddreg [dreg:$0x1];
	s2 =	srdreg.scid;
	s3 =	simm.s32 $0x0  }
0x3: {  	s4 =	stileid.u32;
	s16 =	simm.s32 $0x1;
	s17 =	simm.s32 $0x10000  }
0x4: {  	s18 =	simm.s32 $0x11000;
	s19 =	simm.s32 $0x12000;
	s20 =	simm.s32 $0x2  }
0x5: {  	s21 =	simm.s32 $0x3;
	s22 =	simm.s32 $0x4;
	s23 =	simm.s32 $0x5  }
0x6: {  	s24 =	simm.s32 $0x0;
	s2 =	sand.u32 $0x1, s2;
	[smem:$0x7FF] =	sst s3  }
0x7: {  	s4 =	sshll.u32 s4, $0x8;
	s5 =	sshll.u32 s2, $0x7;
	s2 =	ssub.s32 $0x2, s2  }
0x8: {  	v0 =	vimm.s32 $0xFFFFFFFF;
	v1 =	vimm.s32 $0x1;
	v2 =	vimm.s32 $0x0;
	_ =	strace $0x80000047;
	s12 =	sor.u32 s5, s4;
	s31 =	sshrl.u32 s2, $0x1  }
0x9: {  	v3 =	vimm.s32 $0x2;
	v4 =	vimm.s32 $0x3;
	v5 =	vimm.s32 $0x4;
	s4 =	sadd.s32 $0x40, s1;
	s6 =	sshll.u32 s12, $0x9;
	s2 =	ssub.s32 s2, s31  }
0xa: {  	v6 =	vimm.s32 $0x5;
	v7 =	vimm.s32 $0x6;
	v8 =	vimm.s32 $0x7;
	s12 =	sshrl.u32 s12, $0x3;
	s5 =	sadd.s32 s1, s6;
	s6 =	sadd.s32 s6, s4  }
0xb: {  	v9 =	vimm.s32 $0x8;
	v10 =	vimm.s32 $0x9;
	v11 =	vimm.s32 $0xA;
	s0 =	sadd.s32 s0, s12;
	s15 =	smax.u32 s2, $0x1;
	s7 =	sadd.s32 $0x1000, s5  }
0xc: {  	v12 =	vimm.s32 $0xB;
	v13 =	vimm.s32 $0xC;
	v14 =	vimm.s32 $0xD;
	s8 =	sadd.s32 $0x1040, s5;
	s9 =	sadd.s32 $0x2000, s5;
	s10 =	sadd.s32 $0x2040, s5  }
0xd: {  	v15 =	vimm.s32 $0xE;
	v16 =	vimm.s32 $0xF;
	v17 =	vimm.s32 $0x7F;
	s11 =	sadd.s32 $0x3000, s5;
	s13 =	sadd.s32 $0x3040, s5;
	[dreg:$0x3] =	wrdreg s0  }
.LBB2_1:
0xe: {  	s0 =	simm.s32 $0x10040  }
0xf: {  	[tilespmem:s0+$0x30] =	vst v0  }
0x10: {  	[tilespmem:s0+$0xFFFFFFF0] =	vst v0  }
0x11: {  	[tilespmem:s0+$0xFFFFFFC0] =	vst v0  }
0x12: {  	[tilespmem:s0+$0xFFFFFFE0] =	vst v0  }
0x13: {  	[tilespmem:s0+$0x10] =	vst v0  }
0x14: {  	[tilespmem:s0+$0x20] =	vst v0  }
0x15: {  	[tilespmem:s0+$0x0] =	vst v0  }
0x16: {  	s25 =	simm.s32 $0x11040;
	[tilespmem:s0+$0xFFFFFFD0] =	vst v0  }
0x17: {  	[tilespmem:s25+$0xFFFFFFC0] =	vst v0  }
0x18: {  	[tilespmem:s25+$0x30] =	vst v0  }
0x19: {  	[tilespmem:s25+$0x20] =	vst v0  }
0x1a: {  	[tilespmem:s25+$0x10] =	vst v0  }
0x1b: {  	[tilespmem:s25+$0xFFFFFFE0] =	vst v0  }
0x1c: {  	[tilespmem:s25+$0x0] =	vst v0  }
0x1d: {  	s26 =	simm.s32 $0x0;
	[tilespmem:s25+$0xFFFFFFF0] =	vst v0  }
.LBB2_2:
0x1e: {  	s26 =	sadd.s32 $0x8, s26;
	[tilespmem:s25+$0xFFFFFFD0] =	vst v0;
	s0 =	sadd.s32 $0x80, s0;
	s25 =	sadd.s32 $0x80, s25  }
0x1f: {  	[tilespmem:s0+$0x30] =	vst v0;
	p0 =	slt.u32 s26, $0xF8  }
0x20: {  	[tilespmem:s0+$0xFFFFFFF0] =	vst v0  }
0x21: {  	[tilespmem:s0+$0xFFFFFFC0] =	vst v0  }
0x22: {  	[tilespmem:s25+$0xFFFFFFC0] =	vst v0  }
0x23: {  	[tilespmem:s25+$0x30] =	vst v0  }
0x24: {  	[tilespmem:s0+$0xFFFFFFE0] =	vst v0  }
0x25: {  	[tilespmem:s0+$0x10] =	vst v0  }
0x26: {  	[tilespmem:s0+$0x20] =	vst v0  }
0x27: {  	[tilespmem:s25+$0x20] =	vst v0  }
0x28: {  	[tilespmem:s25+$0x10] =	vst v0  }
.Ltmp0:
0x29: {  	[tilespmem:s25+$0xFFFFFFE0] =	vst v0;
	(pc) =	sbr.rel @p0 .LBB2_2-.Ltmp0, $4  }
0x2a: {  	[tilespmem:s0+$0x0] =	vst v0  }
0x2b: {  	[tilespmem:s25+$0x0] =	vst v0  }
0x2c: {  	[tilespmem:s25+$0xFFFFFFF0] =	vst v0  }
0x2d: {  	s28 =	simm.s32 $0x0;
	[tilespmem:s0+$0xFFFFFFD0] =	vst v0  }
0x2e: {  	[tilespmem:s25+$0xFFFFFFD0] =	vst v0;
	s0 =	simm.s32 $0x80;
	s2 =	sadd.s32 $0x0, s5;
	s25 =	simm.s32 $0x400  }
.LBB2_4:
0x2f: {  	[tilespmem:s28], [sflag:$0x1] =	stream.linear.gather [hbm4b:s2+s3], $0x200, $0x38;
	[tilespmem:$0x12080] =	vst v63  }
0x30: {  	s2 =	smov.u32 s0;
	s28 =	smov.u32 s25;
	p0 =	sne.s32 s0, $0xF80  }
.Ltmp1:
0x31: {  	s0 =	sadd.s32 $0x80, s0;
	(pc) =	sbr.rel @p0 .LBB2_4-.Ltmp1, $2  }
0x32: {  	_ =	sdelay $0x2  }
0x33: {  	s25 =	sadd.s32 $0x400, s25;
	s2 =	sadd.s32 s2, s5  }
0x34: {  	[tilespmem:s28], [sflag:$0x1] =	stream.linear.gather [hbm4b:s2+s3], $0x200, $0x38;
	[tilespmem:$0x12080] =	vst v63  }
0x35: {  	s0 =	simm.s32 $0x200  }
0x36: {  	s25 =	simm.s32 $0x80;
	s2 =	sadd.s32 $0x0, s6;
	s26 =	simm.s32 $0x600  }
.LBB2_6:
0x37: {  	[tilespmem:s0], [sflag:$0x2] =	stream.linear.gather [hbm4b:s2+s3], $0x200, $0x38;
	[tilespmem:$0x12080] =	vst v63  }
0x38: {  	s2 =	smov.u32 s25;
	s0 =	smov.u32 s26;
	p0 =	sne.s32 s25, $0xF80  }
.Ltmp2:
0x39: {  	s25 =	sadd.s32 $0x80, s25;
	(pc) =	sbr.rel @p0 .LBB2_6-.Ltmp2, $2  }
0x3a: {  	_ =	sdelay $0x2  }
0x3b: {  	s26 =	sadd.s32 $0x400, s26;
	s2 =	sadd.s32 s2, s6  }
0x3c: {  	[tilespmem:s0], [sflag:$0x2] =	stream.linear.gather [hbm4b:s2+s3], $0x200, $0x38;
	[tilespmem:$0x12080] =	vst v63  }
0x3d: {  	s0 =	simm.s32 $0x8000  }
0x3e: {  	s25 =	simm.s32 $0x80;
	s2 =	sadd.s32 $0x0, s7;
	s26 =	simm.s32 $0x8400  }
.LBB2_8:
0x3f: {  	[tilespmem:s0], [sflag:$0x3] =	stream.linear.gather [hbm4b:s2+s3], $0x200, $0x38;
	[tilespmem:$0x12080] =	vst v63  }
0x40: {  	s2 =	smov.u32 s25;
	s0 =	smov.u32 s26;
	p0 =	sne.s32 s25, $0xF80  }
.Ltmp3:
0x41: {  	s25 =	sadd.s32 $0x80, s25;
	(pc) =	sbr.rel @p0 .LBB2_8-.Ltmp3, $2  }
0x42: {  	_ =	sdelay $0x2  }
0x43: {  	s26 =	sadd.s32 $0x400, s26;
	s2 =	sadd.s32 s2, s7  }
0x44: {  	[tilespmem:s0], [sflag:$0x3] =	stream.linear.gather [hbm4b:s2+s3], $0x200, $0x38;
	[tilespmem:$0x12080] =	vst v63  }
0x45: {  	s0 =	simm.s32 $0x8200  }
0x46: {  	s25 =	simm.s32 $0x80;
	s2 =	sadd.s32 $0x0, s8;
	s26 =	simm.s32 $0x8600  }
.LBB2_10:
0x47: {  	[tilespmem:s0], [sflag:$0x4] =	stream.linear.gather [hbm4b:s2+s3], $0x200, $0x38;
	[tilespmem:$0x12080] =	vst v63  }
0x48: {  	s2 =	smov.u32 s25;
	s0 =	smov.u32 s26;
	p0 =	sne.s32 s25, $0xF80  }
.Ltmp4:
0x49: {  	s25 =	sadd.s32 $0x80, s25;
	(pc) =	sbr.rel @p0 .LBB2_10-.Ltmp4, $2  }
0x4a: {  	_ =	sdelay $0x2  }
0x4b: {  	s26 =	sadd.s32 $0x400, s26;
	s2 =	sadd.s32 s2, s8  }
0x4c: {  	[tilespmem:s0], [sflag:$0x4] =	stream.linear.gather [hbm4b:s2+s3], $0x200, $0x38;
	[tilespmem:$0x12080] =	vst v63  }
0x4d: {  	_ =	swait.ge [sflag:s16], $0x4000  }
0x4e: {  	[sflag:s16] =	ssyncset.done $0x0  }
0x4f: {  	s31 =	simm.s32 $0x40;
	[sflag:s16] =	ssyncadd.s32 $0xFFFFC000  }
0x50: {  	v18 =	vld [tilespmem:s31+$0x30]  }
0x51: {  	v20 =	vld [tilespmem:s31+$0xFFFFFFD0]  }
0x52: {  	v21 =	vld [tilespmem:s31+$0xFFFFFFE0]  }
0x53: {  	v22 =	vld [tilespmem:s31+$0xFFFFFFF0]  }
0x54: {  	v23 =	vld [tilespmem:s31+$0x0]  }
0x55: {  	v24 =	vld [tilespmem:s31+$0x10]  }
0x56: {  	v25 =	vld [tilespmem:s31+$0x20]  }
0x57: {  	s25 =	simm.s32 $0x0;
	v19 =	vimm.s32 $0x0;
	s26 =	simm.s32 $0x440;
	v26 =	vld [tilespmem:s31+$0xFFFFFFC0]  }
.LBB2_12:
0x58: {  	s25 =	sadd.s32 $0x8, s25;
	[tilespmem:v18+s17+$0x0] =	vst.idx.msk $0xffff, v19;
	v18 =	vld [tilespmem:s26+$0x30];
	s0 =	simm.s32 $0xF0  }
0x59: {  	p0 =	slt.u32 s25, $0xF8;
	[tilespmem:v20+s17+$0x0] =	vst.idx.msk $0xffff, v19;
	v20 =	vld [tilespmem:s26+$0xFFFFFFD0]  }
0x5a: {  	[tilespmem:v21+s17+$0x0] =	vst.idx.msk $0xffff, v19;
	v21 =	vld [tilespmem:s26+$0xFFFFFFE0]  }
.Ltmp5:
0x5b: {  	[tilespmem:v22+s17+$0x0] =	vst.idx.msk $0xffff, v19;
	v22 =	vld [tilespmem:s26+$0xFFFFFFF0];
	(pc) =	sbr.rel @p0 .LBB2_12-.Ltmp5, $4  }
0x5c: {  	[tilespmem:v23+s17+$0x0] =	vst.idx.msk $0xffff, v19;
	v23 =	vld [tilespmem:s26+$0x0]  }
0x5d: {  	[tilespmem:v24+s17+$0x0] =	vst.idx.msk $0xffff, v19;
	v24 =	vld [tilespmem:s26+$0x10]  }
0x5e: {  	[tilespmem:v25+s17+$0x0] =	vst.idx.msk $0xffff, v19;
	v25 =	vld [tilespmem:s26+$0x20]  }
0x5f: {  	[tilespmem:v26+s17+$0x0] =	vst.idx.msk $0xffff, v19;
	v26 =	vld [tilespmem:s26+$0xFFFFFFC0];
	s26 =	sadd.s32 $0x400, s26  }
0x60: {  	_ =	sdelay $0x3  }
0x61: {  	[tilespmem:v18+s17+$0x0] =	vst.idx.msk $0xffff, v19  }
0x62: {  	[tilespmem:v20+s17+$0x0] =	vst.idx.msk $0xffff, v19  }
0x63: {  	[tilespmem:v21+s17+$0x0] =	vst.idx.msk $0xffff, v19  }
0x64: {  	[tilespmem:v22+s17+$0x0] =	vst.idx.msk $0xffff, v19  }
0x65: {  	[tilespmem:v23+s17+$0x0] =	vst.idx.msk $0xffff, v19  }
0x66: {  	[tilespmem:v24+s17+$0x0] =	vst.idx.msk $0xffff, v19  }
0x67: {  	[tilespmem:v25+s17+$0x0] =	vst.idx.msk $0xffff, v19  }
0x68: {  	[tilespmem:v26+s17+$0x0] =	vst.idx.msk $0xffff, v19  }
0x69: {  	v20 =	vld [tilespmem:s0+$0xFFFFFF90]  }
0x6a: {  	v21 =	vld [tilespmem:s0+$0xFFFFFFA0]  }
0x6b: {  	v22 =	vld [tilespmem:s0+$0xFFFFFFB0]  }
0x6c: {  	v23 =	vld [tilespmem:s0+$0xFFFFFFC0]  }
0x6d: {  	v24 =	vld [tilespmem:s0+$0xFFFFFFD0]  }
0x6e: {  	v25 =	vld [tilespmem:s0+$0xFFFFFFE0]  }
0x6f: {  	v26 =	vld [tilespmem:s0+$0xFFFFFFF0]  }
0x70: {  	s31 =	simm.s32 $0x4F0;
	v27 =	vld [tilespmem:s0+$0x0]  }
0x71: {  	s25 =	simm.s32 $0x10040;
	v18 =	vld [tilespmem:s31+$0xFFFFFF90];
	[tilespmem:v20+s18+$0x0] =	vst.idx.msk $0xffff, v1  }
0x72: {  	[tilespmem:v21+s18+$0x0] =	vst.idx.msk $0xffff, v1;
	v20 =	vld [tilespmem:s25+$0xFFFFFFC0]  }
0x73: {  	[tilespmem:v22+s18+$0x0] =	vst.idx.msk $0xffff, v1;
	v21 =	vld [tilespmem:s25+$0xFFFFFFD0]  }
0x74: {  	[tilespmem:v23+s18+$0x0] =	vst.idx.msk $0xffff, v1;
	v22 =	vld [tilespmem:s25+$0xFFFFFFE0]  }
0x75: {  	[tilespmem:v24+s18+$0x0] =	vst.idx.msk $0xffff, v1;
	v23 =	vld [tilespmem:s25+$0xFFFFFFF0]  }
0x76: {  	[tilespmem:v25+s18+$0x0] =	vst.idx.msk $0xffff, v1;
	v24 =	vld [tilespmem:s25+$0x0]  }
0x77: {  	[tilespmem:v26+s18+$0x0] =	vst.idx.msk $0xffff, v1;
	v25 =	vld [tilespmem:s25+$0x10];
	vm0 =	veq.s32 v20, $0x0  }
0x78: {  	[tilespmem:v27+s18+$0x0] =	vst.idx.msk $0xffff, v1;
	v26 =	vld [tilespmem:s25+$0x20];
	vm9 =	veq.s32 v21, $0x0;
	v20 =	vsel vm0, $0x1, v2  }
0x79: {  	v27 =	vld [tilespmem:s25+$0x30];
	vm10 =	veq.s32 v22, $0x0;
	v21 =	vsel vm9, $0x1, v2;
	v20 =	vadd.s32 v20, v19  }
0x7a: {  	vm11 =	veq.s32 v23, $0x0;
	v22 =	vsel vm10, $0x1, v2;
	v19 =	vld [tilespmem:s31+$0xFFFFFFA0];
	v21 =	vadd.s32 v21, v20  }
0x7b: {  	vm12 =	veq.s32 v24, $0x0;
	v23 =	vsel vm11, $0x1, v2;
	v20 =	vld [tilespmem:s31+$0xFFFFFFB0];
	v22 =	vadd.s32 v22, v21  }
0x7c: {  	vm13 =	veq.s32 v25, $0x0;
	v24 =	vsel vm12, $0x1, v2;
	v21 =	vld [tilespmem:s31+$0xFFFFFFC0];
	v23 =	vadd.s32 v23, v22  }
0x7d: {  	vm14 =	veq.s32 v26, $0x0;
	v25 =	vsel vm13, $0x1, v2;
	v22 =	vld [tilespmem:s31+$0xFFFFFFD0];
	v24 =	vadd.s32 v24, v23  }
0x7e: {  	vm15 =	veq.s32 v27, $0x0;
	v23 =	vld [tilespmem:s31+$0xFFFFFFE0];
	v24 =	vadd.s32 v25, v24;
	v25 =	vsel vm14, $0x1, v2  }
0x7f: {  	v26 =	vld [tilespmem:s31+$0xFFFFFFF0];
	v27 =	vsel vm15, $0x1, v2;
	v25 =	vadd.s32 v25, v24  }
0x80: {  	s26 =	simm.s32 $0x8;
	s28 =	simm.s32 $0x8F0;
	v24 =	vld [tilespmem:s31+$0x0];
	v25 =	vadd.s32 v27, v25  }
.LBB2_14:
0x81: {  	[tilespmem:v18+s18+$0x0] =	vst.idx.msk $0xffff, v1;
	v18 =	vld [tilespmem:s28+$0xFFFFFF90];
	s25 =	sadd.s32 $0x80, s25  }
0x82: {  	v27 =	vld [tilespmem:s25+$0xFFFFFFC0];
	[tilespmem:v19+s18+$0x0] =	vst.idx.msk $0xffff, v1  }
0x83: {  	v19 =	vld [tilespmem:s25+$0xFFFFFFD0];
	[tilespmem:v20+s18+$0x0] =	vst.idx.msk $0xffff, v1  }
0x84: {  	v20 =	vld [tilespmem:s25+$0xFFFFFFE0];
	[tilespmem:v21+s18+$0x0] =	vst.idx.msk $0xffff, v1  }
0x85: {  	v21 =	vld [tilespmem:s25+$0xFFFFFFF0];
	[tilespmem:v22+s18+$0x0] =	vst.idx.msk $0xffff, v1  }
0x86: {  	v22 =	vld [tilespmem:s25+$0x0];
	[tilespmem:v23+s18+$0x0] =	vst.idx.msk $0xffff, v1  }
0x87: {  	vm0 =	veq.s32 v27, $0x0;
	v23 =	vld [tilespmem:s25+$0x10];
	[tilespmem:v26+s18+$0x0] =	vst.idx.msk $0xffff, v1  }
0x88: {  	v26 =	vsel vm0, $0x1, v2;
	vm0 =	veq.s32 v19, $0x0;
	v27 =	vld [tilespmem:s25+$0x20];
	[tilespmem:v24+s18+$0x0] =	vst.idx.msk $0xffff, v1  }
0x89: {  	s26 =	sadd.s32 $0x8, s26;
	v24 =	vadd.s32 v26, v25;
	v25 =	vsel vm0, $0x1, v2;
	vm0 =	veq.s32 v20, $0x0;
	v26 =	vld [tilespmem:s25+$0x30]  }
0x8a: {  	p0 =	slt.u32 s26, $0xF8;
	v19 =	vld [tilespmem:s28+$0xFFFFFFA0];
	v24 =	vadd.s32 v25, v24;
	v25 =	vsel vm0, $0x1, v2;
	vm0 =	veq.s32 v21, $0x0  }
0x8b: {  	v20 =	vld [tilespmem:s28+$0xFFFFFFB0];
	v24 =	vadd.s32 v25, v24;
	v25 =	vsel vm0, $0x1, v2;
	vm0 =	veq.s32 v22, $0x0  }
.Ltmp6:
0x8c: {  	v21 =	vld [tilespmem:s28+$0xFFFFFFC0];
	v24 =	vadd.s32 v25, v24;
	v25 =	vsel vm0, $0x1, v2;
	vm0 =	veq.s32 v23, $0x0;
	(pc) =	sbr.rel @p0 .LBB2_14-.Ltmp6, $4  }
0x8d: {  	v22 =	vld [tilespmem:s28+$0xFFFFFFD0];
	v24 =	vadd.s32 v25, v24;
	v25 =	vsel vm0, $0x1, v2;
	vm0 =	veq.s32 v27, $0x0  }
0x8e: {  	v23 =	vld [tilespmem:s28+$0xFFFFFFE0];
	v24 =	vadd.s32 v25, v24;
	v25 =	vsel vm0, $0x1, v2;
	vm0 =	veq.s32 v26, $0x0  }
0x8f: {  	v26 =	vld [tilespmem:s28+$0xFFFFFFF0];
	v25 =	vadd.s32 v25, v24;
	v27 =	vsel vm0, $0x1, v2  }
0x90: {  	v24 =	vld [tilespmem:s28+$0x0];
	s28 =	sadd.s32 $0x400, s28;
	v25 =	vadd.s32 v27, v25  }
0x91: {  	_ =	sdelay $0x3  }
0x92: {  	[tilespmem:v18+s18+$0x0] =	vst.idx.msk $0xffff, v1;
	s0 =	sadd.s32 $0x80, s25  }
0x93: {  	[tilespmem:v19+s18+$0x0] =	vst.idx.msk $0xffff, v1;
	v18 =	vld [tilespmem:s0+$0xFFFFFFC0]  }
0x94: {  	[tilespmem:v20+s18+$0x0] =	vst.idx.msk $0xffff, v1;
	v19 =	vld [tilespmem:s0+$0xFFFFFFD0]  }
0x95: {  	[tilespmem:v21+s18+$0x0] =	vst.idx.msk $0xffff, v1;
	v20 =	vld [tilespmem:s0+$0xFFFFFFE0]  }
0x96: {  	v21 =	vld [tilespmem:s0+$0xFFFFFFF0];
	[tilespmem:v22+s18+$0x0] =	vst.idx.msk $0xffff, v1  }
0x97: {  	v22 =	vld [tilespmem:s0+$0x0];
	[tilespmem:v23+s18+$0x0] =	vst.idx.msk $0xffff, v1  }
0x98: {  	[tilespmem:v26+s18+$0x0] =	vst.idx.msk $0xffff, v1;
	vm0 =	veq.s32 v18, $0x0;
	v18 =	vld [tilespmem:s0+$0x10]  }
0x99: {  	[tilespmem:v24+s18+$0x0] =	vst.idx.msk $0xffff, v1;
	vm13 =	veq.s32 v19, $0x0;
	v19 =	vld [tilespmem:s0+$0x20];
	v23 =	vsel vm0, $0x1, v2  }
0x9a: {  	vm14 =	veq.s32 v20, $0x0;
	v20 =	vld [tilespmem:s0+$0x30];
	v24 =	vsel vm13, $0x1, v2;
	v23 =	vadd.s32 v23, v25  }
0x9b: {  	vm15 =	veq.s32 v21, $0x0;
	v23 =	vadd.s32 v24, v23;
	v24 =	vsel vm14, $0x1, v2  }
0x9c: {  	vm4 =	veq.s32 v22, $0x0;
	v21 =	vadd.s32 v24, v23;
	v23 =	vsel vm15, $0x1, v2  }
0x9d: {  	v22 =	vsel vm4, $0x1, v2;
	v21 =	vadd.s32 v23, v21;
	vm5 =	veq.s32 v18, $0x0  }
0x9e: {  	vm6 =	veq.s32 v19, $0x0;
	v18 =	vadd.s32 v22, v21;
	v21 =	vsel vm5, $0x1, v2  }
0x9f: {  	vm7 =	veq.s32 v20, $0x0;
	v19 =	vsel vm6, $0x1, v2;
	v18 =	vadd.s32 v21, v18  }
0xa0: {  	v18 =	vadd.s32 v19, v18;
	v19 =	vsel vm7, $0x1, v2  }
0xa1: {  	v18 =	vadd.s32 v19, v18  }
0xa2: {  	(xrf0) =	vadd.scan.msk.s32 $0xffff, v18;
	_ =	sdelay $0x5  }
0xa3: {  	v18, _, _ =	vpop (xrf0)  }
0xa4: {  	(v2sf) =	vpush v18, $0xF;
	_ =	sdelay $0xe  }
0xa5: {  	s29 =	spop (v2sf)  }
0xa6: {  	s0 =	scvt.s32.f32 s29;
	_ =	sdelay $0x1  }
0xa7: {  	v19 =	vimm.s32 $0x0;
	v18 =	vmov s0  }
0xa8: {  	v18 =	vsub.f32 $0.0e+00, v18;
	_ =	sdelay $0x1  }
0xa9: {  	v18 =	vbroadcast v18, $0x0;
	_ =	sdelay $0x1  }
0xaa: {  	s30 =	simm.s32 $0x170;
	[tilespmem:v19+s19+$0x0] =	vst.idx.msk $0x1, v18  }
0xab: {  	v20 =	vld [tilespmem:s30+$0xFFFFFF90]  }
0xac: {  	v21 =	vld [tilespmem:s30+$0xFFFFFFA0]  }
0xad: {  	v22 =	vld [tilespmem:s30+$0xFFFFFFB0]  }
0xae: {  	v23 =	vld [tilespmem:s30+$0xFFFFFFC0]  }
0xaf: {  	v24 =	vld [tilespmem:s30+$0xFFFFFFD0]  }
0xb0: {  	v25 =	vld [tilespmem:s30+$0xFFFFFFE0]  }
0xb1: {  	v26 =	vld [tilespmem:s30+$0xFFFFFFF0]  }
0xb2: {  	s31 =	simm.s32 $0x570;
	v27 =	vld [tilespmem:s30+$0x0]  }
0xb3: {  	s25 =	simm.s32 $0x11040;
	v18 =	vld [tilespmem:s31+$0xFFFFFF90];
	[tilespmem:v20+s17+$0x0] =	vst.idx.msk $0xffff, v3  }
0xb4: {  	[tilespmem:v21+s17+$0x0] =	vst.idx.msk $0xffff, v3;
	v20 =	vld [tilespmem:s25+$0xFFFFFFC0]  }
0xb5: {  	[tilespmem:v22+s17+$0x0] =	vst.idx.msk $0xffff, v3;
	v21 =	vld [tilespmem:s25+$0xFFFFFFD0]  }
0xb6: {  	[tilespmem:v23+s17+$0x0] =	vst.idx.msk $0xffff, v3;
	v22 =	vld [tilespmem:s25+$0xFFFFFFE0]  }
0xb7: {  	[tilespmem:v24+s17+$0x0] =	vst.idx.msk $0xffff, v3;
	v23 =	vld [tilespmem:s25+$0xFFFFFFF0]  }
0xb8: {  	[tilespmem:v25+s17+$0x0] =	vst.idx.msk $0xffff, v3;
	v24 =	vld [tilespmem:s25+$0x0]  }
0xb9: {  	[tilespmem:v26+s17+$0x0] =	vst.idx.msk $0xffff, v3;
	v25 =	vld [tilespmem:s25+$0x10];
	vm8 =	veq.s32 v20, $0x1  }
0xba: {  	[tilespmem:v27+s17+$0x0] =	vst.idx.msk $0xffff, v3;
	v26 =	vld [tilespmem:s25+$0x20];
	vm9 =	veq.s32 v21, $0x1;
	v20 =	vsel vm8, $0x1, v2  }
0xbb: {  	v27 =	vld [tilespmem:s25+$0x30];
	vm10 =	veq.s32 v22, $0x1;
	v21 =	vsel vm9, $0x1, v2;
	v20 =	vadd.s32 v20, v19  }
0xbc: {  	vm11 =	veq.s32 v23, $0x1;
	v22 =	vsel vm10, $0x1, v2;
	v19 =	vld [tilespmem:s31+$0xFFFFFFA0];
	v21 =	vadd.s32 v21, v20  }
0xbd: {  	vm12 =	veq.s32 v24, $0x1;
	v23 =	vsel vm11, $0x1, v2;
	v20 =	vld [tilespmem:s31+$0xFFFFFFB0];
	v22 =	vadd.s32 v22, v21  }
0xbe: {  	vm13 =	veq.s32 v25, $0x1;
	v24 =	vsel vm12, $0x1, v2;
	v21 =	vld [tilespmem:s31+$0xFFFFFFC0];
	v23 =	vadd.s32 v23, v22  }
0xbf: {  	vm14 =	veq.s32 v26, $0x1;
	v25 =	vsel vm13, $0x1, v2;
	v22 =	vld [tilespmem:s31+$0xFFFFFFD0];
	v24 =	vadd.s32 v24, v23  }
0xc0: {  	vm15 =	veq.s32 v27, $0x1;
	v23 =	vld [tilespmem:s31+$0xFFFFFFE0];
	v24 =	vadd.s32 v25, v24;
	v25 =	vsel vm14, $0x1, v2  }
0xc1: {  	v26 =	vld [tilespmem:s31+$0xFFFFFFF0];
	v27 =	vsel vm15, $0x1, v2;
	v25 =	vadd.s32 v25, v24  }
0xc2: {  	s26 =	simm.s32 $0x8;
	s28 =	simm.s32 $0x970;
	v24 =	vld [tilespmem:s31+$0x0];
	v25 =	vadd.s32 v27, v25  }
.LBB2_16:
0xc3: {  	[tilespmem:v18+s17+$0x0] =	vst.idx.msk $0xffff, v3;
	v18 =	vld [tilespmem:s28+$0xFFFFFF90];
	s25 =	sadd.s32 $0x80, s25  }
0xc4: {  	v27 =	vld [tilespmem:s25+$0xFFFFFFC0];
	[tilespmem:v19+s17+$0x0] =	vst.idx.msk $0xffff, v3  }
0xc5: {  	v19 =	vld [tilespmem:s25+$0xFFFFFFD0];
	[tilespmem:v20+s17+$0x0] =	vst.idx.msk $0xffff, v3  }
0xc6: {  	v20 =	vld [tilespmem:s25+$0xFFFFFFE0];
	[tilespmem:v21+s17+$0x0] =	vst.idx.msk $0xffff, v3  }
0xc7: {  	v21 =	vld [tilespmem:s25+$0xFFFFFFF0];
	[tilespmem:v22+s17+$0x0] =	vst.idx.msk $0xffff, v3  }
0xc8: {  	v22 =	vld [tilespmem:s25+$0x0];
	[tilespmem:v23+s17+$0x0] =	vst.idx.msk $0xffff, v3  }
0xc9: {  	vm0 =	veq.s32 v27, $0x1;
	v23 =	vld [tilespmem:s25+$0x10];
	[tilespmem:v26+s17+$0x0] =	vst.idx.msk $0xffff, v3  }
0xca: {  	v26 =	vsel vm0, $0x1, v2;
	vm0 =	veq.s32 v19, $0x1;
	v27 =	vld [tilespmem:s25+$0x20];
	[tilespmem:v24+s17+$0x0] =	vst.idx.msk $0xffff, v3  }
0xcb: {  	s26 =	sadd.s32 $0x8, s26;
	v24 =	vadd.s32 v26, v25;
	v25 =	vsel vm0, $0x1, v2;
	vm0 =	veq.s32 v20, $0x1;
	v26 =	vld [tilespmem:s25+$0x30]  }
0xcc: {  	p0 =	slt.u32 s26, $0xF8;
	v19 =	vld [tilespmem:s28+$0xFFFFFFA0];
	v24 =	vadd.s32 v25, v24;
	v25 =	vsel vm0, $0x1, v2;
	vm0 =	veq.s32 v21, $0x1  }
0xcd: {  	v20 =	vld [tilespmem:s28+$0xFFFFFFB0];
	v24 =	vadd.s32 v25, v24;
	v25 =	vsel vm0, $0x1, v2;
	vm0 =	veq.s32 v22, $0x1  }
.Ltmp7:
0xce: {  	v21 =	vld [tilespmem:s28+$0xFFFFFFC0];
	v24 =	vadd.s32 v25, v24;
	v25 =	vsel vm0, $0x1, v2;
	vm0 =	veq.s32 v23, $0x1;
	(pc) =	sbr.rel @p0 .LBB2_16-.Ltmp7, $4  }
0xcf: {  	v22 =	vld [tilespmem:s28+$0xFFFFFFD0];
	v24 =	vadd.s32 v25, v24;
	v25 =	vsel vm0, $0x1, v2;
	vm0 =	veq.s32 v27, $0x1  }
0xd0: {  	v23 =	vld [tilespmem:s28+$0xFFFFFFE0];
	v24 =	vadd.s32 v25, v24;
	v25 =	vsel vm0, $0x1, v2;
	vm0 =	veq.s32 v26, $0x1  }
0xd1: {  	v26 =	vld [tilespmem:s28+$0xFFFFFFF0];
	v25 =	vadd.s32 v25, v24;
	v27 =	vsel vm0, $0x1, v2  }
0xd2: {  	v24 =	vld [tilespmem:s28+$0x0];
	s28 =	sadd.s32 $0x400, s28;
	v25 =	vadd.s32 v27, v25  }
0xd3: {  	_ =	sdelay $0x3  }
0xd4: {  	[tilespmem:v18+s17+$0x0] =	vst.idx.msk $0xffff, v3;
	s0 =	sadd.s32 $0x80, s25  }
0xd5: {  	[tilespmem:v19+s17+$0x0] =	vst.idx.msk $0xffff, v3;
	v18 =	vld [tilespmem:s0+$0xFFFFFFC0]  }
0xd6: {  	[tilespmem:v20+s17+$0x0] =	vst.idx.msk $0xffff, v3;
	v19 =	vld [tilespmem:s0+$0xFFFFFFD0]  }
0xd7: {  	[tilespmem:v21+s17+$0x0] =	vst.idx.msk $0xffff, v3;
	v20 =	vld [tilespmem:s0+$0xFFFFFFE0]  }
0xd8: {  	v21 =	vld [tilespmem:s0+$0xFFFFFFF0];
	[tilespmem:v22+s17+$0x0] =	vst.idx.msk $0xffff, v3  }
0xd9: {  	v22 =	vld [tilespmem:s0+$0x0];
	[tilespmem:v23+s17+$0x0] =	vst.idx.msk $0xffff, v3  }
0xda: {  	[tilespmem:v26+s17+$0x0] =	vst.idx.msk $0xffff, v3;
	vm0 =	veq.s32 v18, $0x1;
	v18 =	vld [tilespmem:s0+$0x10]  }
0xdb: {  	[tilespmem:v24+s17+$0x0] =	vst.idx.msk $0xffff, v3;
	vm13 =	veq.s32 v19, $0x1;
	v19 =	vld [tilespmem:s0+$0x20];
	v23 =	vsel vm0, $0x1, v2  }
0xdc: {  	vm14 =	veq.s32 v20, $0x1;
	v20 =	vld [tilespmem:s0+$0x30];
	v24 =	vsel vm13, $0x1, v2;
	v23 =	vadd.s32 v23, v25  }
0xdd: {  	vm15 =	veq.s32 v21, $0x1;
	v23 =	vadd.s32 v24, v23;
	v24 =	vsel vm14, $0x1, v2  }
0xde: {  	vm4 =	veq.s32 v22, $0x1;
	v21 =	vadd.s32 v24, v23;
	v23 =	vsel vm15, $0x1, v2  }
0xdf: {  	v22 =	vsel vm4, $0x1, v2;
	v21 =	vadd.s32 v23, v21;
	vm5 =	veq.s32 v18, $0x1  }
0xe0: {  	vm6 =	veq.s32 v19, $0x1;
	v18 =	vadd.s32 v22, v21;
	v21 =	vsel vm5, $0x1, v2  }
0xe1: {  	vm7 =	veq.s32 v20, $0x1;
	v19 =	vsel vm6, $0x1, v2;
	v18 =	vadd.s32 v21, v18  }
0xe2: {  	v18 =	vadd.s32 v19, v18;
	v19 =	vsel vm7, $0x1, v2  }
0xe3: {  	v18 =	vadd.s32 v19, v18  }
0xe4: {  	(xrf0) =	vadd.scan.msk.s32 $0xffff, v18;
	_ =	sdelay $0x5  }
0xe5: {  	v18, _, _ =	vpop (xrf0)  }
0xe6: {  	(v2sf) =	vpush v18, $0xF;
	_ =	sdelay $0xe  }
0xe7: {  	s29 =	spop (v2sf)  }
0xe8: {  	s0 =	scvt.s32.f32 s29;
	_ =	sdelay $0x1  }
0xe9: {  	v18 =	vmov s0  }
0xea: {  	v18 =	vsub.f32 $0.0e+00, v18;
	_ =	sdelay $0x1  }
0xeb: {  	v18 =	vbroadcast v18, $0x0;
	_ =	sdelay $0x1  }
0xec: {  	s30 =	simm.s32 $0x1F0;
	[tilespmem:v1+s19+$0x0] =	vst.idx.msk $0x1, v18  }
0xed: {  	v19 =	vld [tilespmem:s30+$0xFFFFFF90]  }
0xee: {  	v20 =	vld [tilespmem:s30+$0xFFFFFFA0]  }
0xef: {  	v21 =	vld [tilespmem:s30+$0xFFFFFFB0]  }
0xf0: {  	v22 =	vld [tilespmem:s30+$0xFFFFFFC0]  }
0xf1: {  	v23 =	vld [tilespmem:s30+$0xFFFFFFD0]  }
0xf2: {  	v24 =	vld [tilespmem:s30+$0xFFFFFFE0]  }
0xf3: {  	v25 =	vld [tilespmem:s30+$0xFFFFFFF0]  }
0xf4: {  	s31 =	simm.s32 $0x5F0;
	v26 =	vld [tilespmem:s30+$0x0]  }
0xf5: {  	s25 =	simm.s32 $0x10040;
	v18 =	vld [tilespmem:s31+$0xFFFFFF90];
	[tilespmem:v19+s18+$0x0] =	vst.idx.msk $0xffff, v4  }
0xf6: {  	[tilespmem:v20+s18+$0x0] =	vst.idx.msk $0xffff, v4;
	v19 =	vld [tilespmem:s25+$0xFFFFFFC0]  }
0xf7: {  	[tilespmem:v21+s18+$0x0] =	vst.idx.msk $0xffff, v4;
	v20 =	vld [tilespmem:s25+$0xFFFFFFD0]  }
0xf8: {  	[tilespmem:v22+s18+$0x0] =	vst.idx.msk $0xffff, v4;
	v21 =	vld [tilespmem:s25+$0xFFFFFFE0]  }
0xf9: {  	[tilespmem:v23+s18+$0x0] =	vst.idx.msk $0xffff, v4;
	v22 =	vld [tilespmem:s25+$0xFFFFFFF0]  }
0xfa: {  	[tilespmem:v24+s18+$0x0] =	vst.idx.msk $0xffff, v4;
	v23 =	vld [tilespmem:s25+$0x0]  }
0xfb: {  	[tilespmem:v25+s18+$0x0] =	vst.idx.msk $0xffff, v4;
	v24 =	vld [tilespmem:s25+$0x10];
	vm8 =	veq.s32 v19, $0x2  }
0xfc: {  	[tilespmem:v26+s18+$0x0] =	vst.idx.msk $0xffff, v4;
	v27 =	vld [tilespmem:s25+$0x20];
	v19 =	vimm.s32 $0x0;
	vm9 =	veq.s32 v20, $0x2;
	v25 =	vsel vm8, $0x1, v2  }
0xfd: {  	v26 =	vld [tilespmem:s25+$0x30];
	vm10 =	veq.s32 v21, $0x2;
	v20 =	vadd.s32 v25, v19;
	v25 =	vsel vm9, $0x1, v2  }
0xfe: {  	vm11 =	veq.s32 v22, $0x2;
	v19 =	vld [tilespmem:s31+$0xFFFFFFA0];
	v21 =	vadd.s32 v25, v20;
	v25 =	vsel vm10, $0x1, v2  }
0xff: {  	vm12 =	veq.s32 v23, $0x2;
	v20 =	vld [tilespmem:s31+$0xFFFFFFB0];
	v22 =	vadd.s32 v25, v21;
	v25 =	vsel vm11, $0x1, v2  }
0x100: {  	vm13 =	veq.s32 v24, $0x2;
	v21 =	vld [tilespmem:s31+$0xFFFFFFC0];
	v23 =	vadd.s32 v25, v22;
	v25 =	vsel vm12, $0x1, v2  }
0x101: {  	vm14 =	veq.s32 v27, $0x2;
	v22 =	vld [tilespmem:s31+$0xFFFFFFD0];
	v24 =	vadd.s32 v25, v23;
	v25 =	vsel vm13, $0x1, v2  }
0x102: {  	vm15 =	veq.s32 v26, $0x2;
	v23 =	vld [tilespmem:s31+$0xFFFFFFE0];
	v24 =	vadd.s32 v25, v24;
	v25 =	vsel vm14, $0x1, v2  }
0x103: {  	v26 =	vld [tilespmem:s31+$0xFFFFFFF0];
	v27 =	vsel vm15, $0x1, v2;
	v25 =	vadd.s32 v25, v24  }
0x104: {  	s26 =	simm.s32 $0x8;
	s28 =	simm.s32 $0x9F0;
	v24 =	vld [tilespmem:s31+$0x0];
	v25 =	vadd.s32 v27, v25  }
.LBB2_18:
0x105: {  	[tilespmem:v18+s18+$0x0] =	vst.idx.msk $0xffff, v4;
	v18 =	vld [tilespmem:s28+$0xFFFFFF90];
	s25 =	sadd.s32 $0x80, s25  }
0x106: {  	v27 =	vld [tilespmem:s25+$0xFFFFFFC0];
	[tilespmem:v19+s18+$0x0] =	vst.idx.msk $0xffff, v4  }
0x107: {  	v19 =	vld [tilespmem:s25+$0xFFFFFFD0];
	[tilespmem:v20+s18+$0x0] =	vst.idx.msk $0xffff, v4  }
0x108: {  	v20 =	vld [tilespmem:s25+$0xFFFFFFE0];
	[tilespmem:v21+s18+$0x0] =	vst.idx.msk $0xffff, v4  }
0x109: {  	v21 =	vld [tilespmem:s25+$0xFFFFFFF0];
	[tilespmem:v22+s18+$0x0] =	vst.idx.msk $0xffff, v4  }
0x10a: {  	v22 =	vld [tilespmem:s25+$0x0];
	[tilespmem:v23+s18+$0x0] =	vst.idx.msk $0xffff, v4  }
0x10b: {  	vm0 =	veq.s32 v27, $0x2;
	v23 =	vld [tilespmem:s25+$0x10];
	[tilespmem:v26+s18+$0x0] =	vst.idx.msk $0xffff, v4  }
0x10c: {  	v26 =	vsel vm0, $0x1, v2;
	vm0 =	veq.s32 v19, $0x2;
	v27 =	vld [tilespmem:s25+$0x20];
	[tilespmem:v24+s18+$0x0] =	vst.idx.msk $0xffff, v4  }
0x10d: {  	s26 =	sadd.s32 $0x8, s26;
	v24 =	vadd.s32 v26, v25;
	v25 =	vsel vm0, $0x1, v2;
	vm0 =	veq.s32 v20, $0x2;
	v26 =	vld [tilespmem:s25+$0x30]  }
0x10e: {  	p0 =	slt.u32 s26, $0xF8;
	v19 =	vld [tilespmem:s28+$0xFFFFFFA0];
	v24 =	vadd.s32 v25, v24;
	v25 =	vsel vm0, $0x1, v2;
	vm0 =	veq.s32 v21, $0x2  }
0x10f: {  	v20 =	vld [tilespmem:s28+$0xFFFFFFB0];
	v24 =	vadd.s32 v25, v24;
	v25 =	vsel vm0, $0x1, v2;
	vm0 =	veq.s32 v22, $0x2  }
.Ltmp8:
0x110: {  	v21 =	vld [tilespmem:s28+$0xFFFFFFC0];
	v24 =	vadd.s32 v25, v24;
	v25 =	vsel vm0, $0x1, v2;
	vm0 =	veq.s32 v23, $0x2;
	(pc) =	sbr.rel @p0 .LBB2_18-.Ltmp8, $4  }
0x111: {  	v22 =	vld [tilespmem:s28+$0xFFFFFFD0];
	v24 =	vadd.s32 v25, v24;
	v25 =	vsel vm0, $0x1, v2;
	vm0 =	veq.s32 v27, $0x2  }
0x112: {  	v23 =	vld [tilespmem:s28+$0xFFFFFFE0];
	v24 =	vadd.s32 v25, v24;
	v25 =	vsel vm0, $0x1, v2;
	vm0 =	veq.s32 v26, $0x2  }
0x113: {  	v26 =	vld [tilespmem:s28+$0xFFFFFFF0];
	v25 =	vadd.s32 v25, v24;
	v27 =	vsel vm0, $0x1, v2  }
0x114: {  	v24 =	vld [tilespmem:s28+$0x0];
	s28 =	sadd.s32 $0x400, s28;
	v25 =	vadd.s32 v27, v25  }
0x115: {  	_ =	sdelay $0x3  }
0x116: {  	[tilespmem:v18+s18+$0x0] =	vst.idx.msk $0xffff, v4;
	s0 =	sadd.s32 $0x80, s25  }
0x117: {  	[tilespmem:v19+s18+$0x0] =	vst.idx.msk $0xffff, v4;
	v18 =	vld [tilespmem:s0+$0xFFFFFFC0]  }
0x118: {  	[tilespmem:v20+s18+$0x0] =	vst.idx.msk $0xffff, v4;
	v19 =	vld [tilespmem:s0+$0xFFFFFFD0]  }
0x119: {  	[tilespmem:v21+s18+$0x0] =	vst.idx.msk $0xffff, v4;
	v20 =	vld [tilespmem:s0+$0xFFFFFFE0]  }
0x11a: {  	v21 =	vld [tilespmem:s0+$0xFFFFFFF0];
	[tilespmem:v22+s18+$0x0] =	vst.idx.msk $0xffff, v4  }
0x11b: {  	v22 =	vld [tilespmem:s0+$0x0];
	[tilespmem:v23+s18+$0x0] =	vst.idx.msk $0xffff, v4  }
0x11c: {  	[tilespmem:v26+s18+$0x0] =	vst.idx.msk $0xffff, v4;
	vm0 =	veq.s32 v18, $0x2;
	v18 =	vld [tilespmem:s0+$0x10]  }
0x11d: {  	[tilespmem:v24+s18+$0x0] =	vst.idx.msk $0xffff, v4;
	vm9 =	veq.s32 v19, $0x2;
	v19 =	vld [tilespmem:s0+$0x20];
	v57 =	vsel vm0, $0x1, v2  }
0x11e: {  	v59 =	vld [tilespmem:s0+$0x30];
	vm10 =	veq.s32 v20, $0x2;
	v58 =	vsel vm9, $0x1, v2;
	v23 =	vadd.s32 v57, v25  }
0x11f: {  	vm11 =	veq.s32 v21, $0x2;
	v60 =	vsel vm10, $0x1, v2;
	v23 =	vadd.s32 v58, v23  }
0x120: {  	v62 =	vsel vm11, $0x1, v2;
	vm12 =	veq.s32 v22, $0x2;
	v61 =	vadd.s32 v60, v23  }
0x121: {  	v22 =	vsel vm12, $0x1, v2;
	v21 =	vadd.s32 v62, v61;
	vm13 =	veq.s32 v18, $0x2  }
0x122: {  	vm14 =	veq.s32 v19, $0x2;
	v18 =	vadd.s32 v22, v21;
	v63 =	vsel vm13, $0x1, v2  }
0x123: {  	vm15 =	veq.s32 v59, $0x2;
	v19 =	vsel vm14, $0x1, v2;
	v18 =	vadd.s32 v63, v18  }
0x124: {  	v18 =	vadd.s32 v19, v18;
	v19 =	vsel vm15, $0x1, v2  }
0x125: {  	v18 =	vadd.s32 v19, v18  }
0x126: {  	(xrf0) =	vadd.scan.msk.s32 $0xffff, v18;
	_ =	sdelay $0x5  }
0x127: {  	v18, _, _ =	vpop (xrf0)  }
0x128: {  	(v2sf) =	vpush v18, $0xF;
	_ =	sdelay $0xe  }
0x129: {  	s31 =	spop (v2sf)  }
0x12a: {  	s0 =	scvt.s32.f32 s31;
	_ =	sdelay $0x1  }
0x12b: {  	v18 =	vmov s0  }
0x12c: {  	v18 =	vsub.f32 $0.0e+00, v18;
	_ =	sdelay $0x1  }
0x12d: {  	v18 =	vbroadcast v18, $0x0  }
0x12e: {  	s25 =	simm.s32 $0x80  }
0x12f: {  	s2 =	sadd.s32 $0x0, s9;
	s26 =	simm.s32 $0x400;
	s0 =	simm.s32 $0x0;
	[tilespmem:v3+s19+$0x0] =	vst.idx.msk $0x1, v18  }
.LBB2_20:
0x130: {  	[tilespmem:s0], [sflag:$0x1] =	stream.linear.gather [hbm4b:s2+s3], $0x200, $0x38;
	[tilespmem:$0x12080] =	vst v63  }
0x131: {  	s2 =	smov.u32 s25;
	s0 =	smov.u32 s26;
	p0 =	sne.s32 s25, $0xF80  }
.Ltmp9:
0x132: {  	s25 =	sadd.s32 $0x80, s25;
	(pc) =	sbr.rel @p0 .LBB2_20-.Ltmp9, $2  }
0x133: {  	_ =	sdelay $0x2  }
0x134: {  	s26 =	sadd.s32 $0x400, s26;
	s2 =	sadd.s32 s2, s9  }
0x135: {  	[tilespmem:s0], [sflag:$0x1] =	stream.linear.gather [hbm4b:s2+s3], $0x200, $0x38;
	[tilespmem:$0x12080] =	vst v63  }
0x136: {  	_ =	swait.ge [sflag:s20], $0x4000  }
0x137: {  	[sflag:s20] =	ssyncset.done $0x0  }
0x138: {  	s30 =	simm.s32 $0x270;
	[sflag:s20] =	ssyncadd.s32 $0xFFFFC000  }
0x139: {  	v19 =	vld [tilespmem:s30+$0xFFFFFF90]  }
0x13a: {  	v20 =	vld [tilespmem:s30+$0xFFFFFFA0]  }
0x13b: {  	v21 =	vld [tilespmem:s30+$0xFFFFFFB0]  }
0x13c: {  	v22 =	vld [tilespmem:s30+$0xFFFFFFC0]  }
0x13d: {  	v23 =	vld [tilespmem:s30+$0xFFFFFFD0]  }
0x13e: {  	v24 =	vld [tilespmem:s30+$0xFFFFFFE0]  }
0x13f: {  	v25 =	vld [tilespmem:s30+$0xFFFFFFF0]  }
0x140: {  	s31 =	simm.s32 $0x670;
	v26 =	vld [tilespmem:s30+$0x0]  }
0x141: {  	s25 =	simm.s32 $0x11040;
	v18 =	vld [tilespmem:s31+$0xFFFFFF90];
	[tilespmem:v19+s17+$0x0] =	vst.idx.msk $0xffff, v5  }
0x142: {  	[tilespmem:v20+s17+$0x0] =	vst.idx.msk $0xffff, v5;
	v19 =	vld [tilespmem:s25+$0xFFFFFFC0]  }
0x143: {  	[tilespmem:v21+s17+$0x0] =	vst.idx.msk $0xffff, v5;
	v20 =	vld [tilespmem:s25+$0xFFFFFFD0]  }
0x144: {  	[tilespmem:v22+s17+$0x0] =	vst.idx.msk $0xffff, v5;
	v21 =	vld [tilespmem:s25+$0xFFFFFFE0]  }
0x145: {  	[tilespmem:v23+s17+$0x0] =	vst.idx.msk $0xffff, v5;
	v22 =	vld [tilespmem:s25+$0xFFFFFFF0]  }
0x146: {  	[tilespmem:v24+s17+$0x0] =	vst.idx.msk $0xffff, v5;
	v23 =	vld [tilespmem:s25+$0x0]  }
0x147: {  	[tilespmem:v25+s17+$0x0] =	vst.idx.msk $0xffff, v5;
	v24 =	vld [tilespmem:s25+$0x10];
	vm0 =	veq.s32 v19, $0x3  }
0x148: {  	[tilespmem:v26+s17+$0x0] =	vst.idx.msk $0xffff, v5;
	v27 =	vld [tilespmem:s25+$0x20];
	v19 =	vimm.s32 $0x0;
	vm9 =	veq.s32 v20, $0x3;
	v25 =	vsel vm0, $0x1, v2  }
0x149: {  	v26 =	vld [tilespmem:s25+$0x30];
	vm10 =	veq.s32 v21, $0x3;
	v20 =	vadd.s32 v25, v19;
	v25 =	vsel vm9, $0x1, v2  }
0x14a: {  	vm11 =	veq.s32 v22, $0x3;
	v19 =	vld [tilespmem:s31+$0xFFFFFFA0];
	v21 =	vadd.s32 v25, v20;
	v25 =	vsel vm10, $0x1, v2  }
0x14b: {  	vm12 =	veq.s32 v23, $0x3;
	v20 =	vld [tilespmem:s31+$0xFFFFFFB0];
	v22 =	vadd.s32 v25, v21;
	v25 =	vsel vm11, $0x1, v2  }
0x14c: {  	vm13 =	veq.s32 v24, $0x3;
	v21 =	vld [tilespmem:s31+$0xFFFFFFC0];
	v23 =	vadd.s32 v25, v22;
	v25 =	vsel vm12, $0x1, v2  }
0x14d: {  	vm14 =	veq.s32 v27, $0x3;
	v22 =	vld [tilespmem:s31+$0xFFFFFFD0];
	v24 =	vadd.s32 v25, v23;
	v25 =	vsel vm13, $0x1, v2  }
0x14e: {  	vm15 =	veq.s32 v26, $0x3;
	v23 =	vld [tilespmem:s31+$0xFFFFFFE0];
	v24 =	vadd.s32 v25, v24;
	v25 =	vsel vm14, $0x1, v2  }
0x14f: {  	v26 =	vld [tilespmem:s31+$0xFFFFFFF0];
	v27 =	vsel vm15, $0x1, v2;
	v25 =	vadd.s32 v25, v24  }
0x150: {  	s26 =	simm.s32 $0x8;
	s28 =	simm.s32 $0xA70;
	v24 =	vld [tilespmem:s31+$0x0];
	v25 =	vadd.s32 v27, v25  }
.LBB2_22:
0x151: {  	[tilespmem:v18+s17+$0x0] =	vst.idx.msk $0xffff, v5;
	v18 =	vld [tilespmem:s28+$0xFFFFFF90];
	s25 =	sadd.s32 $0x80, s25  }
0x152: {  	v27 =	vld [tilespmem:s25+$0xFFFFFFC0];
	[tilespmem:v19+s17+$0x0] =	vst.idx.msk $0xffff, v5  }
0x153: {  	v19 =	vld [tilespmem:s25+$0xFFFFFFD0];
	[tilespmem:v20+s17+$0x0] =	vst.idx.msk $0xffff, v5  }
0x154: {  	v20 =	vld [tilespmem:s25+$0xFFFFFFE0];
	[tilespmem:v21+s17+$0x0] =	vst.idx.msk $0xffff, v5  }
0x155: {  	v21 =	vld [tilespmem:s25+$0xFFFFFFF0];
	[tilespmem:v22+s17+$0x0] =	vst.idx.msk $0xffff, v5  }
0x156: {  	v22 =	vld [tilespmem:s25+$0x0];
	[tilespmem:v23+s17+$0x0] =	vst.idx.msk $0xffff, v5  }
0x157: {  	vm0 =	veq.s32 v27, $0x3;
	v23 =	vld [tilespmem:s25+$0x10];
	[tilespmem:v26+s17+$0x0] =	vst.idx.msk $0xffff, v5  }
0x158: {  	v26 =	vsel vm0, $0x1, v2;
	vm0 =	veq.s32 v19, $0x3;
	v27 =	vld [tilespmem:s25+$0x20];
	[tilespmem:v24+s17+$0x0] =	vst.idx.msk $0xffff, v5  }
0x159: {  	s26 =	sadd.s32 $0x8, s26;
	v24 =	vadd.s32 v26, v25;
	v25 =	vsel vm0, $0x1, v2;
	vm0 =	veq.s32 v20, $0x3;
	v26 =	vld [tilespmem:s25+$0x30]  }
0x15a: {  	p0 =	slt.u32 s26, $0xF8;
	v19 =	vld [tilespmem:s28+$0xFFFFFFA0];
	v24 =	vadd.s32 v25, v24;
	v25 =	vsel vm0, $0x1, v2;
	vm0 =	veq.s32 v21, $0x3  }
0x15b: {  	v20 =	vld [tilespmem:s28+$0xFFFFFFB0];
	v24 =	vadd.s32 v25, v24;
	v25 =	vsel vm0, $0x1, v2;
	vm0 =	veq.s32 v22, $0x3  }
.Ltmp10:
0x15c: {  	v21 =	vld [tilespmem:s28+$0xFFFFFFC0];
	v24 =	vadd.s32 v25, v24;
	v25 =	vsel vm0, $0x1, v2;
	vm0 =	veq.s32 v23, $0x3;
	(pc) =	sbr.rel @p0 .LBB2_22-.Ltmp10, $4  }
0x15d: {  	v22 =	vld [tilespmem:s28+$0xFFFFFFD0];
	v24 =	vadd.s32 v25, v24;
	v25 =	vsel vm0, $0x1, v2;
	vm0 =	veq.s32 v27, $0x3  }
0x15e: {  	v23 =	vld [tilespmem:s28+$0xFFFFFFE0];
	v24 =	vadd.s32 v25, v24;
	v25 =	vsel vm0, $0x1, v2;
	vm0 =	veq.s32 v26, $0x3  }
0x15f: {  	v26 =	vld [tilespmem:s28+$0xFFFFFFF0];
	v25 =	vadd.s32 v25, v24;
	v27 =	vsel vm0, $0x1, v2  }
0x160: {  	v24 =	vld [tilespmem:s28+$0x0];
	s28 =	sadd.s32 $0x400, s28;
	v25 =	vadd.s32 v27, v25  }
0x161: {  	_ =	sdelay $0x3  }
0x162: {  	[tilespmem:v18+s17+$0x0] =	vst.idx.msk $0xffff, v5;
	s0 =	sadd.s32 $0x80, s25  }
0x163: {  	[tilespmem:v19+s17+$0x0] =	vst.idx.msk $0xffff, v5;
	v18 =	vld [tilespmem:s0+$0xFFFFFFC0]  }
0x164: {  	[tilespmem:v20+s17+$0x0] =	vst.idx.msk $0xffff, v5;
	v19 =	vld [tilespmem:s0+$0xFFFFFFD0]  }
0x165: {  	[tilespmem:v21+s17+$0x0] =	vst.idx.msk $0xffff, v5;
	v20 =	vld [tilespmem:s0+$0xFFFFFFE0]  }
0x166: {  	v21 =	vld [tilespmem:s0+$0xFFFFFFF0];
	[tilespmem:v22+s17+$0x0] =	vst.idx.msk $0xffff, v5  }
0x167: {  	v22 =	vld [tilespmem:s0+$0x0];
	[tilespmem:v23+s17+$0x0] =	vst.idx.msk $0xffff, v5  }
0x168: {  	[tilespmem:v26+s17+$0x0] =	vst.idx.msk $0xffff, v5;
	vm0 =	veq.s32 v18, $0x3;
	v18 =	vld [tilespmem:s0+$0x10]  }
0x169: {  	[tilespmem:v24+s17+$0x0] =	vst.idx.msk $0xffff, v5;
	vm13 =	veq.s32 v19, $0x3;
	v19 =	vld [tilespmem:s0+$0x20];
	v23 =	vsel vm0, $0x1, v2  }
0x16a: {  	vm14 =	veq.s32 v20, $0x3;
	v20 =	vld [tilespmem:s0+$0x30];
	v24 =	vsel vm13, $0x1, v2;
	v23 =	vadd.s32 v23, v25  }
0x16b: {  	vm15 =	veq.s32 v21, $0x3;
	v23 =	vadd.s32 v24, v23;
	v24 =	vsel vm14, $0x1, v2  }
0x16c: {  	vm4 =	veq.s32 v22, $0x3;
	v21 =	vadd.s32 v24, v23;
	v23 =	vsel vm15, $0x1, v2  }
0x16d: {  	v22 =	vsel vm4, $0x1, v2;
	v21 =	vadd.s32 v23, v21;
	vm5 =	veq.s32 v18, $0x3  }
0x16e: {  	vm6 =	veq.s32 v19, $0x3;
	v18 =	vadd.s32 v22, v21;
	v21 =	vsel vm5, $0x1, v2  }
0x16f: {  	vm7 =	veq.s32 v20, $0x3;
	v19 =	vsel vm6, $0x1, v2;
	v18 =	vadd.s32 v21, v18  }
0x170: {  	v18 =	vadd.s32 v19, v18;
	v19 =	vsel vm7, $0x1, v2  }
0x171: {  	v18 =	vadd.s32 v19, v18  }
0x172: {  	(xrf0) =	vadd.scan.msk.s32 $0xffff, v18;
	_ =	sdelay $0x5  }
0x173: {  	v18, _, _ =	vpop (xrf0)  }
0x174: {  	(v2sf) =	vpush v18, $0xF;
	_ =	sdelay $0xe  }
0x175: {  	s29 =	spop (v2sf)  }
0x176: {  	s0 =	scvt.s32.f32 s29;
	_ =	sdelay $0x1  }
0x177: {  	v18 =	vmov s0  }
0x178: {  	v18 =	vsub.f32 $0.0e+00, v18;
	_ =	sdelay $0x1  }
0x179: {  	v18 =	vbroadcast v18, $0x0;
	_ =	sdelay $0x1  }
0x17a: {  	s30 =	simm.s32 $0x2F0;
	[tilespmem:v4+s19+$0x0] =	vst.idx.msk $0x1, v18  }
0x17b: {  	v19 =	vld [tilespmem:s30+$0xFFFFFF90]  }
0x17c: {  	v20 =	vld [tilespmem:s30+$0xFFFFFFA0]  }
0x17d: {  	v21 =	vld [tilespmem:s30+$0xFFFFFFB0]  }
0x17e: {  	v22 =	vld [tilespmem:s30+$0xFFFFFFC0]  }
0x17f: {  	v23 =	vld [tilespmem:s30+$0xFFFFFFD0]  }
0x180: {  	v24 =	vld [tilespmem:s30+$0xFFFFFFE0]  }
0x181: {  	v25 =	vld [tilespmem:s30+$0xFFFFFFF0]  }
0x182: {  	s31 =	simm.s32 $0x6F0;
	v26 =	vld [tilespmem:s30+$0x0]  }
0x183: {  	s25 =	simm.s32 $0x10040;
	v18 =	vld [tilespmem:s31+$0xFFFFFF90];
	[tilespmem:v19+s18+$0x0] =	vst.idx.msk $0xffff, v6  }
0x184: {  	[tilespmem:v20+s18+$0x0] =	vst.idx.msk $0xffff, v6;
	v19 =	vld [tilespmem:s25+$0xFFFFFFC0]  }
0x185: {  	[tilespmem:v21+s18+$0x0] =	vst.idx.msk $0xffff, v6;
	v20 =	vld [tilespmem:s25+$0xFFFFFFD0]  }
0x186: {  	[tilespmem:v22+s18+$0x0] =	vst.idx.msk $0xffff, v6;
	v21 =	vld [tilespmem:s25+$0xFFFFFFE0]  }
0x187: {  	[tilespmem:v23+s18+$0x0] =	vst.idx.msk $0xffff, v6;
	v22 =	vld [tilespmem:s25+$0xFFFFFFF0]  }
0x188: {  	[tilespmem:v24+s18+$0x0] =	vst.idx.msk $0xffff, v6;
	v23 =	vld [tilespmem:s25+$0x0]  }
0x189: {  	[tilespmem:v25+s18+$0x0] =	vst.idx.msk $0xffff, v6;
	v24 =	vld [tilespmem:s25+$0x10];
	vm8 =	veq.s32 v19, $0x4  }
0x18a: {  	[tilespmem:v26+s18+$0x0] =	vst.idx.msk $0xffff, v6;
	v27 =	vld [tilespmem:s25+$0x20];
	v19 =	vimm.s32 $0x0;
	vm9 =	veq.s32 v20, $0x4;
	v25 =	vsel vm8, $0x1, v2  }
0x18b: {  	v26 =	vld [tilespmem:s25+$0x30];
	vm10 =	veq.s32 v21, $0x4;
	v20 =	vadd.s32 v25, v19;
	v25 =	vsel vm9, $0x1, v2  }
0x18c: {  	vm11 =	veq.s32 v22, $0x4;
	v19 =	vld [tilespmem:s31+$0xFFFFFFA0];
	v21 =	vadd.s32 v25, v20;
	v25 =	vsel vm10, $0x1, v2  }
0x18d: {  	vm12 =	veq.s32 v23, $0x4;
	v20 =	vld [tilespmem:s31+$0xFFFFFFB0];
	v22 =	vadd.s32 v25, v21;
	v25 =	vsel vm11, $0x1, v2  }
0x18e: {  	vm13 =	veq.s32 v24, $0x4;
	v21 =	vld [tilespmem:s31+$0xFFFFFFC0];
	v23 =	vadd.s32 v25, v22;
	v25 =	vsel vm12, $0x1, v2  }
0x18f: {  	vm14 =	veq.s32 v27, $0x4;
	v22 =	vld [tilespmem:s31+$0xFFFFFFD0];
	v24 =	vadd.s32 v25, v23;
	v25 =	vsel vm13, $0x1, v2  }
0x190: {  	vm15 =	veq.s32 v26, $0x4;
	v23 =	vld [tilespmem:s31+$0xFFFFFFE0];
	v24 =	vadd.s32 v25, v24;
	v25 =	vsel vm14, $0x1, v2  }
0x191: {  	v26 =	vld [tilespmem:s31+$0xFFFFFFF0];
	v27 =	vsel vm15, $0x1, v2;
	v25 =	vadd.s32 v25, v24  }
0x192: {  	s26 =	simm.s32 $0x8;
	s28 =	simm.s32 $0xAF0;
	v24 =	vld [tilespmem:s31+$0x0];
	v25 =	vadd.s32 v27, v25  }
.LBB2_24:
0x193: {  	[tilespmem:v18+s18+$0x0] =	vst.idx.msk $0xffff, v6;
	v18 =	vld [tilespmem:s28+$0xFFFFFF90];
	s25 =	sadd.s32 $0x80, s25  }
0x194: {  	v27 =	vld [tilespmem:s25+$0xFFFFFFC0];
	[tilespmem:v19+s18+$0x0] =	vst.idx.msk $0xffff, v6  }
0x195: {  	v19 =	vld [tilespmem:s25+$0xFFFFFFD0];
	[tilespmem:v20+s18+$0x0] =	vst.idx.msk $0xffff, v6  }
0x196: {  	v20 =	vld [tilespmem:s25+$0xFFFFFFE0];
	[tilespmem:v21+s18+$0x0] =	vst.idx.msk $0xffff, v6  }
0x197: {  	v21 =	vld [tilespmem:s25+$0xFFFFFFF0];
	[tilespmem:v22+s18+$0x0] =	vst.idx.msk $0xffff, v6  }
0x198: {  	v22 =	vld [tilespmem:s25+$0x0];
	[tilespmem:v23+s18+$0x0] =	vst.idx.msk $0xffff, v6  }
0x199: {  	vm0 =	veq.s32 v27, $0x4;
	v23 =	vld [tilespmem:s25+$0x10];
	[tilespmem:v26+s18+$0x0] =	vst.idx.msk $0xffff, v6  }
0x19a: {  	v26 =	vsel vm0, $0x1, v2;
	vm0 =	veq.s32 v19, $0x4;
	v27 =	vld [tilespmem:s25+$0x20];
	[tilespmem:v24+s18+$0x0] =	vst.idx.msk $0xffff, v6  }
0x19b: {  	s26 =	sadd.s32 $0x8, s26;
	v24 =	vadd.s32 v26, v25;
	v25 =	vsel vm0, $0x1, v2;
	vm0 =	veq.s32 v20, $0x4;
	v26 =	vld [tilespmem:s25+$0x30]  }
0x19c: {  	p0 =	slt.u32 s26, $0xF8;
	v19 =	vld [tilespmem:s28+$0xFFFFFFA0];
	v24 =	vadd.s32 v25, v24;
	v25 =	vsel vm0, $0x1, v2;
	vm0 =	veq.s32 v21, $0x4  }
0x19d: {  	v20 =	vld [tilespmem:s28+$0xFFFFFFB0];
	v24 =	vadd.s32 v25, v24;
	v25 =	vsel vm0, $0x1, v2;
	vm0 =	veq.s32 v22, $0x4  }
.Ltmp11:
0x19e: {  	v21 =	vld [tilespmem:s28+$0xFFFFFFC0];
	v24 =	vadd.s32 v25, v24;
	v25 =	vsel vm0, $0x1, v2;
	vm0 =	veq.s32 v23, $0x4;
	(pc) =	sbr.rel @p0 .LBB2_24-.Ltmp11, $4  }
0x19f: {  	v22 =	vld [tilespmem:s28+$0xFFFFFFD0];
	v24 =	vadd.s32 v25, v24;
	v25 =	vsel vm0, $0x1, v2;
	vm0 =	veq.s32 v27, $0x4  }
0x1a0: {  	v23 =	vld [tilespmem:s28+$0xFFFFFFE0];
	v24 =	vadd.s32 v25, v24;
	v25 =	vsel vm0, $0x1, v2;
	vm0 =	veq.s32 v26, $0x4  }
0x1a1: {  	v26 =	vld [tilespmem:s28+$0xFFFFFFF0];
	v25 =	vadd.s32 v25, v24;
	v27 =	vsel vm0, $0x1, v2  }
0x1a2: {  	v24 =	vld [tilespmem:s28+$0x0];
	s28 =	sadd.s32 $0x400, s28;
	v25 =	vadd.s32 v27, v25  }
0x1a3: {  	_ =	sdelay $0x3  }
0x1a4: {  	[tilespmem:v18+s18+$0x0] =	vst.idx.msk $0xffff, v6;
	s0 =	sadd.s32 $0x80, s25  }
0x1a5: {  	[tilespmem:v19+s18+$0x0] =	vst.idx.msk $0xffff, v6;
	v18 =	vld [tilespmem:s0+$0xFFFFFFC0]  }
0x1a6: {  	[tilespmem:v20+s18+$0x0] =	vst.idx.msk $0xffff, v6;
	v19 =	vld [tilespmem:s0+$0xFFFFFFD0]  }
0x1a7: {  	[tilespmem:v21+s18+$0x0] =	vst.idx.msk $0xffff, v6;
	v20 =	vld [tilespmem:s0+$0xFFFFFFE0]  }
0x1a8: {  	v21 =	vld [tilespmem:s0+$0xFFFFFFF0];
	[tilespmem:v22+s18+$0x0] =	vst.idx.msk $0xffff, v6  }
0x1a9: {  	v22 =	vld [tilespmem:s0+$0x0];
	[tilespmem:v23+s18+$0x0] =	vst.idx.msk $0xffff, v6  }
0x1aa: {  	[tilespmem:v26+s18+$0x0] =	vst.idx.msk $0xffff, v6;
	vm0 =	veq.s32 v18, $0x4;
	v18 =	vld [tilespmem:s0+$0x10]  }
0x1ab: {  	[tilespmem:v24+s18+$0x0] =	vst.idx.msk $0xffff, v6;
	vm13 =	veq.s32 v19, $0x4;
	v19 =	vld [tilespmem:s0+$0x20];
	v23 =	vsel vm0, $0x1, v2  }
0x1ac: {  	vm14 =	veq.s32 v20, $0x4;
	v20 =	vld [tilespmem:s0+$0x30];
	v24 =	vsel vm13, $0x1, v2;
	v23 =	vadd.s32 v23, v25  }
0x1ad: {  	vm15 =	veq.s32 v21, $0x4;
	v23 =	vadd.s32 v24, v23;
	v24 =	vsel vm14, $0x1, v2  }
0x1ae: {  	vm4 =	veq.s32 v22, $0x4;
	v21 =	vadd.s32 v24, v23;
	v23 =	vsel vm15, $0x1, v2  }
0x1af: {  	v22 =	vsel vm4, $0x1, v2;
	v21 =	vadd.s32 v23, v21;
	vm5 =	veq.s32 v18, $0x4  }
0x1b0: {  	vm6 =	veq.s32 v19, $0x4;
	v18 =	vadd.s32 v22, v21;
	v21 =	vsel vm5, $0x1, v2  }
0x1b1: {  	vm7 =	veq.s32 v20, $0x4;
	v19 =	vsel vm6, $0x1, v2;
	v18 =	vadd.s32 v21, v18  }
0x1b2: {  	v18 =	vadd.s32 v19, v18;
	v19 =	vsel vm7, $0x1, v2  }
0x1b3: {  	v18 =	vadd.s32 v19, v18  }
0x1b4: {  	(xrf0) =	vadd.scan.msk.s32 $0xffff, v18;
	_ =	sdelay $0x5  }
0x1b5: {  	v18, _, _ =	vpop (xrf0)  }
0x1b6: {  	(v2sf) =	vpush v18, $0xF;
	_ =	sdelay $0xe  }
0x1b7: {  	s29 =	spop (v2sf)  }
0x1b8: {  	s0 =	scvt.s32.f32 s29;
	_ =	sdelay $0x1  }
0x1b9: {  	v18 =	vmov s0  }
0x1ba: {  	v18 =	vsub.f32 $0.0e+00, v18;
	_ =	sdelay $0x1  }
0x1bb: {  	v18 =	vbroadcast v18, $0x0;
	_ =	sdelay $0x1  }
0x1bc: {  	s30 =	simm.s32 $0x370;
	[tilespmem:v5+s19+$0x0] =	vst.idx.msk $0x1, v18  }
0x1bd: {  	v19 =	vld [tilespmem:s30+$0xFFFFFF90]  }
0x1be: {  	v20 =	vld [tilespmem:s30+$0xFFFFFFA0]  }
0x1bf: {  	v21 =	vld [tilespmem:s30+$0xFFFFFFB0]  }
0x1c0: {  	v22 =	vld [tilespmem:s30+$0xFFFFFFC0]  }
0x1c1: {  	v23 =	vld [tilespmem:s30+$0xFFFFFFD0]  }
0x1c2: {  	v24 =	vld [tilespmem:s30+$0xFFFFFFE0]  }
0x1c3: {  	v25 =	vld [tilespmem:s30+$0xFFFFFFF0]  }
0x1c4: {  	s31 =	simm.s32 $0x770;
	v26 =	vld [tilespmem:s30+$0x0]  }
0x1c5: {  	s25 =	simm.s32 $0x11040;
	v18 =	vld [tilespmem:s31+$0xFFFFFF90];
	[tilespmem:v19+s17+$0x0] =	vst.idx.msk $0xffff, v7  }
0x1c6: {  	[tilespmem:v20+s17+$0x0] =	vst.idx.msk $0xffff, v7;
	v19 =	vld [tilespmem:s25+$0xFFFFFFC0]  }
0x1c7: {  	[tilespmem:v21+s17+$0x0] =	vst.idx.msk $0xffff, v7;
	v20 =	vld [tilespmem:s25+$0xFFFFFFD0]  }
0x1c8: {  	[tilespmem:v22+s17+$0x0] =	vst.idx.msk $0xffff, v7;
	v21 =	vld [tilespmem:s25+$0xFFFFFFE0]  }
0x1c9: {  	[tilespmem:v23+s17+$0x0] =	vst.idx.msk $0xffff, v7;
	v22 =	vld [tilespmem:s25+$0xFFFFFFF0]  }
0x1ca: {  	[tilespmem:v24+s17+$0x0] =	vst.idx.msk $0xffff, v7;
	v23 =	vld [tilespmem:s25+$0x0]  }
0x1cb: {  	[tilespmem:v25+s17+$0x0] =	vst.idx.msk $0xffff, v7;
	v24 =	vld [tilespmem:s25+$0x10];
	vm8 =	veq.s32 v19, $0x5  }
0x1cc: {  	[tilespmem:v26+s17+$0x0] =	vst.idx.msk $0xffff, v7;
	v27 =	vld [tilespmem:s25+$0x20];
	v19 =	vimm.s32 $0x0;
	vm9 =	veq.s32 v20, $0x5;
	v25 =	vsel vm8, $0x1, v2  }
0x1cd: {  	v26 =	vld [tilespmem:s25+$0x30];
	vm10 =	veq.s32 v21, $0x5;
	v20 =	vadd.s32 v25, v19;
	v25 =	vsel vm9, $0x1, v2  }
0x1ce: {  	vm11 =	veq.s32 v22, $0x5;
	v19 =	vld [tilespmem:s31+$0xFFFFFFA0];
	v21 =	vadd.s32 v25, v20;
	v25 =	vsel vm10, $0x1, v2  }
0x1cf: {  	vm12 =	veq.s32 v23, $0x5;
	v20 =	vld [tilespmem:s31+$0xFFFFFFB0];
	v22 =	vadd.s32 v25, v21;
	v25 =	vsel vm11, $0x1, v2  }
0x1d0: {  	vm13 =	veq.s32 v24, $0x5;
	v21 =	vld [tilespmem:s31+$0xFFFFFFC0];
	v23 =	vadd.s32 v25, v22;
	v25 =	vsel vm12, $0x1, v2  }
0x1d1: {  	vm14 =	veq.s32 v27, $0x5;
	v22 =	vld [tilespmem:s31+$0xFFFFFFD0];
	v24 =	vadd.s32 v25, v23;
	v25 =	vsel vm13, $0x1, v2  }
0x1d2: {  	vm15 =	veq.s32 v26, $0x5;
	v23 =	vld [tilespmem:s31+$0xFFFFFFE0];
	v24 =	vadd.s32 v25, v24;
	v25 =	vsel vm14, $0x1, v2  }
0x1d3: {  	v26 =	vld [tilespmem:s31+$0xFFFFFFF0];
	v27 =	vsel vm15, $0x1, v2;
	v25 =	vadd.s32 v25, v24  }
0x1d4: {  	s26 =	simm.s32 $0x8;
	s28 =	simm.s32 $0xB70;
	v24 =	vld [tilespmem:s31+$0x0];
	v25 =	vadd.s32 v27, v25  }
.LBB2_26:
0x1d5: {  	[tilespmem:v18+s17+$0x0] =	vst.idx.msk $0xffff, v7;
	v18 =	vld [tilespmem:s28+$0xFFFFFF90];
	s25 =	sadd.s32 $0x80, s25  }
0x1d6: {  	v27 =	vld [tilespmem:s25+$0xFFFFFFC0];
	[tilespmem:v19+s17+$0x0] =	vst.idx.msk $0xffff, v7  }
0x1d7: {  	v19 =	vld [tilespmem:s25+$0xFFFFFFD0];
	[tilespmem:v20+s17+$0x0] =	vst.idx.msk $0xffff, v7  }
0x1d8: {  	v20 =	vld [tilespmem:s25+$0xFFFFFFE0];
	[tilespmem:v21+s17+$0x0] =	vst.idx.msk $0xffff, v7  }
0x1d9: {  	v21 =	vld [tilespmem:s25+$0xFFFFFFF0];
	[tilespmem:v22+s17+$0x0] =	vst.idx.msk $0xffff, v7  }
0x1da: {  	v22 =	vld [tilespmem:s25+$0x0];
	[tilespmem:v23+s17+$0x0] =	vst.idx.msk $0xffff, v7  }
0x1db: {  	vm0 =	veq.s32 v27, $0x5;
	v23 =	vld [tilespmem:s25+$0x10];
	[tilespmem:v26+s17+$0x0] =	vst.idx.msk $0xffff, v7  }
0x1dc: {  	v26 =	vsel vm0, $0x1, v2;
	vm0 =	veq.s32 v19, $0x5;
	v27 =	vld [tilespmem:s25+$0x20];
	[tilespmem:v24+s17+$0x0] =	vst.idx.msk $0xffff, v7  }
0x1dd: {  	s26 =	sadd.s32 $0x8, s26;
	v24 =	vadd.s32 v26, v25;
	v25 =	vsel vm0, $0x1, v2;
	vm0 =	veq.s32 v20, $0x5;
	v26 =	vld [tilespmem:s25+$0x30]  }
0x1de: {  	p0 =	slt.u32 s26, $0xF8;
	v19 =	vld [tilespmem:s28+$0xFFFFFFA0];
	v24 =	vadd.s32 v25, v24;
	v25 =	vsel vm0, $0x1, v2;
	vm0 =	veq.s32 v21, $0x5  }
0x1df: {  	v20 =	vld [tilespmem:s28+$0xFFFFFFB0];
	v24 =	vadd.s32 v25, v24;
	v25 =	vsel vm0, $0x1, v2;
	vm0 =	veq.s32 v22, $0x5  }
.Ltmp12:
0x1e0: {  	v21 =	vld [tilespmem:s28+$0xFFFFFFC0];
	v24 =	vadd.s32 v25, v24;
	v25 =	vsel vm0, $0x1, v2;
	vm0 =	veq.s32 v23, $0x5;
	(pc) =	sbr.rel @p0 .LBB2_26-.Ltmp12, $4  }
0x1e1: {  	v22 =	vld [tilespmem:s28+$0xFFFFFFD0];
	v24 =	vadd.s32 v25, v24;
	v25 =	vsel vm0, $0x1, v2;
	vm0 =	veq.s32 v27, $0x5  }
0x1e2: {  	v23 =	vld [tilespmem:s28+$0xFFFFFFE0];
	v24 =	vadd.s32 v25, v24;
	v25 =	vsel vm0, $0x1, v2;
	vm0 =	veq.s32 v26, $0x5  }
0x1e3: {  	v26 =	vld [tilespmem:s28+$0xFFFFFFF0];
	v25 =	vadd.s32 v25, v24;
	v27 =	vsel vm0, $0x1, v2  }
0x1e4: {  	v24 =	vld [tilespmem:s28+$0x0];
	s28 =	sadd.s32 $0x400, s28;
	v25 =	vadd.s32 v27, v25  }
0x1e5: {  	_ =	sdelay $0x3  }
0x1e6: {  	[tilespmem:v18+s17+$0x0] =	vst.idx.msk $0xffff, v7;
	s0 =	sadd.s32 $0x80, s25  }
0x1e7: {  	[tilespmem:v19+s17+$0x0] =	vst.idx.msk $0xffff, v7;
	v18 =	vld [tilespmem:s0+$0xFFFFFFC0]  }
0x1e8: {  	[tilespmem:v20+s17+$0x0] =	vst.idx.msk $0xffff, v7;
	v19 =	vld [tilespmem:s0+$0xFFFFFFD0]  }
0x1e9: {  	[tilespmem:v21+s17+$0x0] =	vst.idx.msk $0xffff, v7;
	v20 =	vld [tilespmem:s0+$0xFFFFFFE0]  }
0x1ea: {  	v21 =	vld [tilespmem:s0+$0xFFFFFFF0];
	[tilespmem:v22+s17+$0x0] =	vst.idx.msk $0xffff, v7  }
0x1eb: {  	v22 =	vld [tilespmem:s0+$0x0];
	[tilespmem:v23+s17+$0x0] =	vst.idx.msk $0xffff, v7  }
0x1ec: {  	[tilespmem:v26+s17+$0x0] =	vst.idx.msk $0xffff, v7;
	vm0 =	veq.s32 v18, $0x5;
	v18 =	vld [tilespmem:s0+$0x10]  }
0x1ed: {  	[tilespmem:v24+s17+$0x0] =	vst.idx.msk $0xffff, v7;
	vm13 =	veq.s32 v19, $0x5;
	v19 =	vld [tilespmem:s0+$0x20];
	v23 =	vsel vm0, $0x1, v2  }
0x1ee: {  	vm14 =	veq.s32 v20, $0x5;
	v20 =	vld [tilespmem:s0+$0x30];
	v24 =	vsel vm13, $0x1, v2;
	v23 =	vadd.s32 v23, v25  }
0x1ef: {  	vm15 =	veq.s32 v21, $0x5;
	v23 =	vadd.s32 v24, v23;
	v24 =	vsel vm14, $0x1, v2  }
0x1f0: {  	vm4 =	veq.s32 v22, $0x5;
	v21 =	vadd.s32 v24, v23;
	v23 =	vsel vm15, $0x1, v2  }
0x1f1: {  	v22 =	vsel vm4, $0x1, v2;
	v21 =	vadd.s32 v23, v21;
	vm5 =	veq.s32 v18, $0x5  }
0x1f2: {  	vm6 =	veq.s32 v19, $0x5;
	v18 =	vadd.s32 v22, v21;
	v21 =	vsel vm5, $0x1, v2  }
0x1f3: {  	vm7 =	veq.s32 v20, $0x5;
	v19 =	vsel vm6, $0x1, v2;
	v18 =	vadd.s32 v21, v18  }
0x1f4: {  	v18 =	vadd.s32 v19, v18;
	v19 =	vsel vm7, $0x1, v2  }
0x1f5: {  	v18 =	vadd.s32 v19, v18  }
0x1f6: {  	(xrf0) =	vadd.scan.msk.s32 $0xffff, v18;
	_ =	sdelay $0x5  }
0x1f7: {  	v18, _, _ =	vpop (xrf0)  }
0x1f8: {  	(v2sf) =	vpush v18, $0xF;
	_ =	sdelay $0xe  }
0x1f9: {  	s29 =	spop (v2sf)  }
0x1fa: {  	s0 =	scvt.s32.f32 s29;
	_ =	sdelay $0x1  }
0x1fb: {  	v18 =	vmov s0  }
0x1fc: {  	v18 =	vsub.f32 $0.0e+00, v18;
	_ =	sdelay $0x1  }
0x1fd: {  	v18 =	vbroadcast v18, $0x0;
	_ =	sdelay $0x1  }
0x1fe: {  	s30 =	simm.s32 $0x3F0;
	[tilespmem:v6+s19+$0x0] =	vst.idx.msk $0x1, v18  }
0x1ff: {  	v19 =	vld [tilespmem:s30+$0xFFFFFF90]  }
0x200: {  	v20 =	vld [tilespmem:s30+$0xFFFFFFA0]  }
0x201: {  	v21 =	vld [tilespmem:s30+$0xFFFFFFB0]  }
0x202: {  	v22 =	vld [tilespmem:s30+$0xFFFFFFC0]  }
0x203: {  	v23 =	vld [tilespmem:s30+$0xFFFFFFD0]  }
0x204: {  	v24 =	vld [tilespmem:s30+$0xFFFFFFE0]  }
0x205: {  	v25 =	vld [tilespmem:s30+$0xFFFFFFF0]  }
0x206: {  	s31 =	simm.s32 $0x7F0;
	v26 =	vld [tilespmem:s30+$0x0]  }
0x207: {  	s25 =	simm.s32 $0x10040;
	v18 =	vld [tilespmem:s31+$0xFFFFFF90];
	[tilespmem:v19+s18+$0x0] =	vst.idx.msk $0xffff, v8  }
0x208: {  	[tilespmem:v20+s18+$0x0] =	vst.idx.msk $0xffff, v8;
	v19 =	vld [tilespmem:s25+$0xFFFFFFC0]  }
0x209: {  	[tilespmem:v21+s18+$0x0] =	vst.idx.msk $0xffff, v8;
	v20 =	vld [tilespmem:s25+$0xFFFFFFD0]  }
0x20a: {  	[tilespmem:v22+s18+$0x0] =	vst.idx.msk $0xffff, v8;
	v21 =	vld [tilespmem:s25+$0xFFFFFFE0]  }
0x20b: {  	[tilespmem:v23+s18+$0x0] =	vst.idx.msk $0xffff, v8;
	v22 =	vld [tilespmem:s25+$0xFFFFFFF0]  }
0x20c: {  	[tilespmem:v24+s18+$0x0] =	vst.idx.msk $0xffff, v8;
	v23 =	vld [tilespmem:s25+$0x0]  }
0x20d: {  	[tilespmem:v25+s18+$0x0] =	vst.idx.msk $0xffff, v8;
	v24 =	vld [tilespmem:s25+$0x10];
	vm8 =	veq.s32 v19, $0x6  }
0x20e: {  	[tilespmem:v26+s18+$0x0] =	vst.idx.msk $0xffff, v8;
	v27 =	vld [tilespmem:s25+$0x20];
	v19 =	vimm.s32 $0x0;
	vm9 =	veq.s32 v20, $0x6;
	v25 =	vsel vm8, $0x1, v2  }
0x20f: {  	v26 =	vld [tilespmem:s25+$0x30];
	vm10 =	veq.s32 v21, $0x6;
	v20 =	vadd.s32 v25, v19;
	v25 =	vsel vm9, $0x1, v2  }
0x210: {  	vm11 =	veq.s32 v22, $0x6;
	v19 =	vld [tilespmem:s31+$0xFFFFFFA0];
	v21 =	vadd.s32 v25, v20;
	v25 =	vsel vm10, $0x1, v2  }
0x211: {  	vm12 =	veq.s32 v23, $0x6;
	v20 =	vld [tilespmem:s31+$0xFFFFFFB0];
	v22 =	vadd.s32 v25, v21;
	v25 =	vsel vm11, $0x1, v2  }
0x212: {  	vm13 =	veq.s32 v24, $0x6;
	v21 =	vld [tilespmem:s31+$0xFFFFFFC0];
	v23 =	vadd.s32 v25, v22;
	v25 =	vsel vm12, $0x1, v2  }
0x213: {  	vm14 =	veq.s32 v27, $0x6;
	v22 =	vld [tilespmem:s31+$0xFFFFFFD0];
	v24 =	vadd.s32 v25, v23;
	v25 =	vsel vm13, $0x1, v2  }
0x214: {  	vm15 =	veq.s32 v26, $0x6;
	v23 =	vld [tilespmem:s31+$0xFFFFFFE0];
	v24 =	vadd.s32 v25, v24;
	v25 =	vsel vm14, $0x1, v2  }
0x215: {  	v26 =	vld [tilespmem:s31+$0xFFFFFFF0];
	v27 =	vsel vm15, $0x1, v2;
	v25 =	vadd.s32 v25, v24  }
0x216: {  	s26 =	simm.s32 $0x8;
	s28 =	simm.s32 $0xBF0;
	v24 =	vld [tilespmem:s31+$0x0];
	v25 =	vadd.s32 v27, v25  }
.LBB2_28:
0x217: {  	[tilespmem:v18+s18+$0x0] =	vst.idx.msk $0xffff, v8;
	v18 =	vld [tilespmem:s28+$0xFFFFFF90];
	s25 =	sadd.s32 $0x80, s25  }
0x218: {  	v27 =	vld [tilespmem:s25+$0xFFFFFFC0];
	[tilespmem:v19+s18+$0x0] =	vst.idx.msk $0xffff, v8  }
0x219: {  	v19 =	vld [tilespmem:s25+$0xFFFFFFD0];
	[tilespmem:v20+s18+$0x0] =	vst.idx.msk $0xffff, v8  }
0x21a: {  	v20 =	vld [tilespmem:s25+$0xFFFFFFE0];
	[tilespmem:v21+s18+$0x0] =	vst.idx.msk $0xffff, v8  }
0x21b: {  	v21 =	vld [tilespmem:s25+$0xFFFFFFF0];
	[tilespmem:v22+s18+$0x0] =	vst.idx.msk $0xffff, v8  }
0x21c: {  	v22 =	vld [tilespmem:s25+$0x0];
	[tilespmem:v23+s18+$0x0] =	vst.idx.msk $0xffff, v8  }
0x21d: {  	vm0 =	veq.s32 v27, $0x6;
	v23 =	vld [tilespmem:s25+$0x10];
	[tilespmem:v26+s18+$0x0] =	vst.idx.msk $0xffff, v8  }
0x21e: {  	v26 =	vsel vm0, $0x1, v2;
	vm0 =	veq.s32 v19, $0x6;
	v27 =	vld [tilespmem:s25+$0x20];
	[tilespmem:v24+s18+$0x0] =	vst.idx.msk $0xffff, v8  }
0x21f: {  	s26 =	sadd.s32 $0x8, s26;
	v24 =	vadd.s32 v26, v25;
	v25 =	vsel vm0, $0x1, v2;
	vm0 =	veq.s32 v20, $0x6;
	v26 =	vld [tilespmem:s25+$0x30]  }
0x220: {  	p0 =	slt.u32 s26, $0xF8;
	v19 =	vld [tilespmem:s28+$0xFFFFFFA0];
	v24 =	vadd.s32 v25, v24;
	v25 =	vsel vm0, $0x1, v2;
	vm0 =	veq.s32 v21, $0x6  }
0x221: {  	v20 =	vld [tilespmem:s28+$0xFFFFFFB0];
	v24 =	vadd.s32 v25, v24;
	v25 =	vsel vm0, $0x1, v2;
	vm0 =	veq.s32 v22, $0x6  }
.Ltmp13:
0x222: {  	v21 =	vld [tilespmem:s28+$0xFFFFFFC0];
	v24 =	vadd.s32 v25, v24;
	v25 =	vsel vm0, $0x1, v2;
	vm0 =	veq.s32 v23, $0x6;
	(pc) =	sbr.rel @p0 .LBB2_28-.Ltmp13, $4  }
0x223: {  	v22 =	vld [tilespmem:s28+$0xFFFFFFD0];
	v24 =	vadd.s32 v25, v24;
	v25 =	vsel vm0, $0x1, v2;
	vm0 =	veq.s32 v27, $0x6  }
0x224: {  	v23 =	vld [tilespmem:s28+$0xFFFFFFE0];
	v24 =	vadd.s32 v25, v24;
	v25 =	vsel vm0, $0x1, v2;
	vm0 =	veq.s32 v26, $0x6  }
0x225: {  	v26 =	vld [tilespmem:s28+$0xFFFFFFF0];
	v25 =	vadd.s32 v25, v24;
	v27 =	vsel vm0, $0x1, v2  }
0x226: {  	v24 =	vld [tilespmem:s28+$0x0];
	s28 =	sadd.s32 $0x400, s28;
	v25 =	vadd.s32 v27, v25  }
0x227: {  	_ =	sdelay $0x3  }
0x228: {  	[tilespmem:v18+s18+$0x0] =	vst.idx.msk $0xffff, v8;
	s0 =	sadd.s32 $0x80, s25  }
0x229: {  	[tilespmem:v19+s18+$0x0] =	vst.idx.msk $0xffff, v8;
	v18 =	vld [tilespmem:s0+$0xFFFFFFC0]  }
0x22a: {  	[tilespmem:v20+s18+$0x0] =	vst.idx.msk $0xffff, v8;
	v19 =	vld [tilespmem:s0+$0xFFFFFFD0]  }
0x22b: {  	[tilespmem:v21+s18+$0x0] =	vst.idx.msk $0xffff, v8;
	v20 =	vld [tilespmem:s0+$0xFFFFFFE0]  }
0x22c: {  	v21 =	vld [tilespmem:s0+$0xFFFFFFF0];
	[tilespmem:v22+s18+$0x0] =	vst.idx.msk $0xffff, v8  }
0x22d: {  	v22 =	vld [tilespmem:s0+$0x0];
	[tilespmem:v23+s18+$0x0] =	vst.idx.msk $0xffff, v8  }
0x22e: {  	[tilespmem:v26+s18+$0x0] =	vst.idx.msk $0xffff, v8;
	vm0 =	veq.s32 v18, $0x6;
	v18 =	vld [tilespmem:s0+$0x10]  }
0x22f: {  	[tilespmem:v24+s18+$0x0] =	vst.idx.msk $0xffff, v8;
	vm9 =	veq.s32 v19, $0x6;
	v19 =	vld [tilespmem:s0+$0x20];
	v57 =	vsel vm0, $0x1, v2  }
0x230: {  	v59 =	vld [tilespmem:s0+$0x30];
	vm10 =	veq.s32 v20, $0x6;
	v58 =	vsel vm9, $0x1, v2;
	v23 =	vadd.s32 v57, v25  }
0x231: {  	vm11 =	veq.s32 v21, $0x6;
	v60 =	vsel vm10, $0x1, v2;
	v23 =	vadd.s32 v58, v23  }
0x232: {  	v62 =	vsel vm11, $0x1, v2;
	vm12 =	veq.s32 v22, $0x6;
	v61 =	vadd.s32 v60, v23  }
0x233: {  	v22 =	vsel vm12, $0x1, v2;
	v21 =	vadd.s32 v62, v61;
	vm13 =	veq.s32 v18, $0x6  }
0x234: {  	vm14 =	veq.s32 v19, $0x6;
	v18 =	vadd.s32 v22, v21;
	v63 =	vsel vm13, $0x1, v2  }
0x235: {  	vm15 =	veq.s32 v59, $0x6;
	v19 =	vsel vm14, $0x1, v2;
	v18 =	vadd.s32 v63, v18  }
0x236: {  	v18 =	vadd.s32 v19, v18;
	v19 =	vsel vm15, $0x1, v2  }
0x237: {  	v18 =	vadd.s32 v19, v18  }
0x238: {  	(xrf0) =	vadd.scan.msk.s32 $0xffff, v18;
	_ =	sdelay $0x5  }
0x239: {  	v18, _, _ =	vpop (xrf0)  }
0x23a: {  	(v2sf) =	vpush v18, $0xF;
	_ =	sdelay $0xe  }
0x23b: {  	s31 =	spop (v2sf)  }
0x23c: {  	s0 =	scvt.s32.f32 s31;
	_ =	sdelay $0x1  }
0x23d: {  	v18 =	vmov s0  }
0x23e: {  	v18 =	vsub.f32 $0.0e+00, v18;
	_ =	sdelay $0x1  }
0x23f: {  	v18 =	vbroadcast v18, $0x0  }
0x240: {  	s25 =	simm.s32 $0x80  }
0x241: {  	s2 =	sadd.s32 $0x0, s10;
	s26 =	simm.s32 $0x600;
	s0 =	simm.s32 $0x200;
	[tilespmem:v7+s19+$0x0] =	vst.idx.msk $0x1, v18  }
.LBB2_30:
0x242: {  	[tilespmem:s0], [sflag:$0x2] =	stream.linear.gather [hbm4b:s2+s3], $0x200, $0x38;
	[tilespmem:$0x12080] =	vst v63  }
0x243: {  	s2 =	smov.u32 s25;
	s0 =	smov.u32 s26;
	p0 =	sne.s32 s25, $0xF80  }
.Ltmp14:
0x244: {  	s25 =	sadd.s32 $0x80, s25;
	(pc) =	sbr.rel @p0 .LBB2_30-.Ltmp14, $2  }
0x245: {  	_ =	sdelay $0x2  }
0x246: {  	s26 =	sadd.s32 $0x400, s26;
	s2 =	sadd.s32 s2, s10  }
0x247: {  	[tilespmem:s0], [sflag:$0x2] =	stream.linear.gather [hbm4b:s2+s3], $0x200, $0x38;
	[tilespmem:$0x12080] =	vst v63  }
0x248: {  	_ =	swait.ge [sflag:s21], $0x4000  }
0x249: {  	[sflag:s21] =	ssyncset.done $0x0  }
0x24a: {  	s30 =	simm.s32 $0x8040;
	[sflag:s21] =	ssyncadd.s32 $0xFFFFC000  }
0x24b: {  	v19 =	vld [tilespmem:s30+$0xFFFFFFC0]  }
0x24c: {  	v20 =	vld [tilespmem:s30+$0xFFFFFFD0]  }
0x24d: {  	v21 =	vld [tilespmem:s30+$0xFFFFFFE0]  }
0x24e: {  	v22 =	vld [tilespmem:s30+$0xFFFFFFF0]  }
0x24f: {  	v23 =	vld [tilespmem:s30+$0x0]  }
0x250: {  	v24 =	vld [tilespmem:s30+$0x10]  }
0x251: {  	v25 =	vld [tilespmem:s30+$0x20]  }
0x252: {  	s31 =	simm.s32 $0x8440;
	v26 =	vld [tilespmem:s30+$0x30]  }
0x253: {  	s25 =	simm.s32 $0x11040;
	v18 =	vld [tilespmem:s31+$0xFFFFFFC0];
	[tilespmem:v19+s17+$0x0] =	vst.idx.msk $0xffff, v9  }
0x254: {  	[tilespmem:v20+s17+$0x0] =	vst.idx.msk $0xffff, v9;
	v19 =	vld [tilespmem:s25+$0xFFFFFFC0]  }
0x255: {  	[tilespmem:v21+s17+$0x0] =	vst.idx.msk $0xffff, v9;
	v20 =	vld [tilespmem:s25+$0xFFFFFFD0]  }
0x256: {  	[tilespmem:v22+s17+$0x0] =	vst.idx.msk $0xffff, v9;
	v21 =	vld [tilespmem:s25+$0xFFFFFFE0]  }
0x257: {  	[tilespmem:v23+s17+$0x0] =	vst.idx.msk $0xffff, v9;
	v22 =	vld [tilespmem:s25+$0xFFFFFFF0]  }
0x258: {  	[tilespmem:v24+s17+$0x0] =	vst.idx.msk $0xffff, v9;
	v23 =	vld [tilespmem:s25+$0x0]  }
0x259: {  	[tilespmem:v25+s17+$0x0] =	vst.idx.msk $0xffff, v9;
	v24 =	vld [tilespmem:s25+$0x10];
	vm0 =	veq.s32 v19, $0x7  }
0x25a: {  	[tilespmem:v26+s17+$0x0] =	vst.idx.msk $0xffff, v9;
	v27 =	vld [tilespmem:s25+$0x20];
	v19 =	vimm.s32 $0x0;
	vm9 =	veq.s32 v20, $0x7;
	v25 =	vsel vm0, $0x1, v2  }
0x25b: {  	v26 =	vld [tilespmem:s25+$0x30];
	vm10 =	veq.s32 v21, $0x7;
	v20 =	vadd.s32 v25, v19;
	v25 =	vsel vm9, $0x1, v2  }
0x25c: {  	vm11 =	veq.s32 v22, $0x7;
	v19 =	vld [tilespmem:s31+$0xFFFFFFD0];
	v21 =	vadd.s32 v25, v20;
	v25 =	vsel vm10, $0x1, v2  }
0x25d: {  	vm12 =	veq.s32 v23, $0x7;
	v20 =	vld [tilespmem:s31+$0xFFFFFFE0];
	v22 =	vadd.s32 v25, v21;
	v25 =	vsel vm11, $0x1, v2  }
0x25e: {  	vm13 =	veq.s32 v24, $0x7;
	v21 =	vld [tilespmem:s31+$0xFFFFFFF0];
	v23 =	vadd.s32 v25, v22;
	v25 =	vsel vm12, $0x1, v2  }
0x25f: {  	vm14 =	veq.s32 v27, $0x7;
	v22 =	vld [tilespmem:s31+$0x0];
	v24 =	vadd.s32 v25, v23;
	v25 =	vsel vm13, $0x1, v2  }
0x260: {  	vm15 =	veq.s32 v26, $0x7;
	v23 =	vld [tilespmem:s31+$0x10];
	v24 =	vadd.s32 v25, v24;
	v25 =	vsel vm14, $0x1, v2  }
0x261: {  	v26 =	vld [tilespmem:s31+$0x20];
	v27 =	vsel vm15, $0x1, v2;
	v25 =	vadd.s32 v25, v24  }
0x262: {  	s26 =	simm.s32 $0x8;
	s28 =	simm.s32 $0x8840;
	v24 =	vld [tilespmem:s31+$0x30];
	v25 =	vadd.s32 v27, v25  }
.LBB2_32:
0x263: {  	[tilespmem:v18+s17+$0x0] =	vst.idx.msk $0xffff, v9;
	v18 =	vld [tilespmem:s28+$0xFFFFFFC0];
	s25 =	sadd.s32 $0x80, s25  }
0x264: {  	v27 =	vld [tilespmem:s25+$0xFFFFFFC0];
	[tilespmem:v19+s17+$0x0] =	vst.idx.msk $0xffff, v9  }
0x265: {  	v19 =	vld [tilespmem:s25+$0xFFFFFFD0];
	[tilespmem:v20+s17+$0x0] =	vst.idx.msk $0xffff, v9  }
0x266: {  	v20 =	vld [tilespmem:s25+$0xFFFFFFE0];
	[tilespmem:v21+s17+$0x0] =	vst.idx.msk $0xffff, v9  }
0x267: {  	v21 =	vld [tilespmem:s25+$0xFFFFFFF0];
	[tilespmem:v22+s17+$0x0] =	vst.idx.msk $0xffff, v9  }
0x268: {  	v22 =	vld [tilespmem:s25+$0x0];
	[tilespmem:v23+s17+$0x0] =	vst.idx.msk $0xffff, v9  }
0x269: {  	vm0 =	veq.s32 v27, $0x7;
	v23 =	vld [tilespmem:s25+$0x10];
	[tilespmem:v26+s17+$0x0] =	vst.idx.msk $0xffff, v9  }
0x26a: {  	v26 =	vsel vm0, $0x1, v2;
	vm0 =	veq.s32 v19, $0x7;
	v27 =	vld [tilespmem:s25+$0x20];
	[tilespmem:v24+s17+$0x0] =	vst.idx.msk $0xffff, v9  }
0x26b: {  	s26 =	sadd.s32 $0x8, s26;
	v24 =	vadd.s32 v26, v25;
	v25 =	vsel vm0, $0x1, v2;
	vm0 =	veq.s32 v20, $0x7;
	v26 =	vld [tilespmem:s25+$0x30]  }
0x26c: {  	p0 =	slt.u32 s26, $0xF8;
	v19 =	vld [tilespmem:s28+$0xFFFFFFD0];
	v24 =	vadd.s32 v25, v24;
	v25 =	vsel vm0, $0x1, v2;
	vm0 =	veq.s32 v21, $0x7  }
0x26d: {  	v20 =	vld [tilespmem:s28+$0xFFFFFFE0];
	v24 =	vadd.s32 v25, v24;
	v25 =	vsel vm0, $0x1, v2;
	vm0 =	veq.s32 v22, $0x7  }
.Ltmp15:
0x26e: {  	v21 =	vld [tilespmem:s28+$0xFFFFFFF0];
	v24 =	vadd.s32 v25, v24;
	v25 =	vsel vm0, $0x1, v2;
	vm0 =	veq.s32 v23, $0x7;
	(pc) =	sbr.rel @p0 .LBB2_32-.Ltmp15, $4  }
0x26f: {  	v22 =	vld [tilespmem:s28+$0x0];
	v24 =	vadd.s32 v25, v24;
	v25 =	vsel vm0, $0x1, v2;
	vm0 =	veq.s32 v27, $0x7  }
0x270: {  	v23 =	vld [tilespmem:s28+$0x10];
	v24 =	vadd.s32 v25, v24;
	v25 =	vsel vm0, $0x1, v2;
	vm0 =	veq.s32 v26, $0x7  }
0x271: {  	v26 =	vld [tilespmem:s28+$0x20];
	v25 =	vadd.s32 v25, v24;
	v27 =	vsel vm0, $0x1, v2  }
0x272: {  	v24 =	vld [tilespmem:s28+$0x30];
	s28 =	sadd.s32 $0x400, s28;
	v25 =	vadd.s32 v27, v25  }
0x273: {  	_ =	sdelay $0x3  }
0x274: {  	[tilespmem:v18+s17+$0x0] =	vst.idx.msk $0xffff, v9;
	s0 =	sadd.s32 $0x80, s25  }
0x275: {  	[tilespmem:v19+s17+$0x0] =	vst.idx.msk $0xffff, v9;
	v18 =	vld [tilespmem:s0+$0xFFFFFFC0]  }
0x276: {  	[tilespmem:v20+s17+$0x0] =	vst.idx.msk $0xffff, v9;
	v19 =	vld [tilespmem:s0+$0xFFFFFFD0]  }
0x277: {  	[tilespmem:v21+s17+$0x0] =	vst.idx.msk $0xffff, v9;
	v20 =	vld [tilespmem:s0+$0xFFFFFFE0]  }
0x278: {  	v21 =	vld [tilespmem:s0+$0xFFFFFFF0];
	[tilespmem:v22+s17+$0x0] =	vst.idx.msk $0xffff, v9  }
0x279: {  	v22 =	vld [tilespmem:s0+$0x0];
	[tilespmem:v23+s17+$0x0] =	vst.idx.msk $0xffff, v9  }
0x27a: {  	[tilespmem:v26+s17+$0x0] =	vst.idx.msk $0xffff, v9;
	vm0 =	veq.s32 v18, $0x7;
	v18 =	vld [tilespmem:s0+$0x10]  }
0x27b: {  	[tilespmem:v24+s17+$0x0] =	vst.idx.msk $0xffff, v9;
	vm13 =	veq.s32 v19, $0x7;
	v19 =	vld [tilespmem:s0+$0x20];
	v23 =	vsel vm0, $0x1, v2  }
0x27c: {  	vm14 =	veq.s32 v20, $0x7;
	v20 =	vld [tilespmem:s0+$0x30];
	v24 =	vsel vm13, $0x1, v2;
	v23 =	vadd.s32 v23, v25  }
0x27d: {  	vm15 =	veq.s32 v21, $0x7;
	v23 =	vadd.s32 v24, v23;
	v24 =	vsel vm14, $0x1, v2  }
0x27e: {  	vm4 =	veq.s32 v22, $0x7;
	v21 =	vadd.s32 v24, v23;
	v23 =	vsel vm15, $0x1, v2  }
0x27f: {  	v22 =	vsel vm4, $0x1, v2;
	v21 =	vadd.s32 v23, v21;
	vm5 =	veq.s32 v18, $0x7  }
0x280: {  	vm6 =	veq.s32 v19, $0x7;
	v18 =	vadd.s32 v22, v21;
	v21 =	vsel vm5, $0x1, v2  }
0x281: {  	vm7 =	veq.s32 v20, $0x7;
	v19 =	vsel vm6, $0x1, v2;
	v18 =	vadd.s32 v21, v18  }
0x282: {  	v18 =	vadd.s32 v19, v18;
	v19 =	vsel vm7, $0x1, v2  }
0x283: {  	v18 =	vadd.s32 v19, v18  }
0x284: {  	(xrf0) =	vadd.scan.msk.s32 $0xffff, v18;
	_ =	sdelay $0x5  }
0x285: {  	v18, _, _ =	vpop (xrf0)  }
0x286: {  	(v2sf) =	vpush v18, $0xF;
	_ =	sdelay $0xe  }
0x287: {  	s29 =	spop (v2sf)  }
0x288: {  	s0 =	scvt.s32.f32 s29;
	_ =	sdelay $0x1  }
0x289: {  	v18 =	vmov s0  }
0x28a: {  	v18 =	vsub.f32 $0.0e+00, v18;
	_ =	sdelay $0x1  }
0x28b: {  	v18 =	vbroadcast v18, $0x0;
	_ =	sdelay $0x1  }
0x28c: {  	s30 =	simm.s32 $0x80F0;
	[tilespmem:v8+s19+$0x0] =	vst.idx.msk $0x1, v18  }
0x28d: {  	v19 =	vld [tilespmem:s30+$0xFFFFFF90]  }
0x28e: {  	v20 =	vld [tilespmem:s30+$0xFFFFFFA0]  }
0x28f: {  	v21 =	vld [tilespmem:s30+$0xFFFFFFB0]  }
0x290: {  	v22 =	vld [tilespmem:s30+$0xFFFFFFC0]  }
0x291: {  	v23 =	vld [tilespmem:s30+$0xFFFFFFD0]  }
0x292: {  	v24 =	vld [tilespmem:s30+$0xFFFFFFE0]  }
0x293: {  	v25 =	vld [tilespmem:s30+$0xFFFFFFF0]  }
0x294: {  	s31 =	simm.s32 $0x84F0;
	v26 =	vld [tilespmem:s30+$0x0]  }
0x295: {  	s25 =	simm.s32 $0x10040;
	v18 =	vld [tilespmem:s31+$0xFFFFFF90];
	[tilespmem:v19+s18+$0x0] =	vst.idx.msk $0xffff, v10  }
0x296: {  	[tilespmem:v20+s18+$0x0] =	vst.idx.msk $0xffff, v10;
	v19 =	vld [tilespmem:s25+$0xFFFFFFC0]  }
0x297: {  	[tilespmem:v21+s18+$0x0] =	vst.idx.msk $0xffff, v10;
	v20 =	vld [tilespmem:s25+$0xFFFFFFD0]  }
0x298: {  	[tilespmem:v22+s18+$0x0] =	vst.idx.msk $0xffff, v10;
	v21 =	vld [tilespmem:s25+$0xFFFFFFE0]  }
0x299: {  	[tilespmem:v23+s18+$0x0] =	vst.idx.msk $0xffff, v10;
	v22 =	vld [tilespmem:s25+$0xFFFFFFF0]  }
0x29a: {  	[tilespmem:v24+s18+$0x0] =	vst.idx.msk $0xffff, v10;
	v23 =	vld [tilespmem:s25+$0x0]  }
0x29b: {  	[tilespmem:v25+s18+$0x0] =	vst.idx.msk $0xffff, v10;
	v24 =	vld [tilespmem:s25+$0x10];
	vm8 =	veq.s32 v19, $0x8  }
0x29c: {  	[tilespmem:v26+s18+$0x0] =	vst.idx.msk $0xffff, v10;
	v27 =	vld [tilespmem:s25+$0x20];
	v19 =	vimm.s32 $0x0;
	vm9 =	veq.s32 v20, $0x8;
	v25 =	vsel vm8, $0x1, v2  }
0x29d: {  	v26 =	vld [tilespmem:s25+$0x30];
	vm10 =	veq.s32 v21, $0x8;
	v20 =	vadd.s32 v25, v19;
	v25 =	vsel vm9, $0x1, v2  }
0x29e: {  	vm11 =	veq.s32 v22, $0x8;
	v19 =	vld [tilespmem:s31+$0xFFFFFFA0];
	v21 =	vadd.s32 v25, v20;
	v25 =	vsel vm10, $0x1, v2  }
0x29f: {  	vm12 =	veq.s32 v23, $0x8;
	v20 =	vld [tilespmem:s31+$0xFFFFFFB0];
	v22 =	vadd.s32 v25, v21;
	v25 =	vsel vm11, $0x1, v2  }
0x2a0: {  	vm13 =	veq.s32 v24, $0x8;
	v21 =	vld [tilespmem:s31+$0xFFFFFFC0];
	v23 =	vadd.s32 v25, v22;
	v25 =	vsel vm12, $0x1, v2  }
0x2a1: {  	vm14 =	veq.s32 v27, $0x8;
	v22 =	vld [tilespmem:s31+$0xFFFFFFD0];
	v24 =	vadd.s32 v25, v23;
	v25 =	vsel vm13, $0x1, v2  }
0x2a2: {  	vm15 =	veq.s32 v26, $0x8;
	v23 =	vld [tilespmem:s31+$0xFFFFFFE0];
	v24 =	vadd.s32 v25, v24;
	v25 =	vsel vm14, $0x1, v2  }
0x2a3: {  	v26 =	vld [tilespmem:s31+$0xFFFFFFF0];
	v27 =	vsel vm15, $0x1, v2;
	v25 =	vadd.s32 v25, v24  }
0x2a4: {  	s26 =	simm.s32 $0x8;
	s28 =	simm.s32 $0x88F0;
	v24 =	vld [tilespmem:s31+$0x0];
	v25 =	vadd.s32 v27, v25  }
.LBB2_34:
0x2a5: {  	[tilespmem:v18+s18+$0x0] =	vst.idx.msk $0xffff, v10;
	v18 =	vld [tilespmem:s28+$0xFFFFFF90];
	s25 =	sadd.s32 $0x80, s25  }
0x2a6: {  	v27 =	vld [tilespmem:s25+$0xFFFFFFC0];
	[tilespmem:v19+s18+$0x0] =	vst.idx.msk $0xffff, v10  }
0x2a7: {  	v19 =	vld [tilespmem:s25+$0xFFFFFFD0];
	[tilespmem:v20+s18+$0x0] =	vst.idx.msk $0xffff, v10  }
0x2a8: {  	v20 =	vld [tilespmem:s25+$0xFFFFFFE0];
	[tilespmem:v21+s18+$0x0] =	vst.idx.msk $0xffff, v10  }
0x2a9: {  	v21 =	vld [tilespmem:s25+$0xFFFFFFF0];
	[tilespmem:v22+s18+$0x0] =	vst.idx.msk $0xffff, v10  }
0x2aa: {  	v22 =	vld [tilespmem:s25+$0x0];
	[tilespmem:v23+s18+$0x0] =	vst.idx.msk $0xffff, v10  }
0x2ab: {  	vm0 =	veq.s32 v27, $0x8;
	v23 =	vld [tilespmem:s25+$0x10];
	[tilespmem:v26+s18+$0x0] =	vst.idx.msk $0xffff, v10  }
0x2ac: {  	v26 =	vsel vm0, $0x1, v2;
	vm0 =	veq.s32 v19, $0x8;
	v27 =	vld [tilespmem:s25+$0x20];
	[tilespmem:v24+s18+$0x0] =	vst.idx.msk $0xffff, v10  }
0x2ad: {  	s26 =	sadd.s32 $0x8, s26;
	v24 =	vadd.s32 v26, v25;
	v25 =	vsel vm0, $0x1, v2;
	vm0 =	veq.s32 v20, $0x8;
	v26 =	vld [tilespmem:s25+$0x30]  }
0x2ae: {  	p0 =	slt.u32 s26, $0xF8;
	v19 =	vld [tilespmem:s28+$0xFFFFFFA0];
	v24 =	vadd.s32 v25, v24;
	v25 =	vsel vm0, $0x1, v2;
	vm0 =	veq.s32 v21, $0x8  }
0x2af: {  	v20 =	vld [tilespmem:s28+$0xFFFFFFB0];
	v24 =	vadd.s32 v25, v24;
	v25 =	vsel vm0, $0x1, v2;
	vm0 =	veq.s32 v22, $0x8  }
.Ltmp16:
0x2b0: {  	v21 =	vld [tilespmem:s28+$0xFFFFFFC0];
	v24 =	vadd.s32 v25, v24;
	v25 =	vsel vm0, $0x1, v2;
	vm0 =	veq.s32 v23, $0x8;
	(pc) =	sbr.rel @p0 .LBB2_34-.Ltmp16, $4  }
0x2b1: {  	v22 =	vld [tilespmem:s28+$0xFFFFFFD0];
	v24 =	vadd.s32 v25, v24;
	v25 =	vsel vm0, $0x1, v2;
	vm0 =	veq.s32 v27, $0x8  }
0x2b2: {  	v23 =	vld [tilespmem:s28+$0xFFFFFFE0];
	v24 =	vadd.s32 v25, v24;
	v25 =	vsel vm0, $0x1, v2;
	vm0 =	veq.s32 v26, $0x8  }
0x2b3: {  	v26 =	vld [tilespmem:s28+$0xFFFFFFF0];
	v25 =	vadd.s32 v25, v24;
	v27 =	vsel vm0, $0x1, v2  }
0x2b4: {  	v24 =	vld [tilespmem:s28+$0x0];
	s28 =	sadd.s32 $0x400, s28;
	v25 =	vadd.s32 v27, v25  }
0x2b5: {  	_ =	sdelay $0x3  }
0x2b6: {  	[tilespmem:v18+s18+$0x0] =	vst.idx.msk $0xffff, v10;
	s0 =	sadd.s32 $0x80, s25  }
0x2b7: {  	[tilespmem:v19+s18+$0x0] =	vst.idx.msk $0xffff, v10;
	v18 =	vld [tilespmem:s0+$0xFFFFFFC0]  }
0x2b8: {  	[tilespmem:v20+s18+$0x0] =	vst.idx.msk $0xffff, v10;
	v19 =	vld [tilespmem:s0+$0xFFFFFFD0]  }
0x2b9: {  	[tilespmem:v21+s18+$0x0] =	vst.idx.msk $0xffff, v10;
	v20 =	vld [tilespmem:s0+$0xFFFFFFE0]  }
0x2ba: {  	v21 =	vld [tilespmem:s0+$0xFFFFFFF0];
	[tilespmem:v22+s18+$0x0] =	vst.idx.msk $0xffff, v10  }
0x2bb: {  	v22 =	vld [tilespmem:s0+$0x0];
	[tilespmem:v23+s18+$0x0] =	vst.idx.msk $0xffff, v10  }
0x2bc: {  	[tilespmem:v26+s18+$0x0] =	vst.idx.msk $0xffff, v10;
	vm0 =	veq.s32 v18, $0x8;
	v18 =	vld [tilespmem:s0+$0x10]  }
0x2bd: {  	[tilespmem:v24+s18+$0x0] =	vst.idx.msk $0xffff, v10;
	vm13 =	veq.s32 v19, $0x8;
	v19 =	vld [tilespmem:s0+$0x20];
	v23 =	vsel vm0, $0x1, v2  }
0x2be: {  	vm14 =	veq.s32 v20, $0x8;
	v20 =	vld [tilespmem:s0+$0x30];
	v24 =	vsel vm13, $0x1, v2;
	v23 =	vadd.s32 v23, v25  }
0x2bf: {  	vm15 =	veq.s32 v21, $0x8;
	v23 =	vadd.s32 v24, v23;
	v24 =	vsel vm14, $0x1, v2  }
0x2c0: {  	vm4 =	veq.s32 v22, $0x8;
	v21 =	vadd.s32 v24, v23;
	v23 =	vsel vm15, $0x1, v2  }
0x2c1: {  	v22 =	vsel vm4, $0x1, v2;
	v21 =	vadd.s32 v23, v21;
	vm5 =	veq.s32 v18, $0x8  }
0x2c2: {  	vm6 =	veq.s32 v19, $0x8;
	v18 =	vadd.s32 v22, v21;
	v21 =	vsel vm5, $0x1, v2  }
0x2c3: {  	vm7 =	veq.s32 v20, $0x8;
	v19 =	vsel vm6, $0x1, v2;
	v18 =	vadd.s32 v21, v18  }
0x2c4: {  	v18 =	vadd.s32 v19, v18;
	v19 =	vsel vm7, $0x1, v2  }
0x2c5: {  	v18 =	vadd.s32 v19, v18  }
0x2c6: {  	(xrf0) =	vadd.scan.msk.s32 $0xffff, v18;
	_ =	sdelay $0x5  }
0x2c7: {  	v18, _, _ =	vpop (xrf0)  }
0x2c8: {  	(v2sf) =	vpush v18, $0xF;
	_ =	sdelay $0xe  }
0x2c9: {  	s29 =	spop (v2sf)  }
0x2ca: {  	s0 =	scvt.s32.f32 s29;
	_ =	sdelay $0x1  }
0x2cb: {  	v18 =	vmov s0  }
0x2cc: {  	v18 =	vsub.f32 $0.0e+00, v18;
	_ =	sdelay $0x1  }
0x2cd: {  	v18 =	vbroadcast v18, $0x0;
	_ =	sdelay $0x1  }
0x2ce: {  	s30 =	simm.s32 $0x8170;
	[tilespmem:v9+s19+$0x0] =	vst.idx.msk $0x1, v18  }
0x2cf: {  	v19 =	vld [tilespmem:s30+$0xFFFFFF90]  }
0x2d0: {  	v20 =	vld [tilespmem:s30+$0xFFFFFFA0]  }
0x2d1: {  	v21 =	vld [tilespmem:s30+$0xFFFFFFB0]  }
0x2d2: {  	v22 =	vld [tilespmem:s30+$0xFFFFFFC0]  }
0x2d3: {  	v23 =	vld [tilespmem:s30+$0xFFFFFFD0]  }
0x2d4: {  	v24 =	vld [tilespmem:s30+$0xFFFFFFE0]  }
0x2d5: {  	v25 =	vld [tilespmem:s30+$0xFFFFFFF0]  }
0x2d6: {  	s31 =	simm.s32 $0x8570;
	v26 =	vld [tilespmem:s30+$0x0]  }
0x2d7: {  	s25 =	simm.s32 $0x11040;
	v18 =	vld [tilespmem:s31+$0xFFFFFF90];
	[tilespmem:v19+s17+$0x0] =	vst.idx.msk $0xffff, v11  }
0x2d8: {  	[tilespmem:v20+s17+$0x0] =	vst.idx.msk $0xffff, v11;
	v19 =	vld [tilespmem:s25+$0xFFFFFFC0]  }
0x2d9: {  	[tilespmem:v21+s17+$0x0] =	vst.idx.msk $0xffff, v11;
	v20 =	vld [tilespmem:s25+$0xFFFFFFD0]  }
0x2da: {  	[tilespmem:v22+s17+$0x0] =	vst.idx.msk $0xffff, v11;
	v21 =	vld [tilespmem:s25+$0xFFFFFFE0]  }
0x2db: {  	[tilespmem:v23+s17+$0x0] =	vst.idx.msk $0xffff, v11;
	v22 =	vld [tilespmem:s25+$0xFFFFFFF0]  }
0x2dc: {  	[tilespmem:v24+s17+$0x0] =	vst.idx.msk $0xffff, v11;
	v23 =	vld [tilespmem:s25+$0x0]  }
0x2dd: {  	[tilespmem:v25+s17+$0x0] =	vst.idx.msk $0xffff, v11;
	v24 =	vld [tilespmem:s25+$0x10];
	vm8 =	veq.s32 v19, $0x9  }
0x2de: {  	[tilespmem:v26+s17+$0x0] =	vst.idx.msk $0xffff, v11;
	v27 =	vld [tilespmem:s25+$0x20];
	v19 =	vimm.s32 $0x0;
	vm9 =	veq.s32 v20, $0x9;
	v25 =	vsel vm8, $0x1, v2  }
0x2df: {  	v26 =	vld [tilespmem:s25+$0x30];
	vm10 =	veq.s32 v21, $0x9;
	v20 =	vadd.s32 v25, v19;
	v25 =	vsel vm9, $0x1, v2  }
0x2e0: {  	vm11 =	veq.s32 v22, $0x9;
	v19 =	vld [tilespmem:s31+$0xFFFFFFA0];
	v21 =	vadd.s32 v25, v20;
	v25 =	vsel vm10, $0x1, v2  }
0x2e1: {  	vm12 =	veq.s32 v23, $0x9;
	v20 =	vld [tilespmem:s31+$0xFFFFFFB0];
	v22 =	vadd.s32 v25, v21;
	v25 =	vsel vm11, $0x1, v2  }
0x2e2: {  	vm13 =	veq.s32 v24, $0x9;
	v21 =	vld [tilespmem:s31+$0xFFFFFFC0];
	v23 =	vadd.s32 v25, v22;
	v25 =	vsel vm12, $0x1, v2  }
0x2e3: {  	vm14 =	veq.s32 v27, $0x9;
	v22 =	vld [tilespmem:s31+$0xFFFFFFD0];
	v24 =	vadd.s32 v25, v23;
	v25 =	vsel vm13, $0x1, v2  }
0x2e4: {  	vm15 =	veq.s32 v26, $0x9;
	v23 =	vld [tilespmem:s31+$0xFFFFFFE0];
	v24 =	vadd.s32 v25, v24;
	v25 =	vsel vm14, $0x1, v2  }
0x2e5: {  	v26 =	vld [tilespmem:s31+$0xFFFFFFF0];
	v27 =	vsel vm15, $0x1, v2;
	v25 =	vadd.s32 v25, v24  }
0x2e6: {  	s26 =	simm.s32 $0x8;
	s28 =	simm.s32 $0x8970;
	v24 =	vld [tilespmem:s31+$0x0];
	v25 =	vadd.s32 v27, v25  }
.LBB2_36:
0x2e7: {  	[tilespmem:v18+s17+$0x0] =	vst.idx.msk $0xffff, v11;
	v18 =	vld [tilespmem:s28+$0xFFFFFF90];
	s25 =	sadd.s32 $0x80, s25  }
0x2e8: {  	v27 =	vld [tilespmem:s25+$0xFFFFFFC0];
	[tilespmem:v19+s17+$0x0] =	vst.idx.msk $0xffff, v11  }
0x2e9: {  	v19 =	vld [tilespmem:s25+$0xFFFFFFD0];
	[tilespmem:v20+s17+$0x0] =	vst.idx.msk $0xffff, v11  }
0x2ea: {  	v20 =	vld [tilespmem:s25+$0xFFFFFFE0];
	[tilespmem:v21+s17+$0x0] =	vst.idx.msk $0xffff, v11  }
0x2eb: {  	v21 =	vld [tilespmem:s25+$0xFFFFFFF0];
	[tilespmem:v22+s17+$0x0] =	vst.idx.msk $0xffff, v11  }
0x2ec: {  	v22 =	vld [tilespmem:s25+$0x0];
	[tilespmem:v23+s17+$0x0] =	vst.idx.msk $0xffff, v11  }
0x2ed: {  	vm0 =	veq.s32 v27, $0x9;
	v23 =	vld [tilespmem:s25+$0x10];
	[tilespmem:v26+s17+$0x0] =	vst.idx.msk $0xffff, v11  }
0x2ee: {  	v26 =	vsel vm0, $0x1, v2;
	vm0 =	veq.s32 v19, $0x9;
	v27 =	vld [tilespmem:s25+$0x20];
	[tilespmem:v24+s17+$0x0] =	vst.idx.msk $0xffff, v11  }
0x2ef: {  	s26 =	sadd.s32 $0x8, s26;
	v24 =	vadd.s32 v26, v25;
	v25 =	vsel vm0, $0x1, v2;
	vm0 =	veq.s32 v20, $0x9;
	v26 =	vld [tilespmem:s25+$0x30]  }
0x2f0: {  	p0 =	slt.u32 s26, $0xF8;
	v19 =	vld [tilespmem:s28+$0xFFFFFFA0];
	v24 =	vadd.s32 v25, v24;
	v25 =	vsel vm0, $0x1, v2;
	vm0 =	veq.s32 v21, $0x9  }
0x2f1: {  	v20 =	vld [tilespmem:s28+$0xFFFFFFB0];
	v24 =	vadd.s32 v25, v24;
	v25 =	vsel vm0, $0x1, v2;
	vm0 =	veq.s32 v22, $0x9  }
.Ltmp17:
0x2f2: {  	v21 =	vld [tilespmem:s28+$0xFFFFFFC0];
	v24 =	vadd.s32 v25, v24;
	v25 =	vsel vm0, $0x1, v2;
	vm0 =	veq.s32 v23, $0x9;
	(pc) =	sbr.rel @p0 .LBB2_36-.Ltmp17, $4  }
0x2f3: {  	v22 =	vld [tilespmem:s28+$0xFFFFFFD0];
	v24 =	vadd.s32 v25, v24;
	v25 =	vsel vm0, $0x1, v2;
	vm0 =	veq.s32 v27, $0x9  }
0x2f4: {  	v23 =	vld [tilespmem:s28+$0xFFFFFFE0];
	v24 =	vadd.s32 v25, v24;
	v25 =	vsel vm0, $0x1, v2;
	vm0 =	veq.s32 v26, $0x9  }
0x2f5: {  	v26 =	vld [tilespmem:s28+$0xFFFFFFF0];
	v25 =	vadd.s32 v25, v24;
	v27 =	vsel vm0, $0x1, v2  }
0x2f6: {  	v24 =	vld [tilespmem:s28+$0x0];
	s28 =	sadd.s32 $0x400, s28;
	v25 =	vadd.s32 v27, v25  }
0x2f7: {  	_ =	sdelay $0x3  }
0x2f8: {  	[tilespmem:v18+s17+$0x0] =	vst.idx.msk $0xffff, v11;
	s0 =	sadd.s32 $0x80, s25  }
0x2f9: {  	[tilespmem:v19+s17+$0x0] =	vst.idx.msk $0xffff, v11;
	v18 =	vld [tilespmem:s0+$0xFFFFFFC0]  }
0x2fa: {  	[tilespmem:v20+s17+$0x0] =	vst.idx.msk $0xffff, v11;
	v19 =	vld [tilespmem:s0+$0xFFFFFFD0]  }
0x2fb: {  	[tilespmem:v21+s17+$0x0] =	vst.idx.msk $0xffff, v11;
	v20 =	vld [tilespmem:s0+$0xFFFFFFE0]  }
0x2fc: {  	v21 =	vld [tilespmem:s0+$0xFFFFFFF0];
	[tilespmem:v22+s17+$0x0] =	vst.idx.msk $0xffff, v11  }
0x2fd: {  	v22 =	vld [tilespmem:s0+$0x0];
	[tilespmem:v23+s17+$0x0] =	vst.idx.msk $0xffff, v11  }
0x2fe: {  	[tilespmem:v26+s17+$0x0] =	vst.idx.msk $0xffff, v11;
	vm0 =	veq.s32 v18, $0x9;
	v18 =	vld [tilespmem:s0+$0x10]  }
0x2ff: {  	[tilespmem:v24+s17+$0x0] =	vst.idx.msk $0xffff, v11;
	vm13 =	veq.s32 v19, $0x9;
	v19 =	vld [tilespmem:s0+$0x20];
	v23 =	vsel vm0, $0x1, v2  }
0x300: {  	vm14 =	veq.s32 v20, $0x9;
	v20 =	vld [tilespmem:s0+$0x30];
	v24 =	vsel vm13, $0x1, v2;
	v23 =	vadd.s32 v23, v25  }
0x301: {  	vm15 =	veq.s32 v21, $0x9;
	v23 =	vadd.s32 v24, v23;
	v24 =	vsel vm14, $0x1, v2  }
0x302: {  	vm4 =	veq.s32 v22, $0x9;
	v21 =	vadd.s32 v24, v23;
	v23 =	vsel vm15, $0x1, v2  }
0x303: {  	v22 =	vsel vm4, $0x1, v2;
	v21 =	vadd.s32 v23, v21;
	vm5 =	veq.s32 v18, $0x9  }
0x304: {  	vm6 =	veq.s32 v19, $0x9;
	v18 =	vadd.s32 v22, v21;
	v21 =	vsel vm5, $0x1, v2  }
0x305: {  	vm7 =	veq.s32 v20, $0x9;
	v19 =	vsel vm6, $0x1, v2;
	v18 =	vadd.s32 v21, v18  }
0x306: {  	v18 =	vadd.s32 v19, v18;
	v19 =	vsel vm7, $0x1, v2  }
0x307: {  	v18 =	vadd.s32 v19, v18  }
0x308: {  	(xrf0) =	vadd.scan.msk.s32 $0xffff, v18;
	_ =	sdelay $0x5  }
0x309: {  	v18, _, _ =	vpop (xrf0)  }
0x30a: {  	(v2sf) =	vpush v18, $0xF;
	_ =	sdelay $0xe  }
0x30b: {  	s29 =	spop (v2sf)  }
0x30c: {  	s0 =	scvt.s32.f32 s29;
	_ =	sdelay $0x1  }
0x30d: {  	v18 =	vmov s0  }
0x30e: {  	v18 =	vsub.f32 $0.0e+00, v18;
	_ =	sdelay $0x1  }
0x30f: {  	v18 =	vbroadcast v18, $0x0;
	_ =	sdelay $0x1  }
0x310: {  	s30 =	simm.s32 $0x81F0;
	[tilespmem:v10+s19+$0x0] =	vst.idx.msk $0x1, v18  }
0x311: {  	v19 =	vld [tilespmem:s30+$0xFFFFFF90]  }
0x312: {  	v20 =	vld [tilespmem:s30+$0xFFFFFFA0]  }
0x313: {  	v21 =	vld [tilespmem:s30+$0xFFFFFFB0]  }
0x314: {  	v22 =	vld [tilespmem:s30+$0xFFFFFFC0]  }
0x315: {  	v23 =	vld [tilespmem:s30+$0xFFFFFFD0]  }
0x316: {  	v24 =	vld [tilespmem:s30+$0xFFFFFFE0]  }
0x317: {  	v25 =	vld [tilespmem:s30+$0xFFFFFFF0]  }
0x318: {  	s31 =	simm.s32 $0x85F0;
	v26 =	vld [tilespmem:s30+$0x0]  }
0x319: {  	s25 =	simm.s32 $0x10040;
	v18 =	vld [tilespmem:s31+$0xFFFFFF90];
	[tilespmem:v19+s18+$0x0] =	vst.idx.msk $0xffff, v12  }
0x31a: {  	[tilespmem:v20+s18+$0x0] =	vst.idx.msk $0xffff, v12;
	v19 =	vld [tilespmem:s25+$0xFFFFFFC0]  }
0x31b: {  	[tilespmem:v21+s18+$0x0] =	vst.idx.msk $0xffff, v12;
	v20 =	vld [tilespmem:s25+$0xFFFFFFD0]  }
0x31c: {  	[tilespmem:v22+s18+$0x0] =	vst.idx.msk $0xffff, v12;
	v21 =	vld [tilespmem:s25+$0xFFFFFFE0]  }
0x31d: {  	[tilespmem:v23+s18+$0x0] =	vst.idx.msk $0xffff, v12;
	v22 =	vld [tilespmem:s25+$0xFFFFFFF0]  }
0x31e: {  	[tilespmem:v24+s18+$0x0] =	vst.idx.msk $0xffff, v12;
	v23 =	vld [tilespmem:s25+$0x0]  }
0x31f: {  	[tilespmem:v25+s18+$0x0] =	vst.idx.msk $0xffff, v12;
	v24 =	vld [tilespmem:s25+$0x10];
	vm8 =	veq.s32 v19, $0xA  }
0x320: {  	[tilespmem:v26+s18+$0x0] =	vst.idx.msk $0xffff, v12;
	v27 =	vld [tilespmem:s25+$0x20];
	v19 =	vimm.s32 $0x0;
	vm9 =	veq.s32 v20, $0xA;
	v25 =	vsel vm8, $0x1, v2  }
0x321: {  	v26 =	vld [tilespmem:s25+$0x30];
	vm10 =	veq.s32 v21, $0xA;
	v20 =	vadd.s32 v25, v19;
	v25 =	vsel vm9, $0x1, v2  }
0x322: {  	vm11 =	veq.s32 v22, $0xA;
	v19 =	vld [tilespmem:s31+$0xFFFFFFA0];
	v21 =	vadd.s32 v25, v20;
	v25 =	vsel vm10, $0x1, v2  }
0x323: {  	vm12 =	veq.s32 v23, $0xA;
	v20 =	vld [tilespmem:s31+$0xFFFFFFB0];
	v22 =	vadd.s32 v25, v21;
	v25 =	vsel vm11, $0x1, v2  }
0x324: {  	vm13 =	veq.s32 v24, $0xA;
	v21 =	vld [tilespmem:s31+$0xFFFFFFC0];
	v23 =	vadd.s32 v25, v22;
	v25 =	vsel vm12, $0x1, v2  }
0x325: {  	vm14 =	veq.s32 v27, $0xA;
	v22 =	vld [tilespmem:s31+$0xFFFFFFD0];
	v24 =	vadd.s32 v25, v23;
	v25 =	vsel vm13, $0x1, v2  }
0x326: {  	vm15 =	veq.s32 v26, $0xA;
	v23 =	vld [tilespmem:s31+$0xFFFFFFE0];
	v24 =	vadd.s32 v25, v24;
	v25 =	vsel vm14, $0x1, v2  }
0x327: {  	v26 =	vld [tilespmem:s31+$0xFFFFFFF0];
	v27 =	vsel vm15, $0x1, v2;
	v25 =	vadd.s32 v25, v24  }
0x328: {  	s26 =	simm.s32 $0x8;
	s28 =	simm.s32 $0x89F0;
	v24 =	vld [tilespmem:s31+$0x0];
	v25 =	vadd.s32 v27, v25  }
.LBB2_38:
0x329: {  	[tilespmem:v18+s18+$0x0] =	vst.idx.msk $0xffff, v12;
	v18 =	vld [tilespmem:s28+$0xFFFFFF90];
	s25 =	sadd.s32 $0x80, s25  }
0x32a: {  	v27 =	vld [tilespmem:s25+$0xFFFFFFC0];
	[tilespmem:v19+s18+$0x0] =	vst.idx.msk $0xffff, v12  }
0x32b: {  	v19 =	vld [tilespmem:s25+$0xFFFFFFD0];
	[tilespmem:v20+s18+$0x0] =	vst.idx.msk $0xffff, v12  }
0x32c: {  	v20 =	vld [tilespmem:s25+$0xFFFFFFE0];
	[tilespmem:v21+s18+$0x0] =	vst.idx.msk $0xffff, v12  }
0x32d: {  	v21 =	vld [tilespmem:s25+$0xFFFFFFF0];
	[tilespmem:v22+s18+$0x0] =	vst.idx.msk $0xffff, v12  }
0x32e: {  	v22 =	vld [tilespmem:s25+$0x0];
	[tilespmem:v23+s18+$0x0] =	vst.idx.msk $0xffff, v12  }
0x32f: {  	vm0 =	veq.s32 v27, $0xA;
	v23 =	vld [tilespmem:s25+$0x10];
	[tilespmem:v26+s18+$0x0] =	vst.idx.msk $0xffff, v12  }
0x330: {  	v26 =	vsel vm0, $0x1, v2;
	vm0 =	veq.s32 v19, $0xA;
	v27 =	vld [tilespmem:s25+$0x20];
	[tilespmem:v24+s18+$0x0] =	vst.idx.msk $0xffff, v12  }
0x331: {  	s26 =	sadd.s32 $0x8, s26;
	v24 =	vadd.s32 v26, v25;
	v25 =	vsel vm0, $0x1, v2;
	vm0 =	veq.s32 v20, $0xA;
	v26 =	vld [tilespmem:s25+$0x30]  }
0x332: {  	p0 =	slt.u32 s26, $0xF8;
	v19 =	vld [tilespmem:s28+$0xFFFFFFA0];
	v24 =	vadd.s32 v25, v24;
	v25 =	vsel vm0, $0x1, v2;
	vm0 =	veq.s32 v21, $0xA  }
0x333: {  	v20 =	vld [tilespmem:s28+$0xFFFFFFB0];
	v24 =	vadd.s32 v25, v24;
	v25 =	vsel vm0, $0x1, v2;
	vm0 =	veq.s32 v22, $0xA  }
.Ltmp18:
0x334: {  	v21 =	vld [tilespmem:s28+$0xFFFFFFC0];
	v24 =	vadd.s32 v25, v24;
	v25 =	vsel vm0, $0x1, v2;
	vm0 =	veq.s32 v23, $0xA;
	(pc) =	sbr.rel @p0 .LBB2_38-.Ltmp18, $4  }
0x335: {  	v22 =	vld [tilespmem:s28+$0xFFFFFFD0];
	v24 =	vadd.s32 v25, v24;
	v25 =	vsel vm0, $0x1, v2;
	vm0 =	veq.s32 v27, $0xA  }
0x336: {  	v23 =	vld [tilespmem:s28+$0xFFFFFFE0];
	v24 =	vadd.s32 v25, v24;
	v25 =	vsel vm0, $0x1, v2;
	vm0 =	veq.s32 v26, $0xA  }
0x337: {  	v26 =	vld [tilespmem:s28+$0xFFFFFFF0];
	v25 =	vadd.s32 v25, v24;
	v27 =	vsel vm0, $0x1, v2  }
0x338: {  	v24 =	vld [tilespmem:s28+$0x0];
	s28 =	sadd.s32 $0x400, s28;
	v25 =	vadd.s32 v27, v25  }
0x339: {  	_ =	sdelay $0x3  }
0x33a: {  	[tilespmem:v18+s18+$0x0] =	vst.idx.msk $0xffff, v12;
	s0 =	sadd.s32 $0x80, s25  }
0x33b: {  	[tilespmem:v19+s18+$0x0] =	vst.idx.msk $0xffff, v12;
	v18 =	vld [tilespmem:s0+$0xFFFFFFC0]  }
0x33c: {  	[tilespmem:v20+s18+$0x0] =	vst.idx.msk $0xffff, v12;
	v19 =	vld [tilespmem:s0+$0xFFFFFFD0]  }
0x33d: {  	[tilespmem:v21+s18+$0x0] =	vst.idx.msk $0xffff, v12;
	v20 =	vld [tilespmem:s0+$0xFFFFFFE0]  }
0x33e: {  	v21 =	vld [tilespmem:s0+$0xFFFFFFF0];
	[tilespmem:v22+s18+$0x0] =	vst.idx.msk $0xffff, v12  }
0x33f: {  	v22 =	vld [tilespmem:s0+$0x0];
	[tilespmem:v23+s18+$0x0] =	vst.idx.msk $0xffff, v12  }
0x340: {  	[tilespmem:v26+s18+$0x0] =	vst.idx.msk $0xffff, v12;
	vm0 =	veq.s32 v18, $0xA;
	v18 =	vld [tilespmem:s0+$0x10]  }
0x341: {  	[tilespmem:v24+s18+$0x0] =	vst.idx.msk $0xffff, v12;
	vm9 =	veq.s32 v19, $0xA;
	v19 =	vld [tilespmem:s0+$0x20];
	v57 =	vsel vm0, $0x1, v2  }
0x342: {  	v59 =	vld [tilespmem:s0+$0x30];
	vm10 =	veq.s32 v20, $0xA;
	v58 =	vsel vm9, $0x1, v2;
	v23 =	vadd.s32 v57, v25  }
0x343: {  	vm11 =	veq.s32 v21, $0xA;
	v60 =	vsel vm10, $0x1, v2;
	v23 =	vadd.s32 v58, v23  }
0x344: {  	v62 =	vsel vm11, $0x1, v2;
	vm12 =	veq.s32 v22, $0xA;
	v61 =	vadd.s32 v60, v23  }
0x345: {  	v22 =	vsel vm12, $0x1, v2;
	v21 =	vadd.s32 v62, v61;
	vm13 =	veq.s32 v18, $0xA  }
0x346: {  	vm14 =	veq.s32 v19, $0xA;
	v18 =	vadd.s32 v22, v21;
	v63 =	vsel vm13, $0x1, v2  }
0x347: {  	vm15 =	veq.s32 v59, $0xA;
	v19 =	vsel vm14, $0x1, v2;
	v18 =	vadd.s32 v63, v18  }
0x348: {  	v18 =	vadd.s32 v19, v18;
	v19 =	vsel vm15, $0x1, v2  }
0x349: {  	v18 =	vadd.s32 v19, v18  }
0x34a: {  	(xrf0) =	vadd.scan.msk.s32 $0xffff, v18;
	_ =	sdelay $0x5  }
0x34b: {  	v18, _, _ =	vpop (xrf0)  }
0x34c: {  	(v2sf) =	vpush v18, $0xF;
	_ =	sdelay $0xe  }
0x34d: {  	s31 =	spop (v2sf)  }
0x34e: {  	s0 =	scvt.s32.f32 s31;
	_ =	sdelay $0x1  }
0x34f: {  	v18 =	vmov s0  }
0x350: {  	v18 =	vsub.f32 $0.0e+00, v18;
	_ =	sdelay $0x1  }
0x351: {  	v18 =	vbroadcast v18, $0x0  }
0x352: {  	s25 =	simm.s32 $0x80  }
0x353: {  	s2 =	sadd.s32 $0x0, s11;
	s26 =	simm.s32 $0x8400;
	s0 =	simm.s32 $0x8000;
	[tilespmem:v11+s19+$0x0] =	vst.idx.msk $0x1, v18  }
.LBB2_40:
0x354: {  	[tilespmem:s0], [sflag:$0x3] =	stream.linear.gather [hbm4b:s2+s3], $0x200, $0x38;
	[tilespmem:$0x12080] =	vst v63  }
0x355: {  	s2 =	smov.u32 s25;
	s0 =	smov.u32 s26;
	p0 =	sne.s32 s25, $0xF80  }
.Ltmp19:
0x356: {  	s25 =	sadd.s32 $0x80, s25;
	(pc) =	sbr.rel @p0 .LBB2_40-.Ltmp19, $2  }
0x357: {  	_ =	sdelay $0x2  }
0x358: {  	s26 =	sadd.s32 $0x400, s26;
	s2 =	sadd.s32 s2, s11  }
0x359: {  	[tilespmem:s0], [sflag:$0x3] =	stream.linear.gather [hbm4b:s2+s3], $0x200, $0x38;
	[tilespmem:$0x12080] =	vst v63  }
0x35a: {  	_ =	swait.ge [sflag:s22], $0x4000  }
0x35b: {  	[sflag:s22] =	ssyncset.done $0x0  }
0x35c: {  	s30 =	simm.s32 $0x8270;
	[sflag:s22] =	ssyncadd.s32 $0xFFFFC000  }
0x35d: {  	v19 =	vld [tilespmem:s30+$0xFFFFFF90]  }
0x35e: {  	v20 =	vld [tilespmem:s30+$0xFFFFFFA0]  }
0x35f: {  	v21 =	vld [tilespmem:s30+$0xFFFFFFB0]  }
0x360: {  	v22 =	vld [tilespmem:s30+$0xFFFFFFC0]  }
0x361: {  	v23 =	vld [tilespmem:s30+$0xFFFFFFD0]  }
0x362: {  	v24 =	vld [tilespmem:s30+$0xFFFFFFE0]  }
0x363: {  	v25 =	vld [tilespmem:s30+$0xFFFFFFF0]  }
0x364: {  	s31 =	simm.s32 $0x8670;
	v26 =	vld [tilespmem:s30+$0x0]  }
0x365: {  	s25 =	simm.s32 $0x11040;
	v18 =	vld [tilespmem:s31+$0xFFFFFF90];
	[tilespmem:v19+s17+$0x0] =	vst.idx.msk $0xffff, v13  }
0x366: {  	[tilespmem:v20+s17+$0x0] =	vst.idx.msk $0xffff, v13;
	v19 =	vld [tilespmem:s25+$0xFFFFFFC0]  }
0x367: {  	[tilespmem:v21+s17+$0x0] =	vst.idx.msk $0xffff, v13;
	v20 =	vld [tilespmem:s25+$0xFFFFFFD0]  }
0x368: {  	[tilespmem:v22+s17+$0x0] =	vst.idx.msk $0xffff, v13;
	v21 =	vld [tilespmem:s25+$0xFFFFFFE0]  }
0x369: {  	[tilespmem:v23+s17+$0x0] =	vst.idx.msk $0xffff, v13;
	v22 =	vld [tilespmem:s25+$0xFFFFFFF0]  }
0x36a: {  	[tilespmem:v24+s17+$0x0] =	vst.idx.msk $0xffff, v13;
	v23 =	vld [tilespmem:s25+$0x0]  }
0x36b: {  	[tilespmem:v25+s17+$0x0] =	vst.idx.msk $0xffff, v13;
	v24 =	vld [tilespmem:s25+$0x10];
	vm0 =	veq.s32 v19, $0xB  }
0x36c: {  	[tilespmem:v26+s17+$0x0] =	vst.idx.msk $0xffff, v13;
	v27 =	vld [tilespmem:s25+$0x20];
	v19 =	vimm.s32 $0x0;
	vm9 =	veq.s32 v20, $0xB;
	v25 =	vsel vm0, $0x1, v2  }
0x36d: {  	v26 =	vld [tilespmem:s25+$0x30];
	vm10 =	veq.s32 v21, $0xB;
	v20 =	vadd.s32 v25, v19;
	v25 =	vsel vm9, $0x1, v2  }
0x36e: {  	vm11 =	veq.s32 v22, $0xB;
	v19 =	vld [tilespmem:s31+$0xFFFFFFA0];
	v21 =	vadd.s32 v25, v20;
	v25 =	vsel vm10, $0x1, v2  }
0x36f: {  	vm12 =	veq.s32 v23, $0xB;
	v20 =	vld [tilespmem:s31+$0xFFFFFFB0];
	v22 =	vadd.s32 v25, v21;
	v25 =	vsel vm11, $0x1, v2  }
0x370: {  	vm13 =	veq.s32 v24, $0xB;
	v21 =	vld [tilespmem:s31+$0xFFFFFFC0];
	v23 =	vadd.s32 v25, v22;
	v25 =	vsel vm12, $0x1, v2  }
0x371: {  	vm14 =	veq.s32 v27, $0xB;
	v22 =	vld [tilespmem:s31+$0xFFFFFFD0];
	v24 =	vadd.s32 v25, v23;
	v25 =	vsel vm13, $0x1, v2  }
0x372: {  	vm15 =	veq.s32 v26, $0xB;
	v23 =	vld [tilespmem:s31+$0xFFFFFFE0];
	v24 =	vadd.s32 v25, v24;
	v25 =	vsel vm14, $0x1, v2  }
0x373: {  	v26 =	vld [tilespmem:s31+$0xFFFFFFF0];
	v27 =	vsel vm15, $0x1, v2;
	v25 =	vadd.s32 v25, v24  }
0x374: {  	s26 =	simm.s32 $0x8;
	s28 =	simm.s32 $0x8A70;
	v24 =	vld [tilespmem:s31+$0x0];
	v25 =	vadd.s32 v27, v25  }
.LBB2_42:
0x375: {  	[tilespmem:v18+s17+$0x0] =	vst.idx.msk $0xffff, v13;
	v18 =	vld [tilespmem:s28+$0xFFFFFF90];
	s25 =	sadd.s32 $0x80, s25  }
0x376: {  	v27 =	vld [tilespmem:s25+$0xFFFFFFC0];
	[tilespmem:v19+s17+$0x0] =	vst.idx.msk $0xffff, v13  }
0x377: {  	v19 =	vld [tilespmem:s25+$0xFFFFFFD0];
	[tilespmem:v20+s17+$0x0] =	vst.idx.msk $0xffff, v13  }
0x378: {  	v20 =	vld [tilespmem:s25+$0xFFFFFFE0];
	[tilespmem:v21+s17+$0x0] =	vst.idx.msk $0xffff, v13  }
0x379: {  	v21 =	vld [tilespmem:s25+$0xFFFFFFF0];
	[tilespmem:v22+s17+$0x0] =	vst.idx.msk $0xffff, v13  }
0x37a: {  	v22 =	vld [tilespmem:s25+$0x0];
	[tilespmem:v23+s17+$0x0] =	vst.idx.msk $0xffff, v13  }
0x37b: {  	vm0 =	veq.s32 v27, $0xB;
	v23 =	vld [tilespmem:s25+$0x10];
	[tilespmem:v26+s17+$0x0] =	vst.idx.msk $0xffff, v13  }
0x37c: {  	v26 =	vsel vm0, $0x1, v2;
	vm0 =	veq.s32 v19, $0xB;
	v27 =	vld [tilespmem:s25+$0x20];
	[tilespmem:v24+s17+$0x0] =	vst.idx.msk $0xffff, v13  }
0x37d: {  	s26 =	sadd.s32 $0x8, s26;
	v24 =	vadd.s32 v26, v25;
	v25 =	vsel vm0, $0x1, v2;
	vm0 =	veq.s32 v20, $0xB;
	v26 =	vld [tilespmem:s25+$0x30]  }
0x37e: {  	p0 =	slt.u32 s26, $0xF8;
	v19 =	vld [tilespmem:s28+$0xFFFFFFA0];
	v24 =	vadd.s32 v25, v24;
	v25 =	vsel vm0, $0x1, v2;
	vm0 =	veq.s32 v21, $0xB  }
0x37f: {  	v20 =	vld [tilespmem:s28+$0xFFFFFFB0];
	v24 =	vadd.s32 v25, v24;
	v25 =	vsel vm0, $0x1, v2;
	vm0 =	veq.s32 v22, $0xB  }
.Ltmp20:
0x380: {  	v21 =	vld [tilespmem:s28+$0xFFFFFFC0];
	v24 =	vadd.s32 v25, v24;
	v25 =	vsel vm0, $0x1, v2;
	vm0 =	veq.s32 v23, $0xB;
	(pc) =	sbr.rel @p0 .LBB2_42-.Ltmp20, $4  }
0x381: {  	v22 =	vld [tilespmem:s28+$0xFFFFFFD0];
	v24 =	vadd.s32 v25, v24;
	v25 =	vsel vm0, $0x1, v2;
	vm0 =	veq.s32 v27, $0xB  }
0x382: {  	v23 =	vld [tilespmem:s28+$0xFFFFFFE0];
	v24 =	vadd.s32 v25, v24;
	v25 =	vsel vm0, $0x1, v2;
	vm0 =	veq.s32 v26, $0xB  }
0x383: {  	v26 =	vld [tilespmem:s28+$0xFFFFFFF0];
	v25 =	vadd.s32 v25, v24;
	v27 =	vsel vm0, $0x1, v2  }
0x384: {  	v24 =	vld [tilespmem:s28+$0x0];
	s28 =	sadd.s32 $0x400, s28;
	v25 =	vadd.s32 v27, v25  }
0x385: {  	_ =	sdelay $0x3  }
0x386: {  	[tilespmem:v18+s17+$0x0] =	vst.idx.msk $0xffff, v13;
	s0 =	sadd.s32 $0x80, s25  }
0x387: {  	[tilespmem:v19+s17+$0x0] =	vst.idx.msk $0xffff, v13;
	v18 =	vld [tilespmem:s0+$0xFFFFFFC0]  }
0x388: {  	[tilespmem:v20+s17+$0x0] =	vst.idx.msk $0xffff, v13;
	v19 =	vld [tilespmem:s0+$0xFFFFFFD0]  }
0x389: {  	[tilespmem:v21+s17+$0x0] =	vst.idx.msk $0xffff, v13;
	v20 =	vld [tilespmem:s0+$0xFFFFFFE0]  }
0x38a: {  	v21 =	vld [tilespmem:s0+$0xFFFFFFF0];
	[tilespmem:v22+s17+$0x0] =	vst.idx.msk $0xffff, v13  }
0x38b: {  	v22 =	vld [tilespmem:s0+$0x0];
	[tilespmem:v23+s17+$0x0] =	vst.idx.msk $0xffff, v13  }
0x38c: {  	[tilespmem:v26+s17+$0x0] =	vst.idx.msk $0xffff, v13;
	vm0 =	veq.s32 v18, $0xB;
	v18 =	vld [tilespmem:s0+$0x10]  }
0x38d: {  	[tilespmem:v24+s17+$0x0] =	vst.idx.msk $0xffff, v13;
	vm13 =	veq.s32 v19, $0xB;
	v19 =	vld [tilespmem:s0+$0x20];
	v23 =	vsel vm0, $0x1, v2  }
0x38e: {  	vm14 =	veq.s32 v20, $0xB;
	v20 =	vld [tilespmem:s0+$0x30];
	v24 =	vsel vm13, $0x1, v2;
	v23 =	vadd.s32 v23, v25  }
0x38f: {  	vm15 =	veq.s32 v21, $0xB;
	v23 =	vadd.s32 v24, v23;
	v24 =	vsel vm14, $0x1, v2  }
0x390: {  	vm4 =	veq.s32 v22, $0xB;
	v21 =	vadd.s32 v24, v23;
	v23 =	vsel vm15, $0x1, v2  }
0x391: {  	v22 =	vsel vm4, $0x1, v2;
	v21 =	vadd.s32 v23, v21;
	vm5 =	veq.s32 v18, $0xB  }
0x392: {  	vm6 =	veq.s32 v19, $0xB;
	v18 =	vadd.s32 v22, v21;
	v21 =	vsel vm5, $0x1, v2  }
0x393: {  	vm7 =	veq.s32 v20, $0xB;
	v19 =	vsel vm6, $0x1, v2;
	v18 =	vadd.s32 v21, v18  }
0x394: {  	v18 =	vadd.s32 v19, v18;
	v19 =	vsel vm7, $0x1, v2  }
0x395: {  	v18 =	vadd.s32 v19, v18  }
0x396: {  	(xrf0) =	vadd.scan.msk.s32 $0xffff, v18;
	_ =	sdelay $0x5  }
0x397: {  	v18, _, _ =	vpop (xrf0)  }
0x398: {  	(v2sf) =	vpush v18, $0xF;
	_ =	sdelay $0xe  }
0x399: {  	s29 =	spop (v2sf)  }
0x39a: {  	s0 =	scvt.s32.f32 s29;
	_ =	sdelay $0x1  }
0x39b: {  	v18 =	vmov s0  }
0x39c: {  	v18 =	vsub.f32 $0.0e+00, v18;
	_ =	sdelay $0x1  }
0x39d: {  	v18 =	vbroadcast v18, $0x0;
	_ =	sdelay $0x1  }
0x39e: {  	s30 =	simm.s32 $0x82F0;
	[tilespmem:v12+s19+$0x0] =	vst.idx.msk $0x1, v18  }
0x39f: {  	v19 =	vld [tilespmem:s30+$0xFFFFFF90]  }
0x3a0: {  	v20 =	vld [tilespmem:s30+$0xFFFFFFA0]  }
0x3a1: {  	v21 =	vld [tilespmem:s30+$0xFFFFFFB0]  }
0x3a2: {  	v22 =	vld [tilespmem:s30+$0xFFFFFFC0]  }
0x3a3: {  	v23 =	vld [tilespmem:s30+$0xFFFFFFD0]  }
0x3a4: {  	v24 =	vld [tilespmem:s30+$0xFFFFFFE0]  }
0x3a5: {  	v25 =	vld [tilespmem:s30+$0xFFFFFFF0]  }
0x3a6: {  	s31 =	simm.s32 $0x86F0;
	v26 =	vld [tilespmem:s30+$0x0]  }
0x3a7: {  	s25 =	simm.s32 $0x10040;
	v18 =	vld [tilespmem:s31+$0xFFFFFF90];
	[tilespmem:v19+s18+$0x0] =	vst.idx.msk $0xffff, v14  }
0x3a8: {  	[tilespmem:v20+s18+$0x0] =	vst.idx.msk $0xffff, v14;
	v19 =	vld [tilespmem:s25+$0xFFFFFFC0]  }
0x3a9: {  	[tilespmem:v21+s18+$0x0] =	vst.idx.msk $0xffff, v14;
	v20 =	vld [tilespmem:s25+$0xFFFFFFD0]  }
0x3aa: {  	[tilespmem:v22+s18+$0x0] =	vst.idx.msk $0xffff, v14;
	v21 =	vld [tilespmem:s25+$0xFFFFFFE0]  }
0x3ab: {  	[tilespmem:v23+s18+$0x0] =	vst.idx.msk $0xffff, v14;
	v22 =	vld [tilespmem:s25+$0xFFFFFFF0]  }
0x3ac: {  	[tilespmem:v24+s18+$0x0] =	vst.idx.msk $0xffff, v14;
	v23 =	vld [tilespmem:s25+$0x0]  }
0x3ad: {  	[tilespmem:v25+s18+$0x0] =	vst.idx.msk $0xffff, v14;
	v24 =	vld [tilespmem:s25+$0x10];
	vm8 =	veq.s32 v19, $0xC  }
0x3ae: {  	[tilespmem:v26+s18+$0x0] =	vst.idx.msk $0xffff, v14;
	v27 =	vld [tilespmem:s25+$0x20];
	v19 =	vimm.s32 $0x0;
	vm9 =	veq.s32 v20, $0xC;
	v25 =	vsel vm8, $0x1, v2  }
0x3af: {  	v26 =	vld [tilespmem:s25+$0x30];
	vm10 =	veq.s32 v21, $0xC;
	v20 =	vadd.s32 v25, v19;
	v25 =	vsel vm9, $0x1, v2  }
0x3b0: {  	vm11 =	veq.s32 v22, $0xC;
	v19 =	vld [tilespmem:s31+$0xFFFFFFA0];
	v21 =	vadd.s32 v25, v20;
	v25 =	vsel vm10, $0x1, v2  }
0x3b1: {  	vm12 =	veq.s32 v23, $0xC;
	v20 =	vld [tilespmem:s31+$0xFFFFFFB0];
	v22 =	vadd.s32 v25, v21;
	v25 =	vsel vm11, $0x1, v2  }
0x3b2: {  	vm13 =	veq.s32 v24, $0xC;
	v21 =	vld [tilespmem:s31+$0xFFFFFFC0];
	v23 =	vadd.s32 v25, v22;
	v25 =	vsel vm12, $0x1, v2  }
0x3b3: {  	vm14 =	veq.s32 v27, $0xC;
	v22 =	vld [tilespmem:s31+$0xFFFFFFD0];
	v24 =	vadd.s32 v25, v23;
	v25 =	vsel vm13, $0x1, v2  }
0x3b4: {  	vm15 =	veq.s32 v26, $0xC;
	v23 =	vld [tilespmem:s31+$0xFFFFFFE0];
	v24 =	vadd.s32 v25, v24;
	v25 =	vsel vm14, $0x1, v2  }
0x3b5: {  	v26 =	vld [tilespmem:s31+$0xFFFFFFF0];
	v27 =	vsel vm15, $0x1, v2;
	v25 =	vadd.s32 v25, v24  }
0x3b6: {  	s26 =	simm.s32 $0x8;
	s28 =	simm.s32 $0x8AF0;
	v24 =	vld [tilespmem:s31+$0x0];
	v25 =	vadd.s32 v27, v25  }
.LBB2_44:
0x3b7: {  	[tilespmem:v18+s18+$0x0] =	vst.idx.msk $0xffff, v14;
	v18 =	vld [tilespmem:s28+$0xFFFFFF90];
	s25 =	sadd.s32 $0x80, s25  }
0x3b8: {  	v27 =	vld [tilespmem:s25+$0xFFFFFFC0];
	[tilespmem:v19+s18+$0x0] =	vst.idx.msk $0xffff, v14  }
0x3b9: {  	v19 =	vld [tilespmem:s25+$0xFFFFFFD0];
	[tilespmem:v20+s18+$0x0] =	vst.idx.msk $0xffff, v14  }
0x3ba: {  	v20 =	vld [tilespmem:s25+$0xFFFFFFE0];
	[tilespmem:v21+s18+$0x0] =	vst.idx.msk $0xffff, v14  }
0x3bb: {  	v21 =	vld [tilespmem:s25+$0xFFFFFFF0];
	[tilespmem:v22+s18+$0x0] =	vst.idx.msk $0xffff, v14  }
0x3bc: {  	v22 =	vld [tilespmem:s25+$0x0];
	[tilespmem:v23+s18+$0x0] =	vst.idx.msk $0xffff, v14  }
0x3bd: {  	vm0 =	veq.s32 v27, $0xC;
	v23 =	vld [tilespmem:s25+$0x10];
	[tilespmem:v26+s18+$0x0] =	vst.idx.msk $0xffff, v14  }
0x3be: {  	v26 =	vsel vm0, $0x1, v2;
	vm0 =	veq.s32 v19, $0xC;
	v27 =	vld [tilespmem:s25+$0x20];
	[tilespmem:v24+s18+$0x0] =	vst.idx.msk $0xffff, v14  }
0x3bf: {  	s26 =	sadd.s32 $0x8, s26;
	v24 =	vadd.s32 v26, v25;
	v25 =	vsel vm0, $0x1, v2;
	vm0 =	veq.s32 v20, $0xC;
	v26 =	vld [tilespmem:s25+$0x30]  }
0x3c0: {  	p0 =	slt.u32 s26, $0xF8;
	v19 =	vld [tilespmem:s28+$0xFFFFFFA0];
	v24 =	vadd.s32 v25, v24;
	v25 =	vsel vm0, $0x1, v2;
	vm0 =	veq.s32 v21, $0xC  }
0x3c1: {  	v20 =	vld [tilespmem:s28+$0xFFFFFFB0];
	v24 =	vadd.s32 v25, v24;
	v25 =	vsel vm0, $0x1, v2;
	vm0 =	veq.s32 v22, $0xC  }
.Ltmp21:
0x3c2: {  	v21 =	vld [tilespmem:s28+$0xFFFFFFC0];
	v24 =	vadd.s32 v25, v24;
	v25 =	vsel vm0, $0x1, v2;
	vm0 =	veq.s32 v23, $0xC;
	(pc) =	sbr.rel @p0 .LBB2_44-.Ltmp21, $4  }
0x3c3: {  	v22 =	vld [tilespmem:s28+$0xFFFFFFD0];
	v24 =	vadd.s32 v25, v24;
	v25 =	vsel vm0, $0x1, v2;
	vm0 =	veq.s32 v27, $0xC  }
0x3c4: {  	v23 =	vld [tilespmem:s28+$0xFFFFFFE0];
	v24 =	vadd.s32 v25, v24;
	v25 =	vsel vm0, $0x1, v2;
	vm0 =	veq.s32 v26, $0xC  }
0x3c5: {  	v26 =	vld [tilespmem:s28+$0xFFFFFFF0];
	v25 =	vadd.s32 v25, v24;
	v27 =	vsel vm0, $0x1, v2  }
0x3c6: {  	v24 =	vld [tilespmem:s28+$0x0];
	s28 =	sadd.s32 $0x400, s28;
	v25 =	vadd.s32 v27, v25  }
0x3c7: {  	_ =	sdelay $0x3  }
0x3c8: {  	[tilespmem:v18+s18+$0x0] =	vst.idx.msk $0xffff, v14;
	s0 =	sadd.s32 $0x80, s25  }
0x3c9: {  	[tilespmem:v19+s18+$0x0] =	vst.idx.msk $0xffff, v14;
	v18 =	vld [tilespmem:s0+$0xFFFFFFC0]  }
0x3ca: {  	[tilespmem:v20+s18+$0x0] =	vst.idx.msk $0xffff, v14;
	v19 =	vld [tilespmem:s0+$0xFFFFFFD0]  }
0x3cb: {  	[tilespmem:v21+s18+$0x0] =	vst.idx.msk $0xffff, v14;
	v20 =	vld [tilespmem:s0+$0xFFFFFFE0]  }
0x3cc: {  	v21 =	vld [tilespmem:s0+$0xFFFFFFF0];
	[tilespmem:v22+s18+$0x0] =	vst.idx.msk $0xffff, v14  }
0x3cd: {  	v22 =	vld [tilespmem:s0+$0x0];
	[tilespmem:v23+s18+$0x0] =	vst.idx.msk $0xffff, v14  }
0x3ce: {  	[tilespmem:v26+s18+$0x0] =	vst.idx.msk $0xffff, v14;
	vm0 =	veq.s32 v18, $0xC;
	v18 =	vld [tilespmem:s0+$0x10]  }
0x3cf: {  	[tilespmem:v24+s18+$0x0] =	vst.idx.msk $0xffff, v14;
	vm13 =	veq.s32 v19, $0xC;
	v19 =	vld [tilespmem:s0+$0x20];
	v23 =	vsel vm0, $0x1, v2  }
0x3d0: {  	vm14 =	veq.s32 v20, $0xC;
	v20 =	vld [tilespmem:s0+$0x30];
	v24 =	vsel vm13, $0x1, v2;
	v23 =	vadd.s32 v23, v25  }
0x3d1: {  	vm15 =	veq.s32 v21, $0xC;
	v23 =	vadd.s32 v24, v23;
	v24 =	vsel vm14, $0x1, v2  }
0x3d2: {  	vm4 =	veq.s32 v22, $0xC;
	v21 =	vadd.s32 v24, v23;
	v23 =	vsel vm15, $0x1, v2  }
0x3d3: {  	v22 =	vsel vm4, $0x1, v2;
	v21 =	vadd.s32 v23, v21;
	vm5 =	veq.s32 v18, $0xC  }
0x3d4: {  	vm6 =	veq.s32 v19, $0xC;
	v18 =	vadd.s32 v22, v21;
	v21 =	vsel vm5, $0x1, v2  }
0x3d5: {  	vm7 =	veq.s32 v20, $0xC;
	v19 =	vsel vm6, $0x1, v2;
	v18 =	vadd.s32 v21, v18  }
0x3d6: {  	v18 =	vadd.s32 v19, v18;
	v19 =	vsel vm7, $0x1, v2  }
0x3d7: {  	v18 =	vadd.s32 v19, v18  }
0x3d8: {  	(xrf0) =	vadd.scan.msk.s32 $0xffff, v18;
	_ =	sdelay $0x5  }
0x3d9: {  	v18, _, _ =	vpop (xrf0)  }
0x3da: {  	(v2sf) =	vpush v18, $0xF;
	_ =	sdelay $0xe  }
0x3db: {  	s29 =	spop (v2sf)  }
0x3dc: {  	s0 =	scvt.s32.f32 s29;
	_ =	sdelay $0x1  }
0x3dd: {  	v18 =	vmov s0  }
0x3de: {  	v18 =	vsub.f32 $0.0e+00, v18;
	_ =	sdelay $0x1  }
0x3df: {  	v18 =	vbroadcast v18, $0x0;
	_ =	sdelay $0x1  }
0x3e0: {  	s30 =	simm.s32 $0x8370;
	[tilespmem:v13+s19+$0x0] =	vst.idx.msk $0x1, v18  }
0x3e1: {  	v19 =	vld [tilespmem:s30+$0xFFFFFF90]  }
0x3e2: {  	v20 =	vld [tilespmem:s30+$0xFFFFFFA0]  }
0x3e3: {  	v21 =	vld [tilespmem:s30+$0xFFFFFFB0]  }
0x3e4: {  	v22 =	vld [tilespmem:s30+$0xFFFFFFC0]  }
0x3e5: {  	v23 =	vld [tilespmem:s30+$0xFFFFFFD0]  }
0x3e6: {  	v24 =	vld [tilespmem:s30+$0xFFFFFFE0]  }
0x3e7: {  	v25 =	vld [tilespmem:s30+$0xFFFFFFF0]  }
0x3e8: {  	s31 =	simm.s32 $0x8770;
	v26 =	vld [tilespmem:s30+$0x0]  }
0x3e9: {  	s25 =	simm.s32 $0x11040;
	v18 =	vld [tilespmem:s31+$0xFFFFFF90];
	[tilespmem:v19+s17+$0x0] =	vst.idx.msk $0xffff, v15  }
0x3ea: {  	[tilespmem:v20+s17+$0x0] =	vst.idx.msk $0xffff, v15;
	v19 =	vld [tilespmem:s25+$0xFFFFFFC0]  }
0x3eb: {  	[tilespmem:v21+s17+$0x0] =	vst.idx.msk $0xffff, v15;
	v20 =	vld [tilespmem:s25+$0xFFFFFFD0]  }
0x3ec: {  	[tilespmem:v22+s17+$0x0] =	vst.idx.msk $0xffff, v15;
	v21 =	vld [tilespmem:s25+$0xFFFFFFE0]  }
0x3ed: {  	[tilespmem:v23+s17+$0x0] =	vst.idx.msk $0xffff, v15;
	v22 =	vld [tilespmem:s25+$0xFFFFFFF0]  }
0x3ee: {  	[tilespmem:v24+s17+$0x0] =	vst.idx.msk $0xffff, v15;
	v23 =	vld [tilespmem:s25+$0x0]  }
0x3ef: {  	[tilespmem:v25+s17+$0x0] =	vst.idx.msk $0xffff, v15;
	v24 =	vld [tilespmem:s25+$0x10];
	vm8 =	veq.s32 v19, $0xD  }
0x3f0: {  	[tilespmem:v26+s17+$0x0] =	vst.idx.msk $0xffff, v15;
	v27 =	vld [tilespmem:s25+$0x20];
	v19 =	vimm.s32 $0x0;
	vm9 =	veq.s32 v20, $0xD;
	v25 =	vsel vm8, $0x1, v2  }
0x3f1: {  	v26 =	vld [tilespmem:s25+$0x30];
	vm10 =	veq.s32 v21, $0xD;
	v20 =	vadd.s32 v25, v19;
	v25 =	vsel vm9, $0x1, v2  }
0x3f2: {  	vm11 =	veq.s32 v22, $0xD;
	v19 =	vld [tilespmem:s31+$0xFFFFFFA0];
	v21 =	vadd.s32 v25, v20;
	v25 =	vsel vm10, $0x1, v2  }
0x3f3: {  	vm12 =	veq.s32 v23, $0xD;
	v20 =	vld [tilespmem:s31+$0xFFFFFFB0];
	v22 =	vadd.s32 v25, v21;
	v25 =	vsel vm11, $0x1, v2  }
0x3f4: {  	vm13 =	veq.s32 v24, $0xD;
	v21 =	vld [tilespmem:s31+$0xFFFFFFC0];
	v23 =	vadd.s32 v25, v22;
	v25 =	vsel vm12, $0x1, v2  }
0x3f5: {  	vm14 =	veq.s32 v27, $0xD;
	v22 =	vld [tilespmem:s31+$0xFFFFFFD0];
	v24 =	vadd.s32 v25, v23;
	v25 =	vsel vm13, $0x1, v2  }
0x3f6: {  	vm15 =	veq.s32 v26, $0xD;
	v23 =	vld [tilespmem:s31+$0xFFFFFFE0];
	v24 =	vadd.s32 v25, v24;
	v25 =	vsel vm14, $0x1, v2  }
0x3f7: {  	v26 =	vld [tilespmem:s31+$0xFFFFFFF0];
	v27 =	vsel vm15, $0x1, v2;
	v25 =	vadd.s32 v25, v24  }
0x3f8: {  	s26 =	simm.s32 $0x8;
	s28 =	simm.s32 $0x8B70;
	v24 =	vld [tilespmem:s31+$0x0];
	v25 =	vadd.s32 v27, v25  }
.LBB2_46:
0x3f9: {  	[tilespmem:v18+s17+$0x0] =	vst.idx.msk $0xffff, v15;
	v18 =	vld [tilespmem:s28+$0xFFFFFF90];
	s25 =	sadd.s32 $0x80, s25  }
0x3fa: {  	v27 =	vld [tilespmem:s25+$0xFFFFFFC0];
	[tilespmem:v19+s17+$0x0] =	vst.idx.msk $0xffff, v15  }
0x3fb: {  	v19 =	vld [tilespmem:s25+$0xFFFFFFD0];
	[tilespmem:v20+s17+$0x0] =	vst.idx.msk $0xffff, v15  }
0x3fc: {  	v20 =	vld [tilespmem:s25+$0xFFFFFFE0];
	[tilespmem:v21+s17+$0x0] =	vst.idx.msk $0xffff, v15  }
0x3fd: {  	v21 =	vld [tilespmem:s25+$0xFFFFFFF0];
	[tilespmem:v22+s17+$0x0] =	vst.idx.msk $0xffff, v15  }
0x3fe: {  	v22 =	vld [tilespmem:s25+$0x0];
	[tilespmem:v23+s17+$0x0] =	vst.idx.msk $0xffff, v15  }
0x3ff: {  	vm0 =	veq.s32 v27, $0xD;
	v23 =	vld [tilespmem:s25+$0x10];
	[tilespmem:v26+s17+$0x0] =	vst.idx.msk $0xffff, v15  }
0x400: {  	v26 =	vsel vm0, $0x1, v2;
	vm0 =	veq.s32 v19, $0xD;
	v27 =	vld [tilespmem:s25+$0x20];
	[tilespmem:v24+s17+$0x0] =	vst.idx.msk $0xffff, v15  }
0x401: {  	s26 =	sadd.s32 $0x8, s26;
	v24 =	vadd.s32 v26, v25;
	v25 =	vsel vm0, $0x1, v2;
	vm0 =	veq.s32 v20, $0xD;
	v26 =	vld [tilespmem:s25+$0x30]  }
0x402: {  	p0 =	slt.u32 s26, $0xF8;
	v19 =	vld [tilespmem:s28+$0xFFFFFFA0];
	v24 =	vadd.s32 v25, v24;
	v25 =	vsel vm0, $0x1, v2;
	vm0 =	veq.s32 v21, $0xD  }
0x403: {  	v20 =	vld [tilespmem:s28+$0xFFFFFFB0];
	v24 =	vadd.s32 v25, v24;
	v25 =	vsel vm0, $0x1, v2;
	vm0 =	veq.s32 v22, $0xD  }
.Ltmp22:
0x404: {  	v21 =	vld [tilespmem:s28+$0xFFFFFFC0];
	v24 =	vadd.s32 v25, v24;
	v25 =	vsel vm0, $0x1, v2;
	vm0 =	veq.s32 v23, $0xD;
	(pc) =	sbr.rel @p0 .LBB2_46-.Ltmp22, $4  }
0x405: {  	v22 =	vld [tilespmem:s28+$0xFFFFFFD0];
	v24 =	vadd.s32 v25, v24;
	v25 =	vsel vm0, $0x1, v2;
	vm0 =	veq.s32 v27, $0xD  }
0x406: {  	v23 =	vld [tilespmem:s28+$0xFFFFFFE0];
	v24 =	vadd.s32 v25, v24;
	v25 =	vsel vm0, $0x1, v2;
	vm0 =	veq.s32 v26, $0xD  }
0x407: {  	v26 =	vld [tilespmem:s28+$0xFFFFFFF0];
	v25 =	vadd.s32 v25, v24;
	v27 =	vsel vm0, $0x1, v2  }
0x408: {  	v24 =	vld [tilespmem:s28+$0x0];
	s28 =	sadd.s32 $0x400, s28;
	v25 =	vadd.s32 v27, v25  }
0x409: {  	_ =	sdelay $0x3  }
0x40a: {  	[tilespmem:v18+s17+$0x0] =	vst.idx.msk $0xffff, v15;
	s0 =	sadd.s32 $0x80, s25  }
0x40b: {  	[tilespmem:v19+s17+$0x0] =	vst.idx.msk $0xffff, v15;
	v18 =	vld [tilespmem:s0+$0xFFFFFFC0]  }
0x40c: {  	[tilespmem:v20+s17+$0x0] =	vst.idx.msk $0xffff, v15;
	v19 =	vld [tilespmem:s0+$0xFFFFFFD0]  }
0x40d: {  	[tilespmem:v21+s17+$0x0] =	vst.idx.msk $0xffff, v15;
	v20 =	vld [tilespmem:s0+$0xFFFFFFE0]  }
0x40e: {  	v21 =	vld [tilespmem:s0+$0xFFFFFFF0];
	[tilespmem:v22+s17+$0x0] =	vst.idx.msk $0xffff, v15  }
0x40f: {  	v22 =	vld [tilespmem:s0+$0x0];
	[tilespmem:v23+s17+$0x0] =	vst.idx.msk $0xffff, v15  }
0x410: {  	[tilespmem:v26+s17+$0x0] =	vst.idx.msk $0xffff, v15;
	vm0 =	veq.s32 v18, $0xD;
	v18 =	vld [tilespmem:s0+$0x10]  }
0x411: {  	[tilespmem:v24+s17+$0x0] =	vst.idx.msk $0xffff, v15;
	vm13 =	veq.s32 v19, $0xD;
	v19 =	vld [tilespmem:s0+$0x20];
	v23 =	vsel vm0, $0x1, v2  }
0x412: {  	vm14 =	veq.s32 v20, $0xD;
	v20 =	vld [tilespmem:s0+$0x30];
	v24 =	vsel vm13, $0x1, v2;
	v23 =	vadd.s32 v23, v25  }
0x413: {  	vm15 =	veq.s32 v21, $0xD;
	v23 =	vadd.s32 v24, v23;
	v24 =	vsel vm14, $0x1, v2  }
0x414: {  	vm4 =	veq.s32 v22, $0xD;
	v21 =	vadd.s32 v24, v23;
	v23 =	vsel vm15, $0x1, v2  }
0x415: {  	v22 =	vsel vm4, $0x1, v2;
	v21 =	vadd.s32 v23, v21;
	vm5 =	veq.s32 v18, $0xD  }
0x416: {  	vm6 =	veq.s32 v19, $0xD;
	v18 =	vadd.s32 v22, v21;
	v21 =	vsel vm5, $0x1, v2  }
0x417: {  	vm7 =	veq.s32 v20, $0xD;
	v19 =	vsel vm6, $0x1, v2;
	v18 =	vadd.s32 v21, v18  }
0x418: {  	v18 =	vadd.s32 v19, v18;
	v19 =	vsel vm7, $0x1, v2  }
0x419: {  	v18 =	vadd.s32 v19, v18  }
0x41a: {  	(xrf0) =	vadd.scan.msk.s32 $0xffff, v18;
	_ =	sdelay $0x5  }
0x41b: {  	v18, _, _ =	vpop (xrf0)  }
0x41c: {  	(v2sf) =	vpush v18, $0xF;
	_ =	sdelay $0xe  }
0x41d: {  	s29 =	spop (v2sf)  }
0x41e: {  	s0 =	scvt.s32.f32 s29;
	_ =	sdelay $0x1  }
0x41f: {  	v18 =	vmov s0  }
0x420: {  	v18 =	vsub.f32 $0.0e+00, v18;
	_ =	sdelay $0x1  }
0x421: {  	v18 =	vbroadcast v18, $0x0;
	_ =	sdelay $0x1  }
0x422: {  	s30 =	simm.s32 $0x83F0;
	[tilespmem:v14+s19+$0x0] =	vst.idx.msk $0x1, v18  }
0x423: {  	v19 =	vld [tilespmem:s30+$0xFFFFFF90]  }
0x424: {  	v20 =	vld [tilespmem:s30+$0xFFFFFFA0]  }
0x425: {  	v21 =	vld [tilespmem:s30+$0xFFFFFFB0]  }
0x426: {  	v22 =	vld [tilespmem:s30+$0xFFFFFFC0]  }
0x427: {  	v23 =	vld [tilespmem:s30+$0xFFFFFFD0]  }
0x428: {  	v24 =	vld [tilespmem:s30+$0xFFFFFFE0]  }
0x429: {  	v25 =	vld [tilespmem:s30+$0xFFFFFFF0]  }
0x42a: {  	s31 =	simm.s32 $0x87F0;
	v26 =	vld [tilespmem:s30+$0x0]  }
0x42b: {  	s25 =	simm.s32 $0x10040;
	v18 =	vld [tilespmem:s31+$0xFFFFFF90];
	[tilespmem:v19+s18+$0x0] =	vst.idx.msk $0xffff, v16  }
0x42c: {  	[tilespmem:v20+s18+$0x0] =	vst.idx.msk $0xffff, v16;
	v19 =	vld [tilespmem:s25+$0xFFFFFFC0]  }
0x42d: {  	[tilespmem:v21+s18+$0x0] =	vst.idx.msk $0xffff, v16;
	v20 =	vld [tilespmem:s25+$0xFFFFFFD0]  }
0x42e: {  	[tilespmem:v22+s18+$0x0] =	vst.idx.msk $0xffff, v16;
	v21 =	vld [tilespmem:s25+$0xFFFFFFE0]  }
0x42f: {  	[tilespmem:v23+s18+$0x0] =	vst.idx.msk $0xffff, v16;
	v22 =	vld [tilespmem:s25+$0xFFFFFFF0]  }
0x430: {  	[tilespmem:v24+s18+$0x0] =	vst.idx.msk $0xffff, v16;
	v23 =	vld [tilespmem:s25+$0x0]  }
0x431: {  	[tilespmem:v25+s18+$0x0] =	vst.idx.msk $0xffff, v16;
	v24 =	vld [tilespmem:s25+$0x10];
	vm8 =	veq.s32 v19, $0xE  }
0x432: {  	[tilespmem:v26+s18+$0x0] =	vst.idx.msk $0xffff, v16;
	v27 =	vld [tilespmem:s25+$0x20];
	v19 =	vimm.s32 $0x0;
	vm9 =	veq.s32 v20, $0xE;
	v25 =	vsel vm8, $0x1, v2  }
0x433: {  	v26 =	vld [tilespmem:s25+$0x30];
	vm10 =	veq.s32 v21, $0xE;
	v20 =	vadd.s32 v25, v19;
	v25 =	vsel vm9, $0x1, v2  }
0x434: {  	vm11 =	veq.s32 v22, $0xE;
	v19 =	vld [tilespmem:s31+$0xFFFFFFA0];
	v21 =	vadd.s32 v25, v20;
	v25 =	vsel vm10, $0x1, v2  }
0x435: {  	vm12 =	veq.s32 v23, $0xE;
	v20 =	vld [tilespmem:s31+$0xFFFFFFB0];
	v22 =	vadd.s32 v25, v21;
	v25 =	vsel vm11, $0x1, v2  }
0x436: {  	vm13 =	veq.s32 v24, $0xE;
	v21 =	vld [tilespmem:s31+$0xFFFFFFC0];
	v23 =	vadd.s32 v25, v22;
	v25 =	vsel vm12, $0x1, v2  }
0x437: {  	vm14 =	veq.s32 v27, $0xE;
	v22 =	vld [tilespmem:s31+$0xFFFFFFD0];
	v24 =	vadd.s32 v25, v23;
	v25 =	vsel vm13, $0x1, v2  }
0x438: {  	vm15 =	veq.s32 v26, $0xE;
	v23 =	vld [tilespmem:s31+$0xFFFFFFE0];
	v24 =	vadd.s32 v25, v24;
	v25 =	vsel vm14, $0x1, v2  }
0x439: {  	v26 =	vld [tilespmem:s31+$0xFFFFFFF0];
	v27 =	vsel vm15, $0x1, v2;
	v25 =	vadd.s32 v25, v24  }
0x43a: {  	s26 =	simm.s32 $0x8;
	s28 =	simm.s32 $0x8BF0;
	v24 =	vld [tilespmem:s31+$0x0];
	v25 =	vadd.s32 v27, v25  }
.LBB2_48:
0x43b: {  	[tilespmem:v18+s18+$0x0] =	vst.idx.msk $0xffff, v16;
	v18 =	vld [tilespmem:s28+$0xFFFFFF90];
	s25 =	sadd.s32 $0x80, s25  }
0x43c: {  	v27 =	vld [tilespmem:s25+$0xFFFFFFC0];
	[tilespmem:v19+s18+$0x0] =	vst.idx.msk $0xffff, v16  }
0x43d: {  	v19 =	vld [tilespmem:s25+$0xFFFFFFD0];
	[tilespmem:v20+s18+$0x0] =	vst.idx.msk $0xffff, v16  }
0x43e: {  	v20 =	vld [tilespmem:s25+$0xFFFFFFE0];
	[tilespmem:v21+s18+$0x0] =	vst.idx.msk $0xffff, v16  }
0x43f: {  	v21 =	vld [tilespmem:s25+$0xFFFFFFF0];
	[tilespmem:v22+s18+$0x0] =	vst.idx.msk $0xffff, v16  }
0x440: {  	v22 =	vld [tilespmem:s25+$0x0];
	[tilespmem:v23+s18+$0x0] =	vst.idx.msk $0xffff, v16  }
0x441: {  	vm0 =	veq.s32 v27, $0xE;
	v23 =	vld [tilespmem:s25+$0x10];
	[tilespmem:v26+s18+$0x0] =	vst.idx.msk $0xffff, v16  }
0x442: {  	v26 =	vsel vm0, $0x1, v2;
	vm0 =	veq.s32 v19, $0xE;
	v27 =	vld [tilespmem:s25+$0x20];
	[tilespmem:v24+s18+$0x0] =	vst.idx.msk $0xffff, v16  }
0x443: {  	s26 =	sadd.s32 $0x8, s26;
	v24 =	vadd.s32 v26, v25;
	v25 =	vsel vm0, $0x1, v2;
	vm0 =	veq.s32 v20, $0xE;
	v26 =	vld [tilespmem:s25+$0x30]  }
0x444: {  	p0 =	slt.u32 s26, $0xF8;
	v19 =	vld [tilespmem:s28+$0xFFFFFFA0];
	v24 =	vadd.s32 v25, v24;
	v25 =	vsel vm0, $0x1, v2;
	vm0 =	veq.s32 v21, $0xE  }
0x445: {  	v20 =	vld [tilespmem:s28+$0xFFFFFFB0];
	v24 =	vadd.s32 v25, v24;
	v25 =	vsel vm0, $0x1, v2;
	vm0 =	veq.s32 v22, $0xE  }
.Ltmp23:
0x446: {  	v21 =	vld [tilespmem:s28+$0xFFFFFFC0];
	v24 =	vadd.s32 v25, v24;
	v25 =	vsel vm0, $0x1, v2;
	vm0 =	veq.s32 v23, $0xE;
	(pc) =	sbr.rel @p0 .LBB2_48-.Ltmp23, $4  }
0x447: {  	v22 =	vld [tilespmem:s28+$0xFFFFFFD0];
	v24 =	vadd.s32 v25, v24;
	v25 =	vsel vm0, $0x1, v2;
	vm0 =	veq.s32 v27, $0xE  }
0x448: {  	v23 =	vld [tilespmem:s28+$0xFFFFFFE0];
	v24 =	vadd.s32 v25, v24;
	v25 =	vsel vm0, $0x1, v2;
	vm0 =	veq.s32 v26, $0xE  }
0x449: {  	v26 =	vld [tilespmem:s28+$0xFFFFFFF0];
	v25 =	vadd.s32 v25, v24;
	v27 =	vsel vm0, $0x1, v2  }
0x44a: {  	v24 =	vld [tilespmem:s28+$0x0];
	s28 =	sadd.s32 $0x400, s28;
	v25 =	vadd.s32 v27, v25  }
0x44b: {  	_ =	sdelay $0x3  }
0x44c: {  	[tilespmem:v18+s18+$0x0] =	vst.idx.msk $0xffff, v16;
	s0 =	sadd.s32 $0x80, s25  }
0x44d: {  	[tilespmem:v19+s18+$0x0] =	vst.idx.msk $0xffff, v16;
	v18 =	vld [tilespmem:s0+$0xFFFFFFC0]  }
0x44e: {  	[tilespmem:v20+s18+$0x0] =	vst.idx.msk $0xffff, v16;
	v19 =	vld [tilespmem:s0+$0xFFFFFFD0]  }
0x44f: {  	[tilespmem:v21+s18+$0x0] =	vst.idx.msk $0xffff, v16;
	v20 =	vld [tilespmem:s0+$0xFFFFFFE0]  }
0x450: {  	v21 =	vld [tilespmem:s0+$0xFFFFFFF0];
	[tilespmem:v22+s18+$0x0] =	vst.idx.msk $0xffff, v16  }
0x451: {  	v22 =	vld [tilespmem:s0+$0x0];
	[tilespmem:v23+s18+$0x0] =	vst.idx.msk $0xffff, v16  }
0x452: {  	[tilespmem:v26+s18+$0x0] =	vst.idx.msk $0xffff, v16;
	vm0 =	veq.s32 v18, $0xE;
	v18 =	vld [tilespmem:s0+$0x10]  }
0x453: {  	[tilespmem:v24+s18+$0x0] =	vst.idx.msk $0xffff, v16;
	vm9 =	veq.s32 v19, $0xE;
	v19 =	vld [tilespmem:s0+$0x20];
	v57 =	vsel vm0, $0x1, v2  }
0x454: {  	v59 =	vld [tilespmem:s0+$0x30];
	vm10 =	veq.s32 v20, $0xE;
	v58 =	vsel vm9, $0x1, v2;
	v23 =	vadd.s32 v57, v25  }
0x455: {  	vm11 =	veq.s32 v21, $0xE;
	v60 =	vsel vm10, $0x1, v2;
	v23 =	vadd.s32 v58, v23  }
0x456: {  	v62 =	vsel vm11, $0x1, v2;
	vm12 =	veq.s32 v22, $0xE;
	v61 =	vadd.s32 v60, v23  }
0x457: {  	v22 =	vsel vm12, $0x1, v2;
	v21 =	vadd.s32 v62, v61;
	vm13 =	veq.s32 v18, $0xE  }
0x458: {  	vm14 =	veq.s32 v19, $0xE;
	v18 =	vadd.s32 v22, v21;
	v63 =	vsel vm13, $0x1, v2  }
0x459: {  	vm15 =	veq.s32 v59, $0xE;
	v19 =	vsel vm14, $0x1, v2;
	v18 =	vadd.s32 v63, v18  }
0x45a: {  	v18 =	vadd.s32 v19, v18;
	v19 =	vsel vm15, $0x1, v2  }
0x45b: {  	v18 =	vadd.s32 v19, v18  }
0x45c: {  	(xrf0) =	vadd.scan.msk.s32 $0xffff, v18;
	_ =	sdelay $0x5  }
0x45d: {  	v18, _, _ =	vpop (xrf0)  }
0x45e: {  	(v2sf) =	vpush v18, $0xF;
	_ =	sdelay $0xe  }
0x45f: {  	s31 =	spop (v2sf)  }
0x460: {  	s0 =	scvt.s32.f32 s31;
	_ =	sdelay $0x1  }
0x461: {  	v18 =	vmov s0  }
0x462: {  	v18 =	vsub.f32 $0.0e+00, v18;
	_ =	sdelay $0x1  }
0x463: {  	v18 =	vbroadcast v18, $0x0;
	_ =	sdelay $0x1  }
0x464: {  	s2 =	simm.s32 $0x8200;
	s0 =	simm.s32 $0x0;
	[tilespmem:v15+s19+$0x0] =	vst.idx.msk $0x1, v18  }
.LBB2_50:
0x465: {  	p0 =	sne.s32 s0, $0xF80  }
.Ltmp24:
0x466: {  	_ = 	snop;
	(pc) =	sbr.rel @p0 .LBB2_50-.Ltmp24, $4  }
0x467: {  	_ = 	snop  }
0x468: {  	s14 =	sadd.s32 s0, s13  }
0x469: {  	[tilespmem:s2], [sflag:$0x4] =	stream.linear.gather [hbm4b:s14+s3], $0x200, $0x38;
	[tilespmem:$0x12080] =	vst v63  }
0x46a: {  	s0 =	sadd.s32 $0x80, s0;
	s2 =	sadd.s32 $0x400, s2  }
0x46b: {  	s25 =	simm.s32 $0x1  }
.LBB2_52:
0x46c: {  	_ =	swait.ge [sflag:s16], $0x4000  }
0x46d: {  	[sflag:s16] =	ssyncset.done $0x0  }
0x46e: {  	s0 =	simm.s32 $0x40;
	[sflag:s16] =	ssyncadd.s32 $0xFFFFC000  }
0x46f: {  	v19 =	vld [tilespmem:s0+$0xFFFFFFC0]  }
0x470: {  	v21 =	vld [tilespmem:s0+$0xFFFFFFD0]  }
0x471: {  	v22 =	vld [tilespmem:s0+$0xFFFFFFE0]  }
0x472: {  	v23 =	vld [tilespmem:s0+$0xFFFFFFF0]  }
0x473: {  	v24 =	vld [tilespmem:s0+$0x0]  }
0x474: {  	v25 =	vld [tilespmem:s0+$0x10]  }
0x475: {  	s26 =	sshll.u32 s25, $0x4;
	v26 =	vld [tilespmem:s0+$0x20]  }
0x476: {  	s31 =	simm.s32 $0x440;
	v18 =	vmov s26;
	v27 =	vld [tilespmem:s0+$0x30]  }
0x477: {  	s28 =	simm.s32 $0x11040;
	v20 =	vld [tilespmem:s31+$0xFFFFFFC0];
	[tilespmem:v19+s17+$0x0] =	vst.idx.msk $0xffff, v18  }
0x478: {  	[tilespmem:v21+s17+$0x0] =	vst.idx.msk $0xffff, v18;
	v28 =	vld [tilespmem:s28+$0xFFFFFFC0]  }
0x479: {  	[tilespmem:v22+s17+$0x0] =	vst.idx.msk $0xffff, v18;
	v21 =	vld [tilespmem:s28+$0xFFFFFFD0]  }
0x47a: {  	[tilespmem:v23+s17+$0x0] =	vst.idx.msk $0xffff, v18;
	v22 =	vld [tilespmem:s28+$0xFFFFFFE0]  }
0x47b: {  	[tilespmem:v24+s17+$0x0] =	vst.idx.msk $0xffff, v18;
	v23 =	vld [tilespmem:s28+$0xFFFFFFF0]  }
0x47c: {  	v19 =	vadd.s32 $0xFFFFFFFF, v18;
	[tilespmem:v25+s17+$0x0] =	vst.idx.msk $0xffff, v18;
	v24 =	vld [tilespmem:s28+$0x0]  }
0x47d: {  	[tilespmem:v26+s17+$0x0] =	vst.idx.msk $0xffff, v18;
	v25 =	vld [tilespmem:s28+$0x10];
	vm0 =	veq.s32 v28, v19  }
0x47e: {  	v26 =	vimm.s32 $0x0;
	[tilespmem:v27+s17+$0x0] =	vst.idx.msk $0xffff, v18;
	v29 =	vld [tilespmem:s28+$0x20];
	vm9 =	veq.s32 v21, v19;
	v28 =	vsel vm0, $0x1, v2  }
0x47f: {  	vm10 =	veq.s32 v22, v19;
	v27 =	vsel vm9, $0x1, v2;
	v26 =	vadd.s32 v28, v26;
	v28 =	vld [tilespmem:s28+$0x30]  }
0x480: {  	v21 =	vld [tilespmem:s31+$0xFFFFFFD0];
	vm11 =	veq.s32 v23, v19;
	v26 =	vadd.s32 v27, v26;
	v27 =	vsel vm10, $0x1, v2  }
0x481: {  	v22 =	vld [tilespmem:s31+$0xFFFFFFE0];
	vm12 =	veq.s32 v24, v19;
	v26 =	vadd.s32 v27, v26;
	v27 =	vsel vm11, $0x1, v2  }
0x482: {  	v23 =	vld [tilespmem:s31+$0xFFFFFFF0];
	vm13 =	veq.s32 v25, v19;
	v26 =	vadd.s32 v27, v26;
	v27 =	vsel vm12, $0x1, v2  }
0x483: {  	v24 =	vld [tilespmem:s31+$0x0];
	vm14 =	veq.s32 v29, v19;
	v26 =	vadd.s32 v27, v26;
	v27 =	vsel vm13, $0x1, v2  }
0x484: {  	v25 =	vld [tilespmem:s31+$0x10];
	v26 =	vadd.s32 v27, v26;
	v27 =	vsel vm14, $0x1, v2;
	vm15 =	veq.s32 v28, v19  }
0x485: {  	v28 =	vld [tilespmem:s31+$0x20];
	v27 =	vadd.s32 v27, v26;
	v29 =	vsel vm15, $0x1, v2  }
0x486: {  	s29 =	simm.s32 $0x8;
	s30 =	simm.s32 $0x840;
	v26 =	vld [tilespmem:s31+$0x30];
	v27 =	vadd.s32 v29, v27  }
.LBB2_53:
0x487: {  	[tilespmem:v20+s17+$0x0] =	vst.idx.msk $0xffff, v18;
	v20 =	vld [tilespmem:s30+$0xFFFFFFC0];
	s28 =	sadd.s32 $0x80, s28  }
0x488: {  	v29 =	vld [tilespmem:s28+$0xFFFFFFC0];
	[tilespmem:v21+s17+$0x0] =	vst.idx.msk $0xffff, v18  }
0x489: {  	v21 =	vld [tilespmem:s28+$0xFFFFFFD0];
	[tilespmem:v22+s17+$0x0] =	vst.idx.msk $0xffff, v18  }
0x48a: {  	v22 =	vld [tilespmem:s28+$0xFFFFFFE0];
	[tilespmem:v23+s17+$0x0] =	vst.idx.msk $0xffff, v18  }
0x48b: {  	v23 =	vld [tilespmem:s28+$0xFFFFFFF0];
	[tilespmem:v24+s17+$0x0] =	vst.idx.msk $0xffff, v18  }
0x48c: {  	v24 =	vld [tilespmem:s28+$0x0];
	[tilespmem:v25+s17+$0x0] =	vst.idx.msk $0xffff, v18  }
0x48d: {  	vm0 =	veq.s32 v29, v19;
	v25 =	vld [tilespmem:s28+$0x10];
	[tilespmem:v28+s17+$0x0] =	vst.idx.msk $0xffff, v18  }
0x48e: {  	v28 =	vsel vm0, $0x1, v2;
	vm0 =	veq.s32 v21, v19;
	v29 =	vld [tilespmem:s28+$0x20];
	[tilespmem:v26+s17+$0x0] =	vst.idx.msk $0xffff, v18  }
0x48f: {  	s29 =	sadd.s32 $0x8, s29;
	v26 =	vadd.s32 v28, v27;
	v27 =	vsel vm0, $0x1, v2;
	vm0 =	veq.s32 v22, v19;
	v28 =	vld [tilespmem:s28+$0x30]  }
0x490: {  	p0 =	slt.u32 s29, $0xF8;
	v21 =	vld [tilespmem:s30+$0xFFFFFFD0];
	v26 =	vadd.s32 v27, v26;
	v27 =	vsel vm0, $0x1, v2;
	vm0 =	veq.s32 v23, v19  }
0x491: {  	v22 =	vld [tilespmem:s30+$0xFFFFFFE0];
	v26 =	vadd.s32 v27, v26;
	v27 =	vsel vm0, $0x1, v2;
	vm0 =	veq.s32 v24, v19  }
.Ltmp25:
0x492: {  	v23 =	vld [tilespmem:s30+$0xFFFFFFF0];
	v26 =	vadd.s32 v27, v26;
	v27 =	vsel vm0, $0x1, v2;
	vm0 =	veq.s32 v25, v19;
	(pc) =	sbr.rel @p0 .LBB2_53-.Ltmp25, $4  }
0x493: {  	v24 =	vld [tilespmem:s30+$0x0];
	v26 =	vadd.s32 v27, v26;
	v27 =	vsel vm0, $0x1, v2;
	vm0 =	veq.s32 v29, v19  }
0x494: {  	v25 =	vld [tilespmem:s30+$0x10];
	v26 =	vadd.s32 v27, v26;
	v27 =	vsel vm0, $0x1, v2;
	vm0 =	veq.s32 v28, v19  }
0x495: {  	v28 =	vld [tilespmem:s30+$0x20];
	v27 =	vadd.s32 v27, v26;
	v29 =	vsel vm0, $0x1, v2  }
0x496: {  	v26 =	vld [tilespmem:s30+$0x30];
	s30 =	sadd.s32 $0x400, s30;
	v27 =	vadd.s32 v29, v27  }
0x497: {  	_ =	sdelay $0x3  }
0x498: {  	[tilespmem:v20+s17+$0x0] =	vst.idx.msk $0xffff, v18;
	s0 =	sadd.s32 $0x80, s28  }
0x499: {  	[tilespmem:v21+s17+$0x0] =	vst.idx.msk $0xffff, v18;
	v20 =	vld [tilespmem:s0+$0xFFFFFFC0]  }
0x49a: {  	[tilespmem:v22+s17+$0x0] =	vst.idx.msk $0xffff, v18;
	v21 =	vld [tilespmem:s0+$0xFFFFFFD0]  }
0x49b: {  	[tilespmem:v23+s17+$0x0] =	vst.idx.msk $0xffff, v18;
	v22 =	vld [tilespmem:s0+$0xFFFFFFE0]  }
0x49c: {  	v23 =	vld [tilespmem:s0+$0xFFFFFFF0];
	[tilespmem:v24+s17+$0x0] =	vst.idx.msk $0xffff, v18  }
0x49d: {  	v24 =	vld [tilespmem:s0+$0x0];
	[tilespmem:v25+s17+$0x0] =	vst.idx.msk $0xffff, v18  }
0x49e: {  	[tilespmem:v28+s17+$0x0] =	vst.idx.msk $0xffff, v18;
	vm0 =	veq.s32 v20, v19;
	v20 =	vld [tilespmem:s0+$0x10]  }
0x49f: {  	[tilespmem:v26+s17+$0x0] =	vst.idx.msk $0xffff, v18;
	vm13 =	veq.s32 v21, v19;
	v21 =	vld [tilespmem:s0+$0x20];
	v25 =	vsel vm0, $0x1, v2  }
0x4a0: {  	vm14 =	veq.s32 v22, v19;
	v22 =	vld [tilespmem:s0+$0x30];
	v26 =	vsel vm13, $0x1, v2;
	v25 =	vadd.s32 v25, v27  }
0x4a1: {  	vm15 =	veq.s32 v23, v19;
	v25 =	vadd.s32 v26, v25;
	v26 =	vsel vm14, $0x1, v2  }
0x4a2: {  	vm4 =	veq.s32 v24, v19;
	v23 =	vadd.s32 v26, v25;
	v25 =	vsel vm15, $0x1, v2  }
0x4a3: {  	v24 =	vsel vm4, $0x1, v2;
	v23 =	vadd.s32 v25, v23;
	vm5 =	veq.s32 v20, v19  }
0x4a4: {  	vm6 =	veq.s32 v21, v19;
	v20 =	vadd.s32 v24, v23;
	v23 =	vsel vm5, $0x1, v2  }
0x4a5: {  	vm7 =	veq.s32 v22, v19;
	v21 =	vsel vm6, $0x1, v2;
	v20 =	vadd.s32 v23, v20  }
0x4a6: {  	v19 =	vadd.s32 v21, v20;
	v20 =	vsel vm7, $0x1, v2  }
0x4a7: {  	v19 =	vadd.s32 v20, v19  }
0x4a8: {  	(xrf0) =	vadd.scan.msk.s32 $0xffff, v19;
	_ =	sdelay $0x5  }
0x4a9: {  	v19, _, _ =	vpop (xrf0)  }
0x4aa: {  	(v2sf) =	vpush v19, $0xF;
	_ =	sdelay $0xe  }
0x4ab: {  	s14 =	spop (v2sf)  }
0x4ac: {  	s0 =	scvt.s32.f32 s14  }
0x4ad: {  	s2 =	sadd.s32 $0xFFFFFFFF, s26  }
0x4ae: {  	v20 =	vmov s2;
	v19 =	vmov s0  }
0x4af: {  	v19 =	vsub.f32 $0.0e+00, v19;
	_ =	sdelay $0x1  }
0x4b0: {  	v19 =	vbroadcast v19, $0x0;
	_ =	sdelay $0x1  }
0x4b1: {  	s31 =	simm.s32 $0xF0;
	[tilespmem:v20+s19+$0x0] =	vst.idx.msk $0x1, v19  }
0x4b2: {  	v19 =	vld [tilespmem:s31+$0xFFFFFF90]  }
0x4b3: {  	v22 =	vld [tilespmem:s31+$0xFFFFFFA0]  }
0x4b4: {  	v23 =	vld [tilespmem:s31+$0xFFFFFFB0]  }
0x4b5: {  	v24 =	vld [tilespmem:s31+$0xFFFFFFC0]  }
0x4b6: {  	v25 =	vld [tilespmem:s31+$0xFFFFFFD0]  }
0x4b7: {  	v26 =	vld [tilespmem:s31+$0xFFFFFFE0]  }
0x4b8: {  	s14 =	sor.u32 $0x1, s26;
	v27 =	vld [tilespmem:s31+$0xFFFFFFF0]  }
0x4b9: {  	v20 =	vmov s14;
	v28 =	vld [tilespmem:s31+$0x0];
	s31 =	simm.s32 $0x4F0  }
0x4ba: {  	s28 =	simm.s32 $0x10040;
	v21 =	vld [tilespmem:s31+$0xFFFFFF90];
	[tilespmem:v19+s18+$0x0] =	vst.idx.msk $0xffff, v20  }
0x4bb: {  	[tilespmem:v22+s18+$0x0] =	vst.idx.msk $0xffff, v20;
	v29 =	vld [tilespmem:s28+$0xFFFFFFC0]  }
0x4bc: {  	[tilespmem:v23+s18+$0x0] =	vst.idx.msk $0xffff, v20;
	v22 =	vld [tilespmem:s28+$0xFFFFFFD0]  }
0x4bd: {  	[tilespmem:v24+s18+$0x0] =	vst.idx.msk $0xffff, v20;
	v23 =	vld [tilespmem:s28+$0xFFFFFFE0]  }
0x4be: {  	[tilespmem:v25+s18+$0x0] =	vst.idx.msk $0xffff, v20;
	v24 =	vld [tilespmem:s28+$0xFFFFFFF0]  }
0x4bf: {  	v19 =	vadd.s32 $0xFFFFFFFF, v20;
	[tilespmem:v26+s18+$0x0] =	vst.idx.msk $0xffff, v20;
	v25 =	vld [tilespmem:s28+$0x0]  }
0x4c0: {  	[tilespmem:v27+s18+$0x0] =	vst.idx.msk $0xffff, v20;
	v26 =	vld [tilespmem:s28+$0x10];
	vm8 =	veq.s32 v29, v19  }
0x4c1: {  	v27 =	vimm.s32 $0x0;
	[tilespmem:v28+s18+$0x0] =	vst.idx.msk $0xffff, v20;
	v30 =	vld [tilespmem:s28+$0x20];
	vm9 =	veq.s32 v22, v19;
	v29 =	vsel vm8, $0x1, v2  }
0x4c2: {  	vm10 =	veq.s32 v23, v19;
	v28 =	vsel vm9, $0x1, v2;
	v27 =	vadd.s32 v29, v27;
	v29 =	vld [tilespmem:s28+$0x30]  }
0x4c3: {  	v22 =	vld [tilespmem:s31+$0xFFFFFFA0];
	vm11 =	veq.s32 v24, v19;
	v27 =	vadd.s32 v28, v27;
	v28 =	vsel vm10, $0x1, v2  }
0x4c4: {  	v23 =	vld [tilespmem:s31+$0xFFFFFFB0];
	vm12 =	veq.s32 v25, v19;
	v27 =	vadd.s32 v28, v27;
	v28 =	vsel vm11, $0x1, v2  }
0x4c5: {  	v24 =	vld [tilespmem:s31+$0xFFFFFFC0];
	vm13 =	veq.s32 v26, v19;
	v27 =	vadd.s32 v28, v27;
	v28 =	vsel vm12, $0x1, v2  }
0x4c6: {  	v25 =	vld [tilespmem:s31+$0xFFFFFFD0];
	vm14 =	veq.s32 v30, v19;
	v27 =	vadd.s32 v28, v27;
	v28 =	vsel vm13, $0x1, v2  }
0x4c7: {  	v26 =	vld [tilespmem:s31+$0xFFFFFFE0];
	v27 =	vadd.s32 v28, v27;
	v28 =	vsel vm14, $0x1, v2;
	vm15 =	veq.s32 v29, v19  }
0x4c8: {  	v29 =	vld [tilespmem:s31+$0xFFFFFFF0];
	v28 =	vadd.s32 v28, v27;
	v30 =	vsel vm15, $0x1, v2  }
0x4c9: {  	s29 =	simm.s32 $0x8;
	s30 =	simm.s32 $0x8F0;
	v27 =	vld [tilespmem:s31+$0x0];
	v28 =	vadd.s32 v30, v28  }
.LBB2_55:
0x4ca: {  	[tilespmem:v21+s18+$0x0] =	vst.idx.msk $0xffff, v20;
	v21 =	vld [tilespmem:s30+$0xFFFFFF90];
	s28 =	sadd.s32 $0x80, s28  }
0x4cb: {  	v30 =	vld [tilespmem:s28+$0xFFFFFFC0];
	[tilespmem:v22+s18+$0x0] =	vst.idx.msk $0xffff, v20  }
0x4cc: {  	v22 =	vld [tilespmem:s28+$0xFFFFFFD0];
	[tilespmem:v23+s18+$0x0] =	vst.idx.msk $0xffff, v20  }
0x4cd: {  	v23 =	vld [tilespmem:s28+$0xFFFFFFE0];
	[tilespmem:v24+s18+$0x0] =	vst.idx.msk $0xffff, v20  }
0x4ce: {  	v24 =	vld [tilespmem:s28+$0xFFFFFFF0];
	[tilespmem:v25+s18+$0x0] =	vst.idx.msk $0xffff, v20  }
0x4cf: {  	v25 =	vld [tilespmem:s28+$0x0];
	[tilespmem:v26+s18+$0x0] =	vst.idx.msk $0xffff, v20  }
0x4d0: {  	vm0 =	veq.s32 v30, v19;
	v26 =	vld [tilespmem:s28+$0x10];
	[tilespmem:v29+s18+$0x0] =	vst.idx.msk $0xffff, v20  }
0x4d1: {  	v29 =	vsel vm0, $0x1, v2;
	vm0 =	veq.s32 v22, v19;
	v30 =	vld [tilespmem:s28+$0x20];
	[tilespmem:v27+s18+$0x0] =	vst.idx.msk $0xffff, v20  }
0x4d2: {  	s29 =	sadd.s32 $0x8, s29;
	v27 =	vadd.s32 v29, v28;
	v28 =	vsel vm0, $0x1, v2;
	vm0 =	veq.s32 v23, v19;
	v29 =	vld [tilespmem:s28+$0x30]  }
0x4d3: {  	p0 =	slt.u32 s29, $0xF8;
	v22 =	vld [tilespmem:s30+$0xFFFFFFA0];
	v27 =	vadd.s32 v28, v27;
	v28 =	vsel vm0, $0x1, v2;
	vm0 =	veq.s32 v24, v19  }
0x4d4: {  	v23 =	vld [tilespmem:s30+$0xFFFFFFB0];
	v27 =	vadd.s32 v28, v27;
	v28 =	vsel vm0, $0x1, v2;
	vm0 =	veq.s32 v25, v19  }
.Ltmp26:
0x4d5: {  	v24 =	vld [tilespmem:s30+$0xFFFFFFC0];
	v27 =	vadd.s32 v28, v27;
	v28 =	vsel vm0, $0x1, v2;
	vm0 =	veq.s32 v26, v19;
	(pc) =	sbr.rel @p0 .LBB2_55-.Ltmp26, $4  }
0x4d6: {  	v25 =	vld [tilespmem:s30+$0xFFFFFFD0];
	v27 =	vadd.s32 v28, v27;
	v28 =	vsel vm0, $0x1, v2;
	vm0 =	veq.s32 v30, v19  }
0x4d7: {  	v26 =	vld [tilespmem:s30+$0xFFFFFFE0];
	v27 =	vadd.s32 v28, v27;
	v28 =	vsel vm0, $0x1, v2;
	vm0 =	veq.s32 v29, v19  }
0x4d8: {  	v29 =	vld [tilespmem:s30+$0xFFFFFFF0];
	v28 =	vadd.s32 v28, v27;
	v30 =	vsel vm0, $0x1, v2  }
0x4d9: {  	v27 =	vld [tilespmem:s30+$0x0];
	s30 =	sadd.s32 $0x400, s30;
	v28 =	vadd.s32 v30, v28  }
0x4da: {  	_ =	sdelay $0x3  }
0x4db: {  	[tilespmem:v21+s18+$0x0] =	vst.idx.msk $0xffff, v20;
	s0 =	sadd.s32 $0x80, s28  }
0x4dc: {  	[tilespmem:v22+s18+$0x0] =	vst.idx.msk $0xffff, v20;
	v21 =	vld [tilespmem:s0+$0xFFFFFFC0]  }
0x4dd: {  	[tilespmem:v23+s18+$0x0] =	vst.idx.msk $0xffff, v20;
	v22 =	vld [tilespmem:s0+$0xFFFFFFD0]  }
0x4de: {  	[tilespmem:v24+s18+$0x0] =	vst.idx.msk $0xffff, v20;
	v23 =	vld [tilespmem:s0+$0xFFFFFFE0]  }
0x4df: {  	v24 =	vld [tilespmem:s0+$0xFFFFFFF0];
	[tilespmem:v25+s18+$0x0] =	vst.idx.msk $0xffff, v20  }
0x4e0: {  	v25 =	vld [tilespmem:s0+$0x0];
	[tilespmem:v26+s18+$0x0] =	vst.idx.msk $0xffff, v20  }
0x4e1: {  	[tilespmem:v29+s18+$0x0] =	vst.idx.msk $0xffff, v20;
	vm0 =	veq.s32 v21, v19;
	v21 =	vld [tilespmem:s0+$0x10]  }
0x4e2: {  	[tilespmem:v27+s18+$0x0] =	vst.idx.msk $0xffff, v20;
	vm13 =	veq.s32 v22, v19;
	v22 =	vld [tilespmem:s0+$0x20];
	v26 =	vsel vm0, $0x1, v2  }
0x4e3: {  	vm14 =	veq.s32 v23, v19;
	v23 =	vld [tilespmem:s0+$0x30];
	v27 =	vsel vm13, $0x1, v2;
	v26 =	vadd.s32 v26, v28  }
0x4e4: {  	vm15 =	veq.s32 v24, v19;
	v26 =	vadd.s32 v27, v26;
	v27 =	vsel vm14, $0x1, v2  }
0x4e5: {  	vm4 =	veq.s32 v25, v19;
	v24 =	vadd.s32 v27, v26;
	v26 =	vsel vm15, $0x1, v2  }
0x4e6: {  	v25 =	vsel vm4, $0x1, v2;
	v24 =	vadd.s32 v26, v24;
	vm5 =	veq.s32 v21, v19  }
0x4e7: {  	vm6 =	veq.s32 v22, v19;
	v21 =	vadd.s32 v25, v24;
	v24 =	vsel vm5, $0x1, v2  }
0x4e8: {  	vm7 =	veq.s32 v23, v19;
	v22 =	vsel vm6, $0x1, v2;
	v21 =	vadd.s32 v24, v21  }
0x4e9: {  	v19 =	vadd.s32 v22, v21;
	v21 =	vsel vm7, $0x1, v2  }
0x4ea: {  	v19 =	vadd.s32 v21, v19  }
0x4eb: {  	(xrf0) =	vadd.scan.msk.s32 $0xffff, v19;
	_ =	sdelay $0x5  }
0x4ec: {  	v19, _, _ =	vpop (xrf0)  }
0x4ed: {  	(v2sf) =	vpush v19, $0xF;
	_ =	sdelay $0xe  }
0x4ee: {  	s2 =	spop (v2sf)  }
0x4ef: {  	s0 =	scvt.s32.f32 s2;
	_ =	sdelay $0x1  }
0x4f0: {  	v19 =	vmov s0  }
0x4f1: {  	v19 =	vsub.f32 $0.0e+00, v19;
	_ =	sdelay $0x1  }
0x4f2: {  	v19 =	vbroadcast v19, $0x0;
	_ =	sdelay $0x1  }
0x4f3: {  	s14 =	simm.s32 $0x170;
	[tilespmem:v18+s19+$0x0] =	vst.idx.msk $0x1, v19  }
0x4f4: {  	v18 =	vld [tilespmem:s14+$0xFFFFFF90]  }
0x4f5: {  	v22 =	vld [tilespmem:s14+$0xFFFFFFA0]  }
0x4f6: {  	v23 =	vld [tilespmem:s14+$0xFFFFFFB0]  }
0x4f7: {  	v24 =	vld [tilespmem:s14+$0xFFFFFFC0]  }
0x4f8: {  	v25 =	vld [tilespmem:s14+$0xFFFFFFD0]  }
0x4f9: {  	v26 =	vld [tilespmem:s14+$0xFFFFFFE0]  }
0x4fa: {  	s2 =	sor.u32 $0x2, s26;
	v27 =	vld [tilespmem:s14+$0xFFFFFFF0]  }
0x4fb: {  	s31 =	simm.s32 $0x570;
	v19 =	vmov s2;
	v28 =	vld [tilespmem:s14+$0x0]  }
0x4fc: {  	s28 =	simm.s32 $0x11040;
	v21 =	vld [tilespmem:s31+$0xFFFFFF90];
	[tilespmem:v18+s17+$0x0] =	vst.idx.msk $0xffff, v19  }
0x4fd: {  	[tilespmem:v22+s17+$0x0] =	vst.idx.msk $0xffff, v19;
	v29 =	vld [tilespmem:s28+$0xFFFFFFC0]  }
0x4fe: {  	[tilespmem:v23+s17+$0x0] =	vst.idx.msk $0xffff, v19;
	v22 =	vld [tilespmem:s28+$0xFFFFFFD0]  }
0x4ff: {  	[tilespmem:v24+s17+$0x0] =	vst.idx.msk $0xffff, v19;
	v23 =	vld [tilespmem:s28+$0xFFFFFFE0]  }
0x500: {  	[tilespmem:v25+s17+$0x0] =	vst.idx.msk $0xffff, v19;
	v24 =	vld [tilespmem:s28+$0xFFFFFFF0]  }
0x501: {  	v18 =	vadd.s32 $0xFFFFFFFF, v19;
	[tilespmem:v26+s17+$0x0] =	vst.idx.msk $0xffff, v19;
	v25 =	vld [tilespmem:s28+$0x0]  }
0x502: {  	[tilespmem:v27+s17+$0x0] =	vst.idx.msk $0xffff, v19;
	v26 =	vld [tilespmem:s28+$0x10];
	vm8 =	veq.s32 v29, v18  }
0x503: {  	v27 =	vimm.s32 $0x0;
	[tilespmem:v28+s17+$0x0] =	vst.idx.msk $0xffff, v19;
	v30 =	vld [tilespmem:s28+$0x20];
	vm9 =	veq.s32 v22, v18;
	v29 =	vsel vm8, $0x1, v2  }
0x504: {  	vm10 =	veq.s32 v23, v18;
	v28 =	vsel vm9, $0x1, v2;
	v27 =	vadd.s32 v29, v27;
	v29 =	vld [tilespmem:s28+$0x30]  }
0x505: {  	v22 =	vld [tilespmem:s31+$0xFFFFFFA0];
	vm11 =	veq.s32 v24, v18;
	v27 =	vadd.s32 v28, v27;
	v28 =	vsel vm10, $0x1, v2  }
0x506: {  	v23 =	vld [tilespmem:s31+$0xFFFFFFB0];
	vm12 =	veq.s32 v25, v18;
	v27 =	vadd.s32 v28, v27;
	v28 =	vsel vm11, $0x1, v2  }
0x507: {  	v24 =	vld [tilespmem:s31+$0xFFFFFFC0];
	vm13 =	veq.s32 v26, v18;
	v27 =	vadd.s32 v28, v27;
	v28 =	vsel vm12, $0x1, v2  }
0x508: {  	v25 =	vld [tilespmem:s31+$0xFFFFFFD0];
	vm14 =	veq.s32 v30, v18;
	v27 =	vadd.s32 v28, v27;
	v28 =	vsel vm13, $0x1, v2  }
0x509: {  	v26 =	vld [tilespmem:s31+$0xFFFFFFE0];
	v27 =	vadd.s32 v28, v27;
	v28 =	vsel vm14, $0x1, v2;
	vm15 =	veq.s32 v29, v18  }
0x50a: {  	v29 =	vld [tilespmem:s31+$0xFFFFFFF0];
	v28 =	vadd.s32 v28, v27;
	v30 =	vsel vm15, $0x1, v2  }
0x50b: {  	s29 =	simm.s32 $0x8;
	s30 =	simm.s32 $0x970;
	v27 =	vld [tilespmem:s31+$0x0];
	v28 =	vadd.s32 v30, v28  }
.LBB2_57:
0x50c: {  	[tilespmem:v21+s17+$0x0] =	vst.idx.msk $0xffff, v19;
	v21 =	vld [tilespmem:s30+$0xFFFFFF90];
	s28 =	sadd.s32 $0x80, s28  }
0x50d: {  	v30 =	vld [tilespmem:s28+$0xFFFFFFC0];
	[tilespmem:v22+s17+$0x0] =	vst.idx.msk $0xffff, v19  }
0x50e: {  	v22 =	vld [tilespmem:s28+$0xFFFFFFD0];
	[tilespmem:v23+s17+$0x0] =	vst.idx.msk $0xffff, v19  }
0x50f: {  	v23 =	vld [tilespmem:s28+$0xFFFFFFE0];
	[tilespmem:v24+s17+$0x0] =	vst.idx.msk $0xffff, v19  }
0x510: {  	v24 =	vld [tilespmem:s28+$0xFFFFFFF0];
	[tilespmem:v25+s17+$0x0] =	vst.idx.msk $0xffff, v19  }
0x511: {  	v25 =	vld [tilespmem:s28+$0x0];
	[tilespmem:v26+s17+$0x0] =	vst.idx.msk $0xffff, v19  }
0x512: {  	vm0 =	veq.s32 v30, v18;
	v26 =	vld [tilespmem:s28+$0x10];
	[tilespmem:v29+s17+$0x0] =	vst.idx.msk $0xffff, v19  }
0x513: {  	v29 =	vsel vm0, $0x1, v2;
	vm0 =	veq.s32 v22, v18;
	v30 =	vld [tilespmem:s28+$0x20];
	[tilespmem:v27+s17+$0x0] =	vst.idx.msk $0xffff, v19  }
0x514: {  	s29 =	sadd.s32 $0x8, s29;
	v27 =	vadd.s32 v29, v28;
	v28 =	vsel vm0, $0x1, v2;
	vm0 =	veq.s32 v23, v18;
	v29 =	vld [tilespmem:s28+$0x30]  }
0x515: {  	p0 =	slt.u32 s29, $0xF8;
	v22 =	vld [tilespmem:s30+$0xFFFFFFA0];
	v27 =	vadd.s32 v28, v27;
	v28 =	vsel vm0, $0x1, v2;
	vm0 =	veq.s32 v24, v18  }
0x516: {  	v23 =	vld [tilespmem:s30+$0xFFFFFFB0];
	v27 =	vadd.s32 v28, v27;
	v28 =	vsel vm0, $0x1, v2;
	vm0 =	veq.s32 v25, v18  }
.Ltmp27:
0x517: {  	v24 =	vld [tilespmem:s30+$0xFFFFFFC0];
	v27 =	vadd.s32 v28, v27;
	v28 =	vsel vm0, $0x1, v2;
	vm0 =	veq.s32 v26, v18;
	(pc) =	sbr.rel @p0 .LBB2_57-.Ltmp27, $4  }
0x518: {  	v25 =	vld [tilespmem:s30+$0xFFFFFFD0];
	v27 =	vadd.s32 v28, v27;
	v28 =	vsel vm0, $0x1, v2;
	vm0 =	veq.s32 v30, v18  }
0x519: {  	v26 =	vld [tilespmem:s30+$0xFFFFFFE0];
	v27 =	vadd.s32 v28, v27;
	v28 =	vsel vm0, $0x1, v2;
	vm0 =	veq.s32 v29, v18  }
0x51a: {  	v29 =	vld [tilespmem:s30+$0xFFFFFFF0];
	v28 =	vadd.s32 v28, v27;
	v30 =	vsel vm0, $0x1, v2  }
0x51b: {  	v27 =	vld [tilespmem:s30+$0x0];
	s30 =	sadd.s32 $0x400, s30;
	v28 =	vadd.s32 v30, v28  }
0x51c: {  	_ =	sdelay $0x3  }
0x51d: {  	[tilespmem:v21+s17+$0x0] =	vst.idx.msk $0xffff, v19;
	s0 =	sadd.s32 $0x80, s28  }
0x51e: {  	[tilespmem:v22+s17+$0x0] =	vst.idx.msk $0xffff, v19;
	v21 =	vld [tilespmem:s0+$0xFFFFFFC0]  }
0x51f: {  	[tilespmem:v23+s17+$0x0] =	vst.idx.msk $0xffff, v19;
	v22 =	vld [tilespmem:s0+$0xFFFFFFD0]  }
0x520: {  	[tilespmem:v24+s17+$0x0] =	vst.idx.msk $0xffff, v19;
	v23 =	vld [tilespmem:s0+$0xFFFFFFE0]  }
0x521: {  	v24 =	vld [tilespmem:s0+$0xFFFFFFF0];
	[tilespmem:v25+s17+$0x0] =	vst.idx.msk $0xffff, v19  }
0x522: {  	v25 =	vld [tilespmem:s0+$0x0];
	[tilespmem:v26+s17+$0x0] =	vst.idx.msk $0xffff, v19  }
0x523: {  	[tilespmem:v29+s17+$0x0] =	vst.idx.msk $0xffff, v19;
	vm0 =	veq.s32 v21, v18;
	v21 =	vld [tilespmem:s0+$0x10]  }
0x524: {  	[tilespmem:v27+s17+$0x0] =	vst.idx.msk $0xffff, v19;
	vm13 =	veq.s32 v22, v18;
	v22 =	vld [tilespmem:s0+$0x20];
	v26 =	vsel vm0, $0x1, v2  }
0x525: {  	vm14 =	veq.s32 v23, v18;
	v23 =	vld [tilespmem:s0+$0x30];
	v27 =	vsel vm13, $0x1, v2;
	v26 =	vadd.s32 v26, v28  }
0x526: {  	vm15 =	veq.s32 v24, v18;
	v26 =	vadd.s32 v27, v26;
	v27 =	vsel vm14, $0x1, v2  }
0x527: {  	vm4 =	veq.s32 v25, v18;
	v24 =	vadd.s32 v27, v26;
	v26 =	vsel vm15, $0x1, v2  }
0x528: {  	v25 =	vsel vm4, $0x1, v2;
	v24 =	vadd.s32 v26, v24;
	vm5 =	veq.s32 v21, v18  }
0x529: {  	vm6 =	veq.s32 v22, v18;
	v21 =	vadd.s32 v25, v24;
	v24 =	vsel vm5, $0x1, v2  }
0x52a: {  	vm7 =	veq.s32 v23, v18;
	v22 =	vsel vm6, $0x1, v2;
	v21 =	vadd.s32 v24, v21  }
0x52b: {  	v18 =	vadd.s32 v22, v21;
	v21 =	vsel vm7, $0x1, v2  }
0x52c: {  	v18 =	vadd.s32 v21, v18  }
0x52d: {  	(xrf0) =	vadd.scan.msk.s32 $0xffff, v18;
	_ =	sdelay $0x5  }
0x52e: {  	v18, _, _ =	vpop (xrf0)  }
0x52f: {  	(v2sf) =	vpush v18, $0xF;
	_ =	sdelay $0xe  }
0x530: {  	s2 =	spop (v2sf)  }
0x531: {  	s0 =	scvt.s32.f32 s2;
	_ =	sdelay $0x1  }
0x532: {  	v18 =	vmov s0  }
0x533: {  	v18 =	vsub.f32 $0.0e+00, v18;
	_ =	sdelay $0x1  }
0x534: {  	v18 =	vbroadcast v18, $0x0;
	_ =	sdelay $0x1  }
0x535: {  	s14 =	simm.s32 $0x1F0;
	[tilespmem:v20+s19+$0x0] =	vst.idx.msk $0x1, v18  }
0x536: {  	v20 =	vld [tilespmem:s14+$0xFFFFFF90]  }
0x537: {  	v22 =	vld [tilespmem:s14+$0xFFFFFFA0]  }
0x538: {  	v23 =	vld [tilespmem:s14+$0xFFFFFFB0]  }
0x539: {  	v24 =	vld [tilespmem:s14+$0xFFFFFFC0]  }
0x53a: {  	v25 =	vld [tilespmem:s14+$0xFFFFFFD0]  }
0x53b: {  	v26 =	vld [tilespmem:s14+$0xFFFFFFE0]  }
0x53c: {  	s2 =	sor.u32 $0x3, s26;
	v27 =	vld [tilespmem:s14+$0xFFFFFFF0]  }
0x53d: {  	s31 =	simm.s32 $0x5F0;
	v18 =	vmov s2;
	v28 =	vld [tilespmem:s14+$0x0]  }
0x53e: {  	s28 =	simm.s32 $0x10040;
	v21 =	vld [tilespmem:s31+$0xFFFFFF90];
	[tilespmem:v20+s18+$0x0] =	vst.idx.msk $0xffff, v18  }
0x53f: {  	[tilespmem:v22+s18+$0x0] =	vst.idx.msk $0xffff, v18;
	v29 =	vld [tilespmem:s28+$0xFFFFFFC0]  }
0x540: {  	[tilespmem:v23+s18+$0x0] =	vst.idx.msk $0xffff, v18;
	v22 =	vld [tilespmem:s28+$0xFFFFFFD0]  }
0x541: {  	[tilespmem:v24+s18+$0x0] =	vst.idx.msk $0xffff, v18;
	v23 =	vld [tilespmem:s28+$0xFFFFFFE0]  }
0x542: {  	[tilespmem:v25+s18+$0x0] =	vst.idx.msk $0xffff, v18;
	v24 =	vld [tilespmem:s28+$0xFFFFFFF0]  }
0x543: {  	v20 =	vadd.s32 $0xFFFFFFFF, v18;
	[tilespmem:v26+s18+$0x0] =	vst.idx.msk $0xffff, v18;
	v25 =	vld [tilespmem:s28+$0x0]  }
0x544: {  	[tilespmem:v27+s18+$0x0] =	vst.idx.msk $0xffff, v18;
	v26 =	vld [tilespmem:s28+$0x10];
	vm8 =	veq.s32 v29, v20  }
0x545: {  	v27 =	vimm.s32 $0x0;
	[tilespmem:v28+s18+$0x0] =	vst.idx.msk $0xffff, v18;
	v30 =	vld [tilespmem:s28+$0x20];
	vm9 =	veq.s32 v22, v20;
	v29 =	vsel vm8, $0x1, v2  }
0x546: {  	vm10 =	veq.s32 v23, v20;
	v28 =	vsel vm9, $0x1, v2;
	v27 =	vadd.s32 v29, v27;
	v29 =	vld [tilespmem:s28+$0x30]  }
0x547: {  	v22 =	vld [tilespmem:s31+$0xFFFFFFA0];
	vm11 =	veq.s32 v24, v20;
	v27 =	vadd.s32 v28, v27;
	v28 =	vsel vm10, $0x1, v2  }
0x548: {  	v23 =	vld [tilespmem:s31+$0xFFFFFFB0];
	vm12 =	veq.s32 v25, v20;
	v27 =	vadd.s32 v28, v27;
	v28 =	vsel vm11, $0x1, v2  }
0x549: {  	v24 =	vld [tilespmem:s31+$0xFFFFFFC0];
	vm13 =	veq.s32 v26, v20;
	v27 =	vadd.s32 v28, v27;
	v28 =	vsel vm12, $0x1, v2  }
0x54a: {  	v25 =	vld [tilespmem:s31+$0xFFFFFFD0];
	vm14 =	veq.s32 v30, v20;
	v27 =	vadd.s32 v28, v27;
	v28 =	vsel vm13, $0x1, v2  }
0x54b: {  	v26 =	vld [tilespmem:s31+$0xFFFFFFE0];
	v27 =	vadd.s32 v28, v27;
	v28 =	vsel vm14, $0x1, v2;
	vm15 =	veq.s32 v29, v20  }
0x54c: {  	v29 =	vld [tilespmem:s31+$0xFFFFFFF0];
	v28 =	vadd.s32 v28, v27;
	v30 =	vsel vm15, $0x1, v2  }
0x54d: {  	s29 =	simm.s32 $0x8;
	s30 =	simm.s32 $0x9F0;
	v27 =	vld [tilespmem:s31+$0x0];
	v28 =	vadd.s32 v30, v28  }
.LBB2_59:
0x54e: {  	[tilespmem:v21+s18+$0x0] =	vst.idx.msk $0xffff, v18;
	v21 =	vld [tilespmem:s30+$0xFFFFFF90];
	s28 =	sadd.s32 $0x80, s28  }
0x54f: {  	v30 =	vld [tilespmem:s28+$0xFFFFFFC0];
	[tilespmem:v22+s18+$0x0] =	vst.idx.msk $0xffff, v18  }
0x550: {  	v22 =	vld [tilespmem:s28+$0xFFFFFFD0];
	[tilespmem:v23+s18+$0x0] =	vst.idx.msk $0xffff, v18  }
0x551: {  	v23 =	vld [tilespmem:s28+$0xFFFFFFE0];
	[tilespmem:v24+s18+$0x0] =	vst.idx.msk $0xffff, v18  }
0x552: {  	v24 =	vld [tilespmem:s28+$0xFFFFFFF0];
	[tilespmem:v25+s18+$0x0] =	vst.idx.msk $0xffff, v18  }
0x553: {  	v25 =	vld [tilespmem:s28+$0x0];
	[tilespmem:v26+s18+$0x0] =	vst.idx.msk $0xffff, v18  }
0x554: {  	vm0 =	veq.s32 v30, v20;
	v26 =	vld [tilespmem:s28+$0x10];
	[tilespmem:v29+s18+$0x0] =	vst.idx.msk $0xffff, v18  }
0x555: {  	v29 =	vsel vm0, $0x1, v2;
	vm0 =	veq.s32 v22, v20;
	v30 =	vld [tilespmem:s28+$0x20];
	[tilespmem:v27+s18+$0x0] =	vst.idx.msk $0xffff, v18  }
0x556: {  	s29 =	sadd.s32 $0x8, s29;
	v27 =	vadd.s32 v29, v28;
	v28 =	vsel vm0, $0x1, v2;
	vm0 =	veq.s32 v23, v20;
	v29 =	vld [tilespmem:s28+$0x30]  }
0x557: {  	p0 =	slt.u32 s29, $0xF8;
	v22 =	vld [tilespmem:s30+$0xFFFFFFA0];
	v27 =	vadd.s32 v28, v27;
	v28 =	vsel vm0, $0x1, v2;
	vm0 =	veq.s32 v24, v20  }
0x558: {  	v23 =	vld [tilespmem:s30+$0xFFFFFFB0];
	v27 =	vadd.s32 v28, v27;
	v28 =	vsel vm0, $0x1, v2;
	vm0 =	veq.s32 v25, v20  }
.Ltmp28:
0x559: {  	v24 =	vld [tilespmem:s30+$0xFFFFFFC0];
	v27 =	vadd.s32 v28, v27;
	v28 =	vsel vm0, $0x1, v2;
	vm0 =	veq.s32 v26, v20;
	(pc) =	sbr.rel @p0 .LBB2_59-.Ltmp28, $4  }
0x55a: {  	v25 =	vld [tilespmem:s30+$0xFFFFFFD0];
	v27 =	vadd.s32 v28, v27;
	v28 =	vsel vm0, $0x1, v2;
	vm0 =	veq.s32 v30, v20  }
0x55b: {  	v26 =	vld [tilespmem:s30+$0xFFFFFFE0];
	v27 =	vadd.s32 v28, v27;
	v28 =	vsel vm0, $0x1, v2;
	vm0 =	veq.s32 v29, v20  }
0x55c: {  	v29 =	vld [tilespmem:s30+$0xFFFFFFF0];
	v28 =	vadd.s32 v28, v27;
	v30 =	vsel vm0, $0x1, v2  }
0x55d: {  	v27 =	vld [tilespmem:s30+$0x0];
	s30 =	sadd.s32 $0x400, s30;
	v28 =	vadd.s32 v30, v28  }
0x55e: {  	_ =	sdelay $0x3  }
0x55f: {  	[tilespmem:v21+s18+$0x0] =	vst.idx.msk $0xffff, v18;
	s0 =	sadd.s32 $0x80, s28  }
0x560: {  	[tilespmem:v22+s18+$0x0] =	vst.idx.msk $0xffff, v18;
	v21 =	vld [tilespmem:s0+$0xFFFFFFC0]  }
0x561: {  	[tilespmem:v23+s18+$0x0] =	vst.idx.msk $0xffff, v18;
	v22 =	vld [tilespmem:s0+$0xFFFFFFD0]  }
0x562: {  	[tilespmem:v24+s18+$0x0] =	vst.idx.msk $0xffff, v18;
	v23 =	vld [tilespmem:s0+$0xFFFFFFE0]  }
0x563: {  	v24 =	vld [tilespmem:s0+$0xFFFFFFF0];
	[tilespmem:v25+s18+$0x0] =	vst.idx.msk $0xffff, v18  }
0x564: {  	v25 =	vld [tilespmem:s0+$0x0];
	[tilespmem:v26+s18+$0x0] =	vst.idx.msk $0xffff, v18  }
0x565: {  	v53 =	vld [tilespmem:s0+$0x10];
	[tilespmem:v29+s18+$0x0] =	vst.idx.msk $0xffff, v18;
	vm0 =	veq.s32 v21, v20  }
0x566: {  	v55 =	vld [tilespmem:s0+$0x20];
	[tilespmem:v27+s18+$0x0] =	vst.idx.msk $0xffff, v18;
	vm9 =	veq.s32 v22, v20;
	v54 =	vsel vm0, $0x1, v2  }
0x567: {  	v57 =	vld [tilespmem:s0+$0x30];
	vm10 =	veq.s32 v23, v20;
	v56 =	vsel vm9, $0x1, v2;
	v26 =	vadd.s32 v54, v28  }
0x568: {  	vm11 =	veq.s32 v24, v20;
	v58 =	vsel vm10, $0x1, v2;
	v26 =	vadd.s32 v56, v26  }
0x569: {  	v60 =	vsel vm11, $0x1, v2;
	vm12 =	veq.s32 v25, v20;
	v59 =	vadd.s32 v58, v26  }
0x56a: {  	v25 =	vsel vm12, $0x1, v2;
	vm13 =	veq.s32 v53, v20;
	v24 =	vadd.s32 v60, v59  }
0x56b: {  	v62 =	vsel vm13, $0x1, v2;
	vm14 =	veq.s32 v55, v20;
	v61 =	vadd.s32 v25, v24  }
0x56c: {  	v22 =	vsel vm14, $0x1, v2;
	vm15 =	veq.s32 v57, v20;
	v21 =	vadd.s32 v62, v61  }
0x56d: {  	v63 =	vsel vm15, $0x1, v2;
	v20 =	vadd.s32 v22, v21  }
0x56e: {  	v20 =	vadd.s32 v63, v20  }
0x56f: {  	(xrf0) =	vadd.scan.msk.s32 $0xffff, v20;
	_ =	sdelay $0x5  }
0x570: {  	v20, _, _ =	vpop (xrf0)  }
0x571: {  	(v2sf) =	vpush v20, $0xF;
	_ =	sdelay $0xe  }
0x572: {  	s31 =	spop (v2sf)  }
0x573: {  	s0 =	scvt.s32.f32 s31;
	_ =	sdelay $0x1  }
0x574: {  	p0 =	seq.s32 s25, $0x7;
	v20 =	vmov s0  }
.Ltmp29:
0x575: {  	v20 =	vsub.f32 $0.0e+00, v20;
	(pc) =	sbr.rel @p0 .LBB2_64-.Ltmp29, $4  }
0x576: {  	_ = 	snop  }
0x577: {  	v20 =	vbroadcast v20, $0x0  }
0x578: {  	s28 =	sshll.u32 s25, $0x1  }
0x579: {  	s29 =	sadd.s32 $0x2, s28;
	[tilespmem:v19+s19+$0x0] =	vst.idx.msk $0x1, v20  }
0x57a: {  	s0 =	sadd.s32 s12, s29  }
0x57b: {  	s0 =	sshll.u32 s0, $0xC  }
0x57c: {  	s0 =	sand.u32 $0x1FFFE000, s0  }
0x57d: {  	s30 =	simm.s32 $0x0;
	s0 =	sadd.s32 s1, s0  }
0x57e: {  	s31 =	simm.s32 $0x80;
	s2 =	simm.s32 $0x400;
	s14 =	sadd.s32 $0x0, s0  }
.LBB2_62:
0x57f: {  	[tilespmem:s30], [sflag:$0x1] =	stream.linear.gather [hbm4b:s14+s3], $0x200, $0x38;
	[tilespmem:$0x12080] =	vst v63  }
0x580: {  	s14 =	smov.u32 s31;
	s30 =	smov.u32 s2;
	p1 =	sne.s32 s31, $0xF80  }
.Ltmp30:
0x581: {  	s31 =	sadd.s32 $0x80, s31;
	(pc) =	sbr.rel @p1 .LBB2_62-.Ltmp30, $2  }
0x582: {  	_ =	sdelay $0x2  }
0x583: {  	s2 =	sadd.s32 $0x400, s2;
	s14 =	sadd.s32 s14, s0  }
0x584: {  	[tilespmem:s30], [sflag:$0x1] =	stream.linear.gather [hbm4b:s14+s3], $0x200, $0x38;
	[tilespmem:$0x12080] =	vst v63  }
.LBB2_64:
0x585: {  	_ =	swait.ge [sflag:s20], $0x4000  }
0x586: {  	[sflag:s20] =	ssyncset.done $0x0  }
0x587: {  	s0 =	simm.s32 $0x270;
	[sflag:s20] =	ssyncadd.s32 $0xFFFFC000  }
0x588: {  	v20 =	vld [tilespmem:s0+$0xFFFFFF90]  }
0x589: {  	v22 =	vld [tilespmem:s0+$0xFFFFFFA0]  }
0x58a: {  	v23 =	vld [tilespmem:s0+$0xFFFFFFB0]  }
0x58b: {  	v24 =	vld [tilespmem:s0+$0xFFFFFFC0]  }
0x58c: {  	v25 =	vld [tilespmem:s0+$0xFFFFFFD0]  }
0x58d: {  	v26 =	vld [tilespmem:s0+$0xFFFFFFE0]  }
0x58e: {  	s2 =	sor.u32 $0x4, s26;
	v27 =	vld [tilespmem:s0+$0xFFFFFFF0]  }
0x58f: {  	s14 =	simm.s32 $0x670;
	v19 =	vmov s2;
	v28 =	vld [tilespmem:s0+$0x0]  }
0x590: {  	s30 =	simm.s32 $0x11040;
	v21 =	vld [tilespmem:s14+$0xFFFFFF90];
	[tilespmem:v20+s17+$0x0] =	vst.idx.msk $0xffff, v19  }
0x591: {  	[tilespmem:v22+s17+$0x0] =	vst.idx.msk $0xffff, v19;
	v29 =	vld [tilespmem:s30+$0xFFFFFFC0]  }
0x592: {  	[tilespmem:v23+s17+$0x0] =	vst.idx.msk $0xffff, v19;
	v22 =	vld [tilespmem:s30+$0xFFFFFFD0]  }
0x593: {  	[tilespmem:v24+s17+$0x0] =	vst.idx.msk $0xffff, v19;
	v23 =	vld [tilespmem:s30+$0xFFFFFFE0]  }
0x594: {  	[tilespmem:v25+s17+$0x0] =	vst.idx.msk $0xffff, v19;
	v24 =	vld [tilespmem:s30+$0xFFFFFFF0]  }
0x595: {  	v20 =	vadd.s32 $0xFFFFFFFF, v19;
	[tilespmem:v26+s17+$0x0] =	vst.idx.msk $0xffff, v19;
	v25 =	vld [tilespmem:s30+$0x0]  }
0x596: {  	[tilespmem:v27+s17+$0x0] =	vst.idx.msk $0xffff, v19;
	v26 =	vld [tilespmem:s30+$0x10];
	vm0 =	veq.s32 v29, v20  }
0x597: {  	v27 =	vimm.s32 $0x0;
	[tilespmem:v28+s17+$0x0] =	vst.idx.msk $0xffff, v19;
	v30 =	vld [tilespmem:s30+$0x20];
	vm9 =	veq.s32 v22, v20;
	v29 =	vsel vm0, $0x1, v2  }
0x598: {  	vm10 =	veq.s32 v23, v20;
	v28 =	vsel vm9, $0x1, v2;
	v27 =	vadd.s32 v29, v27;
	v29 =	vld [tilespmem:s30+$0x30]  }
0x599: {  	v22 =	vld [tilespmem:s14+$0xFFFFFFA0];
	vm11 =	veq.s32 v24, v20;
	v27 =	vadd.s32 v28, v27;
	v28 =	vsel vm10, $0x1, v2  }
0x59a: {  	v23 =	vld [tilespmem:s14+$0xFFFFFFB0];
	vm12 =	veq.s32 v25, v20;
	v27 =	vadd.s32 v28, v27;
	v28 =	vsel vm11, $0x1, v2  }
0x59b: {  	v24 =	vld [tilespmem:s14+$0xFFFFFFC0];
	vm13 =	veq.s32 v26, v20;
	v27 =	vadd.s32 v28, v27;
	v28 =	vsel vm12, $0x1, v2  }
0x59c: {  	v25 =	vld [tilespmem:s14+$0xFFFFFFD0];
	vm14 =	veq.s32 v30, v20;
	v27 =	vadd.s32 v28, v27;
	v28 =	vsel vm13, $0x1, v2  }
0x59d: {  	v26 =	vld [tilespmem:s14+$0xFFFFFFE0];
	v27 =	vadd.s32 v28, v27;
	v28 =	vsel vm14, $0x1, v2;
	vm15 =	veq.s32 v29, v20  }
0x59e: {  	v29 =	vld [tilespmem:s14+$0xFFFFFFF0];
	v28 =	vadd.s32 v28, v27;
	v30 =	vsel vm15, $0x1, v2  }
0x59f: {  	s31 =	simm.s32 $0x8;
	s0 =	simm.s32 $0xA70;
	v27 =	vld [tilespmem:s14+$0x0];
	v28 =	vadd.s32 v30, v28  }
.LBB2_65:
0x5a0: {  	[tilespmem:v21+s17+$0x0] =	vst.idx.msk $0xffff, v19;
	v21 =	vld [tilespmem:s0+$0xFFFFFF90];
	s30 =	sadd.s32 $0x80, s30  }
0x5a1: {  	v30 =	vld [tilespmem:s30+$0xFFFFFFC0];
	[tilespmem:v22+s17+$0x0] =	vst.idx.msk $0xffff, v19  }
0x5a2: {  	v22 =	vld [tilespmem:s30+$0xFFFFFFD0];
	[tilespmem:v23+s17+$0x0] =	vst.idx.msk $0xffff, v19  }
0x5a3: {  	v23 =	vld [tilespmem:s30+$0xFFFFFFE0];
	[tilespmem:v24+s17+$0x0] =	vst.idx.msk $0xffff, v19  }
0x5a4: {  	v24 =	vld [tilespmem:s30+$0xFFFFFFF0];
	[tilespmem:v25+s17+$0x0] =	vst.idx.msk $0xffff, v19  }
0x5a5: {  	v25 =	vld [tilespmem:s30+$0x0];
	[tilespmem:v26+s17+$0x0] =	vst.idx.msk $0xffff, v19  }
0x5a6: {  	vm0 =	veq.s32 v30, v20;
	v26 =	vld [tilespmem:s30+$0x10];
	[tilespmem:v29+s17+$0x0] =	vst.idx.msk $0xffff, v19  }
0x5a7: {  	v29 =	vsel vm0, $0x1, v2;
	vm0 =	veq.s32 v22, v20;
	v30 =	vld [tilespmem:s30+$0x20];
	[tilespmem:v27+s17+$0x0] =	vst.idx.msk $0xffff, v19  }
0x5a8: {  	s31 =	sadd.s32 $0x8, s31;
	v27 =	vadd.s32 v29, v28;
	v28 =	vsel vm0, $0x1, v2;
	vm0 =	veq.s32 v23, v20;
	v29 =	vld [tilespmem:s30+$0x30]  }
0x5a9: {  	p1 =	slt.u32 s31, $0xF8;
	v22 =	vld [tilespmem:s0+$0xFFFFFFA0];
	v27 =	vadd.s32 v28, v27;
	v28 =	vsel vm0, $0x1, v2;
	vm0 =	veq.s32 v24, v20  }
0x5aa: {  	v23 =	vld [tilespmem:s0+$0xFFFFFFB0];
	v27 =	vadd.s32 v28, v27;
	v28 =	vsel vm0, $0x1, v2;
	vm0 =	veq.s32 v25, v20  }
.Ltmp31:
0x5ab: {  	v24 =	vld [tilespmem:s0+$0xFFFFFFC0];
	v27 =	vadd.s32 v28, v27;
	v28 =	vsel vm0, $0x1, v2;
	vm0 =	veq.s32 v26, v20;
	(pc) =	sbr.rel @p1 .LBB2_65-.Ltmp31, $4  }
0x5ac: {  	v25 =	vld [tilespmem:s0+$0xFFFFFFD0];
	v27 =	vadd.s32 v28, v27;
	v28 =	vsel vm0, $0x1, v2;
	vm0 =	veq.s32 v30, v20  }
0x5ad: {  	v26 =	vld [tilespmem:s0+$0xFFFFFFE0];
	v27 =	vadd.s32 v28, v27;
	v28 =	vsel vm0, $0x1, v2;
	vm0 =	veq.s32 v29, v20  }
0x5ae: {  	v29 =	vld [tilespmem:s0+$0xFFFFFFF0];
	v28 =	vadd.s32 v28, v27;
	v30 =	vsel vm0, $0x1, v2  }
0x5af: {  	v27 =	vld [tilespmem:s0+$0x0];
	s0 =	sadd.s32 $0x400, s0;
	v28 =	vadd.s32 v30, v28  }
0x5b0: {  	_ =	sdelay $0x3  }
0x5b1: {  	[tilespmem:v21+s17+$0x0] =	vst.idx.msk $0xffff, v19;
	s0 =	sadd.s32 $0x80, s30  }
0x5b2: {  	[tilespmem:v22+s17+$0x0] =	vst.idx.msk $0xffff, v19;
	v21 =	vld [tilespmem:s0+$0xFFFFFFC0]  }
0x5b3: {  	[tilespmem:v23+s17+$0x0] =	vst.idx.msk $0xffff, v19;
	v22 =	vld [tilespmem:s0+$0xFFFFFFD0]  }
0x5b4: {  	[tilespmem:v24+s17+$0x0] =	vst.idx.msk $0xffff, v19;
	v23 =	vld [tilespmem:s0+$0xFFFFFFE0]  }
0x5b5: {  	v24 =	vld [tilespmem:s0+$0xFFFFFFF0];
	[tilespmem:v25+s17+$0x0] =	vst.idx.msk $0xffff, v19  }
0x5b6: {  	v25 =	vld [tilespmem:s0+$0x0];
	[tilespmem:v26+s17+$0x0] =	vst.idx.msk $0xffff, v19  }
0x5b7: {  	[tilespmem:v29+s17+$0x0] =	vst.idx.msk $0xffff, v19;
	vm0 =	veq.s32 v21, v20;
	v21 =	vld [tilespmem:s0+$0x10]  }
0x5b8: {  	[tilespmem:v27+s17+$0x0] =	vst.idx.msk $0xffff, v19;
	vm13 =	veq.s32 v22, v20;
	v22 =	vld [tilespmem:s0+$0x20];
	v26 =	vsel vm0, $0x1, v2  }
0x5b9: {  	vm14 =	veq.s32 v23, v20;
	v23 =	vld [tilespmem:s0+$0x30];
	v27 =	vsel vm13, $0x1, v2;
	v26 =	vadd.s32 v26, v28  }
0x5ba: {  	vm15 =	veq.s32 v24, v20;
	v26 =	vadd.s32 v27, v26;
	v27 =	vsel vm14, $0x1, v2  }
0x5bb: {  	vm4 =	veq.s32 v25, v20;
	v24 =	vadd.s32 v27, v26;
	v26 =	vsel vm15, $0x1, v2  }
0x5bc: {  	v25 =	vsel vm4, $0x1, v2;
	v24 =	vadd.s32 v26, v24;
	vm5 =	veq.s32 v21, v20  }
0x5bd: {  	vm6 =	veq.s32 v22, v20;
	v21 =	vadd.s32 v25, v24;
	v24 =	vsel vm5, $0x1, v2  }
0x5be: {  	vm7 =	veq.s32 v23, v20;
	v22 =	vsel vm6, $0x1, v2;
	v21 =	vadd.s32 v24, v21  }
0x5bf: {  	v20 =	vadd.s32 v22, v21;
	v21 =	vsel vm7, $0x1, v2  }
0x5c0: {  	v20 =	vadd.s32 v21, v20  }
0x5c1: {  	(xrf0) =	vadd.scan.msk.s32 $0xffff, v20;
	_ =	sdelay $0x5  }
0x5c2: {  	v20, _, _ =	vpop (xrf0)  }
0x5c3: {  	(v2sf) =	vpush v20, $0xF;
	_ =	sdelay $0xe  }
0x5c4: {  	s2 =	spop (v2sf)  }
0x5c5: {  	s0 =	scvt.s32.f32 s2;
	_ =	sdelay $0x1  }
0x5c6: {  	v20 =	vmov s0  }
0x5c7: {  	v20 =	vsub.f32 $0.0e+00, v20;
	_ =	sdelay $0x1  }
0x5c8: {  	v20 =	vbroadcast v20, $0x0;
	_ =	sdelay $0x1  }
0x5c9: {  	s14 =	simm.s32 $0x2F0;
	[tilespmem:v18+s19+$0x0] =	vst.idx.msk $0x1, v20  }
0x5ca: {  	v20 =	vld [tilespmem:s14+$0xFFFFFF90]  }
0x5cb: {  	v22 =	vld [tilespmem:s14+$0xFFFFFFA0]  }
0x5cc: {  	v23 =	vld [tilespmem:s14+$0xFFFFFFB0]  }
0x5cd: {  	v24 =	vld [tilespmem:s14+$0xFFFFFFC0]  }
0x5ce: {  	v25 =	vld [tilespmem:s14+$0xFFFFFFD0]  }
0x5cf: {  	v26 =	vld [tilespmem:s14+$0xFFFFFFE0]  }
0x5d0: {  	s2 =	sor.u32 $0x5, s26;
	v27 =	vld [tilespmem:s14+$0xFFFFFFF0]  }
0x5d1: {  	v18 =	vmov s2;
	v28 =	vld [tilespmem:s14+$0x0];
	s14 =	simm.s32 $0x6F0  }
0x5d2: {  	s30 =	simm.s32 $0x10040;
	v21 =	vld [tilespmem:s14+$0xFFFFFF90];
	[tilespmem:v20+s18+$0x0] =	vst.idx.msk $0xffff, v18  }
0x5d3: {  	[tilespmem:v22+s18+$0x0] =	vst.idx.msk $0xffff, v18;
	v29 =	vld [tilespmem:s30+$0xFFFFFFC0]  }
0x5d4: {  	[tilespmem:v23+s18+$0x0] =	vst.idx.msk $0xffff, v18;
	v22 =	vld [tilespmem:s30+$0xFFFFFFD0]  }
0x5d5: {  	[tilespmem:v24+s18+$0x0] =	vst.idx.msk $0xffff, v18;
	v23 =	vld [tilespmem:s30+$0xFFFFFFE0]  }
0x5d6: {  	[tilespmem:v25+s18+$0x0] =	vst.idx.msk $0xffff, v18;
	v24 =	vld [tilespmem:s30+$0xFFFFFFF0]  }
0x5d7: {  	v20 =	vadd.s32 $0xFFFFFFFF, v18;
	[tilespmem:v26+s18+$0x0] =	vst.idx.msk $0xffff, v18;
	v25 =	vld [tilespmem:s30+$0x0]  }
0x5d8: {  	[tilespmem:v27+s18+$0x0] =	vst.idx.msk $0xffff, v18;
	v26 =	vld [tilespmem:s30+$0x10];
	vm8 =	veq.s32 v29, v20  }
0x5d9: {  	v27 =	vimm.s32 $0x0;
	[tilespmem:v28+s18+$0x0] =	vst.idx.msk $0xffff, v18;
	v30 =	vld [tilespmem:s30+$0x20];
	vm9 =	veq.s32 v22, v20;
	v29 =	vsel vm8, $0x1, v2  }
0x5da: {  	vm10 =	veq.s32 v23, v20;
	v28 =	vsel vm9, $0x1, v2;
	v27 =	vadd.s32 v29, v27;
	v29 =	vld [tilespmem:s30+$0x30]  }
0x5db: {  	v22 =	vld [tilespmem:s14+$0xFFFFFFA0];
	vm11 =	veq.s32 v24, v20;
	v27 =	vadd.s32 v28, v27;
	v28 =	vsel vm10, $0x1, v2  }
0x5dc: {  	v23 =	vld [tilespmem:s14+$0xFFFFFFB0];
	vm12 =	veq.s32 v25, v20;
	v27 =	vadd.s32 v28, v27;
	v28 =	vsel vm11, $0x1, v2  }
0x5dd: {  	v24 =	vld [tilespmem:s14+$0xFFFFFFC0];
	vm13 =	veq.s32 v26, v20;
	v27 =	vadd.s32 v28, v27;
	v28 =	vsel vm12, $0x1, v2  }
0x5de: {  	v25 =	vld [tilespmem:s14+$0xFFFFFFD0];
	vm14 =	veq.s32 v30, v20;
	v27 =	vadd.s32 v28, v27;
	v28 =	vsel vm13, $0x1, v2  }
0x5df: {  	v26 =	vld [tilespmem:s14+$0xFFFFFFE0];
	v27 =	vadd.s32 v28, v27;
	v28 =	vsel vm14, $0x1, v2;
	vm15 =	veq.s32 v29, v20  }
0x5e0: {  	v29 =	vld [tilespmem:s14+$0xFFFFFFF0];
	v28 =	vadd.s32 v28, v27;
	v30 =	vsel vm15, $0x1, v2  }
0x5e1: {  	s31 =	simm.s32 $0x8;
	s0 =	simm.s32 $0xAF0;
	v27 =	vld [tilespmem:s14+$0x0];
	v28 =	vadd.s32 v30, v28  }
.LBB2_67:
0x5e2: {  	[tilespmem:v21+s18+$0x0] =	vst.idx.msk $0xffff, v18;
	v21 =	vld [tilespmem:s0+$0xFFFFFF90];
	s30 =	sadd.s32 $0x80, s30  }
0x5e3: {  	v30 =	vld [tilespmem:s30+$0xFFFFFFC0];
	[tilespmem:v22+s18+$0x0] =	vst.idx.msk $0xffff, v18  }
0x5e4: {  	v22 =	vld [tilespmem:s30+$0xFFFFFFD0];
	[tilespmem:v23+s18+$0x0] =	vst.idx.msk $0xffff, v18  }
0x5e5: {  	v23 =	vld [tilespmem:s30+$0xFFFFFFE0];
	[tilespmem:v24+s18+$0x0] =	vst.idx.msk $0xffff, v18  }
0x5e6: {  	v24 =	vld [tilespmem:s30+$0xFFFFFFF0];
	[tilespmem:v25+s18+$0x0] =	vst.idx.msk $0xffff, v18  }
0x5e7: {  	v25 =	vld [tilespmem:s30+$0x0];
	[tilespmem:v26+s18+$0x0] =	vst.idx.msk $0xffff, v18  }
0x5e8: {  	vm0 =	veq.s32 v30, v20;
	v26 =	vld [tilespmem:s30+$0x10];
	[tilespmem:v29+s18+$0x0] =	vst.idx.msk $0xffff, v18  }
0x5e9: {  	v29 =	vsel vm0, $0x1, v2;
	vm0 =	veq.s32 v22, v20;
	v30 =	vld [tilespmem:s30+$0x20];
	[tilespmem:v27+s18+$0x0] =	vst.idx.msk $0xffff, v18  }
0x5ea: {  	s31 =	sadd.s32 $0x8, s31;
	v27 =	vadd.s32 v29, v28;
	v28 =	vsel vm0, $0x1, v2;
	vm0 =	veq.s32 v23, v20;
	v29 =	vld [tilespmem:s30+$0x30]  }
0x5eb: {  	p1 =	slt.u32 s31, $0xF8;
	v22 =	vld [tilespmem:s0+$0xFFFFFFA0];
	v27 =	vadd.s32 v28, v27;
	v28 =	vsel vm0, $0x1, v2;
	vm0 =	veq.s32 v24, v20  }
0x5ec: {  	v23 =	vld [tilespmem:s0+$0xFFFFFFB0];
	v27 =	vadd.s32 v28, v27;
	v28 =	vsel vm0, $0x1, v2;
	vm0 =	veq.s32 v25, v20  }
.Ltmp32:
0x5ed: {  	v24 =	vld [tilespmem:s0+$0xFFFFFFC0];
	v27 =	vadd.s32 v28, v27;
	v28 =	vsel vm0, $0x1, v2;
	vm0 =	veq.s32 v26, v20;
	(pc) =	sbr.rel @p1 .LBB2_67-.Ltmp32, $4  }
0x5ee: {  	v25 =	vld [tilespmem:s0+$0xFFFFFFD0];
	v27 =	vadd.s32 v28, v27;
	v28 =	vsel vm0, $0x1, v2;
	vm0 =	veq.s32 v30, v20  }
0x5ef: {  	v26 =	vld [tilespmem:s0+$0xFFFFFFE0];
	v27 =	vadd.s32 v28, v27;
	v28 =	vsel vm0, $0x1, v2;
	vm0 =	veq.s32 v29, v20  }
0x5f0: {  	v29 =	vld [tilespmem:s0+$0xFFFFFFF0];
	v28 =	vadd.s32 v28, v27;
	v30 =	vsel vm0, $0x1, v2  }
0x5f1: {  	v27 =	vld [tilespmem:s0+$0x0];
	s0 =	sadd.s32 $0x400, s0;
	v28 =	vadd.s32 v30, v28  }
0x5f2: {  	_ =	sdelay $0x3  }
0x5f3: {  	[tilespmem:v21+s18+$0x0] =	vst.idx.msk $0xffff, v18;
	s0 =	sadd.s32 $0x80, s30  }
0x5f4: {  	[tilespmem:v22+s18+$0x0] =	vst.idx.msk $0xffff, v18;
	v21 =	vld [tilespmem:s0+$0xFFFFFFC0]  }
0x5f5: {  	[tilespmem:v23+s18+$0x0] =	vst.idx.msk $0xffff, v18;
	v22 =	vld [tilespmem:s0+$0xFFFFFFD0]  }
0x5f6: {  	[tilespmem:v24+s18+$0x0] =	vst.idx.msk $0xffff, v18;
	v23 =	vld [tilespmem:s0+$0xFFFFFFE0]  }
0x5f7: {  	v24 =	vld [tilespmem:s0+$0xFFFFFFF0];
	[tilespmem:v25+s18+$0x0] =	vst.idx.msk $0xffff, v18  }
0x5f8: {  	v25 =	vld [tilespmem:s0+$0x0];
	[tilespmem:v26+s18+$0x0] =	vst.idx.msk $0xffff, v18  }
0x5f9: {  	[tilespmem:v29+s18+$0x0] =	vst.idx.msk $0xffff, v18;
	vm0 =	veq.s32 v21, v20;
	v21 =	vld [tilespmem:s0+$0x10]  }
0x5fa: {  	[tilespmem:v27+s18+$0x0] =	vst.idx.msk $0xffff, v18;
	vm13 =	veq.s32 v22, v20;
	v22 =	vld [tilespmem:s0+$0x20];
	v26 =	vsel vm0, $0x1, v2  }
0x5fb: {  	vm14 =	veq.s32 v23, v20;
	v23 =	vld [tilespmem:s0+$0x30];
	v27 =	vsel vm13, $0x1, v2;
	v26 =	vadd.s32 v26, v28  }
0x5fc: {  	vm15 =	veq.s32 v24, v20;
	v26 =	vadd.s32 v27, v26;
	v27 =	vsel vm14, $0x1, v2  }
0x5fd: {  	vm4 =	veq.s32 v25, v20;
	v24 =	vadd.s32 v27, v26;
	v26 =	vsel vm15, $0x1, v2  }
0x5fe: {  	v25 =	vsel vm4, $0x1, v2;
	v24 =	vadd.s32 v26, v24;
	vm5 =	veq.s32 v21, v20  }
0x5ff: {  	vm6 =	veq.s32 v22, v20;
	v21 =	vadd.s32 v25, v24;
	v24 =	vsel vm5, $0x1, v2  }
0x600: {  	vm7 =	veq.s32 v23, v20;
	v22 =	vsel vm6, $0x1, v2;
	v21 =	vadd.s32 v24, v21  }
0x601: {  	v20 =	vadd.s32 v22, v21;
	v21 =	vsel vm7, $0x1, v2  }
0x602: {  	v20 =	vadd.s32 v21, v20  }
0x603: {  	(xrf0) =	vadd.scan.msk.s32 $0xffff, v20;
	_ =	sdelay $0x5  }
0x604: {  	v20, _, _ =	vpop (xrf0)  }
0x605: {  	(v2sf) =	vpush v20, $0xF;
	_ =	sdelay $0xe  }
0x606: {  	s2 =	spop (v2sf)  }
0x607: {  	s0 =	scvt.s32.f32 s2;
	_ =	sdelay $0x1  }
0x608: {  	v20 =	vmov s0  }
0x609: {  	v20 =	vsub.f32 $0.0e+00, v20;
	_ =	sdelay $0x1  }
0x60a: {  	v20 =	vbroadcast v20, $0x0;
	_ =	sdelay $0x1  }
0x60b: {  	s14 =	simm.s32 $0x370;
	[tilespmem:v19+s19+$0x0] =	vst.idx.msk $0x1, v20  }
0x60c: {  	v20 =	vld [tilespmem:s14+$0xFFFFFF90]  }
0x60d: {  	v22 =	vld [tilespmem:s14+$0xFFFFFFA0]  }
0x60e: {  	v23 =	vld [tilespmem:s14+$0xFFFFFFB0]  }
0x60f: {  	v24 =	vld [tilespmem:s14+$0xFFFFFFC0]  }
0x610: {  	v25 =	vld [tilespmem:s14+$0xFFFFFFD0]  }
0x611: {  	v26 =	vld [tilespmem:s14+$0xFFFFFFE0]  }
0x612: {  	s2 =	sor.u32 $0x6, s26;
	v27 =	vld [tilespmem:s14+$0xFFFFFFF0]  }
0x613: {  	v19 =	vmov s2;
	v28 =	vld [tilespmem:s14+$0x0];
	s14 =	simm.s32 $0x770  }
0x614: {  	s30 =	simm.s32 $0x11040;
	v21 =	vld [tilespmem:s14+$0xFFFFFF90];
	[tilespmem:v20+s17+$0x0] =	vst.idx.msk $0xffff, v19  }
0x615: {  	[tilespmem:v22+s17+$0x0] =	vst.idx.msk $0xffff, v19;
	v29 =	vld [tilespmem:s30+$0xFFFFFFC0]  }
0x616: {  	[tilespmem:v23+s17+$0x0] =	vst.idx.msk $0xffff, v19;
	v22 =	vld [tilespmem:s30+$0xFFFFFFD0]  }
0x617: {  	[tilespmem:v24+s17+$0x0] =	vst.idx.msk $0xffff, v19;
	v23 =	vld [tilespmem:s30+$0xFFFFFFE0]  }
0x618: {  	[tilespmem:v25+s17+$0x0] =	vst.idx.msk $0xffff, v19;
	v24 =	vld [tilespmem:s30+$0xFFFFFFF0]  }
0x619: {  	v20 =	vadd.s32 $0xFFFFFFFF, v19;
	[tilespmem:v26+s17+$0x0] =	vst.idx.msk $0xffff, v19;
	v25 =	vld [tilespmem:s30+$0x0]  }
0x61a: {  	[tilespmem:v27+s17+$0x0] =	vst.idx.msk $0xffff, v19;
	v26 =	vld [tilespmem:s30+$0x10];
	vm8 =	veq.s32 v29, v20  }
0x61b: {  	v27 =	vimm.s32 $0x0;
	[tilespmem:v28+s17+$0x0] =	vst.idx.msk $0xffff, v19;
	v30 =	vld [tilespmem:s30+$0x20];
	vm9 =	veq.s32 v22, v20;
	v29 =	vsel vm8, $0x1, v2  }
0x61c: {  	vm10 =	veq.s32 v23, v20;
	v28 =	vsel vm9, $0x1, v2;
	v27 =	vadd.s32 v29, v27;
	v29 =	vld [tilespmem:s30+$0x30]  }
0x61d: {  	v22 =	vld [tilespmem:s14+$0xFFFFFFA0];
	vm11 =	veq.s32 v24, v20;
	v27 =	vadd.s32 v28, v27;
	v28 =	vsel vm10, $0x1, v2  }
0x61e: {  	v23 =	vld [tilespmem:s14+$0xFFFFFFB0];
	vm12 =	veq.s32 v25, v20;
	v27 =	vadd.s32 v28, v27;
	v28 =	vsel vm11, $0x1, v2  }
0x61f: {  	v24 =	vld [tilespmem:s14+$0xFFFFFFC0];
	vm13 =	veq.s32 v26, v20;
	v27 =	vadd.s32 v28, v27;
	v28 =	vsel vm12, $0x1, v2  }
0x620: {  	v25 =	vld [tilespmem:s14+$0xFFFFFFD0];
	vm14 =	veq.s32 v30, v20;
	v27 =	vadd.s32 v28, v27;
	v28 =	vsel vm13, $0x1, v2  }
0x621: {  	v26 =	vld [tilespmem:s14+$0xFFFFFFE0];
	v27 =	vadd.s32 v28, v27;
	v28 =	vsel vm14, $0x1, v2;
	vm15 =	veq.s32 v29, v20  }
0x622: {  	v29 =	vld [tilespmem:s14+$0xFFFFFFF0];
	v28 =	vadd.s32 v28, v27;
	v30 =	vsel vm15, $0x1, v2  }
0x623: {  	s31 =	simm.s32 $0x8;
	s0 =	simm.s32 $0xB70;
	v27 =	vld [tilespmem:s14+$0x0];
	v28 =	vadd.s32 v30, v28  }
.LBB2_69:
0x624: {  	[tilespmem:v21+s17+$0x0] =	vst.idx.msk $0xffff, v19;
	v21 =	vld [tilespmem:s0+$0xFFFFFF90];
	s30 =	sadd.s32 $0x80, s30  }
0x625: {  	v30 =	vld [tilespmem:s30+$0xFFFFFFC0];
	[tilespmem:v22+s17+$0x0] =	vst.idx.msk $0xffff, v19  }
0x626: {  	v22 =	vld [tilespmem:s30+$0xFFFFFFD0];
	[tilespmem:v23+s17+$0x0] =	vst.idx.msk $0xffff, v19  }
0x627: {  	v23 =	vld [tilespmem:s30+$0xFFFFFFE0];
	[tilespmem:v24+s17+$0x0] =	vst.idx.msk $0xffff, v19  }
0x628: {  	v24 =	vld [tilespmem:s30+$0xFFFFFFF0];
	[tilespmem:v25+s17+$0x0] =	vst.idx.msk $0xffff, v19  }
0x629: {  	v25 =	vld [tilespmem:s30+$0x0];
	[tilespmem:v26+s17+$0x0] =	vst.idx.msk $0xffff, v19  }
0x62a: {  	vm0 =	veq.s32 v30, v20;
	v26 =	vld [tilespmem:s30+$0x10];
	[tilespmem:v29+s17+$0x0] =	vst.idx.msk $0xffff, v19  }
0x62b: {  	v29 =	vsel vm0, $0x1, v2;
	vm0 =	veq.s32 v22, v20;
	v30 =	vld [tilespmem:s30+$0x20];
	[tilespmem:v27+s17+$0x0] =	vst.idx.msk $0xffff, v19  }
0x62c: {  	s31 =	sadd.s32 $0x8, s31;
	v27 =	vadd.s32 v29, v28;
	v28 =	vsel vm0, $0x1, v2;
	vm0 =	veq.s32 v23, v20;
	v29 =	vld [tilespmem:s30+$0x30]  }
0x62d: {  	p1 =	slt.u32 s31, $0xF8;
	v22 =	vld [tilespmem:s0+$0xFFFFFFA0];
	v27 =	vadd.s32 v28, v27;
	v28 =	vsel vm0, $0x1, v2;
	vm0 =	veq.s32 v24, v20  }
0x62e: {  	v23 =	vld [tilespmem:s0+$0xFFFFFFB0];
	v27 =	vadd.s32 v28, v27;
	v28 =	vsel vm0, $0x1, v2;
	vm0 =	veq.s32 v25, v20  }
.Ltmp33:
0x62f: {  	v24 =	vld [tilespmem:s0+$0xFFFFFFC0];
	v27 =	vadd.s32 v28, v27;
	v28 =	vsel vm0, $0x1, v2;
	vm0 =	veq.s32 v26, v20;
	(pc) =	sbr.rel @p1 .LBB2_69-.Ltmp33, $4  }
0x630: {  	v25 =	vld [tilespmem:s0+$0xFFFFFFD0];
	v27 =	vadd.s32 v28, v27;
	v28 =	vsel vm0, $0x1, v2;
	vm0 =	veq.s32 v30, v20  }
0x631: {  	v26 =	vld [tilespmem:s0+$0xFFFFFFE0];
	v27 =	vadd.s32 v28, v27;
	v28 =	vsel vm0, $0x1, v2;
	vm0 =	veq.s32 v29, v20  }
0x632: {  	v29 =	vld [tilespmem:s0+$0xFFFFFFF0];
	v28 =	vadd.s32 v28, v27;
	v30 =	vsel vm0, $0x1, v2  }
0x633: {  	v27 =	vld [tilespmem:s0+$0x0];
	s0 =	sadd.s32 $0x400, s0;
	v28 =	vadd.s32 v30, v28  }
0x634: {  	_ =	sdelay $0x3  }
0x635: {  	[tilespmem:v21+s17+$0x0] =	vst.idx.msk $0xffff, v19;
	s0 =	sadd.s32 $0x80, s30  }
0x636: {  	[tilespmem:v22+s17+$0x0] =	vst.idx.msk $0xffff, v19;
	v21 =	vld [tilespmem:s0+$0xFFFFFFC0]  }
0x637: {  	[tilespmem:v23+s17+$0x0] =	vst.idx.msk $0xffff, v19;
	v22 =	vld [tilespmem:s0+$0xFFFFFFD0]  }
0x638: {  	[tilespmem:v24+s17+$0x0] =	vst.idx.msk $0xffff, v19;
	v23 =	vld [tilespmem:s0+$0xFFFFFFE0]  }
0x639: {  	v24 =	vld [tilespmem:s0+$0xFFFFFFF0];
	[tilespmem:v25+s17+$0x0] =	vst.idx.msk $0xffff, v19  }
0x63a: {  	v25 =	vld [tilespmem:s0+$0x0];
	[tilespmem:v26+s17+$0x0] =	vst.idx.msk $0xffff, v19  }
0x63b: {  	[tilespmem:v29+s17+$0x0] =	vst.idx.msk $0xffff, v19;
	vm0 =	veq.s32 v21, v20;
	v21 =	vld [tilespmem:s0+$0x10]  }
0x63c: {  	[tilespmem:v27+s17+$0x0] =	vst.idx.msk $0xffff, v19;
	vm13 =	veq.s32 v22, v20;
	v22 =	vld [tilespmem:s0+$0x20];
	v26 =	vsel vm0, $0x1, v2  }
0x63d: {  	vm14 =	veq.s32 v23, v20;
	v23 =	vld [tilespmem:s0+$0x30];
	v27 =	vsel vm13, $0x1, v2;
	v26 =	vadd.s32 v26, v28  }
0x63e: {  	vm15 =	veq.s32 v24, v20;
	v26 =	vadd.s32 v27, v26;
	v27 =	vsel vm14, $0x1, v2  }
0x63f: {  	vm4 =	veq.s32 v25, v20;
	v24 =	vadd.s32 v27, v26;
	v26 =	vsel vm15, $0x1, v2  }
0x640: {  	v25 =	vsel vm4, $0x1, v2;
	v24 =	vadd.s32 v26, v24;
	vm5 =	veq.s32 v21, v20  }
0x641: {  	vm6 =	veq.s32 v22, v20;
	v21 =	vadd.s32 v25, v24;
	v24 =	vsel vm5, $0x1, v2  }
0x642: {  	vm7 =	veq.s32 v23, v20;
	v22 =	vsel vm6, $0x1, v2;
	v21 =	vadd.s32 v24, v21  }
0x643: {  	v20 =	vadd.s32 v22, v21;
	v21 =	vsel vm7, $0x1, v2  }
0x644: {  	v20 =	vadd.s32 v21, v20  }
0x645: {  	(xrf0) =	vadd.scan.msk.s32 $0xffff, v20;
	_ =	sdelay $0x5  }
0x646: {  	v20, _, _ =	vpop (xrf0)  }
0x647: {  	(v2sf) =	vpush v20, $0xF;
	_ =	sdelay $0xe  }
0x648: {  	s2 =	spop (v2sf)  }
0x649: {  	s0 =	scvt.s32.f32 s2;
	_ =	sdelay $0x1  }
0x64a: {  	v20 =	vmov s0  }
0x64b: {  	v20 =	vsub.f32 $0.0e+00, v20;
	_ =	sdelay $0x1  }
0x64c: {  	v20 =	vbroadcast v20, $0x0;
	_ =	sdelay $0x1  }
0x64d: {  	s14 =	simm.s32 $0x3F0;
	[tilespmem:v18+s19+$0x0] =	vst.idx.msk $0x1, v20  }
0x64e: {  	v20 =	vld [tilespmem:s14+$0xFFFFFF90]  }
0x64f: {  	v22 =	vld [tilespmem:s14+$0xFFFFFFA0]  }
0x650: {  	v23 =	vld [tilespmem:s14+$0xFFFFFFB0]  }
0x651: {  	v24 =	vld [tilespmem:s14+$0xFFFFFFC0]  }
0x652: {  	v25 =	vld [tilespmem:s14+$0xFFFFFFD0]  }
0x653: {  	v26 =	vld [tilespmem:s14+$0xFFFFFFE0]  }
0x654: {  	s2 =	sor.u32 $0x7, s26;
	v27 =	vld [tilespmem:s14+$0xFFFFFFF0]  }
0x655: {  	v18 =	vmov s2;
	v28 =	vld [tilespmem:s14+$0x0];
	s14 =	simm.s32 $0x7F0  }
0x656: {  	s30 =	simm.s32 $0x10040;
	v21 =	vld [tilespmem:s14+$0xFFFFFF90];
	[tilespmem:v20+s18+$0x0] =	vst.idx.msk $0xffff, v18  }
0x657: {  	[tilespmem:v22+s18+$0x0] =	vst.idx.msk $0xffff, v18;
	v29 =	vld [tilespmem:s30+$0xFFFFFFC0]  }
0x658: {  	[tilespmem:v23+s18+$0x0] =	vst.idx.msk $0xffff, v18;
	v22 =	vld [tilespmem:s30+$0xFFFFFFD0]  }
0x659: {  	[tilespmem:v24+s18+$0x0] =	vst.idx.msk $0xffff, v18;
	v23 =	vld [tilespmem:s30+$0xFFFFFFE0]  }
0x65a: {  	[tilespmem:v25+s18+$0x0] =	vst.idx.msk $0xffff, v18;
	v24 =	vld [tilespmem:s30+$0xFFFFFFF0]  }
0x65b: {  	v20 =	vadd.s32 $0xFFFFFFFF, v18;
	[tilespmem:v26+s18+$0x0] =	vst.idx.msk $0xffff, v18;
	v25 =	vld [tilespmem:s30+$0x0]  }
0x65c: {  	[tilespmem:v27+s18+$0x0] =	vst.idx.msk $0xffff, v18;
	v26 =	vld [tilespmem:s30+$0x10];
	vm8 =	veq.s32 v29, v20  }
0x65d: {  	v27 =	vimm.s32 $0x0;
	[tilespmem:v28+s18+$0x0] =	vst.idx.msk $0xffff, v18;
	v30 =	vld [tilespmem:s30+$0x20];
	vm9 =	veq.s32 v22, v20;
	v29 =	vsel vm8, $0x1, v2  }
0x65e: {  	vm10 =	veq.s32 v23, v20;
	v28 =	vsel vm9, $0x1, v2;
	v27 =	vadd.s32 v29, v27;
	v29 =	vld [tilespmem:s30+$0x30]  }
0x65f: {  	v22 =	vld [tilespmem:s14+$0xFFFFFFA0];
	vm11 =	veq.s32 v24, v20;
	v27 =	vadd.s32 v28, v27;
	v28 =	vsel vm10, $0x1, v2  }
0x660: {  	v23 =	vld [tilespmem:s14+$0xFFFFFFB0];
	vm12 =	veq.s32 v25, v20;
	v27 =	vadd.s32 v28, v27;
	v28 =	vsel vm11, $0x1, v2  }
0x661: {  	v24 =	vld [tilespmem:s14+$0xFFFFFFC0];
	vm13 =	veq.s32 v26, v20;
	v27 =	vadd.s32 v28, v27;
	v28 =	vsel vm12, $0x1, v2  }
0x662: {  	v25 =	vld [tilespmem:s14+$0xFFFFFFD0];
	vm14 =	veq.s32 v30, v20;
	v27 =	vadd.s32 v28, v27;
	v28 =	vsel vm13, $0x1, v2  }
0x663: {  	v26 =	vld [tilespmem:s14+$0xFFFFFFE0];
	v27 =	vadd.s32 v28, v27;
	v28 =	vsel vm14, $0x1, v2;
	vm15 =	veq.s32 v29, v20  }
0x664: {  	v29 =	vld [tilespmem:s14+$0xFFFFFFF0];
	v28 =	vadd.s32 v28, v27;
	v30 =	vsel vm15, $0x1, v2  }
0x665: {  	s31 =	simm.s32 $0x8;
	s0 =	simm.s32 $0xBF0;
	v27 =	vld [tilespmem:s14+$0x0];
	v28 =	vadd.s32 v30, v28  }
.LBB2_71:
0x666: {  	[tilespmem:v21+s18+$0x0] =	vst.idx.msk $0xffff, v18;
	v21 =	vld [tilespmem:s0+$0xFFFFFF90];
	s30 =	sadd.s32 $0x80, s30  }
0x667: {  	v30 =	vld [tilespmem:s30+$0xFFFFFFC0];
	[tilespmem:v22+s18+$0x0] =	vst.idx.msk $0xffff, v18  }
0x668: {  	v22 =	vld [tilespmem:s30+$0xFFFFFFD0];
	[tilespmem:v23+s18+$0x0] =	vst.idx.msk $0xffff, v18  }
0x669: {  	v23 =	vld [tilespmem:s30+$0xFFFFFFE0];
	[tilespmem:v24+s18+$0x0] =	vst.idx.msk $0xffff, v18  }
0x66a: {  	v24 =	vld [tilespmem:s30+$0xFFFFFFF0];
	[tilespmem:v25+s18+$0x0] =	vst.idx.msk $0xffff, v18  }
0x66b: {  	v25 =	vld [tilespmem:s30+$0x0];
	[tilespmem:v26+s18+$0x0] =	vst.idx.msk $0xffff, v18  }
0x66c: {  	vm0 =	veq.s32 v30, v20;
	v26 =	vld [tilespmem:s30+$0x10];
	[tilespmem:v29+s18+$0x0] =	vst.idx.msk $0xffff, v18  }
0x66d: {  	v29 =	vsel vm0, $0x1, v2;
	vm0 =	veq.s32 v22, v20;
	v30 =	vld [tilespmem:s30+$0x20];
	[tilespmem:v27+s18+$0x0] =	vst.idx.msk $0xffff, v18  }
0x66e: {  	s31 =	sadd.s32 $0x8, s31;
	v27 =	vadd.s32 v29, v28;
	v28 =	vsel vm0, $0x1, v2;
	vm0 =	veq.s32 v23, v20;
	v29 =	vld [tilespmem:s30+$0x30]  }
0x66f: {  	p1 =	slt.u32 s31, $0xF8;
	v22 =	vld [tilespmem:s0+$0xFFFFFFA0];
	v27 =	vadd.s32 v28, v27;
	v28 =	vsel vm0, $0x1, v2;
	vm0 =	veq.s32 v24, v20  }
0x670: {  	v23 =	vld [tilespmem:s0+$0xFFFFFFB0];
	v27 =	vadd.s32 v28, v27;
	v28 =	vsel vm0, $0x1, v2;
	vm0 =	veq.s32 v25, v20  }
.Ltmp34:
0x671: {  	v24 =	vld [tilespmem:s0+$0xFFFFFFC0];
	v27 =	vadd.s32 v28, v27;
	v28 =	vsel vm0, $0x1, v2;
	vm0 =	veq.s32 v26, v20;
	(pc) =	sbr.rel @p1 .LBB2_71-.Ltmp34, $4  }
0x672: {  	v25 =	vld [tilespmem:s0+$0xFFFFFFD0];
	v27 =	vadd.s32 v28, v27;
	v28 =	vsel vm0, $0x1, v2;
	vm0 =	veq.s32 v30, v20  }
0x673: {  	v26 =	vld [tilespmem:s0+$0xFFFFFFE0];
	v27 =	vadd.s32 v28, v27;
	v28 =	vsel vm0, $0x1, v2;
	vm0 =	veq.s32 v29, v20  }
0x674: {  	v29 =	vld [tilespmem:s0+$0xFFFFFFF0];
	v28 =	vadd.s32 v28, v27;
	v30 =	vsel vm0, $0x1, v2  }
0x675: {  	v27 =	vld [tilespmem:s0+$0x0];
	s0 =	sadd.s32 $0x400, s0;
	v28 =	vadd.s32 v30, v28  }
0x676: {  	_ =	sdelay $0x3  }
0x677: {  	[tilespmem:v21+s18+$0x0] =	vst.idx.msk $0xffff, v18;
	s0 =	sadd.s32 $0x80, s30  }
0x678: {  	[tilespmem:v22+s18+$0x0] =	vst.idx.msk $0xffff, v18;
	v21 =	vld [tilespmem:s0+$0xFFFFFFC0]  }
0x679: {  	[tilespmem:v23+s18+$0x0] =	vst.idx.msk $0xffff, v18;
	v22 =	vld [tilespmem:s0+$0xFFFFFFD0]  }
0x67a: {  	[tilespmem:v24+s18+$0x0] =	vst.idx.msk $0xffff, v18;
	v23 =	vld [tilespmem:s0+$0xFFFFFFE0]  }
0x67b: {  	v24 =	vld [tilespmem:s0+$0xFFFFFFF0];
	[tilespmem:v25+s18+$0x0] =	vst.idx.msk $0xffff, v18  }
0x67c: {  	v25 =	vld [tilespmem:s0+$0x0];
	[tilespmem:v26+s18+$0x0] =	vst.idx.msk $0xffff, v18  }
0x67d: {  	v53 =	vld [tilespmem:s0+$0x10];
	[tilespmem:v29+s18+$0x0] =	vst.idx.msk $0xffff, v18;
	vm0 =	veq.s32 v21, v20  }
0x67e: {  	v55 =	vld [tilespmem:s0+$0x20];
	[tilespmem:v27+s18+$0x0] =	vst.idx.msk $0xffff, v18;
	vm9 =	veq.s32 v22, v20;
	v54 =	vsel vm0, $0x1, v2  }
0x67f: {  	v57 =	vld [tilespmem:s0+$0x30];
	vm10 =	veq.s32 v23, v20;
	v56 =	vsel vm9, $0x1, v2;
	v26 =	vadd.s32 v54, v28  }
0x680: {  	vm11 =	veq.s32 v24, v20;
	v58 =	vsel vm10, $0x1, v2;
	v26 =	vadd.s32 v56, v26  }
0x681: {  	v60 =	vsel vm11, $0x1, v2;
	vm12 =	veq.s32 v25, v20;
	v59 =	vadd.s32 v58, v26  }
0x682: {  	v25 =	vsel vm12, $0x1, v2;
	vm13 =	veq.s32 v53, v20;
	v24 =	vadd.s32 v60, v59  }
0x683: {  	v62 =	vsel vm13, $0x1, v2;
	vm14 =	veq.s32 v55, v20;
	v61 =	vadd.s32 v25, v24  }
0x684: {  	v22 =	vsel vm14, $0x1, v2;
	vm15 =	veq.s32 v57, v20;
	v21 =	vadd.s32 v62, v61  }
0x685: {  	v63 =	vsel vm15, $0x1, v2;
	v20 =	vadd.s32 v22, v21  }
0x686: {  	v20 =	vadd.s32 v63, v20  }
0x687: {  	(xrf0) =	vadd.scan.msk.s32 $0xffff, v20;
	_ =	sdelay $0x5  }
0x688: {  	v20, _, _ =	vpop (xrf0)  }
0x689: {  	(v2sf) =	vpush v20, $0xF;
	_ =	sdelay $0xe  }
0x68a: {  	s31 =	spop (v2sf)  }
0x68b: {  	s0 =	scvt.s32.f32 s31;
	_ =	sdelay $0x1  }
0x68c: {  	v20 =	vmov s0  }
.Ltmp35:
0x68d: {  	v20 =	vsub.f32 $0.0e+00, v20;
	(pc) =	sbr.rel @p0 .LBB2_76-.Ltmp35, $3  }
0x68e: {  	_ = 	snop  }
0x68f: {  	v20 =	vbroadcast v20, $0x0;
	_ =	sdelay $0x1  }
0x690: {  	[tilespmem:v19+s19+$0x0] =	vst.idx.msk $0x1, v20  }
0x691: {  	s0 =	sadd.s32 s12, s29  }
0x692: {  	s0 =	sshll.u32 s0, $0xC  }
0x693: {  	s0 =	sand.u32 $0x1FFFE000, s0  }
0x694: {  	s29 =	simm.s32 $0x200;
	s0 =	sadd.s32 s0, s4  }
0x695: {  	s30 =	simm.s32 $0x80;
	s2 =	simm.s32 $0x600;
	s14 =	sadd.s32 $0x0, s0  }
.LBB2_74:
0x696: {  	[tilespmem:s29], [sflag:$0x2] =	stream.linear.gather [hbm4b:s14+s3], $0x200, $0x38;
	[tilespmem:$0x12080] =	vst v63  }
0x697: {  	s14 =	smov.u32 s30;
	s29 =	smov.u32 s2;
	p1 =	sne.s32 s30, $0xF80  }
.Ltmp36:
0x698: {  	s30 =	sadd.s32 $0x80, s30;
	(pc) =	sbr.rel @p1 .LBB2_74-.Ltmp36, $2  }
0x699: {  	_ =	sdelay $0x2  }
0x69a: {  	s2 =	sadd.s32 $0x400, s2;
	s14 =	sadd.s32 s14, s0  }
0x69b: {  	[tilespmem:s29], [sflag:$0x2] =	stream.linear.gather [hbm4b:s14+s3], $0x200, $0x38;
	[tilespmem:$0x12080] =	vst v63  }
.LBB2_76:
0x69c: {  	_ =	swait.ge [sflag:s21], $0x4000  }
0x69d: {  	[sflag:s21] =	ssyncset.done $0x0  }
0x69e: {  	s0 =	simm.s32 $0x8040;
	[sflag:s21] =	ssyncadd.s32 $0xFFFFC000  }
0x69f: {  	v20 =	vld [tilespmem:s0+$0xFFFFFFC0]  }
0x6a0: {  	v22 =	vld [tilespmem:s0+$0xFFFFFFD0]  }
0x6a1: {  	v23 =	vld [tilespmem:s0+$0xFFFFFFE0]  }
0x6a2: {  	v24 =	vld [tilespmem:s0+$0xFFFFFFF0]  }
0x6a3: {  	v25 =	vld [tilespmem:s0+$0x0]  }
0x6a4: {  	v26 =	vld [tilespmem:s0+$0x10]  }
0x6a5: {  	s2 =	sor.u32 $0x8, s26;
	v27 =	vld [tilespmem:s0+$0x20]  }
0x6a6: {  	s31 =	simm.s32 $0x8440;
	v19 =	vmov s2;
	v28 =	vld [tilespmem:s0+$0x30]  }
0x6a7: {  	s29 =	simm.s32 $0x11040;
	v21 =	vld [tilespmem:s31+$0xFFFFFFC0];
	[tilespmem:v20+s17+$0x0] =	vst.idx.msk $0xffff, v19  }
0x6a8: {  	[tilespmem:v22+s17+$0x0] =	vst.idx.msk $0xffff, v19;
	v29 =	vld [tilespmem:s29+$0xFFFFFFC0]  }
0x6a9: {  	[tilespmem:v23+s17+$0x0] =	vst.idx.msk $0xffff, v19;
	v22 =	vld [tilespmem:s29+$0xFFFFFFD0]  }
0x6aa: {  	[tilespmem:v24+s17+$0x0] =	vst.idx.msk $0xffff, v19;
	v23 =	vld [tilespmem:s29+$0xFFFFFFE0]  }
0x6ab: {  	[tilespmem:v25+s17+$0x0] =	vst.idx.msk $0xffff, v19;
	v24 =	vld [tilespmem:s29+$0xFFFFFFF0]  }
0x6ac: {  	v20 =	vadd.s32 $0xFFFFFFFF, v19;
	[tilespmem:v26+s17+$0x0] =	vst.idx.msk $0xffff, v19;
	v25 =	vld [tilespmem:s29+$0x0]  }
0x6ad: {  	[tilespmem:v27+s17+$0x0] =	vst.idx.msk $0xffff, v19;
	v26 =	vld [tilespmem:s29+$0x10];
	vm0 =	veq.s32 v29, v20  }
0x6ae: {  	v27 =	vimm.s32 $0x0;
	[tilespmem:v28+s17+$0x0] =	vst.idx.msk $0xffff, v19;
	v30 =	vld [tilespmem:s29+$0x20];
	vm9 =	veq.s32 v22, v20;
	v29 =	vsel vm0, $0x1, v2  }
0x6af: {  	vm10 =	veq.s32 v23, v20;
	v28 =	vsel vm9, $0x1, v2;
	v27 =	vadd.s32 v29, v27;
	v29 =	vld [tilespmem:s29+$0x30]  }
0x6b0: {  	v22 =	vld [tilespmem:s31+$0xFFFFFFD0];
	vm11 =	veq.s32 v24, v20;
	v27 =	vadd.s32 v28, v27;
	v28 =	vsel vm10, $0x1, v2  }
0x6b1: {  	v23 =	vld [tilespmem:s31+$0xFFFFFFE0];
	vm12 =	veq.s32 v25, v20;
	v27 =	vadd.s32 v28, v27;
	v28 =	vsel vm11, $0x1, v2  }
0x6b2: {  	v24 =	vld [tilespmem:s31+$0xFFFFFFF0];
	vm13 =	veq.s32 v26, v20;
	v27 =	vadd.s32 v28, v27;
	v28 =	vsel vm12, $0x1, v2  }
0x6b3: {  	v25 =	vld [tilespmem:s31+$0x0];
	vm14 =	veq.s32 v30, v20;
	v27 =	vadd.s32 v28, v27;
	v28 =	vsel vm13, $0x1, v2  }
0x6b4: {  	v26 =	vld [tilespmem:s31+$0x10];
	v27 =	vadd.s32 v28, v27;
	v28 =	vsel vm14, $0x1, v2;
	vm15 =	veq.s32 v29, v20  }
0x6b5: {  	v29 =	vld [tilespmem:s31+$0x20];
	v28 =	vadd.s32 v28, v27;
	v30 =	vsel vm15, $0x1, v2  }
0x6b6: {  	s30 =	simm.s32 $0x8;
	s0 =	simm.s32 $0x8840;
	v27 =	vld [tilespmem:s31+$0x30];
	v28 =	vadd.s32 v30, v28  }
.LBB2_77:
0x6b7: {  	[tilespmem:v21+s17+$0x0] =	vst.idx.msk $0xffff, v19;
	v21 =	vld [tilespmem:s0+$0xFFFFFFC0];
	s29 =	sadd.s32 $0x80, s29  }
0x6b8: {  	v30 =	vld [tilespmem:s29+$0xFFFFFFC0];
	[tilespmem:v22+s17+$0x0] =	vst.idx.msk $0xffff, v19  }
0x6b9: {  	v22 =	vld [tilespmem:s29+$0xFFFFFFD0];
	[tilespmem:v23+s17+$0x0] =	vst.idx.msk $0xffff, v19  }
0x6ba: {  	v23 =	vld [tilespmem:s29+$0xFFFFFFE0];
	[tilespmem:v24+s17+$0x0] =	vst.idx.msk $0xffff, v19  }
0x6bb: {  	v24 =	vld [tilespmem:s29+$0xFFFFFFF0];
	[tilespmem:v25+s17+$0x0] =	vst.idx.msk $0xffff, v19  }
0x6bc: {  	v25 =	vld [tilespmem:s29+$0x0];
	[tilespmem:v26+s17+$0x0] =	vst.idx.msk $0xffff, v19  }
0x6bd: {  	vm0 =	veq.s32 v30, v20;
	v26 =	vld [tilespmem:s29+$0x10];
	[tilespmem:v29+s17+$0x0] =	vst.idx.msk $0xffff, v19  }
0x6be: {  	v29 =	vsel vm0, $0x1, v2;
	vm0 =	veq.s32 v22, v20;
	v30 =	vld [tilespmem:s29+$0x20];
	[tilespmem:v27+s17+$0x0] =	vst.idx.msk $0xffff, v19  }
0x6bf: {  	s30 =	sadd.s32 $0x8, s30;
	v27 =	vadd.s32 v29, v28;
	v28 =	vsel vm0, $0x1, v2;
	vm0 =	veq.s32 v23, v20;
	v29 =	vld [tilespmem:s29+$0x30]  }
0x6c0: {  	p1 =	slt.u32 s30, $0xF8;
	v22 =	vld [tilespmem:s0+$0xFFFFFFD0];
	v27 =	vadd.s32 v28, v27;
	v28 =	vsel vm0, $0x1, v2;
	vm0 =	veq.s32 v24, v20  }
0x6c1: {  	v23 =	vld [tilespmem:s0+$0xFFFFFFE0];
	v27 =	vadd.s32 v28, v27;
	v28 =	vsel vm0, $0x1, v2;
	vm0 =	veq.s32 v25, v20  }
.Ltmp37:
0x6c2: {  	v24 =	vld [tilespmem:s0+$0xFFFFFFF0];
	v27 =	vadd.s32 v28, v27;
	v28 =	vsel vm0, $0x1, v2;
	vm0 =	veq.s32 v26, v20;
	(pc) =	sbr.rel @p1 .LBB2_77-.Ltmp37, $4  }
0x6c3: {  	v25 =	vld [tilespmem:s0+$0x0];
	v27 =	vadd.s32 v28, v27;
	v28 =	vsel vm0, $0x1, v2;
	vm0 =	veq.s32 v30, v20  }
0x6c4: {  	v26 =	vld [tilespmem:s0+$0x10];
	v27 =	vadd.s32 v28, v27;
	v28 =	vsel vm0, $0x1, v2;
	vm0 =	veq.s32 v29, v20  }
0x6c5: {  	v29 =	vld [tilespmem:s0+$0x20];
	v28 =	vadd.s32 v28, v27;
	v30 =	vsel vm0, $0x1, v2  }
0x6c6: {  	v27 =	vld [tilespmem:s0+$0x30];
	s0 =	sadd.s32 $0x400, s0;
	v28 =	vadd.s32 v30, v28  }
0x6c7: {  	_ =	sdelay $0x3  }
0x6c8: {  	[tilespmem:v21+s17+$0x0] =	vst.idx.msk $0xffff, v19;
	s0 =	sadd.s32 $0x80, s29  }
0x6c9: {  	[tilespmem:v22+s17+$0x0] =	vst.idx.msk $0xffff, v19;
	v21 =	vld [tilespmem:s0+$0xFFFFFFC0]  }
0x6ca: {  	[tilespmem:v23+s17+$0x0] =	vst.idx.msk $0xffff, v19;
	v22 =	vld [tilespmem:s0+$0xFFFFFFD0]  }
0x6cb: {  	[tilespmem:v24+s17+$0x0] =	vst.idx.msk $0xffff, v19;
	v23 =	vld [tilespmem:s0+$0xFFFFFFE0]  }
0x6cc: {  	v24 =	vld [tilespmem:s0+$0xFFFFFFF0];
	[tilespmem:v25+s17+$0x0] =	vst.idx.msk $0xffff, v19  }
0x6cd: {  	v25 =	vld [tilespmem:s0+$0x0];
	[tilespmem:v26+s17+$0x0] =	vst.idx.msk $0xffff, v19  }
0x6ce: {  	[tilespmem:v29+s17+$0x0] =	vst.idx.msk $0xffff, v19;
	vm0 =	veq.s32 v21, v20;
	v21 =	vld [tilespmem:s0+$0x10]  }
0x6cf: {  	[tilespmem:v27+s17+$0x0] =	vst.idx.msk $0xffff, v19;
	vm13 =	veq.s32 v22, v20;
	v22 =	vld [tilespmem:s0+$0x20];
	v26 =	vsel vm0, $0x1, v2  }
0x6d0: {  	vm14 =	veq.s32 v23, v20;
	v23 =	vld [tilespmem:s0+$0x30];
	v27 =	vsel vm13, $0x1, v2;
	v26 =	vadd.s32 v26, v28  }
0x6d1: {  	vm15 =	veq.s32 v24, v20;
	v26 =	vadd.s32 v27, v26;
	v27 =	vsel vm14, $0x1, v2  }
0x6d2: {  	vm4 =	veq.s32 v25, v20;
	v24 =	vadd.s32 v27, v26;
	v26 =	vsel vm15, $0x1, v2  }
0x6d3: {  	v25 =	vsel vm4, $0x1, v2;
	v24 =	vadd.s32 v26, v24;
	vm5 =	veq.s32 v21, v20  }
0x6d4: {  	vm6 =	veq.s32 v22, v20;
	v21 =	vadd.s32 v25, v24;
	v24 =	vsel vm5, $0x1, v2  }
0x6d5: {  	vm7 =	veq.s32 v23, v20;
	v22 =	vsel vm6, $0x1, v2;
	v21 =	vadd.s32 v24, v21  }
0x6d6: {  	v20 =	vadd.s32 v22, v21;
	v21 =	vsel vm7, $0x1, v2  }
0x6d7: {  	v20 =	vadd.s32 v21, v20  }
0x6d8: {  	(xrf0) =	vadd.scan.msk.s32 $0xffff, v20;
	_ =	sdelay $0x5  }
0x6d9: {  	v20, _, _ =	vpop (xrf0)  }
0x6da: {  	(v2sf) =	vpush v20, $0xF;
	_ =	sdelay $0xe  }
0x6db: {  	s2 =	spop (v2sf)  }
0x6dc: {  	v18 =	vand.u32 $0xFFFFFFF7, v18;
	s0 =	scvt.s32.f32 s2  }
0x6dd: {  	v18 =	vbroadcast v18, $0x0  }
0x6de: {  	v20 =	vmov s0  }
0x6df: {  	v20 =	vsub.f32 $0.0e+00, v20;
	_ =	sdelay $0x1  }
0x6e0: {  	v20 =	vbroadcast v20, $0x0;
	_ =	sdelay $0x1  }
0x6e1: {  	s14 =	simm.s32 $0x80F0;
	[tilespmem:v18+s19+$0x0] =	vst.idx.msk $0x1, v20  }
0x6e2: {  	v20 =	vld [tilespmem:s14+$0xFFFFFF90]  }
0x6e3: {  	v22 =	vld [tilespmem:s14+$0xFFFFFFA0]  }
0x6e4: {  	v23 =	vld [tilespmem:s14+$0xFFFFFFB0]  }
0x6e5: {  	v24 =	vld [tilespmem:s14+$0xFFFFFFC0]  }
0x6e6: {  	v25 =	vld [tilespmem:s14+$0xFFFFFFD0]  }
0x6e7: {  	v26 =	vld [tilespmem:s14+$0xFFFFFFE0]  }
0x6e8: {  	s2 =	sor.u32 $0x9, s26;
	v27 =	vld [tilespmem:s14+$0xFFFFFFF0]  }
0x6e9: {  	s31 =	simm.s32 $0x84F0;
	v18 =	vmov s2;
	v28 =	vld [tilespmem:s14+$0x0]  }
0x6ea: {  	s29 =	simm.s32 $0x10040;
	v21 =	vld [tilespmem:s31+$0xFFFFFF90];
	[tilespmem:v20+s18+$0x0] =	vst.idx.msk $0xffff, v18  }
0x6eb: {  	[tilespmem:v22+s18+$0x0] =	vst.idx.msk $0xffff, v18;
	v29 =	vld [tilespmem:s29+$0xFFFFFFC0]  }
0x6ec: {  	[tilespmem:v23+s18+$0x0] =	vst.idx.msk $0xffff, v18;
	v22 =	vld [tilespmem:s29+$0xFFFFFFD0]  }
0x6ed: {  	[tilespmem:v24+s18+$0x0] =	vst.idx.msk $0xffff, v18;
	v23 =	vld [tilespmem:s29+$0xFFFFFFE0]  }
0x6ee: {  	[tilespmem:v25+s18+$0x0] =	vst.idx.msk $0xffff, v18;
	v24 =	vld [tilespmem:s29+$0xFFFFFFF0]  }
0x6ef: {  	v20 =	vadd.s32 $0xFFFFFFFF, v18;
	[tilespmem:v26+s18+$0x0] =	vst.idx.msk $0xffff, v18;
	v25 =	vld [tilespmem:s29+$0x0]  }
0x6f0: {  	[tilespmem:v27+s18+$0x0] =	vst.idx.msk $0xffff, v18;
	v26 =	vld [tilespmem:s29+$0x10];
	vm8 =	veq.s32 v29, v20  }
0x6f1: {  	v27 =	vimm.s32 $0x0;
	[tilespmem:v28+s18+$0x0] =	vst.idx.msk $0xffff, v18;
	v30 =	vld [tilespmem:s29+$0x20];
	vm9 =	veq.s32 v22, v20;
	v29 =	vsel vm8, $0x1, v2  }
0x6f2: {  	vm10 =	veq.s32 v23, v20;
	v28 =	vsel vm9, $0x1, v2;
	v27 =	vadd.s32 v29, v27;
	v29 =	vld [tilespmem:s29+$0x30]  }
0x6f3: {  	v22 =	vld [tilespmem:s31+$0xFFFFFFA0];
	vm11 =	veq.s32 v24, v20;
	v27 =	vadd.s32 v28, v27;
	v28 =	vsel vm10, $0x1, v2  }
0x6f4: {  	v23 =	vld [tilespmem:s31+$0xFFFFFFB0];
	vm12 =	veq.s32 v25, v20;
	v27 =	vadd.s32 v28, v27;
	v28 =	vsel vm11, $0x1, v2  }
0x6f5: {  	v24 =	vld [tilespmem:s31+$0xFFFFFFC0];
	vm13 =	veq.s32 v26, v20;
	v27 =	vadd.s32 v28, v27;
	v28 =	vsel vm12, $0x1, v2  }
0x6f6: {  	v25 =	vld [tilespmem:s31+$0xFFFFFFD0];
	vm14 =	veq.s32 v30, v20;
	v27 =	vadd.s32 v28, v27;
	v28 =	vsel vm13, $0x1, v2  }
0x6f7: {  	v26 =	vld [tilespmem:s31+$0xFFFFFFE0];
	v27 =	vadd.s32 v28, v27;
	v28 =	vsel vm14, $0x1, v2;
	vm15 =	veq.s32 v29, v20  }
0x6f8: {  	v29 =	vld [tilespmem:s31+$0xFFFFFFF0];
	v28 =	vadd.s32 v28, v27;
	v30 =	vsel vm15, $0x1, v2  }
0x6f9: {  	s30 =	simm.s32 $0x8;
	s0 =	simm.s32 $0x88F0;
	v27 =	vld [tilespmem:s31+$0x0];
	v28 =	vadd.s32 v30, v28  }
.LBB2_79:
0x6fa: {  	[tilespmem:v21+s18+$0x0] =	vst.idx.msk $0xffff, v18;
	v21 =	vld [tilespmem:s0+$0xFFFFFF90];
	s29 =	sadd.s32 $0x80, s29  }
0x6fb: {  	v30 =	vld [tilespmem:s29+$0xFFFFFFC0];
	[tilespmem:v22+s18+$0x0] =	vst.idx.msk $0xffff, v18  }
0x6fc: {  	v22 =	vld [tilespmem:s29+$0xFFFFFFD0];
	[tilespmem:v23+s18+$0x0] =	vst.idx.msk $0xffff, v18  }
0x6fd: {  	v23 =	vld [tilespmem:s29+$0xFFFFFFE0];
	[tilespmem:v24+s18+$0x0] =	vst.idx.msk $0xffff, v18  }
0x6fe: {  	v24 =	vld [tilespmem:s29+$0xFFFFFFF0];
	[tilespmem:v25+s18+$0x0] =	vst.idx.msk $0xffff, v18  }
0x6ff: {  	v25 =	vld [tilespmem:s29+$0x0];
	[tilespmem:v26+s18+$0x0] =	vst.idx.msk $0xffff, v18  }
0x700: {  	vm0 =	veq.s32 v30, v20;
	v26 =	vld [tilespmem:s29+$0x10];
	[tilespmem:v29+s18+$0x0] =	vst.idx.msk $0xffff, v18  }
0x701: {  	v29 =	vsel vm0, $0x1, v2;
	vm0 =	veq.s32 v22, v20;
	v30 =	vld [tilespmem:s29+$0x20];
	[tilespmem:v27+s18+$0x0] =	vst.idx.msk $0xffff, v18  }
0x702: {  	s30 =	sadd.s32 $0x8, s30;
	v27 =	vadd.s32 v29, v28;
	v28 =	vsel vm0, $0x1, v2;
	vm0 =	veq.s32 v23, v20;
	v29 =	vld [tilespmem:s29+$0x30]  }
0x703: {  	p1 =	slt.u32 s30, $0xF8;
	v22 =	vld [tilespmem:s0+$0xFFFFFFA0];
	v27 =	vadd.s32 v28, v27;
	v28 =	vsel vm0, $0x1, v2;
	vm0 =	veq.s32 v24, v20  }
0x704: {  	v23 =	vld [tilespmem:s0+$0xFFFFFFB0];
	v27 =	vadd.s32 v28, v27;
	v28 =	vsel vm0, $0x1, v2;
	vm0 =	veq.s32 v25, v20  }
.Ltmp38:
0x705: {  	v24 =	vld [tilespmem:s0+$0xFFFFFFC0];
	v27 =	vadd.s32 v28, v27;
	v28 =	vsel vm0, $0x1, v2;
	vm0 =	veq.s32 v26, v20;
	(pc) =	sbr.rel @p1 .LBB2_79-.Ltmp38, $4  }
0x706: {  	v25 =	vld [tilespmem:s0+$0xFFFFFFD0];
	v27 =	vadd.s32 v28, v27;
	v28 =	vsel vm0, $0x1, v2;
	vm0 =	veq.s32 v30, v20  }
0x707: {  	v26 =	vld [tilespmem:s0+$0xFFFFFFE0];
	v27 =	vadd.s32 v28, v27;
	v28 =	vsel vm0, $0x1, v2;
	vm0 =	veq.s32 v29, v20  }
0x708: {  	v29 =	vld [tilespmem:s0+$0xFFFFFFF0];
	v28 =	vadd.s32 v28, v27;
	v30 =	vsel vm0, $0x1, v2  }
0x709: {  	v27 =	vld [tilespmem:s0+$0x0];
	s0 =	sadd.s32 $0x400, s0;
	v28 =	vadd.s32 v30, v28  }
0x70a: {  	_ =	sdelay $0x3  }
0x70b: {  	[tilespmem:v21+s18+$0x0] =	vst.idx.msk $0xffff, v18;
	s0 =	sadd.s32 $0x80, s29  }
0x70c: {  	[tilespmem:v22+s18+$0x0] =	vst.idx.msk $0xffff, v18;
	v21 =	vld [tilespmem:s0+$0xFFFFFFC0]  }
0x70d: {  	[tilespmem:v23+s18+$0x0] =	vst.idx.msk $0xffff, v18;
	v22 =	vld [tilespmem:s0+$0xFFFFFFD0]  }
0x70e: {  	[tilespmem:v24+s18+$0x0] =	vst.idx.msk $0xffff, v18;
	v23 =	vld [tilespmem:s0+$0xFFFFFFE0]  }
0x70f: {  	v24 =	vld [tilespmem:s0+$0xFFFFFFF0];
	[tilespmem:v25+s18+$0x0] =	vst.idx.msk $0xffff, v18  }
0x710: {  	v25 =	vld [tilespmem:s0+$0x0];
	[tilespmem:v26+s18+$0x0] =	vst.idx.msk $0xffff, v18  }
0x711: {  	[tilespmem:v29+s18+$0x0] =	vst.idx.msk $0xffff, v18;
	vm0 =	veq.s32 v21, v20;
	v21 =	vld [tilespmem:s0+$0x10]  }
0x712: {  	[tilespmem:v27+s18+$0x0] =	vst.idx.msk $0xffff, v18;
	vm13 =	veq.s32 v22, v20;
	v22 =	vld [tilespmem:s0+$0x20];
	v26 =	vsel vm0, $0x1, v2  }
0x713: {  	vm14 =	veq.s32 v23, v20;
	v23 =	vld [tilespmem:s0+$0x30];
	v27 =	vsel vm13, $0x1, v2;
	v26 =	vadd.s32 v26, v28  }
0x714: {  	vm15 =	veq.s32 v24, v20;
	v26 =	vadd.s32 v27, v26;
	v27 =	vsel vm14, $0x1, v2  }
0x715: {  	vm4 =	veq.s32 v25, v20;
	v24 =	vadd.s32 v27, v26;
	v26 =	vsel vm15, $0x1, v2  }
0x716: {  	v25 =	vsel vm4, $0x1, v2;
	v24 =	vadd.s32 v26, v24;
	vm5 =	veq.s32 v21, v20  }
0x717: {  	vm6 =	veq.s32 v22, v20;
	v21 =	vadd.s32 v25, v24;
	v24 =	vsel vm5, $0x1, v2  }
0x718: {  	vm7 =	veq.s32 v23, v20;
	v22 =	vsel vm6, $0x1, v2;
	v21 =	vadd.s32 v24, v21  }
0x719: {  	v20 =	vadd.s32 v22, v21;
	v21 =	vsel vm7, $0x1, v2  }
0x71a: {  	v20 =	vadd.s32 v21, v20  }
0x71b: {  	(xrf0) =	vadd.scan.msk.s32 $0xffff, v20;
	_ =	sdelay $0x5  }
0x71c: {  	v20, _, _ =	vpop (xrf0)  }
0x71d: {  	(v2sf) =	vpush v20, $0xF;
	_ =	sdelay $0xe  }
0x71e: {  	s2 =	spop (v2sf)  }
0x71f: {  	s0 =	scvt.s32.f32 s2;
	_ =	sdelay $0x1  }
0x720: {  	v20 =	vmov s0  }
0x721: {  	v20 =	vsub.f32 $0.0e+00, v20;
	_ =	sdelay $0x1  }
0x722: {  	v20 =	vbroadcast v20, $0x0;
	_ =	sdelay $0x1  }
0x723: {  	s14 =	simm.s32 $0x8170;
	[tilespmem:v19+s19+$0x0] =	vst.idx.msk $0x1, v20  }
0x724: {  	v20 =	vld [tilespmem:s14+$0xFFFFFF90]  }
0x725: {  	v22 =	vld [tilespmem:s14+$0xFFFFFFA0]  }
0x726: {  	v23 =	vld [tilespmem:s14+$0xFFFFFFB0]  }
0x727: {  	v24 =	vld [tilespmem:s14+$0xFFFFFFC0]  }
0x728: {  	v25 =	vld [tilespmem:s14+$0xFFFFFFD0]  }
0x729: {  	v26 =	vld [tilespmem:s14+$0xFFFFFFE0]  }
0x72a: {  	s2 =	sor.u32 $0xA, s26;
	v27 =	vld [tilespmem:s14+$0xFFFFFFF0]  }
0x72b: {  	s31 =	simm.s32 $0x8570;
	v19 =	vmov s2;
	v28 =	vld [tilespmem:s14+$0x0]  }
0x72c: {  	s29 =	simm.s32 $0x11040;
	v21 =	vld [tilespmem:s31+$0xFFFFFF90];
	[tilespmem:v20+s17+$0x0] =	vst.idx.msk $0xffff, v19  }
0x72d: {  	[tilespmem:v22+s17+$0x0] =	vst.idx.msk $0xffff, v19;
	v29 =	vld [tilespmem:s29+$0xFFFFFFC0]  }
0x72e: {  	[tilespmem:v23+s17+$0x0] =	vst.idx.msk $0xffff, v19;
	v22 =	vld [tilespmem:s29+$0xFFFFFFD0]  }
0x72f: {  	[tilespmem:v24+s17+$0x0] =	vst.idx.msk $0xffff, v19;
	v23 =	vld [tilespmem:s29+$0xFFFFFFE0]  }
0x730: {  	[tilespmem:v25+s17+$0x0] =	vst.idx.msk $0xffff, v19;
	v24 =	vld [tilespmem:s29+$0xFFFFFFF0]  }
0x731: {  	v20 =	vadd.s32 $0xFFFFFFFF, v19;
	[tilespmem:v26+s17+$0x0] =	vst.idx.msk $0xffff, v19;
	v25 =	vld [tilespmem:s29+$0x0]  }
0x732: {  	[tilespmem:v27+s17+$0x0] =	vst.idx.msk $0xffff, v19;
	v26 =	vld [tilespmem:s29+$0x10];
	vm8 =	veq.s32 v29, v20  }
0x733: {  	v27 =	vimm.s32 $0x0;
	[tilespmem:v28+s17+$0x0] =	vst.idx.msk $0xffff, v19;
	v30 =	vld [tilespmem:s29+$0x20];
	vm9 =	veq.s32 v22, v20;
	v29 =	vsel vm8, $0x1, v2  }
0x734: {  	vm10 =	veq.s32 v23, v20;
	v28 =	vsel vm9, $0x1, v2;
	v27 =	vadd.s32 v29, v27;
	v29 =	vld [tilespmem:s29+$0x30]  }
0x735: {  	v22 =	vld [tilespmem:s31+$0xFFFFFFA0];
	vm11 =	veq.s32 v24, v20;
	v27 =	vadd.s32 v28, v27;
	v28 =	vsel vm10, $0x1, v2  }
0x736: {  	v23 =	vld [tilespmem:s31+$0xFFFFFFB0];
	vm12 =	veq.s32 v25, v20;
	v27 =	vadd.s32 v28, v27;
	v28 =	vsel vm11, $0x1, v2  }
0x737: {  	v24 =	vld [tilespmem:s31+$0xFFFFFFC0];
	vm13 =	veq.s32 v26, v20;
	v27 =	vadd.s32 v28, v27;
	v28 =	vsel vm12, $0x1, v2  }
0x738: {  	v25 =	vld [tilespmem:s31+$0xFFFFFFD0];
	vm14 =	veq.s32 v30, v20;
	v27 =	vadd.s32 v28, v27;
	v28 =	vsel vm13, $0x1, v2  }
0x739: {  	v26 =	vld [tilespmem:s31+$0xFFFFFFE0];
	v27 =	vadd.s32 v28, v27;
	v28 =	vsel vm14, $0x1, v2;
	vm15 =	veq.s32 v29, v20  }
0x73a: {  	v29 =	vld [tilespmem:s31+$0xFFFFFFF0];
	v28 =	vadd.s32 v28, v27;
	v30 =	vsel vm15, $0x1, v2  }
0x73b: {  	s30 =	simm.s32 $0x8;
	s0 =	simm.s32 $0x8970;
	v27 =	vld [tilespmem:s31+$0x0];
	v28 =	vadd.s32 v30, v28  }
.LBB2_81:
0x73c: {  	[tilespmem:v21+s17+$0x0] =	vst.idx.msk $0xffff, v19;
	v21 =	vld [tilespmem:s0+$0xFFFFFF90];
	s29 =	sadd.s32 $0x80, s29  }
0x73d: {  	v30 =	vld [tilespmem:s29+$0xFFFFFFC0];
	[tilespmem:v22+s17+$0x0] =	vst.idx.msk $0xffff, v19  }
0x73e: {  	v22 =	vld [tilespmem:s29+$0xFFFFFFD0];
	[tilespmem:v23+s17+$0x0] =	vst.idx.msk $0xffff, v19  }
0x73f: {  	v23 =	vld [tilespmem:s29+$0xFFFFFFE0];
	[tilespmem:v24+s17+$0x0] =	vst.idx.msk $0xffff, v19  }
0x740: {  	v24 =	vld [tilespmem:s29+$0xFFFFFFF0];
	[tilespmem:v25+s17+$0x0] =	vst.idx.msk $0xffff, v19  }
0x741: {  	v25 =	vld [tilespmem:s29+$0x0];
	[tilespmem:v26+s17+$0x0] =	vst.idx.msk $0xffff, v19  }
0x742: {  	vm0 =	veq.s32 v30, v20;
	v26 =	vld [tilespmem:s29+$0x10];
	[tilespmem:v29+s17+$0x0] =	vst.idx.msk $0xffff, v19  }
0x743: {  	v29 =	vsel vm0, $0x1, v2;
	vm0 =	veq.s32 v22, v20;
	v30 =	vld [tilespmem:s29+$0x20];
	[tilespmem:v27+s17+$0x0] =	vst.idx.msk $0xffff, v19  }
0x744: {  	s30 =	sadd.s32 $0x8, s30;
	v27 =	vadd.s32 v29, v28;
	v28 =	vsel vm0, $0x1, v2;
	vm0 =	veq.s32 v23, v20;
	v29 =	vld [tilespmem:s29+$0x30]  }
0x745: {  	p1 =	slt.u32 s30, $0xF8;
	v22 =	vld [tilespmem:s0+$0xFFFFFFA0];
	v27 =	vadd.s32 v28, v27;
	v28 =	vsel vm0, $0x1, v2;
	vm0 =	veq.s32 v24, v20  }
0x746: {  	v23 =	vld [tilespmem:s0+$0xFFFFFFB0];
	v27 =	vadd.s32 v28, v27;
	v28 =	vsel vm0, $0x1, v2;
	vm0 =	veq.s32 v25, v20  }
.Ltmp39:
0x747: {  	v24 =	vld [tilespmem:s0+$0xFFFFFFC0];
	v27 =	vadd.s32 v28, v27;
	v28 =	vsel vm0, $0x1, v2;
	vm0 =	veq.s32 v26, v20;
	(pc) =	sbr.rel @p1 .LBB2_81-.Ltmp39, $4  }
0x748: {  	v25 =	vld [tilespmem:s0+$0xFFFFFFD0];
	v27 =	vadd.s32 v28, v27;
	v28 =	vsel vm0, $0x1, v2;
	vm0 =	veq.s32 v30, v20  }
0x749: {  	v26 =	vld [tilespmem:s0+$0xFFFFFFE0];
	v27 =	vadd.s32 v28, v27;
	v28 =	vsel vm0, $0x1, v2;
	vm0 =	veq.s32 v29, v20  }
0x74a: {  	v29 =	vld [tilespmem:s0+$0xFFFFFFF0];
	v28 =	vadd.s32 v28, v27;
	v30 =	vsel vm0, $0x1, v2  }
0x74b: {  	v27 =	vld [tilespmem:s0+$0x0];
	s0 =	sadd.s32 $0x400, s0;
	v28 =	vadd.s32 v30, v28  }
0x74c: {  	_ =	sdelay $0x3  }
0x74d: {  	[tilespmem:v21+s17+$0x0] =	vst.idx.msk $0xffff, v19;
	s0 =	sadd.s32 $0x80, s29  }
0x74e: {  	[tilespmem:v22+s17+$0x0] =	vst.idx.msk $0xffff, v19;
	v21 =	vld [tilespmem:s0+$0xFFFFFFC0]  }
0x74f: {  	[tilespmem:v23+s17+$0x0] =	vst.idx.msk $0xffff, v19;
	v22 =	vld [tilespmem:s0+$0xFFFFFFD0]  }
0x750: {  	[tilespmem:v24+s17+$0x0] =	vst.idx.msk $0xffff, v19;
	v23 =	vld [tilespmem:s0+$0xFFFFFFE0]  }
0x751: {  	v24 =	vld [tilespmem:s0+$0xFFFFFFF0];
	[tilespmem:v25+s17+$0x0] =	vst.idx.msk $0xffff, v19  }
0x752: {  	v25 =	vld [tilespmem:s0+$0x0];
	[tilespmem:v26+s17+$0x0] =	vst.idx.msk $0xffff, v19  }
0x753: {  	[tilespmem:v29+s17+$0x0] =	vst.idx.msk $0xffff, v19;
	vm0 =	veq.s32 v21, v20;
	v21 =	vld [tilespmem:s0+$0x10]  }
0x754: {  	[tilespmem:v27+s17+$0x0] =	vst.idx.msk $0xffff, v19;
	vm13 =	veq.s32 v22, v20;
	v22 =	vld [tilespmem:s0+$0x20];
	v26 =	vsel vm0, $0x1, v2  }
0x755: {  	vm14 =	veq.s32 v23, v20;
	v23 =	vld [tilespmem:s0+$0x30];
	v27 =	vsel vm13, $0x1, v2;
	v26 =	vadd.s32 v26, v28  }
0x756: {  	vm15 =	veq.s32 v24, v20;
	v26 =	vadd.s32 v27, v26;
	v27 =	vsel vm14, $0x1, v2  }
0x757: {  	vm4 =	veq.s32 v25, v20;
	v24 =	vadd.s32 v27, v26;
	v26 =	vsel vm15, $0x1, v2  }
0x758: {  	v25 =	vsel vm4, $0x1, v2;
	v24 =	vadd.s32 v26, v24;
	vm5 =	veq.s32 v21, v20  }
0x759: {  	vm6 =	veq.s32 v22, v20;
	v21 =	vadd.s32 v25, v24;
	v24 =	vsel vm5, $0x1, v2  }
0x75a: {  	vm7 =	veq.s32 v23, v20;
	v22 =	vsel vm6, $0x1, v2;
	v21 =	vadd.s32 v24, v21  }
0x75b: {  	v20 =	vadd.s32 v22, v21;
	v21 =	vsel vm7, $0x1, v2  }
0x75c: {  	v20 =	vadd.s32 v21, v20  }
0x75d: {  	(xrf0) =	vadd.scan.msk.s32 $0xffff, v20;
	_ =	sdelay $0x5  }
0x75e: {  	v20, _, _ =	vpop (xrf0)  }
0x75f: {  	(v2sf) =	vpush v20, $0xF;
	_ =	sdelay $0xe  }
0x760: {  	s2 =	spop (v2sf)  }
0x761: {  	s0 =	scvt.s32.f32 s2;
	_ =	sdelay $0x1  }
0x762: {  	v20 =	vmov s0  }
0x763: {  	v20 =	vsub.f32 $0.0e+00, v20;
	_ =	sdelay $0x1  }
0x764: {  	v20 =	vbroadcast v20, $0x0;
	_ =	sdelay $0x1  }
0x765: {  	s14 =	simm.s32 $0x81F0;
	[tilespmem:v18+s19+$0x0] =	vst.idx.msk $0x1, v20  }
0x766: {  	v20 =	vld [tilespmem:s14+$0xFFFFFF90]  }
0x767: {  	v22 =	vld [tilespmem:s14+$0xFFFFFFA0]  }
0x768: {  	v23 =	vld [tilespmem:s14+$0xFFFFFFB0]  }
0x769: {  	v24 =	vld [tilespmem:s14+$0xFFFFFFC0]  }
0x76a: {  	v25 =	vld [tilespmem:s14+$0xFFFFFFD0]  }
0x76b: {  	v26 =	vld [tilespmem:s14+$0xFFFFFFE0]  }
0x76c: {  	s2 =	sor.u32 $0xB, s26;
	v27 =	vld [tilespmem:s14+$0xFFFFFFF0]  }
0x76d: {  	s31 =	simm.s32 $0x85F0;
	v18 =	vmov s2;
	v28 =	vld [tilespmem:s14+$0x0]  }
0x76e: {  	s29 =	simm.s32 $0x10040;
	v21 =	vld [tilespmem:s31+$0xFFFFFF90];
	[tilespmem:v20+s18+$0x0] =	vst.idx.msk $0xffff, v18  }
0x76f: {  	[tilespmem:v22+s18+$0x0] =	vst.idx.msk $0xffff, v18;
	v29 =	vld [tilespmem:s29+$0xFFFFFFC0]  }
0x770: {  	[tilespmem:v23+s18+$0x0] =	vst.idx.msk $0xffff, v18;
	v22 =	vld [tilespmem:s29+$0xFFFFFFD0]  }
0x771: {  	[tilespmem:v24+s18+$0x0] =	vst.idx.msk $0xffff, v18;
	v23 =	vld [tilespmem:s29+$0xFFFFFFE0]  }
0x772: {  	[tilespmem:v25+s18+$0x0] =	vst.idx.msk $0xffff, v18;
	v24 =	vld [tilespmem:s29+$0xFFFFFFF0]  }
0x773: {  	v20 =	vadd.s32 $0xFFFFFFFF, v18;
	[tilespmem:v26+s18+$0x0] =	vst.idx.msk $0xffff, v18;
	v25 =	vld [tilespmem:s29+$0x0]  }
0x774: {  	[tilespmem:v27+s18+$0x0] =	vst.idx.msk $0xffff, v18;
	v26 =	vld [tilespmem:s29+$0x10];
	vm8 =	veq.s32 v29, v20  }
0x775: {  	v27 =	vimm.s32 $0x0;
	[tilespmem:v28+s18+$0x0] =	vst.idx.msk $0xffff, v18;
	v30 =	vld [tilespmem:s29+$0x20];
	vm9 =	veq.s32 v22, v20;
	v29 =	vsel vm8, $0x1, v2  }
0x776: {  	vm10 =	veq.s32 v23, v20;
	v28 =	vsel vm9, $0x1, v2;
	v27 =	vadd.s32 v29, v27;
	v29 =	vld [tilespmem:s29+$0x30]  }
0x777: {  	v22 =	vld [tilespmem:s31+$0xFFFFFFA0];
	vm11 =	veq.s32 v24, v20;
	v27 =	vadd.s32 v28, v27;
	v28 =	vsel vm10, $0x1, v2  }
0x778: {  	v23 =	vld [tilespmem:s31+$0xFFFFFFB0];
	vm12 =	veq.s32 v25, v20;
	v27 =	vadd.s32 v28, v27;
	v28 =	vsel vm11, $0x1, v2  }
0x779: {  	v24 =	vld [tilespmem:s31+$0xFFFFFFC0];
	vm13 =	veq.s32 v26, v20;
	v27 =	vadd.s32 v28, v27;
	v28 =	vsel vm12, $0x1, v2  }
0x77a: {  	v25 =	vld [tilespmem:s31+$0xFFFFFFD0];
	vm14 =	veq.s32 v30, v20;
	v27 =	vadd.s32 v28, v27;
	v28 =	vsel vm13, $0x1, v2  }
0x77b: {  	v26 =	vld [tilespmem:s31+$0xFFFFFFE0];
	v27 =	vadd.s32 v28, v27;
	v28 =	vsel vm14, $0x1, v2;
	vm15 =	veq.s32 v29, v20  }
0x77c: {  	v29 =	vld [tilespmem:s31+$0xFFFFFFF0];
	v28 =	vadd.s32 v28, v27;
	v30 =	vsel vm15, $0x1, v2  }
0x77d: {  	s30 =	simm.s32 $0x8;
	s0 =	simm.s32 $0x89F0;
	v27 =	vld [tilespmem:s31+$0x0];
	v28 =	vadd.s32 v30, v28  }
.LBB2_83:
0x77e: {  	[tilespmem:v21+s18+$0x0] =	vst.idx.msk $0xffff, v18;
	v21 =	vld [tilespmem:s0+$0xFFFFFF90];
	s29 =	sadd.s32 $0x80, s29  }
0x77f: {  	v30 =	vld [tilespmem:s29+$0xFFFFFFC0];
	[tilespmem:v22+s18+$0x0] =	vst.idx.msk $0xffff, v18  }
0x780: {  	v22 =	vld [tilespmem:s29+$0xFFFFFFD0];
	[tilespmem:v23+s18+$0x0] =	vst.idx.msk $0xffff, v18  }
0x781: {  	v23 =	vld [tilespmem:s29+$0xFFFFFFE0];
	[tilespmem:v24+s18+$0x0] =	vst.idx.msk $0xffff, v18  }
0x782: {  	v24 =	vld [tilespmem:s29+$0xFFFFFFF0];
	[tilespmem:v25+s18+$0x0] =	vst.idx.msk $0xffff, v18  }
0x783: {  	v25 =	vld [tilespmem:s29+$0x0];
	[tilespmem:v26+s18+$0x0] =	vst.idx.msk $0xffff, v18  }
0x784: {  	vm0 =	veq.s32 v30, v20;
	v26 =	vld [tilespmem:s29+$0x10];
	[tilespmem:v29+s18+$0x0] =	vst.idx.msk $0xffff, v18  }
0x785: {  	v29 =	vsel vm0, $0x1, v2;
	vm0 =	veq.s32 v22, v20;
	v30 =	vld [tilespmem:s29+$0x20];
	[tilespmem:v27+s18+$0x0] =	vst.idx.msk $0xffff, v18  }
0x786: {  	s30 =	sadd.s32 $0x8, s30;
	v27 =	vadd.s32 v29, v28;
	v28 =	vsel vm0, $0x1, v2;
	vm0 =	veq.s32 v23, v20;
	v29 =	vld [tilespmem:s29+$0x30]  }
0x787: {  	p1 =	slt.u32 s30, $0xF8;
	v22 =	vld [tilespmem:s0+$0xFFFFFFA0];
	v27 =	vadd.s32 v28, v27;
	v28 =	vsel vm0, $0x1, v2;
	vm0 =	veq.s32 v24, v20  }
0x788: {  	v23 =	vld [tilespmem:s0+$0xFFFFFFB0];
	v27 =	vadd.s32 v28, v27;
	v28 =	vsel vm0, $0x1, v2;
	vm0 =	veq.s32 v25, v20  }
.Ltmp40:
0x789: {  	v24 =	vld [tilespmem:s0+$0xFFFFFFC0];
	v27 =	vadd.s32 v28, v27;
	v28 =	vsel vm0, $0x1, v2;
	vm0 =	veq.s32 v26, v20;
	(pc) =	sbr.rel @p1 .LBB2_83-.Ltmp40, $4  }
0x78a: {  	v25 =	vld [tilespmem:s0+$0xFFFFFFD0];
	v27 =	vadd.s32 v28, v27;
	v28 =	vsel vm0, $0x1, v2;
	vm0 =	veq.s32 v30, v20  }
0x78b: {  	v26 =	vld [tilespmem:s0+$0xFFFFFFE0];
	v27 =	vadd.s32 v28, v27;
	v28 =	vsel vm0, $0x1, v2;
	vm0 =	veq.s32 v29, v20  }
0x78c: {  	v29 =	vld [tilespmem:s0+$0xFFFFFFF0];
	v28 =	vadd.s32 v28, v27;
	v30 =	vsel vm0, $0x1, v2  }
0x78d: {  	v27 =	vld [tilespmem:s0+$0x0];
	s0 =	sadd.s32 $0x400, s0;
	v28 =	vadd.s32 v30, v28  }
0x78e: {  	_ =	sdelay $0x3  }
0x78f: {  	[tilespmem:v21+s18+$0x0] =	vst.idx.msk $0xffff, v18;
	s0 =	sadd.s32 $0x80, s29  }
0x790: {  	[tilespmem:v22+s18+$0x0] =	vst.idx.msk $0xffff, v18;
	v21 =	vld [tilespmem:s0+$0xFFFFFFC0]  }
0x791: {  	[tilespmem:v23+s18+$0x0] =	vst.idx.msk $0xffff, v18;
	v22 =	vld [tilespmem:s0+$0xFFFFFFD0]  }
0x792: {  	[tilespmem:v24+s18+$0x0] =	vst.idx.msk $0xffff, v18;
	v23 =	vld [tilespmem:s0+$0xFFFFFFE0]  }
0x793: {  	v24 =	vld [tilespmem:s0+$0xFFFFFFF0];
	[tilespmem:v25+s18+$0x0] =	vst.idx.msk $0xffff, v18  }
0x794: {  	v25 =	vld [tilespmem:s0+$0x0];
	[tilespmem:v26+s18+$0x0] =	vst.idx.msk $0xffff, v18  }
0x795: {  	v53 =	vld [tilespmem:s0+$0x10];
	[tilespmem:v29+s18+$0x0] =	vst.idx.msk $0xffff, v18;
	vm0 =	veq.s32 v21, v20  }
0x796: {  	v55 =	vld [tilespmem:s0+$0x20];
	[tilespmem:v27+s18+$0x0] =	vst.idx.msk $0xffff, v18;
	vm9 =	veq.s32 v22, v20;
	v54 =	vsel vm0, $0x1, v2  }
0x797: {  	v57 =	vld [tilespmem:s0+$0x30];
	vm10 =	veq.s32 v23, v20;
	v56 =	vsel vm9, $0x1, v2;
	v26 =	vadd.s32 v54, v28  }
0x798: {  	vm11 =	veq.s32 v24, v20;
	v58 =	vsel vm10, $0x1, v2;
	v26 =	vadd.s32 v56, v26  }
0x799: {  	v60 =	vsel vm11, $0x1, v2;
	vm12 =	veq.s32 v25, v20;
	v59 =	vadd.s32 v58, v26  }
0x79a: {  	v25 =	vsel vm12, $0x1, v2;
	vm13 =	veq.s32 v53, v20;
	v24 =	vadd.s32 v60, v59  }
0x79b: {  	v62 =	vsel vm13, $0x1, v2;
	vm14 =	veq.s32 v55, v20;
	v61 =	vadd.s32 v25, v24  }
0x79c: {  	v22 =	vsel vm14, $0x1, v2;
	vm15 =	veq.s32 v57, v20;
	v21 =	vadd.s32 v62, v61  }
0x79d: {  	v63 =	vsel vm15, $0x1, v2;
	v20 =	vadd.s32 v22, v21  }
0x79e: {  	v20 =	vadd.s32 v63, v20  }
0x79f: {  	(xrf0) =	vadd.scan.msk.s32 $0xffff, v20;
	_ =	sdelay $0x5  }
0x7a0: {  	v20, _, _ =	vpop (xrf0)  }
0x7a1: {  	(v2sf) =	vpush v20, $0xF;
	_ =	sdelay $0xe  }
0x7a2: {  	s31 =	spop (v2sf)  }
0x7a3: {  	s0 =	scvt.s32.f32 s31;
	_ =	sdelay $0x1  }
0x7a4: {  	v20 =	vmov s0  }
.Ltmp41:
0x7a5: {  	v20 =	vsub.f32 $0.0e+00, v20;
	(pc) =	sbr.rel @p0 .LBB2_88-.Ltmp41, $3  }
0x7a6: {  	_ = 	snop  }
0x7a7: {  	v20 =	vbroadcast v20, $0x0;
	_ =	sdelay $0x1  }
0x7a8: {  	s28 =	sadd.s32 $0x3, s28;
	[tilespmem:v19+s19+$0x0] =	vst.idx.msk $0x1, v20  }
0x7a9: {  	s0 =	sadd.s32 s12, s28  }
0x7aa: {  	s0 =	sshll.u32 s0, $0xC  }
0x7ab: {  	s29 =	simm.s32 $0x8000;
	s0 =	sadd.s32 s1, s0  }
0x7ac: {  	s30 =	simm.s32 $0x80;
	s2 =	simm.s32 $0x8400;
	s14 =	sadd.s32 $0x0, s0  }
.LBB2_86:
0x7ad: {  	[tilespmem:s29], [sflag:$0x3] =	stream.linear.gather [hbm4b:s14+s3], $0x200, $0x38;
	[tilespmem:$0x12080] =	vst v63  }
0x7ae: {  	s14 =	smov.u32 s30;
	s29 =	smov.u32 s2;
	p1 =	sne.s32 s30, $0xF80  }
.Ltmp42:
0x7af: {  	s30 =	sadd.s32 $0x80, s30;
	(pc) =	sbr.rel @p1 .LBB2_86-.Ltmp42, $2  }
0x7b0: {  	_ =	sdelay $0x2  }
0x7b1: {  	s2 =	sadd.s32 $0x400, s2;
	s14 =	sadd.s32 s14, s0  }
0x7b2: {  	[tilespmem:s29], [sflag:$0x3] =	stream.linear.gather [hbm4b:s14+s3], $0x200, $0x38;
	[tilespmem:$0x12080] =	vst v63  }
.LBB2_88:
0x7b3: {  	_ =	swait.ge [sflag:s22], $0x4000  }
0x7b4: {  	[sflag:s22] =	ssyncset.done $0x0  }
0x7b5: {  	s0 =	simm.s32 $0x8270;
	[sflag:s22] =	ssyncadd.s32 $0xFFFFC000  }
0x7b6: {  	v20 =	vld [tilespmem:s0+$0xFFFFFF90]  }
0x7b7: {  	v22 =	vld [tilespmem:s0+$0xFFFFFFA0]  }
0x7b8: {  	v23 =	vld [tilespmem:s0+$0xFFFFFFB0]  }
0x7b9: {  	v24 =	vld [tilespmem:s0+$0xFFFFFFC0]  }
0x7ba: {  	v25 =	vld [tilespmem:s0+$0xFFFFFFD0]  }
0x7bb: {  	v26 =	vld [tilespmem:s0+$0xFFFFFFE0]  }
0x7bc: {  	s2 =	sor.u32 $0xC, s26;
	v27 =	vld [tilespmem:s0+$0xFFFFFFF0]  }
0x7bd: {  	s31 =	simm.s32 $0x8670;
	v19 =	vmov s2;
	v28 =	vld [tilespmem:s0+$0x0]  }
0x7be: {  	s29 =	simm.s32 $0x11040;
	v21 =	vld [tilespmem:s31+$0xFFFFFF90];
	[tilespmem:v20+s17+$0x0] =	vst.idx.msk $0xffff, v19  }
0x7bf: {  	[tilespmem:v22+s17+$0x0] =	vst.idx.msk $0xffff, v19;
	v29 =	vld [tilespmem:s29+$0xFFFFFFC0]  }
0x7c0: {  	[tilespmem:v23+s17+$0x0] =	vst.idx.msk $0xffff, v19;
	v22 =	vld [tilespmem:s29+$0xFFFFFFD0]  }
0x7c1: {  	[tilespmem:v24+s17+$0x0] =	vst.idx.msk $0xffff, v19;
	v23 =	vld [tilespmem:s29+$0xFFFFFFE0]  }
0x7c2: {  	[tilespmem:v25+s17+$0x0] =	vst.idx.msk $0xffff, v19;
	v24 =	vld [tilespmem:s29+$0xFFFFFFF0]  }
0x7c3: {  	v20 =	vadd.s32 $0xFFFFFFFF, v19;
	[tilespmem:v26+s17+$0x0] =	vst.idx.msk $0xffff, v19;
	v25 =	vld [tilespmem:s29+$0x0]  }
0x7c4: {  	[tilespmem:v27+s17+$0x0] =	vst.idx.msk $0xffff, v19;
	v26 =	vld [tilespmem:s29+$0x10];
	vm0 =	veq.s32 v29, v20  }
0x7c5: {  	v27 =	vimm.s32 $0x0;
	[tilespmem:v28+s17+$0x0] =	vst.idx.msk $0xffff, v19;
	v30 =	vld [tilespmem:s29+$0x20];
	vm9 =	veq.s32 v22, v20;
	v29 =	vsel vm0, $0x1, v2  }
0x7c6: {  	vm10 =	veq.s32 v23, v20;
	v28 =	vsel vm9, $0x1, v2;
	v27 =	vadd.s32 v29, v27;
	v29 =	vld [tilespmem:s29+$0x30]  }
0x7c7: {  	v22 =	vld [tilespmem:s31+$0xFFFFFFA0];
	vm11 =	veq.s32 v24, v20;
	v27 =	vadd.s32 v28, v27;
	v28 =	vsel vm10, $0x1, v2  }
0x7c8: {  	v23 =	vld [tilespmem:s31+$0xFFFFFFB0];
	vm12 =	veq.s32 v25, v20;
	v27 =	vadd.s32 v28, v27;
	v28 =	vsel vm11, $0x1, v2  }
0x7c9: {  	v24 =	vld [tilespmem:s31+$0xFFFFFFC0];
	vm13 =	veq.s32 v26, v20;
	v27 =	vadd.s32 v28, v27;
	v28 =	vsel vm12, $0x1, v2  }
0x7ca: {  	v25 =	vld [tilespmem:s31+$0xFFFFFFD0];
	vm14 =	veq.s32 v30, v20;
	v27 =	vadd.s32 v28, v27;
	v28 =	vsel vm13, $0x1, v2  }
0x7cb: {  	v26 =	vld [tilespmem:s31+$0xFFFFFFE0];
	v27 =	vadd.s32 v28, v27;
	v28 =	vsel vm14, $0x1, v2;
	vm15 =	veq.s32 v29, v20  }
0x7cc: {  	v29 =	vld [tilespmem:s31+$0xFFFFFFF0];
	v28 =	vadd.s32 v28, v27;
	v30 =	vsel vm15, $0x1, v2  }
0x7cd: {  	s30 =	simm.s32 $0x8;
	s0 =	simm.s32 $0x8A70;
	v27 =	vld [tilespmem:s31+$0x0];
	v28 =	vadd.s32 v30, v28  }
.LBB2_89:
0x7ce: {  	[tilespmem:v21+s17+$0x0] =	vst.idx.msk $0xffff, v19;
	v21 =	vld [tilespmem:s0+$0xFFFFFF90];
	s29 =	sadd.s32 $0x80, s29  }
0x7cf: {  	v30 =	vld [tilespmem:s29+$0xFFFFFFC0];
	[tilespmem:v22+s17+$0x0] =	vst.idx.msk $0xffff, v19  }
0x7d0: {  	v22 =	vld [tilespmem:s29+$0xFFFFFFD0];
	[tilespmem:v23+s17+$0x0] =	vst.idx.msk $0xffff, v19  }
0x7d1: {  	v23 =	vld [tilespmem:s29+$0xFFFFFFE0];
	[tilespmem:v24+s17+$0x0] =	vst.idx.msk $0xffff, v19  }
0x7d2: {  	v24 =	vld [tilespmem:s29+$0xFFFFFFF0];
	[tilespmem:v25+s17+$0x0] =	vst.idx.msk $0xffff, v19  }
0x7d3: {  	v25 =	vld [tilespmem:s29+$0x0];
	[tilespmem:v26+s17+$0x0] =	vst.idx.msk $0xffff, v19  }
0x7d4: {  	vm0 =	veq.s32 v30, v20;
	v26 =	vld [tilespmem:s29+$0x10];
	[tilespmem:v29+s17+$0x0] =	vst.idx.msk $0xffff, v19  }
0x7d5: {  	v29 =	vsel vm0, $0x1, v2;
	vm0 =	veq.s32 v22, v20;
	v30 =	vld [tilespmem:s29+$0x20];
	[tilespmem:v27+s17+$0x0] =	vst.idx.msk $0xffff, v19  }
0x7d6: {  	s30 =	sadd.s32 $0x8, s30;
	v27 =	vadd.s32 v29, v28;
	v28 =	vsel vm0, $0x1, v2;
	vm0 =	veq.s32 v23, v20;
	v29 =	vld [tilespmem:s29+$0x30]  }
0x7d7: {  	p1 =	slt.u32 s30, $0xF8;
	v22 =	vld [tilespmem:s0+$0xFFFFFFA0];
	v27 =	vadd.s32 v28, v27;
	v28 =	vsel vm0, $0x1, v2;
	vm0 =	veq.s32 v24, v20  }
0x7d8: {  	v23 =	vld [tilespmem:s0+$0xFFFFFFB0];
	v27 =	vadd.s32 v28, v27;
	v28 =	vsel vm0, $0x1, v2;
	vm0 =	veq.s32 v25, v20  }
.Ltmp43:
0x7d9: {  	v24 =	vld [tilespmem:s0+$0xFFFFFFC0];
	v27 =	vadd.s32 v28, v27;
	v28 =	vsel vm0, $0x1, v2;
	vm0 =	veq.s32 v26, v20;
	(pc) =	sbr.rel @p1 .LBB2_89-.Ltmp43, $4  }
0x7da: {  	v25 =	vld [tilespmem:s0+$0xFFFFFFD0];
	v27 =	vadd.s32 v28, v27;
	v28 =	vsel vm0, $0x1, v2;
	vm0 =	veq.s32 v30, v20  }
0x7db: {  	v26 =	vld [tilespmem:s0+$0xFFFFFFE0];
	v27 =	vadd.s32 v28, v27;
	v28 =	vsel vm0, $0x1, v2;
	vm0 =	veq.s32 v29, v20  }
0x7dc: {  	v29 =	vld [tilespmem:s0+$0xFFFFFFF0];
	v28 =	vadd.s32 v28, v27;
	v30 =	vsel vm0, $0x1, v2  }
0x7dd: {  	v27 =	vld [tilespmem:s0+$0x0];
	s0 =	sadd.s32 $0x400, s0;
	v28 =	vadd.s32 v30, v28  }
0x7de: {  	_ =	sdelay $0x3  }
0x7df: {  	[tilespmem:v21+s17+$0x0] =	vst.idx.msk $0xffff, v19;
	s0 =	sadd.s32 $0x80, s29  }
0x7e0: {  	[tilespmem:v22+s17+$0x0] =	vst.idx.msk $0xffff, v19;
	v21 =	vld [tilespmem:s0+$0xFFFFFFC0]  }
0x7e1: {  	[tilespmem:v23+s17+$0x0] =	vst.idx.msk $0xffff, v19;
	v22 =	vld [tilespmem:s0+$0xFFFFFFD0]  }
0x7e2: {  	[tilespmem:v24+s17+$0x0] =	vst.idx.msk $0xffff, v19;
	v23 =	vld [tilespmem:s0+$0xFFFFFFE0]  }
0x7e3: {  	v24 =	vld [tilespmem:s0+$0xFFFFFFF0];
	[tilespmem:v25+s17+$0x0] =	vst.idx.msk $0xffff, v19  }
0x7e4: {  	v25 =	vld [tilespmem:s0+$0x0];
	[tilespmem:v26+s17+$0x0] =	vst.idx.msk $0xffff, v19  }
0x7e5: {  	[tilespmem:v29+s17+$0x0] =	vst.idx.msk $0xffff, v19;
	vm0 =	veq.s32 v21, v20;
	v21 =	vld [tilespmem:s0+$0x10]  }
0x7e6: {  	[tilespmem:v27+s17+$0x0] =	vst.idx.msk $0xffff, v19;
	vm13 =	veq.s32 v22, v20;
	v22 =	vld [tilespmem:s0+$0x20];
	v26 =	vsel vm0, $0x1, v2  }
0x7e7: {  	vm14 =	veq.s32 v23, v20;
	v23 =	vld [tilespmem:s0+$0x30];
	v27 =	vsel vm13, $0x1, v2;
	v26 =	vadd.s32 v26, v28  }
0x7e8: {  	vm15 =	veq.s32 v24, v20;
	v26 =	vadd.s32 v27, v26;
	v27 =	vsel vm14, $0x1, v2  }
0x7e9: {  	vm4 =	veq.s32 v25, v20;
	v24 =	vadd.s32 v27, v26;
	v26 =	vsel vm15, $0x1, v2  }
0x7ea: {  	v25 =	vsel vm4, $0x1, v2;
	v24 =	vadd.s32 v26, v24;
	vm5 =	veq.s32 v21, v20  }
0x7eb: {  	vm6 =	veq.s32 v22, v20;
	v21 =	vadd.s32 v25, v24;
	v24 =	vsel vm5, $0x1, v2  }
0x7ec: {  	vm7 =	veq.s32 v23, v20;
	v22 =	vsel vm6, $0x1, v2;
	v21 =	vadd.s32 v24, v21  }
0x7ed: {  	v20 =	vadd.s32 v22, v21;
	v21 =	vsel vm7, $0x1, v2  }
0x7ee: {  	v20 =	vadd.s32 v21, v20  }
0x7ef: {  	(xrf0) =	vadd.scan.msk.s32 $0xffff, v20;
	_ =	sdelay $0x5  }
0x7f0: {  	v20, _, _ =	vpop (xrf0)  }
0x7f1: {  	(v2sf) =	vpush v20, $0xF;
	_ =	sdelay $0xe  }
0x7f2: {  	s2 =	spop (v2sf)  }
0x7f3: {  	s0 =	scvt.s32.f32 s2;
	_ =	sdelay $0x1  }
0x7f4: {  	v20 =	vmov s0  }
0x7f5: {  	v20 =	vsub.f32 $0.0e+00, v20;
	_ =	sdelay $0x1  }
0x7f6: {  	v20 =	vbroadcast v20, $0x0;
	_ =	sdelay $0x1  }
0x7f7: {  	s14 =	simm.s32 $0x82F0;
	[tilespmem:v18+s19+$0x0] =	vst.idx.msk $0x1, v20  }
0x7f8: {  	v20 =	vld [tilespmem:s14+$0xFFFFFF90]  }
0x7f9: {  	v22 =	vld [tilespmem:s14+$0xFFFFFFA0]  }
0x7fa: {  	v23 =	vld [tilespmem:s14+$0xFFFFFFB0]  }
0x7fb: {  	v24 =	vld [tilespmem:s14+$0xFFFFFFC0]  }
0x7fc: {  	v25 =	vld [tilespmem:s14+$0xFFFFFFD0]  }
0x7fd: {  	v26 =	vld [tilespmem:s14+$0xFFFFFFE0]  }
0x7fe: {  	s2 =	sor.u32 $0xD, s26;
	v27 =	vld [tilespmem:s14+$0xFFFFFFF0]  }
0x7ff: {  	s31 =	simm.s32 $0x86F0;
	v18 =	vmov s2;
	v28 =	vld [tilespmem:s14+$0x0]  }
0x800: {  	s29 =	simm.s32 $0x10040;
	v21 =	vld [tilespmem:s31+$0xFFFFFF90];
	[tilespmem:v20+s18+$0x0] =	vst.idx.msk $0xffff, v18  }
0x801: {  	[tilespmem:v22+s18+$0x0] =	vst.idx.msk $0xffff, v18;
	v29 =	vld [tilespmem:s29+$0xFFFFFFC0]  }
0x802: {  	[tilespmem:v23+s18+$0x0] =	vst.idx.msk $0xffff, v18;
	v22 =	vld [tilespmem:s29+$0xFFFFFFD0]  }
0x803: {  	[tilespmem:v24+s18+$0x0] =	vst.idx.msk $0xffff, v18;
	v23 =	vld [tilespmem:s29+$0xFFFFFFE0]  }
0x804: {  	[tilespmem:v25+s18+$0x0] =	vst.idx.msk $0xffff, v18;
	v24 =	vld [tilespmem:s29+$0xFFFFFFF0]  }
0x805: {  	v20 =	vadd.s32 $0xFFFFFFFF, v18;
	[tilespmem:v26+s18+$0x0] =	vst.idx.msk $0xffff, v18;
	v25 =	vld [tilespmem:s29+$0x0]  }
0x806: {  	[tilespmem:v27+s18+$0x0] =	vst.idx.msk $0xffff, v18;
	v26 =	vld [tilespmem:s29+$0x10];
	vm8 =	veq.s32 v29, v20  }
0x807: {  	v27 =	vimm.s32 $0x0;
	[tilespmem:v28+s18+$0x0] =	vst.idx.msk $0xffff, v18;
	v30 =	vld [tilespmem:s29+$0x20];
	vm9 =	veq.s32 v22, v20;
	v29 =	vsel vm8, $0x1, v2  }
0x808: {  	vm10 =	veq.s32 v23, v20;
	v28 =	vsel vm9, $0x1, v2;
	v27 =	vadd.s32 v29, v27;
	v29 =	vld [tilespmem:s29+$0x30]  }
0x809: {  	v22 =	vld [tilespmem:s31+$0xFFFFFFA0];
	vm11 =	veq.s32 v24, v20;
	v27 =	vadd.s32 v28, v27;
	v28 =	vsel vm10, $0x1, v2  }
0x80a: {  	v23 =	vld [tilespmem:s31+$0xFFFFFFB0];
	vm12 =	veq.s32 v25, v20;
	v27 =	vadd.s32 v28, v27;
	v28 =	vsel vm11, $0x1, v2  }
0x80b: {  	v24 =	vld [tilespmem:s31+$0xFFFFFFC0];
	vm13 =	veq.s32 v26, v20;
	v27 =	vadd.s32 v28, v27;
	v28 =	vsel vm12, $0x1, v2  }
0x80c: {  	v25 =	vld [tilespmem:s31+$0xFFFFFFD0];
	vm14 =	veq.s32 v30, v20;
	v27 =	vadd.s32 v28, v27;
	v28 =	vsel vm13, $0x1, v2  }
0x80d: {  	v26 =	vld [tilespmem:s31+$0xFFFFFFE0];
	v27 =	vadd.s32 v28, v27;
	v28 =	vsel vm14, $0x1, v2;
	vm15 =	veq.s32 v29, v20  }
0x80e: {  	v29 =	vld [tilespmem:s31+$0xFFFFFFF0];
	v28 =	vadd.s32 v28, v27;
	v30 =	vsel vm15, $0x1, v2  }
0x80f: {  	s30 =	simm.s32 $0x8;
	s0 =	simm.s32 $0x8AF0;
	v27 =	vld [tilespmem:s31+$0x0];
	v28 =	vadd.s32 v30, v28  }
.LBB2_91:
0x810: {  	[tilespmem:v21+s18+$0x0] =	vst.idx.msk $0xffff, v18;
	v21 =	vld [tilespmem:s0+$0xFFFFFF90];
	s29 =	sadd.s32 $0x80, s29  }
0x811: {  	v30 =	vld [tilespmem:s29+$0xFFFFFFC0];
	[tilespmem:v22+s18+$0x0] =	vst.idx.msk $0xffff, v18  }
0x812: {  	v22 =	vld [tilespmem:s29+$0xFFFFFFD0];
	[tilespmem:v23+s18+$0x0] =	vst.idx.msk $0xffff, v18  }
0x813: {  	v23 =	vld [tilespmem:s29+$0xFFFFFFE0];
	[tilespmem:v24+s18+$0x0] =	vst.idx.msk $0xffff, v18  }
0x814: {  	v24 =	vld [tilespmem:s29+$0xFFFFFFF0];
	[tilespmem:v25+s18+$0x0] =	vst.idx.msk $0xffff, v18  }
0x815: {  	v25 =	vld [tilespmem:s29+$0x0];
	[tilespmem:v26+s18+$0x0] =	vst.idx.msk $0xffff, v18  }
0x816: {  	vm0 =	veq.s32 v30, v20;
	v26 =	vld [tilespmem:s29+$0x10];
	[tilespmem:v29+s18+$0x0] =	vst.idx.msk $0xffff, v18  }
0x817: {  	v29 =	vsel vm0, $0x1, v2;
	vm0 =	veq.s32 v22, v20;
	v30 =	vld [tilespmem:s29+$0x20];
	[tilespmem:v27+s18+$0x0] =	vst.idx.msk $0xffff, v18  }
0x818: {  	s30 =	sadd.s32 $0x8, s30;
	v27 =	vadd.s32 v29, v28;
	v28 =	vsel vm0, $0x1, v2;
	vm0 =	veq.s32 v23, v20;
	v29 =	vld [tilespmem:s29+$0x30]  }
0x819: {  	p1 =	slt.u32 s30, $0xF8;
	v22 =	vld [tilespmem:s0+$0xFFFFFFA0];
	v27 =	vadd.s32 v28, v27;
	v28 =	vsel vm0, $0x1, v2;
	vm0 =	veq.s32 v24, v20  }
0x81a: {  	v23 =	vld [tilespmem:s0+$0xFFFFFFB0];
	v27 =	vadd.s32 v28, v27;
	v28 =	vsel vm0, $0x1, v2;
	vm0 =	veq.s32 v25, v20  }
.Ltmp44:
0x81b: {  	v24 =	vld [tilespmem:s0+$0xFFFFFFC0];
	v27 =	vadd.s32 v28, v27;
	v28 =	vsel vm0, $0x1, v2;
	vm0 =	veq.s32 v26, v20;
	(pc) =	sbr.rel @p1 .LBB2_91-.Ltmp44, $4  }
0x81c: {  	v25 =	vld [tilespmem:s0+$0xFFFFFFD0];
	v27 =	vadd.s32 v28, v27;
	v28 =	vsel vm0, $0x1, v2;
	vm0 =	veq.s32 v30, v20  }
0x81d: {  	v26 =	vld [tilespmem:s0+$0xFFFFFFE0];
	v27 =	vadd.s32 v28, v27;
	v28 =	vsel vm0, $0x1, v2;
	vm0 =	veq.s32 v29, v20  }
0x81e: {  	v29 =	vld [tilespmem:s0+$0xFFFFFFF0];
	v28 =	vadd.s32 v28, v27;
	v30 =	vsel vm0, $0x1, v2  }
0x81f: {  	v27 =	vld [tilespmem:s0+$0x0];
	s0 =	sadd.s32 $0x400, s0;
	v28 =	vadd.s32 v30, v28  }
0x820: {  	_ =	sdelay $0x3  }
0x821: {  	[tilespmem:v21+s18+$0x0] =	vst.idx.msk $0xffff, v18;
	s0 =	sadd.s32 $0x80, s29  }
0x822: {  	[tilespmem:v22+s18+$0x0] =	vst.idx.msk $0xffff, v18;
	v21 =	vld [tilespmem:s0+$0xFFFFFFC0]  }
0x823: {  	[tilespmem:v23+s18+$0x0] =	vst.idx.msk $0xffff, v18;
	v22 =	vld [tilespmem:s0+$0xFFFFFFD0]  }
0x824: {  	[tilespmem:v24+s18+$0x0] =	vst.idx.msk $0xffff, v18;
	v23 =	vld [tilespmem:s0+$0xFFFFFFE0]  }
0x825: {  	v24 =	vld [tilespmem:s0+$0xFFFFFFF0];
	[tilespmem:v25+s18+$0x0] =	vst.idx.msk $0xffff, v18  }
0x826: {  	v25 =	vld [tilespmem:s0+$0x0];
	[tilespmem:v26+s18+$0x0] =	vst.idx.msk $0xffff, v18  }
0x827: {  	[tilespmem:v29+s18+$0x0] =	vst.idx.msk $0xffff, v18;
	vm0 =	veq.s32 v21, v20;
	v21 =	vld [tilespmem:s0+$0x10]  }
0x828: {  	[tilespmem:v27+s18+$0x0] =	vst.idx.msk $0xffff, v18;
	vm13 =	veq.s32 v22, v20;
	v22 =	vld [tilespmem:s0+$0x20];
	v26 =	vsel vm0, $0x1, v2  }
0x829: {  	vm14 =	veq.s32 v23, v20;
	v23 =	vld [tilespmem:s0+$0x30];
	v27 =	vsel vm13, $0x1, v2;
	v26 =	vadd.s32 v26, v28  }
0x82a: {  	vm15 =	veq.s32 v24, v20;
	v26 =	vadd.s32 v27, v26;
	v27 =	vsel vm14, $0x1, v2  }
0x82b: {  	vm4 =	veq.s32 v25, v20;
	v24 =	vadd.s32 v27, v26;
	v26 =	vsel vm15, $0x1, v2  }
0x82c: {  	v25 =	vsel vm4, $0x1, v2;
	v24 =	vadd.s32 v26, v24;
	vm5 =	veq.s32 v21, v20  }
0x82d: {  	vm6 =	veq.s32 v22, v20;
	v21 =	vadd.s32 v25, v24;
	v24 =	vsel vm5, $0x1, v2  }
0x82e: {  	vm7 =	veq.s32 v23, v20;
	v22 =	vsel vm6, $0x1, v2;
	v21 =	vadd.s32 v24, v21  }
0x82f: {  	v20 =	vadd.s32 v22, v21;
	v21 =	vsel vm7, $0x1, v2  }
0x830: {  	v20 =	vadd.s32 v21, v20  }
0x831: {  	(xrf0) =	vadd.scan.msk.s32 $0xffff, v20;
	_ =	sdelay $0x5  }
0x832: {  	v20, _, _ =	vpop (xrf0)  }
0x833: {  	(v2sf) =	vpush v20, $0xF;
	_ =	sdelay $0xe  }
0x834: {  	s2 =	spop (v2sf)  }
0x835: {  	s0 =	scvt.s32.f32 s2;
	_ =	sdelay $0x1  }
0x836: {  	v20 =	vmov s0  }
0x837: {  	v20 =	vsub.f32 $0.0e+00, v20;
	_ =	sdelay $0x1  }
0x838: {  	v20 =	vbroadcast v20, $0x0;
	_ =	sdelay $0x1  }
0x839: {  	s14 =	simm.s32 $0x8370;
	[tilespmem:v19+s19+$0x0] =	vst.idx.msk $0x1, v20  }
0x83a: {  	v20 =	vld [tilespmem:s14+$0xFFFFFF90]  }
0x83b: {  	v22 =	vld [tilespmem:s14+$0xFFFFFFA0]  }
0x83c: {  	v23 =	vld [tilespmem:s14+$0xFFFFFFB0]  }
0x83d: {  	v24 =	vld [tilespmem:s14+$0xFFFFFFC0]  }
0x83e: {  	v25 =	vld [tilespmem:s14+$0xFFFFFFD0]  }
0x83f: {  	v26 =	vld [tilespmem:s14+$0xFFFFFFE0]  }
0x840: {  	s2 =	sor.u32 $0xE, s26;
	v27 =	vld [tilespmem:s14+$0xFFFFFFF0]  }
0x841: {  	s31 =	simm.s32 $0x8770;
	v19 =	vmov s2;
	v28 =	vld [tilespmem:s14+$0x0]  }
0x842: {  	s29 =	simm.s32 $0x11040;
	v21 =	vld [tilespmem:s31+$0xFFFFFF90];
	[tilespmem:v20+s17+$0x0] =	vst.idx.msk $0xffff, v19  }
0x843: {  	[tilespmem:v22+s17+$0x0] =	vst.idx.msk $0xffff, v19;
	v29 =	vld [tilespmem:s29+$0xFFFFFFC0]  }
0x844: {  	[tilespmem:v23+s17+$0x0] =	vst.idx.msk $0xffff, v19;
	v22 =	vld [tilespmem:s29+$0xFFFFFFD0]  }
0x845: {  	[tilespmem:v24+s17+$0x0] =	vst.idx.msk $0xffff, v19;
	v23 =	vld [tilespmem:s29+$0xFFFFFFE0]  }
0x846: {  	[tilespmem:v25+s17+$0x0] =	vst.idx.msk $0xffff, v19;
	v24 =	vld [tilespmem:s29+$0xFFFFFFF0]  }
0x847: {  	v20 =	vadd.s32 $0xFFFFFFFF, v19;
	[tilespmem:v26+s17+$0x0] =	vst.idx.msk $0xffff, v19;
	v25 =	vld [tilespmem:s29+$0x0]  }
0x848: {  	[tilespmem:v27+s17+$0x0] =	vst.idx.msk $0xffff, v19;
	v26 =	vld [tilespmem:s29+$0x10];
	vm8 =	veq.s32 v29, v20  }
0x849: {  	v27 =	vimm.s32 $0x0;
	[tilespmem:v28+s17+$0x0] =	vst.idx.msk $0xffff, v19;
	v30 =	vld [tilespmem:s29+$0x20];
	vm9 =	veq.s32 v22, v20;
	v29 =	vsel vm8, $0x1, v2  }
0x84a: {  	vm10 =	veq.s32 v23, v20;
	v28 =	vsel vm9, $0x1, v2;
	v27 =	vadd.s32 v29, v27;
	v29 =	vld [tilespmem:s29+$0x30]  }
0x84b: {  	v22 =	vld [tilespmem:s31+$0xFFFFFFA0];
	vm11 =	veq.s32 v24, v20;
	v27 =	vadd.s32 v28, v27;
	v28 =	vsel vm10, $0x1, v2  }
0x84c: {  	v23 =	vld [tilespmem:s31+$0xFFFFFFB0];
	vm12 =	veq.s32 v25, v20;
	v27 =	vadd.s32 v28, v27;
	v28 =	vsel vm11, $0x1, v2  }
0x84d: {  	v24 =	vld [tilespmem:s31+$0xFFFFFFC0];
	vm13 =	veq.s32 v26, v20;
	v27 =	vadd.s32 v28, v27;
	v28 =	vsel vm12, $0x1, v2  }
0x84e: {  	v25 =	vld [tilespmem:s31+$0xFFFFFFD0];
	vm14 =	veq.s32 v30, v20;
	v27 =	vadd.s32 v28, v27;
	v28 =	vsel vm13, $0x1, v2  }
0x84f: {  	v26 =	vld [tilespmem:s31+$0xFFFFFFE0];
	v27 =	vadd.s32 v28, v27;
	v28 =	vsel vm14, $0x1, v2;
	vm15 =	veq.s32 v29, v20  }
0x850: {  	v29 =	vld [tilespmem:s31+$0xFFFFFFF0];
	v28 =	vadd.s32 v28, v27;
	v30 =	vsel vm15, $0x1, v2  }
0x851: {  	s30 =	simm.s32 $0x8;
	s0 =	simm.s32 $0x8B70;
	v27 =	vld [tilespmem:s31+$0x0];
	v28 =	vadd.s32 v30, v28  }
.LBB2_93:
0x852: {  	[tilespmem:v21+s17+$0x0] =	vst.idx.msk $0xffff, v19;
	v21 =	vld [tilespmem:s0+$0xFFFFFF90];
	s29 =	sadd.s32 $0x80, s29  }
0x853: {  	v30 =	vld [tilespmem:s29+$0xFFFFFFC0];
	[tilespmem:v22+s17+$0x0] =	vst.idx.msk $0xffff, v19  }
0x854: {  	v22 =	vld [tilespmem:s29+$0xFFFFFFD0];
	[tilespmem:v23+s17+$0x0] =	vst.idx.msk $0xffff, v19  }
0x855: {  	v23 =	vld [tilespmem:s29+$0xFFFFFFE0];
	[tilespmem:v24+s17+$0x0] =	vst.idx.msk $0xffff, v19  }
0x856: {  	v24 =	vld [tilespmem:s29+$0xFFFFFFF0];
	[tilespmem:v25+s17+$0x0] =	vst.idx.msk $0xffff, v19  }
0x857: {  	v25 =	vld [tilespmem:s29+$0x0];
	[tilespmem:v26+s17+$0x0] =	vst.idx.msk $0xffff, v19  }
0x858: {  	vm0 =	veq.s32 v30, v20;
	v26 =	vld [tilespmem:s29+$0x10];
	[tilespmem:v29+s17+$0x0] =	vst.idx.msk $0xffff, v19  }
0x859: {  	v29 =	vsel vm0, $0x1, v2;
	vm0 =	veq.s32 v22, v20;
	v30 =	vld [tilespmem:s29+$0x20];
	[tilespmem:v27+s17+$0x0] =	vst.idx.msk $0xffff, v19  }
0x85a: {  	s30 =	sadd.s32 $0x8, s30;
	v27 =	vadd.s32 v29, v28;
	v28 =	vsel vm0, $0x1, v2;
	vm0 =	veq.s32 v23, v20;
	v29 =	vld [tilespmem:s29+$0x30]  }
0x85b: {  	p1 =	slt.u32 s30, $0xF8;
	v22 =	vld [tilespmem:s0+$0xFFFFFFA0];
	v27 =	vadd.s32 v28, v27;
	v28 =	vsel vm0, $0x1, v2;
	vm0 =	veq.s32 v24, v20  }
0x85c: {  	v23 =	vld [tilespmem:s0+$0xFFFFFFB0];
	v27 =	vadd.s32 v28, v27;
	v28 =	vsel vm0, $0x1, v2;
	vm0 =	veq.s32 v25, v20  }
.Ltmp45:
0x85d: {  	v24 =	vld [tilespmem:s0+$0xFFFFFFC0];
	v27 =	vadd.s32 v28, v27;
	v28 =	vsel vm0, $0x1, v2;
	vm0 =	veq.s32 v26, v20;
	(pc) =	sbr.rel @p1 .LBB2_93-.Ltmp45, $4  }
0x85e: {  	v25 =	vld [tilespmem:s0+$0xFFFFFFD0];
	v27 =	vadd.s32 v28, v27;
	v28 =	vsel vm0, $0x1, v2;
	vm0 =	veq.s32 v30, v20  }
0x85f: {  	v26 =	vld [tilespmem:s0+$0xFFFFFFE0];
	v27 =	vadd.s32 v28, v27;
	v28 =	vsel vm0, $0x1, v2;
	vm0 =	veq.s32 v29, v20  }
0x860: {  	v29 =	vld [tilespmem:s0+$0xFFFFFFF0];
	v28 =	vadd.s32 v28, v27;
	v30 =	vsel vm0, $0x1, v2  }
0x861: {  	v27 =	vld [tilespmem:s0+$0x0];
	s0 =	sadd.s32 $0x400, s0;
	v28 =	vadd.s32 v30, v28  }
0x862: {  	_ =	sdelay $0x3  }
0x863: {  	[tilespmem:v21+s17+$0x0] =	vst.idx.msk $0xffff, v19;
	s0 =	sadd.s32 $0x80, s29  }
0x864: {  	[tilespmem:v22+s17+$0x0] =	vst.idx.msk $0xffff, v19;
	v21 =	vld [tilespmem:s0+$0xFFFFFFC0]  }
0x865: {  	[tilespmem:v23+s17+$0x0] =	vst.idx.msk $0xffff, v19;
	v22 =	vld [tilespmem:s0+$0xFFFFFFD0]  }
0x866: {  	[tilespmem:v24+s17+$0x0] =	vst.idx.msk $0xffff, v19;
	v23 =	vld [tilespmem:s0+$0xFFFFFFE0]  }
0x867: {  	v24 =	vld [tilespmem:s0+$0xFFFFFFF0];
	[tilespmem:v25+s17+$0x0] =	vst.idx.msk $0xffff, v19  }
0x868: {  	v25 =	vld [tilespmem:s0+$0x0];
	[tilespmem:v26+s17+$0x0] =	vst.idx.msk $0xffff, v19  }
0x869: {  	[tilespmem:v29+s17+$0x0] =	vst.idx.msk $0xffff, v19;
	vm0 =	veq.s32 v21, v20;
	v21 =	vld [tilespmem:s0+$0x10]  }
0x86a: {  	[tilespmem:v27+s17+$0x0] =	vst.idx.msk $0xffff, v19;
	vm13 =	veq.s32 v22, v20;
	v22 =	vld [tilespmem:s0+$0x20];
	v26 =	vsel vm0, $0x1, v2  }
0x86b: {  	vm14 =	veq.s32 v23, v20;
	v23 =	vld [tilespmem:s0+$0x30];
	v27 =	vsel vm13, $0x1, v2;
	v26 =	vadd.s32 v26, v28  }
0x86c: {  	vm15 =	veq.s32 v24, v20;
	v26 =	vadd.s32 v27, v26;
	v27 =	vsel vm14, $0x1, v2  }
0x86d: {  	vm4 =	veq.s32 v25, v20;
	v24 =	vadd.s32 v27, v26;
	v26 =	vsel vm15, $0x1, v2  }
0x86e: {  	v25 =	vsel vm4, $0x1, v2;
	v24 =	vadd.s32 v26, v24;
	vm5 =	veq.s32 v21, v20  }
0x86f: {  	vm6 =	veq.s32 v22, v20;
	v21 =	vadd.s32 v25, v24;
	v24 =	vsel vm5, $0x1, v2  }
0x870: {  	vm7 =	veq.s32 v23, v20;
	v22 =	vsel vm6, $0x1, v2;
	v21 =	vadd.s32 v24, v21  }
0x871: {  	v20 =	vadd.s32 v22, v21;
	v21 =	vsel vm7, $0x1, v2  }
0x872: {  	v20 =	vadd.s32 v21, v20  }
0x873: {  	(xrf0) =	vadd.scan.msk.s32 $0xffff, v20;
	_ =	sdelay $0x5  }
0x874: {  	v20, _, _ =	vpop (xrf0)  }
0x875: {  	(v2sf) =	vpush v20, $0xF;
	_ =	sdelay $0xe  }
0x876: {  	s14 =	spop (v2sf)  }
0x877: {  	s0 =	scvt.s32.f32 s14;
	_ =	sdelay $0x1  }
0x878: {  	v20 =	vmov s0  }
0x879: {  	v20 =	vsub.f32 $0.0e+00, v20;
	_ =	sdelay $0x1  }
0x87a: {  	v20 =	vbroadcast v20, $0x0;
	_ =	sdelay $0x1  }
0x87b: {  	s30 =	simm.s32 $0x83F0;
	[tilespmem:v18+s19+$0x0] =	vst.idx.msk $0x1, v20  }
0x87c: {  	v18 =	vld [tilespmem:s30+$0xFFFFFF90]  }
0x87d: {  	v22 =	vld [tilespmem:s30+$0xFFFFFFA0]  }
0x87e: {  	v23 =	vld [tilespmem:s30+$0xFFFFFFB0]  }
0x87f: {  	v24 =	vld [tilespmem:s30+$0xFFFFFFC0]  }
0x880: {  	v25 =	vld [tilespmem:s30+$0xFFFFFFD0]  }
0x881: {  	v26 =	vld [tilespmem:s30+$0xFFFFFFE0]  }
0x882: {  	s2 =	sor.u32 $0xF, s26;
	v27 =	vld [tilespmem:s30+$0xFFFFFFF0]  }
0x883: {  	s31 =	simm.s32 $0x87F0;
	v20 =	vmov s2;
	v28 =	vld [tilespmem:s30+$0x0]  }
0x884: {  	s26 =	simm.s32 $0x10040;
	v21 =	vld [tilespmem:s31+$0xFFFFFF90];
	[tilespmem:v18+s18+$0x0] =	vst.idx.msk $0xffff, v20  }
0x885: {  	[tilespmem:v22+s18+$0x0] =	vst.idx.msk $0xffff, v20;
	v29 =	vld [tilespmem:s26+$0xFFFFFFC0]  }
0x886: {  	[tilespmem:v23+s18+$0x0] =	vst.idx.msk $0xffff, v20;
	v22 =	vld [tilespmem:s26+$0xFFFFFFD0]  }
0x887: {  	[tilespmem:v24+s18+$0x0] =	vst.idx.msk $0xffff, v20;
	v23 =	vld [tilespmem:s26+$0xFFFFFFE0]  }
0x888: {  	[tilespmem:v25+s18+$0x0] =	vst.idx.msk $0xffff, v20;
	v24 =	vld [tilespmem:s26+$0xFFFFFFF0]  }
0x889: {  	v18 =	vadd.s32 $0xFFFFFFFF, v20;
	[tilespmem:v26+s18+$0x0] =	vst.idx.msk $0xffff, v20;
	v25 =	vld [tilespmem:s26+$0x0]  }
0x88a: {  	[tilespmem:v27+s18+$0x0] =	vst.idx.msk $0xffff, v20;
	v26 =	vld [tilespmem:s26+$0x10];
	vm8 =	veq.s32 v29, v18  }
0x88b: {  	v27 =	vimm.s32 $0x0;
	[tilespmem:v28+s18+$0x0] =	vst.idx.msk $0xffff, v20;
	v30 =	vld [tilespmem:s26+$0x20];
	vm9 =	veq.s32 v22, v18;
	v29 =	vsel vm8, $0x1, v2  }
0x88c: {  	vm10 =	veq.s32 v23, v18;
	v28 =	vsel vm9, $0x1, v2;
	v27 =	vadd.s32 v29, v27;
	v29 =	vld [tilespmem:s26+$0x30]  }
0x88d: {  	v22 =	vld [tilespmem:s31+$0xFFFFFFA0];
	vm11 =	veq.s32 v24, v18;
	v27 =	vadd.s32 v28, v27;
	v28 =	vsel vm10, $0x1, v2  }
0x88e: {  	v23 =	vld [tilespmem:s31+$0xFFFFFFB0];
	vm12 =	veq.s32 v25, v18;
	v27 =	vadd.s32 v28, v27;
	v28 =	vsel vm11, $0x1, v2  }
0x88f: {  	v24 =	vld [tilespmem:s31+$0xFFFFFFC0];
	vm13 =	veq.s32 v26, v18;
	v27 =	vadd.s32 v28, v27;
	v28 =	vsel vm12, $0x1, v2  }
0x890: {  	v25 =	vld [tilespmem:s31+$0xFFFFFFD0];
	vm14 =	veq.s32 v30, v18;
	v27 =	vadd.s32 v28, v27;
	v28 =	vsel vm13, $0x1, v2  }
0x891: {  	v26 =	vld [tilespmem:s31+$0xFFFFFFE0];
	v27 =	vadd.s32 v28, v27;
	v28 =	vsel vm14, $0x1, v2;
	vm15 =	veq.s32 v29, v18  }
0x892: {  	v29 =	vld [tilespmem:s31+$0xFFFFFFF0];
	v28 =	vadd.s32 v28, v27;
	v30 =	vsel vm15, $0x1, v2  }
0x893: {  	s29 =	simm.s32 $0x8;
	s0 =	simm.s32 $0x8BF0;
	v27 =	vld [tilespmem:s31+$0x0];
	v28 =	vadd.s32 v30, v28  }
.LBB2_95:
0x894: {  	[tilespmem:v21+s18+$0x0] =	vst.idx.msk $0xffff, v20;
	v21 =	vld [tilespmem:s0+$0xFFFFFF90];
	s26 =	sadd.s32 $0x80, s26  }
0x895: {  	v30 =	vld [tilespmem:s26+$0xFFFFFFC0];
	[tilespmem:v22+s18+$0x0] =	vst.idx.msk $0xffff, v20  }
0x896: {  	v22 =	vld [tilespmem:s26+$0xFFFFFFD0];
	[tilespmem:v23+s18+$0x0] =	vst.idx.msk $0xffff, v20  }
0x897: {  	v23 =	vld [tilespmem:s26+$0xFFFFFFE0];
	[tilespmem:v24+s18+$0x0] =	vst.idx.msk $0xffff, v20  }
0x898: {  	v24 =	vld [tilespmem:s26+$0xFFFFFFF0];
	[tilespmem:v25+s18+$0x0] =	vst.idx.msk $0xffff, v20  }
0x899: {  	v25 =	vld [tilespmem:s26+$0x0];
	[tilespmem:v26+s18+$0x0] =	vst.idx.msk $0xffff, v20  }
0x89a: {  	vm0 =	veq.s32 v30, v18;
	v26 =	vld [tilespmem:s26+$0x10];
	[tilespmem:v29+s18+$0x0] =	vst.idx.msk $0xffff, v20  }
0x89b: {  	v29 =	vsel vm0, $0x1, v2;
	vm0 =	veq.s32 v22, v18;
	v30 =	vld [tilespmem:s26+$0x20];
	[tilespmem:v27+s18+$0x0] =	vst.idx.msk $0xffff, v20  }
0x89c: {  	s29 =	sadd.s32 $0x8, s29;
	v27 =	vadd.s32 v29, v28;
	v28 =	vsel vm0, $0x1, v2;
	vm0 =	veq.s32 v23, v18;
	v29 =	vld [tilespmem:s26+$0x30]  }
0x89d: {  	p1 =	slt.u32 s29, $0xF8;
	v22 =	vld [tilespmem:s0+$0xFFFFFFA0];
	v27 =	vadd.s32 v28, v27;
	v28 =	vsel vm0, $0x1, v2;
	vm0 =	veq.s32 v24, v18  }
0x89e: {  	v23 =	vld [tilespmem:s0+$0xFFFFFFB0];
	v27 =	vadd.s32 v28, v27;
	v28 =	vsel vm0, $0x1, v2;
	vm0 =	veq.s32 v25, v18  }
.Ltmp46:
0x89f: {  	v24 =	vld [tilespmem:s0+$0xFFFFFFC0];
	v27 =	vadd.s32 v28, v27;
	v28 =	vsel vm0, $0x1, v2;
	vm0 =	veq.s32 v26, v18;
	(pc) =	sbr.rel @p1 .LBB2_95-.Ltmp46, $4  }
0x8a0: {  	v25 =	vld [tilespmem:s0+$0xFFFFFFD0];
	v27 =	vadd.s32 v28, v27;
	v28 =	vsel vm0, $0x1, v2;
	vm0 =	veq.s32 v30, v18  }
0x8a1: {  	v26 =	vld [tilespmem:s0+$0xFFFFFFE0];
	v27 =	vadd.s32 v28, v27;
	v28 =	vsel vm0, $0x1, v2;
	vm0 =	veq.s32 v29, v18  }
0x8a2: {  	v29 =	vld [tilespmem:s0+$0xFFFFFFF0];
	v28 =	vadd.s32 v28, v27;
	v30 =	vsel vm0, $0x1, v2  }
0x8a3: {  	v27 =	vld [tilespmem:s0+$0x0];
	s0 =	sadd.s32 $0x400, s0;
	v28 =	vadd.s32 v30, v28  }
0x8a4: {  	_ =	sdelay $0x3  }
0x8a5: {  	[tilespmem:v21+s18+$0x0] =	vst.idx.msk $0xffff, v20;
	s0 =	sadd.s32 $0x80, s26  }
0x8a6: {  	[tilespmem:v22+s18+$0x0] =	vst.idx.msk $0xffff, v20;
	v21 =	vld [tilespmem:s0+$0xFFFFFFC0]  }
0x8a7: {  	[tilespmem:v23+s18+$0x0] =	vst.idx.msk $0xffff, v20;
	v22 =	vld [tilespmem:s0+$0xFFFFFFD0]  }
0x8a8: {  	[tilespmem:v24+s18+$0x0] =	vst.idx.msk $0xffff, v20;
	v23 =	vld [tilespmem:s0+$0xFFFFFFE0]  }
0x8a9: {  	v24 =	vld [tilespmem:s0+$0xFFFFFFF0];
	[tilespmem:v25+s18+$0x0] =	vst.idx.msk $0xffff, v20  }
0x8aa: {  	v25 =	vld [tilespmem:s0+$0x0];
	[tilespmem:v26+s18+$0x0] =	vst.idx.msk $0xffff, v20  }
0x8ab: {  	v54 =	vld [tilespmem:s0+$0x10];
	[tilespmem:v29+s18+$0x0] =	vst.idx.msk $0xffff, v20;
	vm0 =	veq.s32 v21, v18  }
0x8ac: {  	v56 =	vld [tilespmem:s0+$0x20];
	[tilespmem:v27+s18+$0x0] =	vst.idx.msk $0xffff, v20;
	vm9 =	veq.s32 v22, v18;
	v55 =	vsel vm0, $0x1, v2  }
0x8ad: {  	v59 =	vld [tilespmem:s0+$0x30];
	vm10 =	veq.s32 v23, v18;
	v58 =	vsel vm9, $0x1, v2;
	v57 =	vadd.s32 v55, v28  }
0x8ae: {  	vm11 =	veq.s32 v24, v18;
	v60 =	vsel vm10, $0x1, v2;
	v20 =	vadd.s32 v58, v57  }
0x8af: {  	v24 =	vsel vm11, $0x1, v2;
	vm12 =	veq.s32 v25, v18;
	v20 =	vadd.s32 v60, v20  }
0x8b0: {  	v61 =	vsel vm12, $0x1, v2;
	vm13 =	veq.s32 v54, v18;
	v20 =	vadd.s32 v24, v20  }
0x8b1: {  	v21 =	vsel vm13, $0x1, v2;
	vm14 =	veq.s32 v56, v18;
	v20 =	vadd.s32 v61, v20  }
0x8b2: {  	v62 =	vsel vm14, $0x1, v2;
	vm15 =	veq.s32 v59, v18;
	v20 =	vadd.s32 v21, v20  }
0x8b3: {  	v63 =	vsel vm15, $0x1, v2;
	v18 =	vadd.s32 v62, v20  }
0x8b4: {  	v18 =	vadd.s32 v63, v18  }
0x8b5: {  	(xrf0) =	vadd.scan.msk.s32 $0xffff, v18;
	_ =	sdelay $0x5  }
0x8b6: {  	v18, _, _ =	vpop (xrf0)  }
0x8b7: {  	(v2sf) =	vpush v18, $0xF;
	_ =	sdelay $0xe  }
0x8b8: {  	s31 =	spop (v2sf)  }
0x8b9: {  	s0 =	scvt.s32.f32 s31;
	_ =	sdelay $0x1  }
0x8ba: {  	v18 =	vmov s0  }
.Ltmp47:
0x8bb: {  	v18 =	vsub.f32 $0.0e+00, v18;
	(pc) =	sbr.rel @p0 .LBB2_97-.Ltmp47, $3  }
0x8bc: {  	_ = 	snop  }
0x8bd: {  	v18 =	vbroadcast v18, $0x0;
	_ =	sdelay $0x1  }
0x8be: {  	[tilespmem:v19+s19+$0x0] =	vst.idx.msk $0x1, v18  }
0x8bf: {  	s0 =	sadd.s32 s12, s28  }
0x8c0: {  	s0 =	sshll.u32 s0, $0xC  }
0x8c1: {  	s26 =	simm.s32 $0x8200;
	s0 =	sadd.s32 s0, s4  }
0x8c2: {  	s28 =	simm.s32 $0x80;
	s2 =	simm.s32 $0x8600;
	s14 =	sadd.s32 $0x0, s0  }
.LBB2_102:
0x8c3: {  	[tilespmem:s26], [sflag:$0x4] =	stream.linear.gather [hbm4b:s14+s3], $0x200, $0x38;
	[tilespmem:$0x12080] =	vst v63  }
0x8c4: {  	s14 =	smov.u32 s28;
	s26 =	smov.u32 s2;
	p0 =	sne.s32 s28, $0xF80  }
.Ltmp48:
0x8c5: {  	s28 =	sadd.s32 $0x80, s28;
	(pc) =	sbr.rel @p0 .LBB2_102-.Ltmp48, $2  }
0x8c6: {  	_ =	sdelay $0x2  }
0x8c7: {  	s2 =	sadd.s32 $0x400, s2;
	s14 =	sadd.s32 s14, s0  }
.Ltmp49:
0x8c8: {  	(pc) =	sbr.rel .LBB2_52-.Ltmp49, $3  }
0x8c9: {  	_ =	sdelay $0x1  }
0x8ca: {  	[tilespmem:s26], [sflag:$0x4] =	stream.linear.gather [hbm4b:s14+s3], $0x200, $0x38;
	[tilespmem:$0x12080] =	vst v63  }
0x8cb: {  	s25 =	sadd.s32 $0x1, s25  }
.LBB2_97:
0x8cc: {  	s25 =	simm.s32 $0x11040  }
0x8cd: {  	v19 =	vld [tilespmem:s25+$0xFFFFFFC0]  }
0x8ce: {  	v20 =	vld [tilespmem:s25+$0xFFFFFFD0]  }
0x8cf: {  	v25 =	vld [tilespmem:s25+$0xFFFFFFE0]  }
0x8d0: {  	v21 =	vld [tilespmem:s25+$0xFFFFFFF0]  }
0x8d1: {  	v18 =	vld [tilespmem:s25+$0x0]  }
0x8d2: {  	vm0 =	veq.s32 v19, $0x7F;
	v19 =	vld [tilespmem:s25+$0x10]  }
0x8d3: {  	v22 =	vimm.s32 $0x0;
	v23 =	vsel vm0, $0x1, v2;
	vm0 =	veq.s32 v20, $0x7F;
	v20 =	vld [tilespmem:s25+$0x20]  }
0x8d4: {  	s0 =	simm.s32 $0x0;
	v23 =	vadd.s32 v23, v22;
	v24 =	vsel vm0, $0x1, v2;
	vm0 =	veq.s32 v25, $0x7F;
	v22 =	vld [tilespmem:s25+$0x30];
	s25 =	simm.s32 $0x110C0  }
.LBB2_98:
0x8d5: {  	v25 =	vld [tilespmem:s25+$0xFFFFFFC0];
	s0 =	sadd.s32 $0x8, s0;
	v23 =	vadd.s32 v24, v23;
	v24 =	vsel vm0, $0x1, v2;
	vm0 =	veq.s32 v21, $0x7F  }
0x8d6: {  	v26 =	vld [tilespmem:s25+$0xFFFFFFD0];
	p0 =	slt.u32 s0, $0xF8;
	v21 =	vadd.s32 v24, v23;
	v23 =	vsel vm0, $0x1, v2;
	vm0 =	veq.s32 v18, $0x7F  }
0x8d7: {  	v27 =	vld [tilespmem:s25+$0xFFFFFFE0];
	v18 =	vadd.s32 v23, v21;
	v23 =	vsel vm0, $0x1, v2;
	vm0 =	veq.s32 v19, $0x7F  }
.Ltmp50:
0x8d8: {  	v21 =	vld [tilespmem:s25+$0xFFFFFFF0];
	v19 =	vadd.s32 v23, v18;
	v23 =	vsel vm0, $0x1, v2;
	vm0 =	veq.s32 v20, $0x7F;
	(pc) =	sbr.rel @p0 .LBB2_98-.Ltmp50, $4  }
0x8d9: {  	v18 =	vld [tilespmem:s25+$0x0];
	v20 =	vadd.s32 v23, v19;
	v23 =	vsel vm0, $0x1, v2;
	vm0 =	veq.s32 v22, $0x7F  }
0x8da: {  	vm1 =	veq.s32 v25, $0x7F;
	v19 =	vld [tilespmem:s25+$0x10];
	v22 =	vadd.s32 v23, v20;
	v23 =	vsel vm0, $0x1, v2  }
0x8db: {  	v24 =	vsel vm1, $0x1, v2;
	vm0 =	veq.s32 v26, $0x7F;
	v20 =	vld [tilespmem:s25+$0x20];
	v22 =	vadd.s32 v23, v22  }
0x8dc: {  	v23 =	vadd.s32 v24, v22;
	v24 =	vsel vm0, $0x1, v2;
	vm0 =	veq.s32 v27, $0x7F;
	v22 =	vld [tilespmem:s25+$0x30];
	s25 =	sadd.s32 $0x80, s25  }
0x8dd: {  	v23 =	vadd.s32 v24, v23;
	v60 =	vsel vm0, $0x1, v2;
	vm11 =	veq.s32 v21, $0x7F  }
0x8de: {  	v61 =	vadd.s32 v60, v23;
	v62 =	vsel vm11, $0x1, v2;
	vm12 =	veq.s32 v18, $0x7F  }
0x8df: {  	v18 =	vadd.s32 v62, v61;
	v63 =	vsel vm12, $0x1, v2;
	vm13 =	veq.s32 v19, $0x7F  }
0x8e0: {  	v18 =	vadd.s32 v63, v18;
	v19 =	vsel vm13, $0x1, v2;
	vm14 =	veq.s32 v20, $0x7F  }
0x8e1: {  	v18 =	vadd.s32 v19, v18;
	v19 =	vsel vm14, $0x1, v2;
	vm15 =	veq.s32 v22, $0x7F  }
0x8e2: {  	v18 =	vadd.s32 v19, v18;
	v19 =	vsel vm15, $0x1, v2  }
0x8e3: {  	v18 =	vadd.s32 v19, v18  }
0x8e4: {  	(xrf0) =	vadd.scan.msk.s32 $0xffff, v18;
	_ =	sdelay $0x5  }
0x8e5: {  	v18, _, _ =	vpop (xrf0)  }
0x8e6: {  	(v2sf) =	vpush v18, $0xF;
	_ =	sdelay $0xe  }
0x8e7: {  	s0 =	spop (v2sf)  }
0x8e8: {  	s0 =	scvt.s32.f32 s0;
	_ =	sdelay $0x1  }
0x8e9: {  	v18 =	vmov s0  }
0x8ea: {  	v18 =	vsub.f32 $0.0e+00, v18;
	_ =	sdelay $0x1  }
0x8eb: {  	s24 =	sadd.s32 $0x1, s24;
	v18 =	vbroadcast v18, $0x0  }
0x8ec: {  	p0 =	sne.s32 s24, s15  }
.Ltmp51:
0x8ed: {  	s31 =	rddreg [dreg:$0x3];
	[tilespmem:v17+s19+$0x0] =	vst.idx.msk $0x1, v18;
	(pc) =	sbr.rel @p0 .LBB2_1-.Ltmp51, $4  }
0x8ee: {  	[hbm4b:s31+s3] =	stream.linear.scatter [tilespmem:s19], [sflag:$0x5], $0x80, $0x38;
	[tilespmem:$0x12080] =	vst v63  }
0x8ef: {  	_ =	swait.ge [sflag:s23], $0x80  }
0x8f0: {  	[sflag:s23] =	ssyncset.done $0x0  }
0x8f1: {  	[sflag:s23] =	ssyncadd.s32 $0xFFFFFF80  }
0x8f2: {  	_ =	sfence.sel $0x180000  }
0x8f3: {  	[bflag:$0x0] =	sbarrier.arrive $0xFFFF  }
0x8f4: {  	_ =	strace $0x90000047  }
0x8f5: {  	s0 =	stileid.u32;
	[bflag:$0x2] =	sbarrier.arrive $0xFFFF  }
0x8f6: {  	p0 =	sne.s32 s0, $0x0;
	s0 =	rddreg [dreg:$0x2]  }
0x8f7: {  	s0 =	sadd.s32 @!p0 $0x100000, s0  }
0x8f8: {  	[sflag:s0] =	ssyncadd.tile.s32 @!p0 $0x1;
	_ =	shalt  }
.Lfunc_end2:
_tile_overlayer_lowered:
.L_overlay_start_2:
0x8f9: {  	(tag) =	ssettag $0x2  }
0x8fa: {  	s0 =	rddreg [dreg:$0x0];
	s2 =	stileid.u32  }
0x8fb: {  	s1 =	rddreg [dreg:$0x1];
	p0 =	sne.s32 s2, $0x0  }
0x8fc: {  	s3 =	rddreg [dreg:$0x2];
	[bflag:$0x3] =	sbarrier.arrive $0xFFFF;
	s2 =	simm.s32 @!p0 $0x1C05  }
0x8fd: {  	[timem:s3], [sflag:s2] =	dma.local @!p0 [hbm:s0], s1  }
0x8fe: {  	s0 =	simm.s32 @!p0 $0x5  }
0x8ff: {  	_ =	swait.ge @!p0 [sflag:s0], s1  }
0x900: {  	s1 =	ssub.s32 @!p0 $0x0, s1;
	[sflag:s0] =	ssyncset.done @!p0 $0x0  }
0x901: {  	[sflag:s0] =	ssyncadd.s32 @!p0 s1  }
0x902: {  	[bflag:$0x3] =	sbarrier.arrive $0xFFFF  }
0x903: {  	_ =	shalt  }

</sc_bundles>
